<compile_context>
chip_gen: v7x
topology: tpu7x:2x2x1
jax: 0.10.2.dev20260603
libtpu: 0.0.44.dev20260713+nightly
codegen_flags: <defaults>
</compile_context>

<pallas_src>
import functools

import jax
import jax.numpy as jnp
from jax import lax
from jax.experimental import pallas as pl
from jax.experimental.pallas import tpu as pltpu
from jax.experimental.pallas import tpu_sc as plsc

N = 10000
NP = 10240
E = 320000
DI = 128
DH = 256
DC = 40
DCP = 48
DW = 16

NC = 2
NS = 16
NW = NC * NS
G = 128
NGP = 2560
GPT = NGP // NW
NBUF = 2
NBUFN = 8
NBUFD = 8
CH = 16
NSUP = CH // NBUF
CHP = 40
NCHK = GPT // CHP
NCHKD = GPT // CH
ROWS_PER_TILE = NP // NS

_mesh = plsc.VectorSubcoreMesh(
    core_axis_name="c", subcore_axis_name="s", num_cores=NC, num_subcores=NS)
_CP = pltpu.CompilerParams(use_tc_tiling_on_sc=False)


def _sc_degrees(edge3, e0, zeros16):
    @functools.partial(
        pl.kernel,
        out_type=(
            jax.ShapeDtypeStruct((NC, NP, DW), jnp.float32),
            jax.ShapeDtypeStruct((NC, NP, DW), jnp.float32),
        ),
        mesh=_mesh,
        compiler_params=_CP,
        scratch_types=[
            pltpu.VMEM((2, GPT, G), jnp.int32),
            pltpu.VMEM((G, DW), jnp.float32),
            pltpu.VMEM_SHARED((NP, DW), jnp.float32),
            pltpu.VMEM_SHARED((NP, DW), jnp.float32),
            pltpu.SemaphoreType.DMA,
        ],
    )
    def k(edge_hbm, e0_hbm, z_hbm, dout_hbm, bout_hbm, idxb, ones, accd, accb,
          ssem):
        c = lax.axis_index("c")
        s = lax.axis_index("s")
        flat = s * NC + c
        r0 = s * ROWS_PER_TILE
        pltpu.sync_copy(z_hbm, accd.at[pl.ds(r0, ROWS_PER_TILE)])
        pltpu.sync_copy(z_hbm, accb.at[pl.ds(r0, ROWS_PER_TILE)])
        pltpu.sync_copy(e0_hbm, ones)
        g0 = flat * GPT
        plsc.subcore_barrier()

        pltpu.sync_copy(edge_hbm.at[0, pl.ds(g0, GPT)], idxb.at[0])
        pltpu.sync_copy(edge_hbm.at[1, pl.ds(g0, GPT)], idxb.at[1])

        if True:
            def sup(i, _):
                base = i * NBUFD
                sds = []
                for j in range(NBUFD):
                    sds.append(pltpu.async_copy(
                        ones, accd.at[idxb.at[0, base + j]], ssem, add=True))
                    sds.append(pltpu.async_copy(
                        ones, accb.at[idxb.at[1, base + j]], ssem, add=True))
                for d in sds:
                    d.wait()
                return 0

            lax.fori_loop(0, GPT // NBUFD, sup, 0)

        plsc.subcore_barrier()
        pltpu.sync_copy(accd.at[pl.ds(r0, ROWS_PER_TILE)],
                        dout_hbm.at[c, pl.ds(r0, ROWS_PER_TILE)])
        pltpu.sync_copy(accb.at[pl.ds(r0, ROWS_PER_TILE)],
                        bout_hbm.at[c, pl.ds(r0, ROWS_PER_TILE)])

    return k(edge3, e0, zeros16)


def _sc_propagate(src, edge3, zeros, src_sel, dst_sel, width, nbuf=NBUF,
                  chk=CH):
    @functools.partial(
        pl.kernel,
        out_type=jax.ShapeDtypeStruct((NC, NP, width), jnp.float32),
        mesh=_mesh,
        compiler_params=_CP,
        scratch_types=[
            pltpu.VMEM((2, chk, G), jnp.int32),
            pltpu.VMEM((nbuf, G, width), jnp.float32),
            pltpu.VMEM_SHARED((NP, width), jnp.float32),
            pltpu.SemaphoreType.DMA,
        ] + [pltpu.SemaphoreType.DMA] * nbuf,
    )
    def k(src_hbm, edge_hbm, z_hbm, out_hbm, idxb, rows, acc, ssem, *gsems):
        c = lax.axis_index("c")
        s = lax.axis_index("s")
        flat = s * NC + c
        r0 = s * ROWS_PER_TILE
        pltpu.sync_copy(z_hbm, acc.at[pl.ds(r0, ROWS_PER_TILE)])
        g0 = flat * GPT
        plsc.subcore_barrier()

        def chunk(ci, _):
            cg0 = g0 + ci * chk
            pltpu.sync_copy(edge_hbm.at[src_sel, pl.ds(cg0, chk)], idxb.at[0])
            pltpu.sync_copy(edge_hbm.at[dst_sel, pl.ds(cg0, chk)], idxb.at[1])

            def sup(i, _):
                base = i * nbuf
                gds = []
                for j in range(nbuf):
                    gds.append(pltpu.async_copy(
                        src_hbm.at[idxb.at[0, base + j]], rows.at[j],
                        gsems[j]))
                sds = []
                for j in range(nbuf):
                    gds[j].wait()
                    sds.append(pltpu.async_copy(
                        rows.at[j], acc.at[idxb.at[1, base + j]], ssem,
                        add=True))
                for d in sds:
                    d.wait()
                return 0

            lax.fori_loop(0, chk // nbuf, sup, 0)
            return 0

        lax.fori_loop(0, GPT // chk, chunk, 0)
        plsc.subcore_barrier()
        pltpu.sync_copy(acc.at[pl.ds(r0, ROWS_PER_TILE)],
                        out_hbm.at[c, pl.ds(r0, ROWS_PER_TILE)])

    return k(src, edge3, zeros)


_BLK = 2048


def _tc_scale(dp, bp, x):
    def body(dp_ref, bp_ref, x_ref, dis_ref, binv_ref, xs_ref):
        d = dp_ref[0][:, 0:1] + dp_ref[1][:, 0:1]
        b = bp_ref[0][:, 0:1] + bp_ref[1][:, 0:1]
        dis = jnp.where(d > 0, lax.rsqrt(jnp.maximum(d, 1e-30)), 0.0)
        binv = jnp.where(b > 0, 1.0 / jnp.maximum(b, 1e-30), 0.0)
        dis_ref[...] = dis
        binv_ref[...] = binv
        xs_ref[...] = x_ref[...] * dis

    return pl.pallas_call(
        body,
        grid=(NP // _BLK,),
        in_specs=[
            pl.BlockSpec((NC, _BLK, DW), lambda i: (0, i, 0)),
            pl.BlockSpec((NC, _BLK, DW), lambda i: (0, i, 0)),
            pl.BlockSpec((_BLK, DI), lambda i: (i, 0)),
        ],
        out_specs=[
            pl.BlockSpec((_BLK, 1), lambda i: (i, 0)),
            pl.BlockSpec((_BLK, 1), lambda i: (i, 0)),
            pl.BlockSpec((_BLK, DI), lambda i: (i, 0)),
        ],
        out_shape=[
            jax.ShapeDtypeStruct((NP, 1), jnp.float32),
            jax.ShapeDtypeStruct((NP, 1), jnp.float32),
            jax.ShapeDtypeStruct((NP, DI), jnp.float32),
        ],
    )(dp, bp, x)


def _tc_combine_scale(parts, scale, width):
    def body(p_ref, s_ref, o_ref):
        o_ref[...] = (p_ref[0] + p_ref[1]) * s_ref[...]

    return pl.pallas_call(
        body,
        grid=(NP // _BLK,),
        in_specs=[
            pl.BlockSpec((NC, _BLK, width), lambda i: (0, i, 0)),
            pl.BlockSpec((_BLK, 1), lambda i: (i, 0)),
        ],
        out_specs=pl.BlockSpec((_BLK, width), lambda i: (i, 0)),
        out_shape=jax.ShapeDtypeStruct((NP, width), jnp.float32),
    )(parts, scale)


def _tc_layer(q, dis, W0, b0, W1p):
    def body(q_ref, dis_ref, w0_ref, b0_ref, w1_ref, o_ref):
        px = (q_ref[0] + q_ref[1]) * dis_ref[...]
        h = jnp.dot(px, w0_ref[...], preferred_element_type=jnp.float32)
        h = h + b0_ref[...]
        h = jnp.where(h > 0, h, jnp.exp(jnp.minimum(h, 0.0)) - 1.0)
        o = jnp.dot(h, w1_ref[...], preferred_element_type=jnp.float32)
        o_ref[...] = o * dis_ref[...]

    return pl.pallas_call(
        body,
        grid=(NP // _BLK,),
        in_specs=[
            pl.BlockSpec((NC, _BLK, DI), lambda i: (0, i, 0)),
            pl.BlockSpec((_BLK, 1), lambda i: (i, 0)),
            pl.BlockSpec((DI, DH), lambda i: (0, 0)),
            pl.BlockSpec((1, DH), lambda i: (0, 0)),
            pl.BlockSpec((DH, DCP), lambda i: (0, 0)),
        ],
        out_specs=pl.BlockSpec((_BLK, DCP), lambda i: (i, 0)),
        out_shape=jax.ShapeDtypeStruct((NP, DCP), jnp.float32),
    )(q, dis, W0, b0, W1p)


def _tc_final(parts, dis, b1p):
    def body(p_ref, s_ref, b_ref, o_ref):
        o_ref[...] = (p_ref[0] + p_ref[1]) * s_ref[...] + b_ref[...]

    return pl.pallas_call(
        body,
        grid=(NP // _BLK,),
        in_specs=[
            pl.BlockSpec((NC, _BLK, DCP), lambda i: (0, i, 0)),
            pl.BlockSpec((_BLK, 1), lambda i: (i, 0)),
            pl.BlockSpec((1, DCP), lambda i: (0, 0)),
        ],
        out_specs=pl.BlockSpec((_BLK, DCP), lambda i: (i, 0)),
        out_shape=jax.ShapeDtypeStruct((NP, DCP), jnp.float32),
    )(parts, dis, b1p)


def kernel(x, edge_index, W0, b0, W1, b1):
    edge_index = edge_index.astype(jnp.int32)

    npad = NGP * G - E
    pad_idx = (N + (jnp.arange(npad, dtype=jnp.int32) % (NP - N)))
    pad2 = jnp.stack([pad_idx, pad_idx])
    edge3 = jnp.concatenate([edge_index, pad2], axis=1).reshape(2, NGP, G)

    e0 = jnp.zeros((G, DW), jnp.float32).at[:, 0].set(1.0)
    z16 = jnp.zeros((ROWS_PER_TILE, DW), jnp.float32)
    z128 = jnp.zeros((ROWS_PER_TILE, DI), jnp.float32)
    zc = jnp.zeros((ROWS_PER_TILE, DCP), jnp.float32)
    W1p = jnp.pad(W1, ((0, 0), (0, DCP - DC)))
    b0r = b0.reshape(1, DH)
    b1p = jnp.pad(b1, (0, DCP - DC)).reshape(1, DCP)
    xp = jnp.pad(x, ((0, NP - N), (0, 0)))

    dp, bp = _sc_degrees(edge3, e0, z16)
    dis, binv, xs = _tc_scale(dp, bp, xp)

    p = _sc_propagate(xs, edge3, z128, 0, 1, DI, chk=CHP)
    m = _tc_combine_scale(p, binv, DI)
    q = _sc_propagate(m, edge3, z128, 1, 0, DI, chk=CHP)
    hs2 = _tc_layer(q, dis, W0, b0r, W1p)

    p2 = _sc_propagate(hs2, edge3, zc, 0, 1, DCP, nbuf=NBUFN, chk=GPT)
    m2 = _tc_combine_scale(p2, binv, DCP)
    q2 = _sc_propagate(m2, edge3, zc, 1, 0, DCP, nbuf=NBUFN, chk=GPT)
    out = _tc_final(q2, dis, b1p)
    return out[:N, :DC]

# --- scband reference (transcript-rebuilt; emitter-appended) ---
"""Pipeline reference for scband-hcha-79809082294599 (READ-ONLY COPY).

The authoritative reference and input builder live on the scoring server;
editing this copy changes nothing except your own understanding.
"""

import jax, jax.numpy as jnp
import numpy as np

N_NODES = 10000
N_HEDGES = 10000
NNZ = 320000
D_IN = 128
D_HID = 256
N_CLS = 40


def _glorot(key, shape):
    fan_in, fan_out = shape
    lim = float(np.sqrt(6.0 / (fan_in + fan_out)))
    return jax.random.uniform(key, shape, dtype=jnp.float32, minval=-lim, maxval=lim)


def setup_inputs(seed: int = 0) -> dict:
    key = jax.random.key(seed)
    k1, k2, k3, k4 = jax.random.split(key, 4)
    x = jax.random.normal(k1, (N_NODES, D_IN), dtype=jnp.float32)
    edge_index = jax.random.randint(k2, (2, NNZ), 0, N_HEDGES, dtype=jnp.int32)
    W0 = _glorot(k3, (D_IN, D_HID))
    b0 = jnp.zeros((D_HID,), dtype=jnp.float32)
    W1 = _glorot(k4, (D_HID, N_CLS))
    b1 = jnp.zeros((N_CLS,), dtype=jnp.float32)
    return {"x": x, "edge_index": edge_index, "W0": W0, "b0": b0, "W1": W1, "b1": b1}


def reference(x, edge_index, W0, b0, W1, b1):
    # HCHA with HypergraphConv (symmetric degree normalization), eval mode
    # out = D^{-1/2} H W B^{-1} H^T D^{-1/2} X Theta + bias, hyperedge weights = 1
    row = edge_index[0]  # node indices
    col = edge_index[1]  # hyperedge indices
    ones_e = jnp.ones((row.shape[0],), dtype=jnp.float32)
    D = jax.ops.segment_sum(ones_e, row, num_segments=N_NODES)       # node degree
    B = jax.ops.segment_sum(ones_e, col, num_segments=N_HEDGES)     # hyperedge degree
    D_inv_sqrt = jnp.where(D > 0, D ** -0.5, 0.0)
    B_inv = jnp.where(B > 0, 1.0 / B, 0.0)

    def conv(h, W, b):
        ht = h @ W
        hs = ht * D_inv_sqrt[:, None]
        # node -> hyperedge aggregation, normalized by B^{-1}
        m = jax.ops.segment_sum(hs[row], col, num_segments=N_HEDGES) * B_inv[:, None]
        # hyperedge -> node aggregation, normalized by D^{-1/2}
        out = jax.ops.segment_sum(m[col], row, num_segments=N_NODES) * D_inv_sqrt[:, None]
        return out + b

    h = jax.nn.elu(conv(x, W0, b0))
    # dropout is identity in eval mode
    out = conv(h, W1, b1)
    return out

if __name__ == "__main__":
    import jax
    _d = setup_inputs()
    print(jax.jit(kernel)(*tuple(_d.values())))

</pallas_src>

<mosaic_0001>
#map = affine_map<(d0, d1) -> (0, 0)>
#map1 = affine_map<(d0, d1) -> (0, 0, 0)>
module attributes {stable_mosaic.version = 14 : i64} {
  func.func @k(%arg0: i32, %arg1: i32, %arg2: memref<10240x128xf32, #tpu.memory_space<hbm>>, %arg3: memref<2x2560x128xi32, #tpu.memory_space<hbm>>, %arg4: memref<640x128xf32, #tpu.memory_space<hbm>>, %arg5: memref<2x10240x128xf32, #tpu.memory_space<hbm>>, %arg6: memref<2x40x128xi32, #tpu.memory_space<vmem>>, %arg7: memref<2x128x128xf32, #tpu.memory_space<vmem>>, %arg8: memref<10240x128xf32, #tpu.memory_space<vmem_shared>>, %arg9: memref<!tpu.dma_semaphore, #tpu.memory_space<semaphore_mem>>, %arg10: memref<!tpu.dma_semaphore, #tpu.memory_space<semaphore_mem>>, %arg11: memref<!tpu.dma_semaphore, #tpu.memory_space<semaphore_mem>>) attributes {dimension_semantics = [#tpu.dimension_semantics<core_parallel>, #tpu.dimension_semantics<subcore_parallel>], iteration_bounds = array<i64: 2, 16>, scalar_prefetch = 0 : i64, scratch_operands = 6 : i64, tpu.core_type = #tpu.core_type<sc_vector_subcore>, window_params = [{transform_indices = #map}, {transform_indices = #map1}, {transform_indices = #map}, {transform_indices = #map1}]} {
    %mul3A = arith.constant 2 : i32
    %mul3A_0 = arith.muli %arg1, %mul3A : i32
    %add3A = arith.addi %mul3A_0, %arg0 : i32
    %mul3A_1 = arith.constant 640 : i32
    %mul3A_2 = arith.muli %arg1, %mul3A_1 : i32
    "tpu.region"() ({
      %run_scoped3A = tpu.sem_alloc : memref<!tpu.dma_semaphore, #tpu.memory_space<semaphore_mem>>
      %dma_start3A = arith.constant 0 : i32
      %dma_start3A_12 = tpu.memref_slice %arg8[%mul3A_2, %dma_start3A] : memref<10240x128xf32, #tpu.memory_space<vmem_shared>> -> memref<640x128xf32, #tpu.memory_space<vmem_shared>>
      tpu.enqueue_dma source(%arg4 : memref<640x128xf32, #tpu.memory_space<hbm>>) target(%dma_start3A_12 : memref<640x128xf32, #tpu.memory_space<vmem_shared>>) target_semaphore(%run_scoped3A : memref<!tpu.dma_semaphore, #tpu.memory_space<semaphore_mem>>)
      %dma_wait3A = arith.constant 0 : i32
      %dma_wait3A_13 = tpu.memref_slice %arg8[%mul3A_2, %dma_wait3A] : memref<10240x128xf32, #tpu.memory_space<vmem_shared>> -> memref<640x128xf32, #tpu.memory_space<vmem_shared>>
      tpu.wait_dma2 semaphore(%run_scoped3A : memref<!tpu.dma_semaphore, #tpu.memory_space<semaphore_mem>>) src(%arg4 : memref<640x128xf32, #tpu.memory_space<hbm>>) dst(%dma_wait3A_13 : memref<640x128xf32, #tpu.memory_space<vmem_shared>>)
      tpu.yield
    }) : () -> ()
    %mul3A_3 = arith.constant 80 : i32
    %mul3A_4 = arith.muli %add3A, %mul3A_3 : i32
    %barrier3A = arith.constant 0 : index
    tpu.barrier barrier_id(%barrier3A)
    %scan3A = arith.constant 0 : i32
    %scan3A_5 = arith.constant 0 : i32
    %scan3A_6 = arith.constant 2 : i32
    %scan3A_7 = arith.addi %scan3A_5, %scan3A_6 : i32
    %scan3A_8 = arith.constant 1 : i32
    %scan3A_9 = scf.for %scan3A_12 = %scan3A_5 to %scan3A_7 step %scan3A_8 iter_args(%scan3A_13 = %scan3A) -> (i32)  : i32 {
      %mul3A_14 = arith.constant 40 : i32
      %mul3A_15 = arith.muli %scan3A_12, %mul3A_14 : i32
      %add3A_16 = arith.addi %mul3A_4, %mul3A_15 : i32
      %run_scoped3A = arith.constant 0 : i32
      %run_scoped3A_17 = arith.constant 0 : i32
      "tpu.region"() ({
        %run_scoped3A_28 = tpu.sem_alloc : memref<!tpu.dma_semaphore, #tpu.memory_space<semaphore_mem>>
        %dma_start3A = arith.constant 0 : i32
        %dma_start3A_29 = arith.constant 0 : i32
        %dma_start3A_30 = tpu.memref_slice %arg6[%run_scoped3A_17, %dma_start3A, %dma_start3A_29] : memref<2x40x128xi32, #tpu.memory_space<vmem>> -> memref<1x40x128xi32, #tpu.memory_space<vmem>>
        %dma_start3A_31 = tpu.memref_squeeze %dma_start3A_30 : memref<1x40x128xi32, #tpu.memory_space<vmem>> -> memref<40x128xi32, #tpu.memory_space<vmem>>
        %dma_start3A_32 = arith.constant 0 : i32
        %dma_start3A_33 = tpu.memref_slice %arg3[%run_scoped3A, %add3A_16, %dma_start3A_32] : memref<2x2560x128xi32, #tpu.memory_space<hbm>> -> memref<1x40x128xi32, #tpu.memory_space<hbm>>
        %dma_start3A_34 = tpu.memref_squeeze %dma_start3A_33 : memref<1x40x128xi32, #tpu.memory_space<hbm>> -> memref<40x128xi32, #tpu.memory_space<hbm>>
        %dma_start3A_35 = arith.constant 0 : i32
        %dma_start3A_36 = arith.constant 0 : i32
        %dma_start3A_37 = tpu.memref_slice %arg6[%run_scoped3A_17, %dma_start3A_35, %dma_start3A_36] : memref<2x40x128xi32, #tpu.memory_space<vmem>> -> memref<1x40x128xi32, #tpu.memory_space<vmem>>
        %dma_start3A_38 = tpu.memref_squeeze %dma_start3A_37 : memref<1x40x128xi32, #tpu.memory_space<vmem>> -> memref<40x128xi32, #tpu.memory_space<vmem>>
        %dma_start3A_39 = arith.constant 0 : i32
        %dma_start3A_40 = tpu.memref_slice %arg3[%run_scoped3A, %add3A_16, %dma_start3A_39] : memref<2x2560x128xi32, #tpu.memory_space<hbm>> -> memref<1x40x128xi32, #tpu.memory_space<hbm>>
        %dma_start3A_41 = tpu.memref_squeeze %dma_start3A_40 : memref<1x40x128xi32, #tpu.memory_space<hbm>> -> memref<40x128xi32, #tpu.memory_space<hbm>>
        tpu.enqueue_dma source(%dma_start3A_41 : memref<40x128xi32, #tpu.memory_space<hbm>>) target(%dma_start3A_38 : memref<40x128xi32, #tpu.memory_space<vmem>>) target_semaphore(%run_scoped3A_28 : memref<!tpu.dma_semaphore, #tpu.memory_space<semaphore_mem>>)
        %dma_wait3A = arith.constant 0 : i32
        %dma_wait3A_42 = arith.constant 0 : i32
        %dma_wait3A_43 = tpu.memref_slice %arg6[%run_scoped3A_17, %dma_wait3A, %dma_wait3A_42] : memref<2x40x128xi32, #tpu.memory_space<vmem>> -> memref<1x40x128xi32, #tpu.memory_space<vmem>>
        %dma_wait3A_44 = tpu.memref_squeeze %dma_wait3A_43 : memref<1x40x128xi32, #tpu.memory_space<vmem>> -> memref<40x128xi32, #tpu.memory_space<vmem>>
        %dma_wait3A_45 = arith.constant 0 : i32
        %dma_wait3A_46 = tpu.memref_slice %arg3[%run_scoped3A, %add3A_16, %dma_wait3A_45] : memref<2x2560x128xi32, #tpu.memory_space<hbm>> -> memref<1x40x128xi32, #tpu.memory_space<hbm>>
        %dma_wait3A_47 = tpu.memref_squeeze %dma_wait3A_46 : memref<1x40x128xi32, #tpu.memory_space<hbm>> -> memref<40x128xi32, #tpu.memory_space<hbm>>
        %dma_wait3A_48 = arith.constant 0 : i32
        %dma_wait3A_49 = arith.constant 0 : i32
        %dma_wait3A_50 = tpu.memref_slice %arg6[%run_scoped3A_17, %dma_wait3A_48, %dma_wait3A_49] : memref<2x40x128xi32, #tpu.memory_space<vmem>> -> memref<1x40x128xi32, #tpu.memory_space<vmem>>
        %dma_wait3A_51 = tpu.memref_squeeze %dma_wait3A_50 : memref<1x40x128xi32, #tpu.memory_space<vmem>> -> memref<40x128xi32, #tpu.memory_space<vmem>>
        %dma_wait3A_52 = arith.constant 0 : i32
        %dma_wait3A_53 = tpu.memref_slice %arg3[%run_scoped3A, %add3A_16, %dma_wait3A_52] : memref<2x2560x128xi32, #tpu.memory_space<hbm>> -> memref<1x40x128xi32, #tpu.memory_space<hbm>>
        %dma_wait3A_54 = tpu.memref_squeeze %dma_wait3A_53 : memref<1x40x128xi32, #tpu.memory_space<hbm>> -> memref<40x128xi32, #tpu.memory_space<hbm>>
        tpu.wait_dma2 semaphore(%run_scoped3A_28 : memref<!tpu.dma_semaphore, #tpu.memory_space<semaphore_mem>>) src(%dma_wait3A_54 : memref<40x128xi32, #tpu.memory_space<hbm>>) dst(%dma_wait3A_51 : memref<40x128xi32, #tpu.memory_space<vmem>>)
        tpu.yield
      }) : () -> ()
      %run_scoped3A_18 = arith.constant 1 : i32
      %run_scoped3A_19 = arith.constant 1 : i32
      "tpu.region"() ({
        %run_scoped3A_28 = tpu.sem_alloc : memref<!tpu.dma_semaphore, #tpu.memory_space<semaphore_mem>>
        %dma_start3A = arith.constant 0 : i32
        %dma_start3A_29 = arith.constant 0 : i32
        %dma_start3A_30 = tpu.memref_slice %arg6[%run_scoped3A_19, %dma_start3A, %dma_start3A_29] : memref<2x40x128xi32, #tpu.memory_space<vmem>> -> memref<1x40x128xi32, #tpu.memory_space<vmem>>
        %dma_start3A_31 = tpu.memref_squeeze %dma_start3A_30 : memref<1x40x128xi32, #tpu.memory_space<vmem>> -> memref<40x128xi32, #tpu.memory_space<vmem>>
        %dma_start3A_32 = arith.constant 0 : i32
        %dma_start3A_33 = tpu.memref_slice %arg3[%run_scoped3A_18, %add3A_16, %dma_start3A_32] : memref<2x2560x128xi32, #tpu.memory_space<hbm>> -> memref<1x40x128xi32, #tpu.memory_space<hbm>>
        %dma_start3A_34 = tpu.memref_squeeze %dma_start3A_33 : memref<1x40x128xi32, #tpu.memory_space<hbm>> -> memref<40x128xi32, #tpu.memory_space<hbm>>
        %dma_start3A_35 = arith.constant 0 : i32
        %dma_start3A_36 = arith.constant 0 : i32
        %dma_start3A_37 = tpu.memref_slice %arg6[%run_scoped3A_19, %dma_start3A_35, %dma_start3A_36] : memref<2x40x128xi32, #tpu.memory_space<vmem>> -> memref<1x40x128xi32, #tpu.memory_space<vmem>>
        %dma_start3A_38 = tpu.memref_squeeze %dma_start3A_37 : memref<1x40x128xi32, #tpu.memory_space<vmem>> -> memref<40x128xi32, #tpu.memory_space<vmem>>
        %dma_start3A_39 = arith.constant 0 : i32
        %dma_start3A_40 = tpu.memref_slice %arg3[%run_scoped3A_18, %add3A_16, %dma_start3A_39] : memref<2x2560x128xi32, #tpu.memory_space<hbm>> -> memref<1x40x128xi32, #tpu.memory_space<hbm>>
        %dma_start3A_41 = tpu.memref_squeeze %dma_start3A_40 : memref<1x40x128xi32, #tpu.memory_space<hbm>> -> memref<40x128xi32, #tpu.memory_space<hbm>>
        tpu.enqueue_dma source(%dma_start3A_41 : memref<40x128xi32, #tpu.memory_space<hbm>>) target(%dma_start3A_38 : memref<40x128xi32, #tpu.memory_space<vmem>>) target_semaphore(%run_scoped3A_28 : memref<!tpu.dma_semaphore, #tpu.memory_space<semaphore_mem>>)
        %dma_wait3A = arith.constant 0 : i32
        %dma_wait3A_42 = arith.constant 0 : i32
        %dma_wait3A_43 = tpu.memref_slice %arg6[%run_scoped3A_19, %dma_wait3A, %dma_wait3A_42] : memref<2x40x128xi32, #tpu.memory_space<vmem>> -> memref<1x40x128xi32, #tpu.memory_space<vmem>>
        %dma_wait3A_44 = tpu.memref_squeeze %dma_wait3A_43 : memref<1x40x128xi32, #tpu.memory_space<vmem>> -> memref<40x128xi32, #tpu.memory_space<vmem>>
        %dma_wait3A_45 = arith.constant 0 : i32
        %dma_wait3A_46 = tpu.memref_slice %arg3[%run_scoped3A_18, %add3A_16, %dma_wait3A_45] : memref<2x2560x128xi32, #tpu.memory_space<hbm>> -> memref<1x40x128xi32, #tpu.memory_space<hbm>>
        %dma_wait3A_47 = tpu.memref_squeeze %dma_wait3A_46 : memref<1x40x128xi32, #tpu.memory_space<hbm>> -> memref<40x128xi32, #tpu.memory_space<hbm>>
        %dma_wait3A_48 = arith.constant 0 : i32
        %dma_wait3A_49 = arith.constant 0 : i32
        %dma_wait3A_50 = tpu.memref_slice %arg6[%run_scoped3A_19, %dma_wait3A_48, %dma_wait3A_49] : memref<2x40x128xi32, #tpu.memory_space<vmem>> -> memref<1x40x128xi32, #tpu.memory_space<vmem>>
        %dma_wait3A_51 = tpu.memref_squeeze %dma_wait3A_50 : memref<1x40x128xi32, #tpu.memory_space<vmem>> -> memref<40x128xi32, #tpu.memory_space<vmem>>
        %dma_wait3A_52 = arith.constant 0 : i32
        %dma_wait3A_53 = tpu.memref_slice %arg3[%run_scoped3A_18, %add3A_16, %dma_wait3A_52] : memref<2x2560x128xi32, #tpu.memory_space<hbm>> -> memref<1x40x128xi32, #tpu.memory_space<hbm>>
        %dma_wait3A_54 = tpu.memref_squeeze %dma_wait3A_53 : memref<1x40x128xi32, #tpu.memory_space<hbm>> -> memref<40x128xi32, #tpu.memory_space<hbm>>
        tpu.wait_dma2 semaphore(%run_scoped3A_28 : memref<!tpu.dma_semaphore, #tpu.memory_space<semaphore_mem>>) src(%dma_wait3A_54 : memref<40x128xi32, #tpu.memory_space<hbm>>) dst(%dma_wait3A_51 : memref<40x128xi32, #tpu.memory_space<vmem>>)
        tpu.yield
      }) : () -> ()
      %scan3A_20 = arith.constant 0 : i32
      %scan3A_21 = arith.constant 0 : i32
      %scan3A_22 = arith.constant 20 : i32
      %scan3A_23 = arith.addi %scan3A_21, %scan3A_22 : i32
      %scan3A_24 = arith.constant 1 : i32
      %scan3A_25 = scf.for %scan3A_28 = %scan3A_21 to %scan3A_23 step %scan3A_24 iter_args(%scan3A_29 = %scan3A_20) -> (i32)  : i32 {
        %mul3A_30 = arith.constant 2 : i32
        %mul3A_31 = arith.muli %scan3A_28, %mul3A_30 : i32
        %add3A_32 = arith.constant 0 : i32
        %add3A_33 = arith.addi %mul3A_31, %add3A_32 : i32
        %dma_start3A = arith.constant 0 : i32
        %dma_start3A_34 = arith.constant 0 : i32
        %dma_start3A_35 = arith.constant 0 : i32
        %dma_start3A_36 = arith.constant 0 : i32
        %dma_start3A_37 = tpu.memref_slice %arg7[%dma_start3A_34, %dma_start3A_35, %dma_start3A_36] : memref<2x128x128xf32, #tpu.memory_space<vmem>> -> memref<1x128x128xf32, #tpu.memory_space<vmem>>
        %dma_start3A_38 = tpu.memref_squeeze %dma_start3A_37 : memref<1x128x128xf32, #tpu.memory_space<vmem>> -> memref<128x128xf32, #tpu.memory_space<vmem>>
        %dma_start3A_39 = arith.constant 0 : i32
        %dma_start3A_40 = tpu.memref_slice %arg6[%dma_start3A, %add3A_33, %dma_start3A_39] : memref<2x40x128xi32, #tpu.memory_space<vmem>> -> memref<1x1x128xi32, #tpu.memory_space<vmem>>
        %dma_start3A_41 = tpu.memref_squeeze %dma_start3A_40 : memref<1x1x128xi32, #tpu.memory_space<vmem>> -> memref<128xi32, #tpu.memory_space<vmem>>
        %dma_start3A_42 = arith.constant 0 : i32
        %dma_start3A_43 = arith.constant 0 : i32
        %dma_start3A_44 = tpu.memref_slice %arg2[%dma_start3A_42, %dma_start3A_43] : memref<10240x128xf32, #tpu.memory_space<hbm>> -> memref<10240x128xf32, #tpu.memory_space<hbm>>
        tpu.enqueue_indirect_dma source(%dma_start3A_44 : memref<10240x128xf32, #tpu.memory_space<hbm>>) target(%dma_start3A_38 : memref<128x128xf32, #tpu.memory_space<vmem>>) offsets(%dma_start3A_41 : memref<128xi32, #tpu.memory_space<vmem>>) semaphore(%arg10 : memref<!tpu.dma_semaphore, #tpu.memory_space<semaphore_mem>>)
        %add3A_45 = arith.constant 1 : i32
        %add3A_46 = arith.addi %mul3A_31, %add3A_45 : i32
        %dma_start3A_47 = arith.constant 0 : i32
        %dma_start3A_48 = arith.constant 1 : i32
        %dma_start3A_49 = arith.constant 0 : i32
        %dma_start3A_50 = arith.constant 0 : i32
        %dma_start3A_51 = tpu.memref_slice %arg7[%dma_start3A_48, %dma_start3A_49, %dma_start3A_50] : memref<2x128x128xf32, #tpu.memory_space<vmem>> -> memref<1x128x128xf32, #tpu.memory_space<vmem>>
        %dma_start3A_52 = tpu.memref_squeeze %dma_start3A_51 : memref<1x128x128xf32, #tpu.memory_space<vmem>> -> memref<128x128xf32, #tpu.memory_space<vmem>>
        %dma_start3A_53 = arith.constant 0 : i32
        %dma_start3A_54 = tpu.memref_slice %arg6[%dma_start3A_47, %add3A_46, %dma_start3A_53] : memref<2x40x128xi32, #tpu.memory_space<vmem>> -> memref<1x1x128xi32, #tpu.memory_space<vmem>>
        %dma_start3A_55 = tpu.memref_squeeze %dma_start3A_54 : memref<1x1x128xi32, #tpu.memory_space<vmem>> -> memref<128xi32, #tpu.memory_space<vmem>>
        %dma_start3A_56 = arith.constant 0 : i32
        %dma_start3A_57 = arith.constant 0 : i32
        %dma_start3A_58 = tpu.memref_slice %arg2[%dma_start3A_56, %dma_start3A_57] : memref<10240x128xf32, #tpu.memory_space<hbm>> -> memref<10240x128xf32, #tpu.memory_space<hbm>>
        tpu.enqueue_indirect_dma source(%dma_start3A_58 : memref<10240x128xf32, #tpu.memory_space<hbm>>) target(%dma_start3A_52 : memref<128x128xf32, #tpu.memory_space<vmem>>) offsets(%dma_start3A_55 : memref<128xi32, #tpu.memory_space<vmem>>) semaphore(%arg11 : memref<!tpu.dma_semaphore, #tpu.memory_space<semaphore_mem>>)
        %dma_wait3A = arith.constant 0 : i32
        %dma_wait3A_59 = arith.constant 0 : i32
        %dma_wait3A_60 = arith.constant 0 : i32
        %dma_wait3A_61 = arith.constant 0 : i32
        %dma_wait3A_62 = tpu.memref_slice %arg7[%dma_wait3A_59, %dma_wait3A_60, %dma_wait3A_61] : memref<2x128x128xf32, #tpu.memory_space<vmem>> -> memref<1x128x128xf32, #tpu.memory_space<vmem>>
        %dma_wait3A_63 = tpu.memref_squeeze %dma_wait3A_62 : memref<1x128x128xf32, #tpu.memory_space<vmem>> -> memref<128x128xf32, #tpu.memory_space<vmem>>
        %dma_wait3A_64 = arith.constant 0 : i32
        %dma_wait3A_65 = tpu.memref_slice %arg6[%dma_wait3A, %add3A_33, %dma_wait3A_64] : memref<2x40x128xi32, #tpu.memory_space<vmem>> -> memref<1x1x128xi32, #tpu.memory_space<vmem>>
        %dma_wait3A_66 = tpu.memref_squeeze %dma_wait3A_65 : memref<1x1x128xi32, #tpu.memory_space<vmem>> -> memref<128xi32, #tpu.memory_space<vmem>>
        %dma_wait3A_67 = arith.constant 0 : i32
        %dma_wait3A_68 = arith.constant 0 : i32
        %dma_wait3A_69 = tpu.memref_slice %arg2[%dma_wait3A_67, %dma_wait3A_68] : memref<10240x128xf32, #tpu.memory_space<hbm>> -> memref<10240x128xf32, #tpu.memory_space<hbm>>
        tpu.wait_indirect_dma semaphore(%arg10 : memref<!tpu.dma_semaphore, #tpu.memory_space<semaphore_mem>>) src(%dma_wait3A_69 : memref<10240x128xf32, #tpu.memory_space<hbm>>) dst(%dma_wait3A_63 : memref<128x128xf32, #tpu.memory_space<vmem>>)
        %add3A_70 = arith.constant 0 : i32
        %add3A_71 = arith.addi %mul3A_31, %add3A_70 : i32
        %dma_start3A_72 = arith.constant 0 : i32
        %dma_start3A_73 = arith.constant 1 : i32
        %dma_start3A_74 = arith.constant 0 : i32
        %dma_start3A_75 = arith.constant 0 : i32
        %dma_start3A_76 = tpu.memref_slice %arg7[%dma_start3A_72, %dma_start3A_74, %dma_start3A_75] : memref<2x128x128xf32, #tpu.memory_space<vmem>> -> memref<1x128x128xf32, #tpu.memory_space<vmem>>
        %dma_start3A_77 = tpu.memref_squeeze %dma_start3A_76 : memref<1x128x128xf32, #tpu.memory_space<vmem>> -> memref<128x128xf32, #tpu.memory_space<vmem>>
        %dma_start3A_78 = arith.constant 0 : i32
        %dma_start3A_79 = tpu.memref_slice %arg6[%dma_start3A_73, %add3A_71, %dma_start3A_78] : memref<2x40x128xi32, #tpu.memory_space<vmem>> -> memref<1x1x128xi32, #tpu.memory_space<vmem>>
        %dma_start3A_80 = tpu.memref_squeeze %dma_start3A_79 : memref<1x1x128xi32, #tpu.memory_space<vmem>> -> memref<128xi32, #tpu.memory_space<vmem>>
        %dma_start3A_81 = arith.constant 0 : i32
        %dma_start3A_82 = arith.constant 0 : i32
        %dma_start3A_83 = tpu.memref_slice %arg8[%dma_start3A_81, %dma_start3A_82] : memref<10240x128xf32, #tpu.memory_space<vmem_shared>> -> memref<10240x128xf32, #tpu.memory_space<vmem_shared>>
        tpu.enqueue_indirect_dma source(%dma_start3A_77 : memref<128x128xf32, #tpu.memory_space<vmem>>) target(%dma_start3A_83 : memref<10240x128xf32, #tpu.memory_space<vmem_shared>>) offsets(%dma_start3A_80 : memref<128xi32, #tpu.memory_space<vmem>>) semaphore(%arg9 : memref<!tpu.dma_semaphore, #tpu.memory_space<semaphore_mem>>) {add = true}
        %dma_wait3A_84 = arith.constant 0 : i32
        %dma_wait3A_85 = arith.constant 1 : i32
        %dma_wait3A_86 = arith.constant 0 : i32
        %dma_wait3A_87 = arith.constant 0 : i32
        %dma_wait3A_88 = tpu.memref_slice %arg7[%dma_wait3A_85, %dma_wait3A_86, %dma_wait3A_87] : memref<2x128x128xf32, #tpu.memory_space<vmem>> -> memref<1x128x128xf32, #tpu.memory_space<vmem>>
        %dma_wait3A_89 = tpu.memref_squeeze %dma_wait3A_88 : memref<1x128x128xf32, #tpu.memory_space<vmem>> -> memref<128x128xf32, #tpu.memory_space<vmem>>
        %dma_wait3A_90 = arith.constant 0 : i32
        %dma_wait3A_91 = tpu.memref_slice %arg6[%dma_wait3A_84, %add3A_46, %dma_wait3A_90] : memref<2x40x128xi32, #tpu.memory_space<vmem>> -> memref<1x1x128xi32, #tpu.memory_space<vmem>>
        %dma_wait3A_92 = tpu.memref_squeeze %dma_wait3A_91 : memref<1x1x128xi32, #tpu.memory_space<vmem>> -> memref<128xi32, #tpu.memory_space<vmem>>
        %dma_wait3A_93 = arith.constant 0 : i32
        %dma_wait3A_94 = arith.constant 0 : i32
        %dma_wait3A_95 = tpu.memref_slice %arg2[%dma_wait3A_93, %dma_wait3A_94] : memref<10240x128xf32, #tpu.memory_space<hbm>> -> memref<10240x128xf32, #tpu.memory_space<hbm>>
        tpu.wait_indirect_dma semaphore(%arg11 : memref<!tpu.dma_semaphore, #tpu.memory_space<semaphore_mem>>) src(%dma_wait3A_95 : memref<10240x128xf32, #tpu.memory_space<hbm>>) dst(%dma_wait3A_89 : memref<128x128xf32, #tpu.memory_space<vmem>>)
        %add3A_96 = arith.constant 1 : i32
        %add3A_97 = arith.addi %mul3A_31, %add3A_96 : i32
        %dma_start3A_98 = arith.constant 1 : i32
        %dma_start3A_99 = arith.constant 1 : i32
        %dma_start3A_100 = arith.constant 0 : i32
        %dma_start3A_101 = arith.constant 0 : i32
        %dma_start3A_102 = tpu.memref_slice %arg7[%dma_start3A_98, %dma_start3A_100, %dma_start3A_101] : memref<2x128x128xf32, #tpu.memory_space<vmem>> -> memref<1x128x128xf32, #tpu.memory_space<vmem>>
        %dma_start3A_103 = tpu.memref_squeeze %dma_start3A_102 : memref<1x128x128xf32, #tpu.memory_space<vmem>> -> memref<128x128xf32, #tpu.memory_space<vmem>>
        %dma_start3A_104 = arith.constant 0 : i32
        %dma_start3A_105 = tpu.memref_slice %arg6[%dma_start3A_99, %add3A_97, %dma_start3A_104] : memref<2x40x128xi32, #tpu.memory_space<vmem>> -> memref<1x1x128xi32, #tpu.memory_space<vmem>>
        %dma_start3A_106 = tpu.memref_squeeze %dma_start3A_105 : memref<1x1x128xi32, #tpu.memory_space<vmem>> -> memref<128xi32, #tpu.memory_space<vmem>>
        %dma_start3A_107 = arith.constant 0 : i32
        %dma_start3A_108 = arith.constant 0 : i32
        %dma_start3A_109 = tpu.memref_slice %arg8[%dma_start3A_107, %dma_start3A_108] : memref<10240x128xf32, #tpu.memory_space<vmem_shared>> -> memref<10240x128xf32, #tpu.memory_space<vmem_shared>>
        tpu.enqueue_indirect_dma source(%dma_start3A_103 : memref<128x128xf32, #tpu.memory_space<vmem>>) target(%dma_start3A_109 : memref<10240x128xf32, #tpu.memory_space<vmem_shared>>) offsets(%dma_start3A_106 : memref<128xi32, #tpu.memory_space<vmem>>) semaphore(%arg9 : memref<!tpu.dma_semaphore, #tpu.memory_space<semaphore_mem>>) {add = true}
        %dma_wait3A_110 = arith.constant 0 : i32
        %dma_wait3A_111 = arith.constant 1 : i32
        %dma_wait3A_112 = arith.constant 0 : i32
        %dma_wait3A_113 = arith.constant 0 : i32
        %dma_wait3A_114 = tpu.memref_slice %arg7[%dma_wait3A_110, %dma_wait3A_112, %dma_wait3A_113] : memref<2x128x128xf32, #tpu.memory_space<vmem>> -> memref<1x128x128xf32, #tpu.memory_space<vmem>>
        %dma_wait3A_115 = tpu.memref_squeeze %dma_wait3A_114 : memref<1x128x128xf32, #tpu.memory_space<vmem>> -> memref<128x128xf32, #tpu.memory_space<vmem>>
        %dma_wait3A_116 = arith.constant 0 : i32
        %dma_wait3A_117 = tpu.memref_slice %arg6[%dma_wait3A_111, %add3A_71, %dma_wait3A_116] : memref<2x40x128xi32, #tpu.memory_space<vmem>> -> memref<1x1x128xi32, #tpu.memory_space<vmem>>
        %dma_wait3A_118 = tpu.memref_squeeze %dma_wait3A_117 : memref<1x1x128xi32, #tpu.memory_space<vmem>> -> memref<128xi32, #tpu.memory_space<vmem>>
        %dma_wait3A_119 = arith.constant 0 : i32
        %dma_wait3A_120 = arith.constant 0 : i32
        %dma_wait3A_121 = tpu.memref_slice %arg8[%dma_wait3A_119, %dma_wait3A_120] : memref<10240x128xf32, #tpu.memory_space<vmem_shared>> -> memref<10240x128xf32, #tpu.memory_space<vmem_shared>>
        tpu.wait_indirect_dma semaphore(%arg9 : memref<!tpu.dma_semaphore, #tpu.memory_space<semaphore_mem>>) src(%dma_wait3A_115 : memref<128x128xf32, #tpu.memory_space<vmem>>) dst(%dma_wait3A_121 : memref<10240x128xf32, #tpu.memory_space<vmem_shared>>)
        %dma_wait3A_122 = arith.constant 1 : i32
        %dma_wait3A_123 = arith.constant 1 : i32
        %dma_wait3A_124 = arith.constant 0 : i32
        %dma_wait3A_125 = arith.constant 0 : i32
        %dma_wait3A_126 = tpu.memref_slice %arg7[%dma_wait3A_122, %dma_wait3A_124, %dma_wait3A_125] : memref<2x128x128xf32, #tpu.memory_space<vmem>> -> memref<1x128x128xf32, #tpu.memory_space<vmem>>
        %dma_wait3A_127 = tpu.memref_squeeze %dma_wait3A_126 : memref<1x128x128xf32, #tpu.memory_space<vmem>> -> memref<128x128xf32, #tpu.memory_space<vmem>>
        %dma_wait3A_128 = arith.constant 0 : i32
        %dma_wait3A_129 = tpu.memref_slice %arg6[%dma_wait3A_123, %add3A_97, %dma_wait3A_128] : memref<2x40x128xi32, #tpu.memory_space<vmem>> -> memref<1x1x128xi32, #tpu.memory_space<vmem>>
        %dma_wait3A_130 = tpu.memref_squeeze %dma_wait3A_129 : memref<1x1x128xi32, #tpu.memory_space<vmem>> -> memref<128xi32, #tpu.memory_space<vmem>>
        %dma_wait3A_131 = arith.constant 0 : i32
        %dma_wait3A_132 = arith.constant 0 : i32
        %dma_wait3A_133 = tpu.memref_slice %arg8[%dma_wait3A_131, %dma_wait3A_132] : memref<10240x128xf32, #tpu.memory_space<vmem_shared>> -> memref<10240x128xf32, #tpu.memory_space<vmem_shared>>
        tpu.wait_indirect_dma semaphore(%arg9 : memref<!tpu.dma_semaphore, #tpu.memory_space<semaphore_mem>>) src(%dma_wait3A_127 : memref<128x128xf32, #tpu.memory_space<vmem>>) dst(%dma_wait3A_133 : memref<10240x128xf32, #tpu.memory_space<vmem_shared>>)
        %scan3A_134 = arith.constant 0 : i32
        scf.yield %scan3A_134 : i32
      }
      %scan3A_26 = arith.constant 20 : i32
      %scan3A_27 = arith.constant 0 : i32
      scf.yield %scan3A_27 : i32
    }
    %scan3A_10 = arith.constant 2 : i32
    %barrier3A_11 = arith.constant 0 : index
    tpu.barrier barrier_id(%barrier3A_11)
    "tpu.region"() ({
      %run_scoped3A = tpu.sem_alloc : memref<!tpu.dma_semaphore, #tpu.memory_space<semaphore_mem>>
      %dma_start3A = arith.constant 0 : i32
      %dma_start3A_12 = tpu.memref_slice %arg5[%arg0, %mul3A_2, %dma_start3A] : memref<2x10240x128xf32, #tpu.memory_space<hbm>> -> memref<1x640x128xf32, #tpu.memory_space<hbm>>
      %dma_start3A_13 = tpu.memref_squeeze %dma_start3A_12 : memref<1x640x128xf32, #tpu.memory_space<hbm>> -> memref<640x128xf32, #tpu.memory_space<hbm>>
      %dma_start3A_14 = arith.constant 0 : i32
      %dma_start3A_15 = tpu.memref_slice %arg8[%mul3A_2, %dma_start3A_14] : memref<10240x128xf32, #tpu.memory_space<vmem_shared>> -> memref<640x128xf32, #tpu.memory_space<vmem_shared>>
      tpu.enqueue_dma source(%dma_start3A_15 : memref<640x128xf32, #tpu.memory_space<vmem_shared>>) target(%dma_start3A_13 : memref<640x128xf32, #tpu.memory_space<hbm>>) target_semaphore(%run_scoped3A : memref<!tpu.dma_semaphore, #tpu.memory_space<semaphore_mem>>)
      %dma_wait3A = arith.constant 0 : i32
      %dma_wait3A_16 = tpu.memref_slice %arg5[%arg0, %mul3A_2, %dma_wait3A] : memref<2x10240x128xf32, #tpu.memory_space<hbm>> -> memref<1x640x128xf32, #tpu.memory_space<hbm>>
      %dma_wait3A_17 = tpu.memref_squeeze %dma_wait3A_16 : memref<1x640x128xf32, #tpu.memory_space<hbm>> -> memref<640x128xf32, #tpu.memory_space<hbm>>
      %dma_wait3A_18 = arith.constant 0 : i32
      %dma_wait3A_19 = tpu.memref_slice %arg8[%mul3A_2, %dma_wait3A_18] : memref<10240x128xf32, #tpu.memory_space<vmem_shared>> -> memref<640x128xf32, #tpu.memory_space<vmem_shared>>
      tpu.wait_dma2 semaphore(%run_scoped3A : memref<!tpu.dma_semaphore, #tpu.memory_space<semaphore_mem>>) src(%dma_wait3A_19 : memref<640x128xf32, #tpu.memory_space<vmem_shared>>) dst(%dma_wait3A_17 : memref<640x128xf32, #tpu.memory_space<hbm>>)
      tpu.yield
    }) : () -> ()
    return
  }
}

#map = affine_map<(d0, d1) -> (0, 0, 0)>
#map1 = affine_map<(d0, d1) -> (0, 0)>
module attributes {stable_mosaic.version = 14 : i64} {
  func.func @k(%arg0: i32, %arg1: i32, %arg2: memref<2x2560x128xi32, #tpu.memory_space<hbm>>, %arg3: memref<128x16xf32, #tpu.memory_space<hbm>>, %arg4: memref<640x16xf32, #tpu.memory_space<hbm>>, %arg5: memref<2x10240x16xf32, #tpu.memory_space<hbm>>, %arg6: memref<2x10240x16xf32, #tpu.memory_space<hbm>>, %arg7: memref<2x80x128xi32, #tpu.memory_space<vmem>>, %arg8: memref<128x16xf32, #tpu.memory_space<vmem>>, %arg9: memref<10240x16xf32, #tpu.memory_space<vmem_shared>>, %arg10: memref<10240x16xf32, #tpu.memory_space<vmem_shared>>, %arg11: memref<!tpu.dma_semaphore, #tpu.memory_space<semaphore_mem>>) attributes {dimension_semantics = [#tpu.dimension_semantics<core_parallel>, #tpu.dimension_semantics<subcore_parallel>], iteration_bounds = array<i64: 2, 16>, scalar_prefetch = 0 : i64, scratch_operands = 5 : i64, tpu.core_type = #tpu.core_type<sc_vector_subcore>, window_params = [{transform_indices = #map}, {transform_indices = #map1}, {transform_indices = #map1}, {transform_indices = #map}, {transform_indices = #map}]} {
    %mul3A = arith.constant 2 : i32
    %mul3A_0 = arith.muli %arg1, %mul3A : i32
    %add3A = arith.addi %mul3A_0, %arg0 : i32
    %mul3A_1 = arith.constant 640 : i32
    %mul3A_2 = arith.muli %arg1, %mul3A_1 : i32
    "tpu.region"() ({
      %run_scoped3A_15 = tpu.sem_alloc : memref<!tpu.dma_semaphore, #tpu.memory_space<semaphore_mem>>
      %dma_start3A = arith.constant 0 : i32
      %dma_start3A_16 = tpu.memref_slice %arg9[%mul3A_2, %dma_start3A] : memref<10240x16xf32, #tpu.memory_space<vmem_shared>> -> memref<640x16xf32, #tpu.memory_space<vmem_shared>>
      tpu.enqueue_dma source(%arg4 : memref<640x16xf32, #tpu.memory_space<hbm>>) target(%dma_start3A_16 : memref<640x16xf32, #tpu.memory_space<vmem_shared>>) target_semaphore(%run_scoped3A_15 : memref<!tpu.dma_semaphore, #tpu.memory_space<semaphore_mem>>)
      %dma_wait3A = arith.constant 0 : i32
      %dma_wait3A_17 = tpu.memref_slice %arg9[%mul3A_2, %dma_wait3A] : memref<10240x16xf32, #tpu.memory_space<vmem_shared>> -> memref<640x16xf32, #tpu.memory_space<vmem_shared>>
      tpu.wait_dma2 semaphore(%run_scoped3A_15 : memref<!tpu.dma_semaphore, #tpu.memory_space<semaphore_mem>>) src(%arg4 : memref<640x16xf32, #tpu.memory_space<hbm>>) dst(%dma_wait3A_17 : memref<640x16xf32, #tpu.memory_space<vmem_shared>>)
      tpu.yield
    }) : () -> ()
    "tpu.region"() ({
      %run_scoped3A_15 = tpu.sem_alloc : memref<!tpu.dma_semaphore, #tpu.memory_space<semaphore_mem>>
      %dma_start3A = arith.constant 0 : i32
      %dma_start3A_16 = tpu.memref_slice %arg10[%mul3A_2, %dma_start3A] : memref<10240x16xf32, #tpu.memory_space<vmem_shared>> -> memref<640x16xf32, #tpu.memory_space<vmem_shared>>
      tpu.enqueue_dma source(%arg4 : memref<640x16xf32, #tpu.memory_space<hbm>>) target(%dma_start3A_16 : memref<640x16xf32, #tpu.memory_space<vmem_shared>>) target_semaphore(%run_scoped3A_15 : memref<!tpu.dma_semaphore, #tpu.memory_space<semaphore_mem>>)
      %dma_wait3A = arith.constant 0 : i32
      %dma_wait3A_17 = tpu.memref_slice %arg10[%mul3A_2, %dma_wait3A] : memref<10240x16xf32, #tpu.memory_space<vmem_shared>> -> memref<640x16xf32, #tpu.memory_space<vmem_shared>>
      tpu.wait_dma2 semaphore(%run_scoped3A_15 : memref<!tpu.dma_semaphore, #tpu.memory_space<semaphore_mem>>) src(%arg4 : memref<640x16xf32, #tpu.memory_space<hbm>>) dst(%dma_wait3A_17 : memref<640x16xf32, #tpu.memory_space<vmem_shared>>)
      tpu.yield
    }) : () -> ()
    "tpu.region"() ({
      %run_scoped3A_15 = tpu.sem_alloc : memref<!tpu.dma_semaphore, #tpu.memory_space<semaphore_mem>>
      tpu.enqueue_dma source(%arg3 : memref<128x16xf32, #tpu.memory_space<hbm>>) target(%arg8 : memref<128x16xf32, #tpu.memory_space<vmem>>) target_semaphore(%run_scoped3A_15 : memref<!tpu.dma_semaphore, #tpu.memory_space<semaphore_mem>>)
      tpu.wait_dma2 semaphore(%run_scoped3A_15 : memref<!tpu.dma_semaphore, #tpu.memory_space<semaphore_mem>>) src(%arg3 : memref<128x16xf32, #tpu.memory_space<hbm>>) dst(%arg8 : memref<128x16xf32, #tpu.memory_space<vmem>>)
      tpu.yield
    }) : () -> ()
    %mul3A_3 = arith.constant 80 : i32
    %mul3A_4 = arith.muli %add3A, %mul3A_3 : i32
    %barrier3A = arith.constant 0 : index
    tpu.barrier barrier_id(%barrier3A)
    %run_scoped3A = arith.constant 0 : i32
    %run_scoped3A_5 = arith.constant 0 : i32
    "tpu.region"() ({
      %run_scoped3A_15 = tpu.sem_alloc : memref<!tpu.dma_semaphore, #tpu.memory_space<semaphore_mem>>
      %dma_start3A = arith.constant 0 : i32
      %dma_start3A_16 = arith.constant 0 : i32
      %dma_start3A_17 = tpu.memref_slice %arg7[%run_scoped3A_5, %dma_start3A, %dma_start3A_16] : memref<2x80x128xi32, #tpu.memory_space<vmem>> -> memref<1x80x128xi32, #tpu.memory_space<vmem>>
      %dma_start3A_18 = tpu.memref_squeeze %dma_start3A_17 : memref<1x80x128xi32, #tpu.memory_space<vmem>> -> memref<80x128xi32, #tpu.memory_space<vmem>>
      %dma_start3A_19 = arith.constant 0 : i32
      %dma_start3A_20 = tpu.memref_slice %arg2[%run_scoped3A, %mul3A_4, %dma_start3A_19] : memref<2x2560x128xi32, #tpu.memory_space<hbm>> -> memref<1x80x128xi32, #tpu.memory_space<hbm>>
      %dma_start3A_21 = tpu.memref_squeeze %dma_start3A_20 : memref<1x80x128xi32, #tpu.memory_space<hbm>> -> memref<80x128xi32, #tpu.memory_space<hbm>>
      %dma_start3A_22 = arith.constant 0 : i32
      %dma_start3A_23 = arith.constant 0 : i32
      %dma_start3A_24 = tpu.memref_slice %arg7[%run_scoped3A_5, %dma_start3A_22, %dma_start3A_23] : memref<2x80x128xi32, #tpu.memory_space<vmem>> -> memref<1x80x128xi32, #tpu.memory_space<vmem>>
      %dma_start3A_25 = tpu.memref_squeeze %dma_start3A_24 : memref<1x80x128xi32, #tpu.memory_space<vmem>> -> memref<80x128xi32, #tpu.memory_space<vmem>>
      %dma_start3A_26 = arith.constant 0 : i32
      %dma_start3A_27 = tpu.memref_slice %arg2[%run_scoped3A, %mul3A_4, %dma_start3A_26] : memref<2x2560x128xi32, #tpu.memory_space<hbm>> -> memref<1x80x128xi32, #tpu.memory_space<hbm>>
      %dma_start3A_28 = tpu.memref_squeeze %dma_start3A_27 : memref<1x80x128xi32, #tpu.memory_space<hbm>> -> memref<80x128xi32, #tpu.memory_space<hbm>>
      tpu.enqueue_dma source(%dma_start3A_28 : memref<80x128xi32, #tpu.memory_space<hbm>>) target(%dma_start3A_25 : memref<80x128xi32, #tpu.memory_space<vmem>>) target_semaphore(%run_scoped3A_15 : memref<!tpu.dma_semaphore, #tpu.memory_space<semaphore_mem>>)
      %dma_wait3A = arith.constant 0 : i32
      %dma_wait3A_29 = arith.constant 0 : i32
      %dma_wait3A_30 = tpu.memref_slice %arg7[%run_scoped3A_5, %dma_wait3A, %dma_wait3A_29] : memref<2x80x128xi32, #tpu.memory_space<vmem>> -> memref<1x80x128xi32, #tpu.memory_space<vmem>>
      %dma_wait3A_31 = tpu.memref_squeeze %dma_wait3A_30 : memref<1x80x128xi32, #tpu.memory_space<vmem>> -> memref<80x128xi32, #tpu.memory_space<vmem>>
      %dma_wait3A_32 = arith.constant 0 : i32
      %dma_wait3A_33 = tpu.memref_slice %arg2[%run_scoped3A, %mul3A_4, %dma_wait3A_32] : memref<2x2560x128xi32, #tpu.memory_space<hbm>> -> memref<1x80x128xi32, #tpu.memory_space<hbm>>
      %dma_wait3A_34 = tpu.memref_squeeze %dma_wait3A_33 : memref<1x80x128xi32, #tpu.memory_space<hbm>> -> memref<80x128xi32, #tpu.memory_space<hbm>>
      %dma_wait3A_35 = arith.constant 0 : i32
      %dma_wait3A_36 = arith.constant 0 : i32
      %dma_wait3A_37 = tpu.memref_slice %arg7[%run_scoped3A_5, %dma_wait3A_35, %dma_wait3A_36] : memref<2x80x128xi32, #tpu.memory_space<vmem>> -> memref<1x80x128xi32, #tpu.memory_space<vmem>>
      %dma_wait3A_38 = tpu.memref_squeeze %dma_wait3A_37 : memref<1x80x128xi32, #tpu.memory_space<vmem>> -> memref<80x128xi32, #tpu.memory_space<vmem>>
      %dma_wait3A_39 = arith.constant 0 : i32
      %dma_wait3A_40 = tpu.memref_slice %arg2[%run_scoped3A, %mul3A_4, %dma_wait3A_39] : memref<2x2560x128xi32, #tpu.memory_space<hbm>> -> memref<1x80x128xi32, #tpu.memory_space<hbm>>
      %dma_wait3A_41 = tpu.memref_squeeze %dma_wait3A_40 : memref<1x80x128xi32, #tpu.memory_space<hbm>> -> memref<80x128xi32, #tpu.memory_space<hbm>>
      tpu.wait_dma2 semaphore(%run_scoped3A_15 : memref<!tpu.dma_semaphore, #tpu.memory_space<semaphore_mem>>) src(%dma_wait3A_41 : memref<80x128xi32, #tpu.memory_space<hbm>>) dst(%dma_wait3A_38 : memref<80x128xi32, #tpu.memory_space<vmem>>)
      tpu.yield
    }) : () -> ()
    %run_scoped3A_6 = arith.constant 1 : i32
    %run_scoped3A_7 = arith.constant 1 : i32
    "tpu.region"() ({
      %run_scoped3A_15 = tpu.sem_alloc : memref<!tpu.dma_semaphore, #tpu.memory_space<semaphore_mem>>
      %dma_start3A = arith.constant 0 : i32
      %dma_start3A_16 = arith.constant 0 : i32
      %dma_start3A_17 = tpu.memref_slice %arg7[%run_scoped3A_7, %dma_start3A, %dma_start3A_16] : memref<2x80x128xi32, #tpu.memory_space<vmem>> -> memref<1x80x128xi32, #tpu.memory_space<vmem>>
      %dma_start3A_18 = tpu.memref_squeeze %dma_start3A_17 : memref<1x80x128xi32, #tpu.memory_space<vmem>> -> memref<80x128xi32, #tpu.memory_space<vmem>>
      %dma_start3A_19 = arith.constant 0 : i32
      %dma_start3A_20 = tpu.memref_slice %arg2[%run_scoped3A_6, %mul3A_4, %dma_start3A_19] : memref<2x2560x128xi32, #tpu.memory_space<hbm>> -> memref<1x80x128xi32, #tpu.memory_space<hbm>>
      %dma_start3A_21 = tpu.memref_squeeze %dma_start3A_20 : memref<1x80x128xi32, #tpu.memory_space<hbm>> -> memref<80x128xi32, #tpu.memory_space<hbm>>
      %dma_start3A_22 = arith.constant 0 : i32
      %dma_start3A_23 = arith.constant 0 : i32
      %dma_start3A_24 = tpu.memref_slice %arg7[%run_scoped3A_7, %dma_start3A_22, %dma_start3A_23] : memref<2x80x128xi32, #tpu.memory_space<vmem>> -> memref<1x80x128xi32, #tpu.memory_space<vmem>>
      %dma_start3A_25 = tpu.memref_squeeze %dma_start3A_24 : memref<1x80x128xi32, #tpu.memory_space<vmem>> -> memref<80x128xi32, #tpu.memory_space<vmem>>
      %dma_start3A_26 = arith.constant 0 : i32
      %dma_start3A_27 = tpu.memref_slice %arg2[%run_scoped3A_6, %mul3A_4, %dma_start3A_26] : memref<2x2560x128xi32, #tpu.memory_space<hbm>> -> memref<1x80x128xi32, #tpu.memory_space<hbm>>
      %dma_start3A_28 = tpu.memref_squeeze %dma_start3A_27 : memref<1x80x128xi32, #tpu.memory_space<hbm>> -> memref<80x128xi32, #tpu.memory_space<hbm>>
      tpu.enqueue_dma source(%dma_start3A_28 : memref<80x128xi32, #tpu.memory_space<hbm>>) target(%dma_start3A_25 : memref<80x128xi32, #tpu.memory_space<vmem>>) target_semaphore(%run_scoped3A_15 : memref<!tpu.dma_semaphore, #tpu.memory_space<semaphore_mem>>)
      %dma_wait3A = arith.constant 0 : i32
      %dma_wait3A_29 = arith.constant 0 : i32
      %dma_wait3A_30 = tpu.memref_slice %arg7[%run_scoped3A_7, %dma_wait3A, %dma_wait3A_29] : memref<2x80x128xi32, #tpu.memory_space<vmem>> -> memref<1x80x128xi32, #tpu.memory_space<vmem>>
      %dma_wait3A_31 = tpu.memref_squeeze %dma_wait3A_30 : memref<1x80x128xi32, #tpu.memory_space<vmem>> -> memref<80x128xi32, #tpu.memory_space<vmem>>
      %dma_wait3A_32 = arith.constant 0 : i32
      %dma_wait3A_33 = tpu.memref_slice %arg2[%run_scoped3A_6, %mul3A_4, %dma_wait3A_32] : memref<2x2560x128xi32, #tpu.memory_space<hbm>> -> memref<1x80x128xi32, #tpu.memory_space<hbm>>
      %dma_wait3A_34 = tpu.memref_squeeze %dma_wait3A_33 : memref<1x80x128xi32, #tpu.memory_space<hbm>> -> memref<80x128xi32, #tpu.memory_space<hbm>>
      %dma_wait3A_35 = arith.constant 0 : i32
      %dma_wait3A_36 = arith.constant 0 : i32
      %dma_wait3A_37 = tpu.memref_slice %arg7[%run_scoped3A_7, %dma_wait3A_35, %dma_wait3A_36] : memref<2x80x128xi32, #tpu.memory_space<vmem>> -> memref<1x80x128xi32, #tpu.memory_space<vmem>>
      %dma_wait3A_38 = tpu.memref_squeeze %dma_wait3A_37 : memref<1x80x128xi32, #tpu.memory_space<vmem>> -> memref<80x128xi32, #tpu.memory_space<vmem>>
      %dma_wait3A_39 = arith.constant 0 : i32
      %dma_wait3A_40 = tpu.memref_slice %arg2[%run_scoped3A_6, %mul3A_4, %dma_wait3A_39] : memref<2x2560x128xi32, #tpu.memory_space<hbm>> -> memref<1x80x128xi32, #tpu.memory_space<hbm>>
      %dma_wait3A_41 = tpu.memref_squeeze %dma_wait3A_40 : memref<1x80x128xi32, #tpu.memory_space<hbm>> -> memref<80x128xi32, #tpu.memory_space<hbm>>
      tpu.wait_dma2 semaphore(%run_scoped3A_15 : memref<!tpu.dma_semaphore, #tpu.memory_space<semaphore_mem>>) src(%dma_wait3A_41 : memref<80x128xi32, #tpu.memory_space<hbm>>) dst(%dma_wait3A_38 : memref<80x128xi32, #tpu.memory_space<vmem>>)
      tpu.yield
    }) : () -> ()
    %scan3A = arith.constant 0 : i32
    %scan3A_8 = arith.constant 0 : i32
    %scan3A_9 = arith.constant 10 : i32
    %scan3A_10 = arith.addi %scan3A_8, %scan3A_9 : i32
    %scan3A_11 = arith.constant 1 : i32
    %scan3A_12 = scf.for %scan3A_15 = %scan3A_8 to %scan3A_10 step %scan3A_11 iter_args(%scan3A_16 = %scan3A) -> (i32)  : i32 {
      %mul3A_17 = arith.constant 8 : i32
      %mul3A_18 = arith.muli %scan3A_15, %mul3A_17 : i32
      %add3A_19 = arith.constant 0 : i32
      %add3A_20 = arith.addi %mul3A_18, %add3A_19 : i32
      %dma_start3A = arith.constant 0 : i32
      %dma_start3A_21 = arith.constant 0 : i32
      %dma_start3A_22 = tpu.memref_slice %arg7[%dma_start3A, %add3A_20, %dma_start3A_21] : memref<2x80x128xi32, #tpu.memory_space<vmem>> -> memref<1x1x128xi32, #tpu.memory_space<vmem>>
      %dma_start3A_23 = tpu.memref_squeeze %dma_start3A_22 : memref<1x1x128xi32, #tpu.memory_space<vmem>> -> memref<128xi32, #tpu.memory_space<vmem>>
      %dma_start3A_24 = arith.constant 0 : i32
      %dma_start3A_25 = arith.constant 0 : i32
      %dma_start3A_26 = tpu.memref_slice %arg9[%dma_start3A_24, %dma_start3A_25] : memref<10240x16xf32, #tpu.memory_space<vmem_shared>> -> memref<10240x16xf32, #tpu.memory_space<vmem_shared>>
      tpu.enqueue_indirect_dma source(%arg8 : memref<128x16xf32, #tpu.memory_space<vmem>>) target(%dma_start3A_26 : memref<10240x16xf32, #tpu.memory_space<vmem_shared>>) offsets(%dma_start3A_23 : memref<128xi32, #tpu.memory_space<vmem>>) semaphore(%arg11 : memref<!tpu.dma_semaphore, #tpu.memory_space<semaphore_mem>>) {add = true}
      %add3A_27 = arith.constant 0 : i32
      %add3A_28 = arith.addi %mul3A_18, %add3A_27 : i32
      %dma_start3A_29 = arith.constant 1 : i32
      %dma_start3A_30 = arith.constant 0 : i32
      %dma_start3A_31 = tpu.memref_slice %arg7[%dma_start3A_29, %add3A_28, %dma_start3A_30] : memref<2x80x128xi32, #tpu.memory_space<vmem>> -> memref<1x1x128xi32, #tpu.memory_space<vmem>>
      %dma_start3A_32 = tpu.memref_squeeze %dma_start3A_31 : memref<1x1x128xi32, #tpu.memory_space<vmem>> -> memref<128xi32, #tpu.memory_space<vmem>>
      %dma_start3A_33 = arith.constant 0 : i32
      %dma_start3A_34 = arith.constant 0 : i32
      %dma_start3A_35 = tpu.memref_slice %arg10[%dma_start3A_33, %dma_start3A_34] : memref<10240x16xf32, #tpu.memory_space<vmem_shared>> -> memref<10240x16xf32, #tpu.memory_space<vmem_shared>>
      tpu.enqueue_indirect_dma source(%arg8 : memref<128x16xf32, #tpu.memory_space<vmem>>) target(%dma_start3A_35 : memref<10240x16xf32, #tpu.memory_space<vmem_shared>>) offsets(%dma_start3A_32 : memref<128xi32, #tpu.memory_space<vmem>>) semaphore(%arg11 : memref<!tpu.dma_semaphore, #tpu.memory_space<semaphore_mem>>) {add = true}
      %add3A_36 = arith.constant 1 : i32
      %add3A_37 = arith.addi %mul3A_18, %add3A_36 : i32
      %dma_start3A_38 = arith.constant 0 : i32
      %dma_start3A_39 = arith.constant 0 : i32
      %dma_start3A_40 = tpu.memref_slice %arg7[%dma_start3A_38, %add3A_37, %dma_start3A_39] : memref<2x80x128xi32, #tpu.memory_space<vmem>> -> memref<1x1x128xi32, #tpu.memory_space<vmem>>
      %dma_start3A_41 = tpu.memref_squeeze %dma_start3A_40 : memref<1x1x128xi32, #tpu.memory_space<vmem>> -> memref<128xi32, #tpu.memory_space<vmem>>
      %dma_start3A_42 = arith.constant 0 : i32
      %dma_start3A_43 = arith.constant 0 : i32
      %dma_start3A_44 = tpu.memref_slice %arg9[%dma_start3A_42, %dma_start3A_43] : memref<10240x16xf32, #tpu.memory_space<vmem_shared>> -> memref<10240x16xf32, #tpu.memory_space<vmem_shared>>
      tpu.enqueue_indirect_dma source(%arg8 : memref<128x16xf32, #tpu.memory_space<vmem>>) target(%dma_start3A_44 : memref<10240x16xf32, #tpu.memory_space<vmem_shared>>) offsets(%dma_start3A_41 : memref<128xi32, #tpu.memory_space<vmem>>) semaphore(%arg11 : memref<!tpu.dma_semaphore, #tpu.memory_space<semaphore_mem>>) {add = true}
      %add3A_45 = arith.constant 1 : i32
      %add3A_46 = arith.addi %mul3A_18, %add3A_45 : i32
      %dma_start3A_47 = arith.constant 1 : i32
      %dma_start3A_48 = arith.constant 0 : i32
      %dma_start3A_49 = tpu.memref_slice %arg7[%dma_start3A_47, %add3A_46, %dma_start3A_48] : memref<2x80x128xi32, #tpu.memory_space<vmem>> -> memref<1x1x128xi32, #tpu.memory_space<vmem>>
      %dma_start3A_50 = tpu.memref_squeeze %dma_start3A_49 : memref<1x1x128xi32, #tpu.memory_space<vmem>> -> memref<128xi32, #tpu.memory_space<vmem>>
      %dma_start3A_51 = arith.constant 0 : i32
      %dma_start3A_52 = arith.constant 0 : i32
      %dma_start3A_53 = tpu.memref_slice %arg10[%dma_start3A_51, %dma_start3A_52] : memref<10240x16xf32, #tpu.memory_space<vmem_shared>> -> memref<10240x16xf32, #tpu.memory_space<vmem_shared>>
      tpu.enqueue_indirect_dma source(%arg8 : memref<128x16xf32, #tpu.memory_space<vmem>>) target(%dma_start3A_53 : memref<10240x16xf32, #tpu.memory_space<vmem_shared>>) offsets(%dma_start3A_50 : memref<128xi32, #tpu.memory_space<vmem>>) semaphore(%arg11 : memref<!tpu.dma_semaphore, #tpu.memory_space<semaphore_mem>>) {add = true}
      %add3A_54 = arith.constant 2 : i32
      %add3A_55 = arith.addi %mul3A_18, %add3A_54 : i32
      %dma_start3A_56 = arith.constant 0 : i32
      %dma_start3A_57 = arith.constant 0 : i32
      %dma_start3A_58 = tpu.memref_slice %arg7[%dma_start3A_56, %add3A_55, %dma_start3A_57] : memref<2x80x128xi32, #tpu.memory_space<vmem>> -> memref<1x1x128xi32, #tpu.memory_space<vmem>>
      %dma_start3A_59 = tpu.memref_squeeze %dma_start3A_58 : memref<1x1x128xi32, #tpu.memory_space<vmem>> -> memref<128xi32, #tpu.memory_space<vmem>>
      %dma_start3A_60 = arith.constant 0 : i32
      %dma_start3A_61 = arith.constant 0 : i32
      %dma_start3A_62 = tpu.memref_slice %arg9[%dma_start3A_60, %dma_start3A_61] : memref<10240x16xf32, #tpu.memory_space<vmem_shared>> -> memref<10240x16xf32, #tpu.memory_space<vmem_shared>>
      tpu.enqueue_indirect_dma source(%arg8 : memref<128x16xf32, #tpu.memory_space<vmem>>) target(%dma_start3A_62 : memref<10240x16xf32, #tpu.memory_space<vmem_shared>>) offsets(%dma_start3A_59 : memref<128xi32, #tpu.memory_space<vmem>>) semaphore(%arg11 : memref<!tpu.dma_semaphore, #tpu.memory_space<semaphore_mem>>) {add = true}
      %add3A_63 = arith.constant 2 : i32
      %add3A_64 = arith.addi %mul3A_18, %add3A_63 : i32
      %dma_start3A_65 = arith.constant 1 : i32
      %dma_start3A_66 = arith.constant 0 : i32
      %dma_start3A_67 = tpu.memref_slice %arg7[%dma_start3A_65, %add3A_64, %dma_start3A_66] : memref<2x80x128xi32, #tpu.memory_space<vmem>> -> memref<1x1x128xi32, #tpu.memory_space<vmem>>
      %dma_start3A_68 = tpu.memref_squeeze %dma_start3A_67 : memref<1x1x128xi32, #tpu.memory_space<vmem>> -> memref<128xi32, #tpu.memory_space<vmem>>
      %dma_start3A_69 = arith.constant 0 : i32
      %dma_start3A_70 = arith.constant 0 : i32
      %dma_start3A_71 = tpu.memref_slice %arg10[%dma_start3A_69, %dma_start3A_70] : memref<10240x16xf32, #tpu.memory_space<vmem_shared>> -> memref<10240x16xf32, #tpu.memory_space<vmem_shared>>
      tpu.enqueue_indirect_dma source(%arg8 : memref<128x16xf32, #tpu.memory_space<vmem>>) target(%dma_start3A_71 : memref<10240x16xf32, #tpu.memory_space<vmem_shared>>) offsets(%dma_start3A_68 : memref<128xi32, #tpu.memory_space<vmem>>) semaphore(%arg11 : memref<!tpu.dma_semaphore, #tpu.memory_space<semaphore_mem>>) {add = true}
      %add3A_72 = arith.constant 3 : i32
      %add3A_73 = arith.addi %mul3A_18, %add3A_72 : i32
      %dma_start3A_74 = arith.constant 0 : i32
      %dma_start3A_75 = arith.constant 0 : i32
      %dma_start3A_76 = tpu.memref_slice %arg7[%dma_start3A_74, %add3A_73, %dma_start3A_75] : memref<2x80x128xi32, #tpu.memory_space<vmem>> -> memref<1x1x128xi32, #tpu.memory_space<vmem>>
      %dma_start3A_77 = tpu.memref_squeeze %dma_start3A_76 : memref<1x1x128xi32, #tpu.memory_space<vmem>> -> memref<128xi32, #tpu.memory_space<vmem>>
      %dma_start3A_78 = arith.constant 0 : i32
      %dma_start3A_79 = arith.constant 0 : i32
      %dma_start3A_80 = tpu.memref_slice %arg9[%dma_start3A_78, %dma_start3A_79] : memref<10240x16xf32, #tpu.memory_space<vmem_shared>> -> memref<10240x16xf32, #tpu.memory_space<vmem_shared>>
      tpu.enqueue_indirect_dma source(%arg8 : memref<128x16xf32, #tpu.memory_space<vmem>>) target(%dma_start3A_80 : memref<10240x16xf32, #tpu.memory_space<vmem_shared>>) offsets(%dma_start3A_77 : memref<128xi32, #tpu.memory_space<vmem>>) semaphore(%arg11 : memref<!tpu.dma_semaphore, #tpu.memory_space<semaphore_mem>>) {add = true}
      %add3A_81 = arith.constant 3 : i32
      %add3A_82 = arith.addi %mul3A_18, %add3A_81 : i32
      %dma_start3A_83 = arith.constant 1 : i32
      %dma_start3A_84 = arith.constant 0 : i32
      %dma_start3A_85 = tpu.memref_slice %arg7[%dma_start3A_83, %add3A_82, %dma_start3A_84] : memref<2x80x128xi32, #tpu.memory_space<vmem>> -> memref<1x1x128xi32, #tpu.memory_space<vmem>>
      %dma_start3A_86 = tpu.memref_squeeze %dma_start3A_85 : memref<1x1x128xi32, #tpu.memory_space<vmem>> -> memref<128xi32, #tpu.memory_space<vmem>>
      %dma_start3A_87 = arith.constant 0 : i32
      %dma_start3A_88 = arith.constant 0 : i32
      %dma_start3A_89 = tpu.memref_slice %arg10[%dma_start3A_87, %dma_start3A_88] : memref<10240x16xf32, #tpu.memory_space<vmem_shared>> -> memref<10240x16xf32, #tpu.memory_space<vmem_shared>>
      tpu.enqueue_indirect_dma source(%arg8 : memref<128x16xf32, #tpu.memory_space<vmem>>) target(%dma_start3A_89 : memref<10240x16xf32, #tpu.memory_space<vmem_shared>>) offsets(%dma_start3A_86 : memref<128xi32, #tpu.memory_space<vmem>>) semaphore(%arg11 : memref<!tpu.dma_semaphore, #tpu.memory_space<semaphore_mem>>) {add = true}
      %add3A_90 = arith.constant 4 : i32
      %add3A_91 = arith.addi %mul3A_18, %add3A_90 : i32
      %dma_start3A_92 = arith.constant 0 : i32
      %dma_start3A_93 = arith.constant 0 : i32
      %dma_start3A_94 = tpu.memref_slice %arg7[%dma_start3A_92, %add3A_91, %dma_start3A_93] : memref<2x80x128xi32, #tpu.memory_space<vmem>> -> memref<1x1x128xi32, #tpu.memory_space<vmem>>
      %dma_start3A_95 = tpu.memref_squeeze %dma_start3A_94 : memref<1x1x128xi32, #tpu.memory_space<vmem>> -> memref<128xi32, #tpu.memory_space<vmem>>
      %dma_start3A_96 = arith.constant 0 : i32
      %dma_start3A_97 = arith.constant 0 : i32
      %dma_start3A_98 = tpu.memref_slice %arg9[%dma_start3A_96, %dma_start3A_97] : memref<10240x16xf32, #tpu.memory_space<vmem_shared>> -> memref<10240x16xf32, #tpu.memory_space<vmem_shared>>
      tpu.enqueue_indirect_dma source(%arg8 : memref<128x16xf32, #tpu.memory_space<vmem>>) target(%dma_start3A_98 : memref<10240x16xf32, #tpu.memory_space<vmem_shared>>) offsets(%dma_start3A_95 : memref<128xi32, #tpu.memory_space<vmem>>) semaphore(%arg11 : memref<!tpu.dma_semaphore, #tpu.memory_space<semaphore_mem>>) {add = true}
      %add3A_99 = arith.constant 4 : i32
      %add3A_100 = arith.addi %mul3A_18, %add3A_99 : i32
      %dma_start3A_101 = arith.constant 1 : i32
      %dma_start3A_102 = arith.constant 0 : i32
      %dma_start3A_103 = tpu.memref_slice %arg7[%dma_start3A_101, %add3A_100, %dma_start3A_102] : memref<2x80x128xi32, #tpu.memory_space<vmem>> -> memref<1x1x128xi32, #tpu.memory_space<vmem>>
      %dma_start3A_104 = tpu.memref_squeeze %dma_start3A_103 : memref<1x1x128xi32, #tpu.memory_space<vmem>> -> memref<128xi32, #tpu.memory_space<vmem>>
      %dma_start3A_105 = arith.constant 0 : i32
      %dma_start3A_106 = arith.constant 0 : i32
      %dma_start3A_107 = tpu.memref_slice %arg10[%dma_start3A_105, %dma_start3A_106] : memref<10240x16xf32, #tpu.memory_space<vmem_shared>> -> memref<10240x16xf32, #tpu.memory_space<vmem_shared>>
      tpu.enqueue_indirect_dma source(%arg8 : memref<128x16xf32, #tpu.memory_space<vmem>>) target(%dma_start3A_107 : memref<10240x16xf32, #tpu.memory_space<vmem_shared>>) offsets(%dma_start3A_104 : memref<128xi32, #tpu.memory_space<vmem>>) semaphore(%arg11 : memref<!tpu.dma_semaphore, #tpu.memory_space<semaphore_mem>>) {add = true}
      %add3A_108 = arith.constant 5 : i32
      %add3A_109 = arith.addi %mul3A_18, %add3A_108 : i32
      %dma_start3A_110 = arith.constant 0 : i32
      %dma_start3A_111 = arith.constant 0 : i32
      %dma_start3A_112 = tpu.memref_slice %arg7[%dma_start3A_110, %add3A_109, %dma_start3A_111] : memref<2x80x128xi32, #tpu.memory_space<vmem>> -> memref<1x1x128xi32, #tpu.memory_space<vmem>>
      %dma_start3A_113 = tpu.memref_squeeze %dma_start3A_112 : memref<1x1x128xi32, #tpu.memory_space<vmem>> -> memref<128xi32, #tpu.memory_space<vmem>>
      %dma_start3A_114 = arith.constant 0 : i32
      %dma_start3A_115 = arith.constant 0 : i32
      %dma_start3A_116 = tpu.memref_slice %arg9[%dma_start3A_114, %dma_start3A_115] : memref<10240x16xf32, #tpu.memory_space<vmem_shared>> -> memref<10240x16xf32, #tpu.memory_space<vmem_shared>>
      tpu.enqueue_indirect_dma source(%arg8 : memref<128x16xf32, #tpu.memory_space<vmem>>) target(%dma_start3A_116 : memref<10240x16xf32, #tpu.memory_space<vmem_shared>>) offsets(%dma_start3A_113 : memref<128xi32, #tpu.memory_space<vmem>>) semaphore(%arg11 : memref<!tpu.dma_semaphore, #tpu.memory_space<semaphore_mem>>) {add = true}
      %add3A_117 = arith.constant 5 : i32
      %add3A_118 = arith.addi %mul3A_18, %add3A_117 : i32
      %dma_start3A_119 = arith.constant 1 : i32
      %dma_start3A_120 = arith.constant 0 : i32
      %dma_start3A_121 = tpu.memref_slice %arg7[%dma_start3A_119, %add3A_118, %dma_start3A_120] : memref<2x80x128xi32, #tpu.memory_space<vmem>> -> memref<1x1x128xi32, #tpu.memory_space<vmem>>
      %dma_start3A_122 = tpu.memref_squeeze %dma_start3A_121 : memref<1x1x128xi32, #tpu.memory_space<vmem>> -> memref<128xi32, #tpu.memory_space<vmem>>
      %dma_start3A_123 = arith.constant 0 : i32
      %dma_start3A_124 = arith.constant 0 : i32
      %dma_start3A_125 = tpu.memref_slice %arg10[%dma_start3A_123, %dma_start3A_124] : memref<10240x16xf32, #tpu.memory_space<vmem_shared>> -> memref<10240x16xf32, #tpu.memory_space<vmem_shared>>
      tpu.enqueue_indirect_dma source(%arg8 : memref<128x16xf32, #tpu.memory_space<vmem>>) target(%dma_start3A_125 : memref<10240x16xf32, #tpu.memory_space<vmem_shared>>) offsets(%dma_start3A_122 : memref<128xi32, #tpu.memory_space<vmem>>) semaphore(%arg11 : memref<!tpu.dma_semaphore, #tpu.memory_space<semaphore_mem>>) {add = true}
      %add3A_126 = arith.constant 6 : i32
      %add3A_127 = arith.addi %mul3A_18, %add3A_126 : i32
      %dma_start3A_128 = arith.constant 0 : i32
      %dma_start3A_129 = arith.constant 0 : i32
      %dma_start3A_130 = tpu.memref_slice %arg7[%dma_start3A_128, %add3A_127, %dma_start3A_129] : memref<2x80x128xi32, #tpu.memory_space<vmem>> -> memref<1x1x128xi32, #tpu.memory_space<vmem>>
      %dma_start3A_131 = tpu.memref_squeeze %dma_start3A_130 : memref<1x1x128xi32, #tpu.memory_space<vmem>> -> memref<128xi32, #tpu.memory_space<vmem>>
      %dma_start3A_132 = arith.constant 0 : i32
      %dma_start3A_133 = arith.constant 0 : i32
      %dma_start3A_134 = tpu.memref_slice %arg9[%dma_start3A_132, %dma_start3A_133] : memref<10240x16xf32, #tpu.memory_space<vmem_shared>> -> memref<10240x16xf32, #tpu.memory_space<vmem_shared>>
      tpu.enqueue_indirect_dma source(%arg8 : memref<128x16xf32, #tpu.memory_space<vmem>>) target(%dma_start3A_134 : memref<10240x16xf32, #tpu.memory_space<vmem_shared>>) offsets(%dma_start3A_131 : memref<128xi32, #tpu.memory_space<vmem>>) semaphore(%arg11 : memref<!tpu.dma_semaphore, #tpu.memory_space<semaphore_mem>>) {add = true}
      %add3A_135 = arith.constant 6 : i32
      %add3A_136 = arith.addi %mul3A_18, %add3A_135 : i32
      %dma_start3A_137 = arith.constant 1 : i32
      %dma_start3A_138 = arith.constant 0 : i32
      %dma_start3A_139 = tpu.memref_slice %arg7[%dma_start3A_137, %add3A_136, %dma_start3A_138] : memref<2x80x128xi32, #tpu.memory_space<vmem>> -> memref<1x1x128xi32, #tpu.memory_space<vmem>>
      %dma_start3A_140 = tpu.memref_squeeze %dma_start3A_139 : memref<1x1x128xi32, #tpu.memory_space<vmem>> -> memref<128xi32, #tpu.memory_space<vmem>>
      %dma_start3A_141 = arith.constant 0 : i32
      %dma_start3A_142 = arith.constant 0 : i32
      %dma_start3A_143 = tpu.memref_slice %arg10[%dma_start3A_141, %dma_start3A_142] : memref<10240x16xf32, #tpu.memory_space<vmem_shared>> -> memref<10240x16xf32, #tpu.memory_space<vmem_shared>>
      tpu.enqueue_indirect_dma source(%arg8 : memref<128x16xf32, #tpu.memory_space<vmem>>) target(%dma_start3A_143 : memref<10240x16xf32, #tpu.memory_space<vmem_shared>>) offsets(%dma_start3A_140 : memref<128xi32, #tpu.memory_space<vmem>>) semaphore(%arg11 : memref<!tpu.dma_semaphore, #tpu.memory_space<semaphore_mem>>) {add = true}
      %add3A_144 = arith.constant 7 : i32
      %add3A_145 = arith.addi %mul3A_18, %add3A_144 : i32
      %dma_start3A_146 = arith.constant 0 : i32
      %dma_start3A_147 = arith.constant 0 : i32
      %dma_start3A_148 = tpu.memref_slice %arg7[%dma_start3A_146, %add3A_145, %dma_start3A_147] : memref<2x80x128xi32, #tpu.memory_space<vmem>> -> memref<1x1x128xi32, #tpu.memory_space<vmem>>
      %dma_start3A_149 = tpu.memref_squeeze %dma_start3A_148 : memref<1x1x128xi32, #tpu.memory_space<vmem>> -> memref<128xi32, #tpu.memory_space<vmem>>
      %dma_start3A_150 = arith.constant 0 : i32
      %dma_start3A_151 = arith.constant 0 : i32
      %dma_start3A_152 = tpu.memref_slice %arg9[%dma_start3A_150, %dma_start3A_151] : memref<10240x16xf32, #tpu.memory_space<vmem_shared>> -> memref<10240x16xf32, #tpu.memory_space<vmem_shared>>
      tpu.enqueue_indirect_dma source(%arg8 : memref<128x16xf32, #tpu.memory_space<vmem>>) target(%dma_start3A_152 : memref<10240x16xf32, #tpu.memory_space<vmem_shared>>) offsets(%dma_start3A_149 : memref<128xi32, #tpu.memory_space<vmem>>) semaphore(%arg11 : memref<!tpu.dma_semaphore, #tpu.memory_space<semaphore_mem>>) {add = true}
      %add3A_153 = arith.constant 7 : i32
      %add3A_154 = arith.addi %mul3A_18, %add3A_153 : i32
      %dma_start3A_155 = arith.constant 1 : i32
      %dma_start3A_156 = arith.constant 0 : i32
      %dma_start3A_157 = tpu.memref_slice %arg7[%dma_start3A_155, %add3A_154, %dma_start3A_156] : memref<2x80x128xi32, #tpu.memory_space<vmem>> -> memref<1x1x128xi32, #tpu.memory_space<vmem>>
      %dma_start3A_158 = tpu.memref_squeeze %dma_start3A_157 : memref<1x1x128xi32, #tpu.memory_space<vmem>> -> memref<128xi32, #tpu.memory_space<vmem>>
      %dma_start3A_159 = arith.constant 0 : i32
      %dma_start3A_160 = arith.constant 0 : i32
      %dma_start3A_161 = tpu.memref_slice %arg10[%dma_start3A_159, %dma_start3A_160] : memref<10240x16xf32, #tpu.memory_space<vmem_shared>> -> memref<10240x16xf32, #tpu.memory_space<vmem_shared>>
      tpu.enqueue_indirect_dma source(%arg8 : memref<128x16xf32, #tpu.memory_space<vmem>>) target(%dma_start3A_161 : memref<10240x16xf32, #tpu.memory_space<vmem_shared>>) offsets(%dma_start3A_158 : memref<128xi32, #tpu.memory_space<vmem>>) semaphore(%arg11 : memref<!tpu.dma_semaphore, #tpu.memory_space<semaphore_mem>>) {add = true}
      %dma_wait3A = arith.constant 0 : i32
      %dma_wait3A_162 = arith.constant 0 : i32
      %dma_wait3A_163 = tpu.memref_slice %arg7[%dma_wait3A, %add3A_20, %dma_wait3A_162] : memref<2x80x128xi32, #tpu.memory_space<vmem>> -> memref<1x1x128xi32, #tpu.memory_space<vmem>>
      %dma_wait3A_164 = tpu.memref_squeeze %dma_wait3A_163 : memref<1x1x128xi32, #tpu.memory_space<vmem>> -> memref<128xi32, #tpu.memory_space<vmem>>
      %dma_wait3A_165 = arith.constant 0 : i32
      %dma_wait3A_166 = arith.constant 0 : i32
      %dma_wait3A_167 = tpu.memref_slice %arg9[%dma_wait3A_165, %dma_wait3A_166] : memref<10240x16xf32, #tpu.memory_space<vmem_shared>> -> memref<10240x16xf32, #tpu.memory_space<vmem_shared>>
      tpu.wait_indirect_dma semaphore(%arg11 : memref<!tpu.dma_semaphore, #tpu.memory_space<semaphore_mem>>) src(%arg8 : memref<128x16xf32, #tpu.memory_space<vmem>>) dst(%dma_wait3A_167 : memref<10240x16xf32, #tpu.memory_space<vmem_shared>>)
      %dma_wait3A_168 = arith.constant 1 : i32
      %dma_wait3A_169 = arith.constant 0 : i32
      %dma_wait3A_170 = tpu.memref_slice %arg7[%dma_wait3A_168, %add3A_28, %dma_wait3A_169] : memref<2x80x128xi32, #tpu.memory_space<vmem>> -> memref<1x1x128xi32, #tpu.memory_space<vmem>>
      %dma_wait3A_171 = tpu.memref_squeeze %dma_wait3A_170 : memref<1x1x128xi32, #tpu.memory_space<vmem>> -> memref<128xi32, #tpu.memory_space<vmem>>
      %dma_wait3A_172 = arith.constant 0 : i32
      %dma_wait3A_173 = arith.constant 0 : i32
      %dma_wait3A_174 = tpu.memref_slice %arg10[%dma_wait3A_172, %dma_wait3A_173] : memref<10240x16xf32, #tpu.memory_space<vmem_shared>> -> memref<10240x16xf32, #tpu.memory_space<vmem_shared>>
      tpu.wait_indirect_dma semaphore(%arg11 : memref<!tpu.dma_semaphore, #tpu.memory_space<semaphore_mem>>) src(%arg8 : memref<128x16xf32, #tpu.memory_space<vmem>>) dst(%dma_wait3A_174 : memref<10240x16xf32, #tpu.memory_space<vmem_shared>>)
      %dma_wait3A_175 = arith.constant 0 : i32
      %dma_wait3A_176 = arith.constant 0 : i32
      %dma_wait3A_177 = tpu.memref_slice %arg7[%dma_wait3A_175, %add3A_37, %dma_wait3A_176] : memref<2x80x128xi32, #tpu.memory_space<vmem>> -> memref<1x1x128xi32, #tpu.memory_space<vmem>>
      %dma_wait3A_178 = tpu.memref_squeeze %dma_wait3A_177 : memref<1x1x128xi32, #tpu.memory_space<vmem>> -> memref<128xi32, #tpu.memory_space<vmem>>
      %dma_wait3A_179 = arith.constant 0 : i32
      %dma_wait3A_180 = arith.constant 0 : i32
      %dma_wait3A_181 = tpu.memref_slice %arg9[%dma_wait3A_179, %dma_wait3A_180] : memref<10240x16xf32, #tpu.memory_space<vmem_shared>> -> memref<10240x16xf32, #tpu.memory_space<vmem_shared>>
      tpu.wait_indirect_dma semaphore(%arg11 : memref<!tpu.dma_semaphore, #tpu.memory_space<semaphore_mem>>) src(%arg8 : memref<128x16xf32, #tpu.memory_space<vmem>>) dst(%dma_wait3A_181 : memref<10240x16xf32, #tpu.memory_space<vmem_shared>>)
      %dma_wait3A_182 = arith.constant 1 : i32
      %dma_wait3A_183 = arith.constant 0 : i32
      %dma_wait3A_184 = tpu.memref_slice %arg7[%dma_wait3A_182, %add3A_46, %dma_wait3A_183] : memref<2x80x128xi32, #tpu.memory_space<vmem>> -> memref<1x1x128xi32, #tpu.memory_space<vmem>>
      %dma_wait3A_185 = tpu.memref_squeeze %dma_wait3A_184 : memref<1x1x128xi32, #tpu.memory_space<vmem>> -> memref<128xi32, #tpu.memory_space<vmem>>
      %dma_wait3A_186 = arith.constant 0 : i32
      %dma_wait3A_187 = arith.constant 0 : i32
      %dma_wait3A_188 = tpu.memref_slice %arg10[%dma_wait3A_186, %dma_wait3A_187] : memref<10240x16xf32, #tpu.memory_space<vmem_shared>> -> memref<10240x16xf32, #tpu.memory_space<vmem_shared>>
      tpu.wait_indirect_dma semaphore(%arg11 : memref<!tpu.dma_semaphore, #tpu.memory_space<semaphore_mem>>) src(%arg8 : memref<128x16xf32, #tpu.memory_space<vmem>>) dst(%dma_wait3A_188 : memref<10240x16xf32, #tpu.memory_space<vmem_shared>>)
      %dma_wait3A_189 = arith.constant 0 : i32
      %dma_wait3A_190 = arith.constant 0 : i32
      %dma_wait3A_191 = tpu.memref_slice %arg7[%dma_wait3A_189, %add3A_55, %dma_wait3A_190] : memref<2x80x128xi32, #tpu.memory_space<vmem>> -> memref<1x1x128xi32, #tpu.memory_space<vmem>>
      %dma_wait3A_192 = tpu.memref_squeeze %dma_wait3A_191 : memref<1x1x128xi32, #tpu.memory_space<vmem>> -> memref<128xi32, #tpu.memory_space<vmem>>
      %dma_wait3A_193 = arith.constant 0 : i32
      %dma_wait3A_194 = arith.constant 0 : i32
      %dma_wait3A_195 = tpu.memref_slice %arg9[%dma_wait3A_193, %dma_wait3A_194] : memref<10240x16xf32, #tpu.memory_space<vmem_shared>> -> memref<10240x16xf32, #tpu.memory_space<vmem_shared>>
      tpu.wait_indirect_dma semaphore(%arg11 : memref<!tpu.dma_semaphore, #tpu.memory_space<semaphore_mem>>) src(%arg8 : memref<128x16xf32, #tpu.memory_space<vmem>>) dst(%dma_wait3A_195 : memref<10240x16xf32, #tpu.memory_space<vmem_shared>>)
      %dma_wait3A_196 = arith.constant 1 : i32
      %dma_wait3A_197 = arith.constant 0 : i32
      %dma_wait3A_198 = tpu.memref_slice %arg7[%dma_wait3A_196, %add3A_64, %dma_wait3A_197] : memref<2x80x128xi32, #tpu.memory_space<vmem>> -> memref<1x1x128xi32, #tpu.memory_space<vmem>>
      %dma_wait3A_199 = tpu.memref_squeeze %dma_wait3A_198 : memref<1x1x128xi32, #tpu.memory_space<vmem>> -> memref<128xi32, #tpu.memory_space<vmem>>
      %dma_wait3A_200 = arith.constant 0 : i32
      %dma_wait3A_201 = arith.constant 0 : i32
      %dma_wait3A_202 = tpu.memref_slice %arg10[%dma_wait3A_200, %dma_wait3A_201] : memref<10240x16xf32, #tpu.memory_space<vmem_shared>> -> memref<10240x16xf32, #tpu.memory_space<vmem_shared>>
      tpu.wait_indirect_dma semaphore(%arg11 : memref<!tpu.dma_semaphore, #tpu.memory_space<semaphore_mem>>) src(%arg8 : memref<128x16xf32, #tpu.memory_space<vmem>>) dst(%dma_wait3A_202 : memref<10240x16xf32, #tpu.memory_space<vmem_shared>>)
      %dma_wait3A_203 = arith.constant 0 : i32
      %dma_wait3A_204 = arith.constant 0 : i32
      %dma_wait3A_205 = tpu.memref_slice %arg7[%dma_wait3A_203, %add3A_73, %dma_wait3A_204] : memref<2x80x128xi32, #tpu.memory_space<vmem>> -> memref<1x1x128xi32, #tpu.memory_space<vmem>>
      %dma_wait3A_206 = tpu.memref_squeeze %dma_wait3A_205 : memref<1x1x128xi32, #tpu.memory_space<vmem>> -> memref<128xi32, #tpu.memory_space<vmem>>
      %dma_wait3A_207 = arith.constant 0 : i32
      %dma_wait3A_208 = arith.constant 0 : i32
      %dma_wait3A_209 = tpu.memref_slice %arg9[%dma_wait3A_207, %dma_wait3A_208] : memref<10240x16xf32, #tpu.memory_space<vmem_shared>> -> memref<10240x16xf32, #tpu.memory_space<vmem_shared>>
      tpu.wait_indirect_dma semaphore(%arg11 : memref<!tpu.dma_semaphore, #tpu.memory_space<semaphore_mem>>) src(%arg8 : memref<128x16xf32, #tpu.memory_space<vmem>>) dst(%dma_wait3A_209 : memref<10240x16xf32, #tpu.memory_space<vmem_shared>>)
      %dma_wait3A_210 = arith.constant 1 : i32
      %dma_wait3A_211 = arith.constant 0 : i32
      %dma_wait3A_212 = tpu.memref_slice %arg7[%dma_wait3A_210, %add3A_82, %dma_wait3A_211] : memref<2x80x128xi32, #tpu.memory_space<vmem>> -> memref<1x1x128xi32, #tpu.memory_space<vmem>>
      %dma_wait3A_213 = tpu.memref_squeeze %dma_wait3A_212 : memref<1x1x128xi32, #tpu.memory_space<vmem>> -> memref<128xi32, #tpu.memory_space<vmem>>
      %dma_wait3A_214 = arith.constant 0 : i32
      %dma_wait3A_215 = arith.constant 0 : i32
      %dma_wait3A_216 = tpu.memref_slice %arg10[%dma_wait3A_214, %dma_wait3A_215] : memref<10240x16xf32, #tpu.memory_space<vmem_shared>> -> memref<10240x16xf32, #tpu.memory_space<vmem_shared>>
      tpu.wait_indirect_dma semaphore(%arg11 : memref<!tpu.dma_semaphore, #tpu.memory_space<semaphore_mem>>) src(%arg8 : memref<128x16xf32, #tpu.memory_space<vmem>>) dst(%dma_wait3A_216 : memref<10240x16xf32, #tpu.memory_space<vmem_shared>>)
      %dma_wait3A_217 = arith.constant 0 : i32
      %dma_wait3A_218 = arith.constant 0 : i32
      %dma_wait3A_219 = tpu.memref_slice %arg7[%dma_wait3A_217, %add3A_91, %dma_wait3A_218] : memref<2x80x128xi32, #tpu.memory_space<vmem>> -> memref<1x1x128xi32, #tpu.memory_space<vmem>>
      %dma_wait3A_220 = tpu.memref_squeeze %dma_wait3A_219 : memref<1x1x128xi32, #tpu.memory_space<vmem>> -> memref<128xi32, #tpu.memory_space<vmem>>
      %dma_wait3A_221 = arith.constant 0 : i32
      %dma_wait3A_222 = arith.constant 0 : i32
      %dma_wait3A_223 = tpu.memref_slice %arg9[%dma_wait3A_221, %dma_wait3A_222] : memref<10240x16xf32, #tpu.memory_space<vmem_shared>> -> memref<10240x16xf32, #tpu.memory_space<vmem_shared>>
      tpu.wait_indirect_dma semaphore(%arg11 : memref<!tpu.dma_semaphore, #tpu.memory_space<semaphore_mem>>) src(%arg8 : memref<128x16xf32, #tpu.memory_space<vmem>>) dst(%dma_wait3A_223 : memref<10240x16xf32, #tpu.memory_space<vmem_shared>>)
      %dma_wait3A_224 = arith.constant 1 : i32
      %dma_wait3A_225 = arith.constant 0 : i32
      %dma_wait3A_226 = tpu.memref_slice %arg7[%dma_wait3A_224, %add3A_100, %dma_wait3A_225] : memref<2x80x128xi32, #tpu.memory_space<vmem>> -> memref<1x1x128xi32, #tpu.memory_space<vmem>>
      %dma_wait3A_227 = tpu.memref_squeeze %dma_wait3A_226 : memref<1x1x128xi32, #tpu.memory_space<vmem>> -> memref<128xi32, #tpu.memory_space<vmem>>
      %dma_wait3A_228 = arith.constant 0 : i32
      %dma_wait3A_229 = arith.constant 0 : i32
      %dma_wait3A_230 = tpu.memref_slice %arg10[%dma_wait3A_228, %dma_wait3A_229] : memref<10240x16xf32, #tpu.memory_space<vmem_shared>> -> memref<10240x16xf32, #tpu.memory_space<vmem_shared>>
      tpu.wait_indirect_dma semaphore(%arg11 : memref<!tpu.dma_semaphore, #tpu.memory_space<semaphore_mem>>) src(%arg8 : memref<128x16xf32, #tpu.memory_space<vmem>>) dst(%dma_wait3A_230 : memref<10240x16xf32, #tpu.memory_space<vmem_shared>>)
      %dma_wait3A_231 = arith.constant 0 : i32
      %dma_wait3A_232 = arith.constant 0 : i32
      %dma_wait3A_233 = tpu.memref_slice %arg7[%dma_wait3A_231, %add3A_109, %dma_wait3A_232] : memref<2x80x128xi32, #tpu.memory_space<vmem>> -> memref<1x1x128xi32, #tpu.memory_space<vmem>>
      %dma_wait3A_234 = tpu.memref_squeeze %dma_wait3A_233 : memref<1x1x128xi32, #tpu.memory_space<vmem>> -> memref<128xi32, #tpu.memory_space<vmem>>
      %dma_wait3A_235 = arith.constant 0 : i32
      %dma_wait3A_236 = arith.constant 0 : i32
      %dma_wait3A_237 = tpu.memref_slice %arg9[%dma_wait3A_235, %dma_wait3A_236] : memref<10240x16xf32, #tpu.memory_space<vmem_shared>> -> memref<10240x16xf32, #tpu.memory_space<vmem_shared>>
      tpu.wait_indirect_dma semaphore(%arg11 : memref<!tpu.dma_semaphore, #tpu.memory_space<semaphore_mem>>) src(%arg8 : memref<128x16xf32, #tpu.memory_space<vmem>>) dst(%dma_wait3A_237 : memref<10240x16xf32, #tpu.memory_space<vmem_shared>>)
      %dma_wait3A_238 = arith.constant 1 : i32
      %dma_wait3A_239 = arith.constant 0 : i32
      %dma_wait3A_240 = tpu.memref_slice %arg7[%dma_wait3A_238, %add3A_118, %dma_wait3A_239] : memref<2x80x128xi32, #tpu.memory_space<vmem>> -> memref<1x1x128xi32, #tpu.memory_space<vmem>>
      %dma_wait3A_241 = tpu.memref_squeeze %dma_wait3A_240 : memref<1x1x128xi32, #tpu.memory_space<vmem>> -> memref<128xi32, #tpu.memory_space<vmem>>
      %dma_wait3A_242 = arith.constant 0 : i32
      %dma_wait3A_243 = arith.constant 0 : i32
      %dma_wait3A_244 = tpu.memref_slice %arg10[%dma_wait3A_242, %dma_wait3A_243] : memref<10240x16xf32, #tpu.memory_space<vmem_shared>> -> memref<10240x16xf32, #tpu.memory_space<vmem_shared>>
      tpu.wait_indirect_dma semaphore(%arg11 : memref<!tpu.dma_semaphore, #tpu.memory_space<semaphore_mem>>) src(%arg8 : memref<128x16xf32, #tpu.memory_space<vmem>>) dst(%dma_wait3A_244 : memref<10240x16xf32, #tpu.memory_space<vmem_shared>>)
      %dma_wait3A_245 = arith.constant 0 : i32
      %dma_wait3A_246 = arith.constant 0 : i32
      %dma_wait3A_247 = tpu.memref_slice %arg7[%dma_wait3A_245, %add3A_127, %dma_wait3A_246] : memref<2x80x128xi32, #tpu.memory_space<vmem>> -> memref<1x1x128xi32, #tpu.memory_space<vmem>>
      %dma_wait3A_248 = tpu.memref_squeeze %dma_wait3A_247 : memref<1x1x128xi32, #tpu.memory_space<vmem>> -> memref<128xi32, #tpu.memory_space<vmem>>
      %dma_wait3A_249 = arith.constant 0 : i32
      %dma_wait3A_250 = arith.constant 0 : i32
      %dma_wait3A_251 = tpu.memref_slice %arg9[%dma_wait3A_249, %dma_wait3A_250] : memref<10240x16xf32, #tpu.memory_space<vmem_shared>> -> memref<10240x16xf32, #tpu.memory_space<vmem_shared>>
      tpu.wait_indirect_dma semaphore(%arg11 : memref<!tpu.dma_semaphore, #tpu.memory_space<semaphore_mem>>) src(%arg8 : memref<128x16xf32, #tpu.memory_space<vmem>>) dst(%dma_wait3A_251 : memref<10240x16xf32, #tpu.memory_space<vmem_shared>>)
      %dma_wait3A_252 = arith.constant 1 : i32
      %dma_wait3A_253 = arith.constant 0 : i32
      %dma_wait3A_254 = tpu.memref_slice %arg7[%dma_wait3A_252, %add3A_136, %dma_wait3A_253] : memref<2x80x128xi32, #tpu.memory_space<vmem>> -> memref<1x1x128xi32, #tpu.memory_space<vmem>>
      %dma_wait3A_255 = tpu.memref_squeeze %dma_wait3A_254 : memref<1x1x128xi32, #tpu.memory_space<vmem>> -> memref<128xi32, #tpu.memory_space<vmem>>
      %dma_wait3A_256 = arith.constant 0 : i32
      %dma_wait3A_257 = arith.constant 0 : i32
      %dma_wait3A_258 = tpu.memref_slice %arg10[%dma_wait3A_256, %dma_wait3A_257] : memref<10240x16xf32, #tpu.memory_space<vmem_shared>> -> memref<10240x16xf32, #tpu.memory_space<vmem_shared>>
      tpu.wait_indirect_dma semaphore(%arg11 : memref<!tpu.dma_semaphore, #tpu.memory_space<semaphore_mem>>) src(%arg8 : memref<128x16xf32, #tpu.memory_space<vmem>>) dst(%dma_wait3A_258 : memref<10240x16xf32, #tpu.memory_space<vmem_shared>>)
      %dma_wait3A_259 = arith.constant 0 : i32
      %dma_wait3A_260 = arith.constant 0 : i32
      %dma_wait3A_261 = tpu.memref_slice %arg7[%dma_wait3A_259, %add3A_145, %dma_wait3A_260] : memref<2x80x128xi32, #tpu.memory_space<vmem>> -> memref<1x1x128xi32, #tpu.memory_space<vmem>>
      %dma_wait3A_262 = tpu.memref_squeeze %dma_wait3A_261 : memref<1x1x128xi32, #tpu.memory_space<vmem>> -> memref<128xi32, #tpu.memory_space<vmem>>
      %dma_wait3A_263 = arith.constant 0 : i32
      %dma_wait3A_264 = arith.constant 0 : i32
      %dma_wait3A_265 = tpu.memref_slice %arg9[%dma_wait3A_263, %dma_wait3A_264] : memref<10240x16xf32, #tpu.memory_space<vmem_shared>> -> memref<10240x16xf32, #tpu.memory_space<vmem_shared>>
      tpu.wait_indirect_dma semaphore(%arg11 : memref<!tpu.dma_semaphore, #tpu.memory_space<semaphore_mem>>) src(%arg8 : memref<128x16xf32, #tpu.memory_space<vmem>>) dst(%dma_wait3A_265 : memref<10240x16xf32, #tpu.memory_space<vmem_shared>>)
      %dma_wait3A_266 = arith.constant 1 : i32
      %dma_wait3A_267 = arith.constant 0 : i32
      %dma_wait3A_268 = tpu.memref_slice %arg7[%dma_wait3A_266, %add3A_154, %dma_wait3A_267] : memref<2x80x128xi32, #tpu.memory_space<vmem>> -> memref<1x1x128xi32, #tpu.memory_space<vmem>>
      %dma_wait3A_269 = tpu.memref_squeeze %dma_wait3A_268 : memref<1x1x128xi32, #tpu.memory_space<vmem>> -> memref<128xi32, #tpu.memory_space<vmem>>
      %dma_wait3A_270 = arith.constant 0 : i32
      %dma_wait3A_271 = arith.constant 0 : i32
      %dma_wait3A_272 = tpu.memref_slice %arg10[%dma_wait3A_270, %dma_wait3A_271] : memref<10240x16xf32, #tpu.memory_space<vmem_shared>> -> memref<10240x16xf32, #tpu.memory_space<vmem_shared>>
      tpu.wait_indirect_dma semaphore(%arg11 : memref<!tpu.dma_semaphore, #tpu.memory_space<semaphore_mem>>) src(%arg8 : memref<128x16xf32, #tpu.memory_space<vmem>>) dst(%dma_wait3A_272 : memref<10240x16xf32, #tpu.memory_space<vmem_shared>>)
      %scan3A_273 = arith.constant 0 : i32
      scf.yield %scan3A_273 : i32
    }
    %scan3A_13 = arith.constant 10 : i32
    %barrier3A_14 = arith.constant 0 : index
    tpu.barrier barrier_id(%barrier3A_14)
    "tpu.region"() ({
      %run_scoped3A_15 = tpu.sem_alloc : memref<!tpu.dma_semaphore, #tpu.memory_space<semaphore_mem>>
      %dma_start3A = arith.constant 0 : i32
      %dma_start3A_16 = tpu.memref_slice %arg5[%arg0, %mul3A_2, %dma_start3A] : memref<2x10240x16xf32, #tpu.memory_space<hbm>> -> memref<1x640x16xf32, #tpu.memory_space<hbm>>
      %dma_start3A_17 = tpu.memref_squeeze %dma_start3A_16 : memref<1x640x16xf32, #tpu.memory_space<hbm>> -> memref<640x16xf32, #tpu.memory_space<hbm>>
      %dma_start3A_18 = arith.constant 0 : i32
      %dma_start3A_19 = tpu.memref_slice %arg9[%mul3A_2, %dma_start3A_18] : memref<10240x16xf32, #tpu.memory_space<vmem_shared>> -> memref<640x16xf32, #tpu.memory_space<vmem_shared>>
      tpu.enqueue_dma source(%dma_start3A_19 : memref<640x16xf32, #tpu.memory_space<vmem_shared>>) target(%dma_start3A_17 : memref<640x16xf32, #tpu.memory_space<hbm>>) target_semaphore(%run_scoped3A_15 : memref<!tpu.dma_semaphore, #tpu.memory_space<semaphore_mem>>)
      %dma_wait3A = arith.constant 0 : i32
      %dma_wait3A_20 = tpu.memref_slice %arg5[%arg0, %mul3A_2, %dma_wait3A] : memref<2x10240x16xf32, #tpu.memory_space<hbm>> -> memref<1x640x16xf32, #tpu.memory_space<hbm>>
      %dma_wait3A_21 = tpu.memref_squeeze %dma_wait3A_20 : memref<1x640x16xf32, #tpu.memory_space<hbm>> -> memref<640x16xf32, #tpu.memory_space<hbm>>
      %dma_wait3A_22 = arith.constant 0 : i32
      %dma_wait3A_23 = tpu.memref_slice %arg9[%mul3A_2, %dma_wait3A_22] : memref<10240x16xf32, #tpu.memory_space<vmem_shared>> -> memref<640x16xf32, #tpu.memory_space<vmem_shared>>
      tpu.wait_dma2 semaphore(%run_scoped3A_15 : memref<!tpu.dma_semaphore, #tpu.memory_space<semaphore_mem>>) src(%dma_wait3A_23 : memref<640x16xf32, #tpu.memory_space<vmem_shared>>) dst(%dma_wait3A_21 : memref<640x16xf32, #tpu.memory_space<hbm>>)
      tpu.yield
    }) : () -> ()
    "tpu.region"() ({
      %run_scoped3A_15 = tpu.sem_alloc : memref<!tpu.dma_semaphore, #tpu.memory_space<semaphore_mem>>
      %dma_start3A = arith.constant 0 : i32
      %dma_start3A_16 = tpu.memref_slice %arg6[%arg0, %mul3A_2, %dma_start3A] : memref<2x10240x16xf32, #tpu.memory_space<hbm>> -> memref<1x640x16xf32, #tpu.memory_space<hbm>>
      %dma_start3A_17 = tpu.memref_squeeze %dma_start3A_16 : memref<1x640x16xf32, #tpu.memory_space<hbm>> -> memref<640x16xf32, #tpu.memory_space<hbm>>
      %dma_start3A_18 = arith.constant 0 : i32
      %dma_start3A_19 = tpu.memref_slice %arg10[%mul3A_2, %dma_start3A_18] : memref<10240x16xf32, #tpu.memory_space<vmem_shared>> -> memref<640x16xf32, #tpu.memory_space<vmem_shared>>
      tpu.enqueue_dma source(%dma_start3A_19 : memref<640x16xf32, #tpu.memory_space<vmem_shared>>) target(%dma_start3A_17 : memref<640x16xf32, #tpu.memory_space<hbm>>) target_semaphore(%run_scoped3A_15 : memref<!tpu.dma_semaphore, #tpu.memory_space<semaphore_mem>>)
      %dma_wait3A = arith.constant 0 : i32
      %dma_wait3A_20 = tpu.memref_slice %arg6[%arg0, %mul3A_2, %dma_wait3A] : memref<2x10240x16xf32, #tpu.memory_space<hbm>> -> memref<1x640x16xf32, #tpu.memory_space<hbm>>
      %dma_wait3A_21 = tpu.memref_squeeze %dma_wait3A_20 : memref<1x640x16xf32, #tpu.memory_space<hbm>> -> memref<640x16xf32, #tpu.memory_space<hbm>>
      %dma_wait3A_22 = arith.constant 0 : i32
      %dma_wait3A_23 = tpu.memref_slice %arg10[%mul3A_2, %dma_wait3A_22] : memref<10240x16xf32, #tpu.memory_space<vmem_shared>> -> memref<640x16xf32, #tpu.memory_space<vmem_shared>>
      tpu.wait_dma2 semaphore(%run_scoped3A_15 : memref<!tpu.dma_semaphore, #tpu.memory_space<semaphore_mem>>) src(%dma_wait3A_23 : memref<640x16xf32, #tpu.memory_space<vmem_shared>>) dst(%dma_wait3A_21 : memref<640x16xf32, #tpu.memory_space<hbm>>)
      tpu.yield
    }) : () -> ()
    return
  }
}

#map = affine_map<(d0, d1) -> (0, 0)>
#map1 = affine_map<(d0, d1) -> (0, 0, 0)>
module attributes {stable_mosaic.version = 14 : i64} {
  func.func @k(%arg0: i32, %arg1: i32, %arg2: memref<10240x48xf32, #tpu.memory_space<hbm>>, %arg3: memref<2x2560x128xi32, #tpu.memory_space<hbm>>, %arg4: memref<640x48xf32, #tpu.memory_space<hbm>>, %arg5: memref<2x10240x48xf32, #tpu.memory_space<hbm>>, %arg6: memref<2x80x128xi32, #tpu.memory_space<vmem>>, %arg7: memref<8x128x48xf32, #tpu.memory_space<vmem>>, %arg8: memref<10240x48xf32, #tpu.memory_space<vmem_shared>>, %arg9: memref<!tpu.dma_semaphore, #tpu.memory_space<semaphore_mem>>, %arg10: memref<!tpu.dma_semaphore, #tpu.memory_space<semaphore_mem>>, %arg11: memref<!tpu.dma_semaphore, #tpu.memory_space<semaphore_mem>>, %arg12: memref<!tpu.dma_semaphore, #tpu.memory_space<semaphore_mem>>, %arg13: memref<!tpu.dma_semaphore, #tpu.memory_space<semaphore_mem>>, %arg14: memref<!tpu.dma_semaphore, #tpu.memory_space<semaphore_mem>>, %arg15: memref<!tpu.dma_semaphore, #tpu.memory_space<semaphore_mem>>, %arg16: memref<!tpu.dma_semaphore, #tpu.memory_space<semaphore_mem>>, %arg17: memref<!tpu.dma_semaphore, #tpu.memory_space<semaphore_mem>>) attributes {dimension_semantics = [#tpu.dimension_semantics<core_parallel>, #tpu.dimension_semantics<subcore_parallel>], iteration_bounds = array<i64: 2, 16>, scalar_prefetch = 0 : i64, scratch_operands = 12 : i64, tpu.core_type = #tpu.core_type<sc_vector_subcore>, window_params = [{transform_indices = #map}, {transform_indices = #map1}, {transform_indices = #map}, {transform_indices = #map1}]} {
    %mul3A = arith.constant 2 : i32
    %mul3A_0 = arith.muli %arg1, %mul3A : i32
    %add3A = arith.addi %mul3A_0, %arg0 : i32
    %mul3A_1 = arith.constant 640 : i32
    %mul3A_2 = arith.muli %arg1, %mul3A_1 : i32
    "tpu.region"() ({
      %run_scoped3A_22 = tpu.sem_alloc : memref<!tpu.dma_semaphore, #tpu.memory_space<semaphore_mem>>
      %dma_start3A = arith.constant 0 : i32
      %dma_start3A_23 = tpu.memref_slice %arg8[%mul3A_2, %dma_start3A] : memref<10240x48xf32, #tpu.memory_space<vmem_shared>> -> memref<640x48xf32, #tpu.memory_space<vmem_shared>>
      tpu.enqueue_dma source(%arg4 : memref<640x48xf32, #tpu.memory_space<hbm>>) target(%dma_start3A_23 : memref<640x48xf32, #tpu.memory_space<vmem_shared>>) target_semaphore(%run_scoped3A_22 : memref<!tpu.dma_semaphore, #tpu.memory_space<semaphore_mem>>)
      %dma_wait3A = arith.constant 0 : i32
      %dma_wait3A_24 = tpu.memref_slice %arg8[%mul3A_2, %dma_wait3A] : memref<10240x48xf32, #tpu.memory_space<vmem_shared>> -> memref<640x48xf32, #tpu.memory_space<vmem_shared>>
      tpu.wait_dma2 semaphore(%run_scoped3A_22 : memref<!tpu.dma_semaphore, #tpu.memory_space<semaphore_mem>>) src(%arg4 : memref<640x48xf32, #tpu.memory_space<hbm>>) dst(%dma_wait3A_24 : memref<640x48xf32, #tpu.memory_space<vmem_shared>>)
      tpu.yield
    }) : () -> ()
    %mul3A_3 = arith.constant 80 : i32
    %mul3A_4 = arith.muli %add3A, %mul3A_3 : i32
    %barrier3A = arith.constant 0 : index
    tpu.barrier barrier_id(%barrier3A)
    %scan3A = arith.constant 0 : i32
    %scan3A_5 = arith.constant 0 : i32
    %mul3A_6 = arith.constant 80 : i32
    %mul3A_7 = arith.muli %scan3A_5, %mul3A_6 : i32
    %add3A_8 = arith.addi %mul3A_4, %mul3A_7 : i32
    %run_scoped3A = arith.constant 0 : i32
    %run_scoped3A_9 = arith.constant 0 : i32
    "tpu.region"() ({
      %run_scoped3A_22 = tpu.sem_alloc : memref<!tpu.dma_semaphore, #tpu.memory_space<semaphore_mem>>
      %dma_start3A = arith.constant 0 : i32
      %dma_start3A_23 = arith.constant 0 : i32
      %dma_start3A_24 = tpu.memref_slice %arg6[%run_scoped3A_9, %dma_start3A, %dma_start3A_23] : memref<2x80x128xi32, #tpu.memory_space<vmem>> -> memref<1x80x128xi32, #tpu.memory_space<vmem>>
      %dma_start3A_25 = tpu.memref_squeeze %dma_start3A_24 : memref<1x80x128xi32, #tpu.memory_space<vmem>> -> memref<80x128xi32, #tpu.memory_space<vmem>>
      %dma_start3A_26 = arith.constant 0 : i32
      %dma_start3A_27 = tpu.memref_slice %arg3[%run_scoped3A, %add3A_8, %dma_start3A_26] : memref<2x2560x128xi32, #tpu.memory_space<hbm>> -> memref<1x80x128xi32, #tpu.memory_space<hbm>>
      %dma_start3A_28 = tpu.memref_squeeze %dma_start3A_27 : memref<1x80x128xi32, #tpu.memory_space<hbm>> -> memref<80x128xi32, #tpu.memory_space<hbm>>
      %dma_start3A_29 = arith.constant 0 : i32
      %dma_start3A_30 = arith.constant 0 : i32
      %dma_start3A_31 = tpu.memref_slice %arg6[%run_scoped3A_9, %dma_start3A_29, %dma_start3A_30] : memref<2x80x128xi32, #tpu.memory_space<vmem>> -> memref<1x80x128xi32, #tpu.memory_space<vmem>>
      %dma_start3A_32 = tpu.memref_squeeze %dma_start3A_31 : memref<1x80x128xi32, #tpu.memory_space<vmem>> -> memref<80x128xi32, #tpu.memory_space<vmem>>
      %dma_start3A_33 = arith.constant 0 : i32
      %dma_start3A_34 = tpu.memref_slice %arg3[%run_scoped3A, %add3A_8, %dma_start3A_33] : memref<2x2560x128xi32, #tpu.memory_space<hbm>> -> memref<1x80x128xi32, #tpu.memory_space<hbm>>
      %dma_start3A_35 = tpu.memref_squeeze %dma_start3A_34 : memref<1x80x128xi32, #tpu.memory_space<hbm>> -> memref<80x128xi32, #tpu.memory_space<hbm>>
      tpu.enqueue_dma source(%dma_start3A_35 : memref<80x128xi32, #tpu.memory_space<hbm>>) target(%dma_start3A_32 : memref<80x128xi32, #tpu.memory_space<vmem>>) target_semaphore(%run_scoped3A_22 : memref<!tpu.dma_semaphore, #tpu.memory_space<semaphore_mem>>)
      %dma_wait3A = arith.constant 0 : i32
      %dma_wait3A_36 = arith.constant 0 : i32
      %dma_wait3A_37 = tpu.memref_slice %arg6[%run_scoped3A_9, %dma_wait3A, %dma_wait3A_36] : memref<2x80x128xi32, #tpu.memory_space<vmem>> -> memref<1x80x128xi32, #tpu.memory_space<vmem>>
      %dma_wait3A_38 = tpu.memref_squeeze %dma_wait3A_37 : memref<1x80x128xi32, #tpu.memory_space<vmem>> -> memref<80x128xi32, #tpu.memory_space<vmem>>
      %dma_wait3A_39 = arith.constant 0 : i32
      %dma_wait3A_40 = tpu.memref_slice %arg3[%run_scoped3A, %add3A_8, %dma_wait3A_39] : memref<2x2560x128xi32, #tpu.memory_space<hbm>> -> memref<1x80x128xi32, #tpu.memory_space<hbm>>
      %dma_wait3A_41 = tpu.memref_squeeze %dma_wait3A_40 : memref<1x80x128xi32, #tpu.memory_space<hbm>> -> memref<80x128xi32, #tpu.memory_space<hbm>>
      %dma_wait3A_42 = arith.constant 0 : i32
      %dma_wait3A_43 = arith.constant 0 : i32
      %dma_wait3A_44 = tpu.memref_slice %arg6[%run_scoped3A_9, %dma_wait3A_42, %dma_wait3A_43] : memref<2x80x128xi32, #tpu.memory_space<vmem>> -> memref<1x80x128xi32, #tpu.memory_space<vmem>>
      %dma_wait3A_45 = tpu.memref_squeeze %dma_wait3A_44 : memref<1x80x128xi32, #tpu.memory_space<vmem>> -> memref<80x128xi32, #tpu.memory_space<vmem>>
      %dma_wait3A_46 = arith.constant 0 : i32
      %dma_wait3A_47 = tpu.memref_slice %arg3[%run_scoped3A, %add3A_8, %dma_wait3A_46] : memref<2x2560x128xi32, #tpu.memory_space<hbm>> -> memref<1x80x128xi32, #tpu.memory_space<hbm>>
      %dma_wait3A_48 = tpu.memref_squeeze %dma_wait3A_47 : memref<1x80x128xi32, #tpu.memory_space<hbm>> -> memref<80x128xi32, #tpu.memory_space<hbm>>
      tpu.wait_dma2 semaphore(%run_scoped3A_22 : memref<!tpu.dma_semaphore, #tpu.memory_space<semaphore_mem>>) src(%dma_wait3A_48 : memref<80x128xi32, #tpu.memory_space<hbm>>) dst(%dma_wait3A_45 : memref<80x128xi32, #tpu.memory_space<vmem>>)
      tpu.yield
    }) : () -> ()
    %run_scoped3A_10 = arith.constant 1 : i32
    %run_scoped3A_11 = arith.constant 1 : i32
    "tpu.region"() ({
      %run_scoped3A_22 = tpu.sem_alloc : memref<!tpu.dma_semaphore, #tpu.memory_space<semaphore_mem>>
      %dma_start3A = arith.constant 0 : i32
      %dma_start3A_23 = arith.constant 0 : i32
      %dma_start3A_24 = tpu.memref_slice %arg6[%run_scoped3A_11, %dma_start3A, %dma_start3A_23] : memref<2x80x128xi32, #tpu.memory_space<vmem>> -> memref<1x80x128xi32, #tpu.memory_space<vmem>>
      %dma_start3A_25 = tpu.memref_squeeze %dma_start3A_24 : memref<1x80x128xi32, #tpu.memory_space<vmem>> -> memref<80x128xi32, #tpu.memory_space<vmem>>
      %dma_start3A_26 = arith.constant 0 : i32
      %dma_start3A_27 = tpu.memref_slice %arg3[%run_scoped3A_10, %add3A_8, %dma_start3A_26] : memref<2x2560x128xi32, #tpu.memory_space<hbm>> -> memref<1x80x128xi32, #tpu.memory_space<hbm>>
      %dma_start3A_28 = tpu.memref_squeeze %dma_start3A_27 : memref<1x80x128xi32, #tpu.memory_space<hbm>> -> memref<80x128xi32, #tpu.memory_space<hbm>>
      %dma_start3A_29 = arith.constant 0 : i32
      %dma_start3A_30 = arith.constant 0 : i32
      %dma_start3A_31 = tpu.memref_slice %arg6[%run_scoped3A_11, %dma_start3A_29, %dma_start3A_30] : memref<2x80x128xi32, #tpu.memory_space<vmem>> -> memref<1x80x128xi32, #tpu.memory_space<vmem>>
      %dma_start3A_32 = tpu.memref_squeeze %dma_start3A_31 : memref<1x80x128xi32, #tpu.memory_space<vmem>> -> memref<80x128xi32, #tpu.memory_space<vmem>>
      %dma_start3A_33 = arith.constant 0 : i32
      %dma_start3A_34 = tpu.memref_slice %arg3[%run_scoped3A_10, %add3A_8, %dma_start3A_33] : memref<2x2560x128xi32, #tpu.memory_space<hbm>> -> memref<1x80x128xi32, #tpu.memory_space<hbm>>
      %dma_start3A_35 = tpu.memref_squeeze %dma_start3A_34 : memref<1x80x128xi32, #tpu.memory_space<hbm>> -> memref<80x128xi32, #tpu.memory_space<hbm>>
      tpu.enqueue_dma source(%dma_start3A_35 : memref<80x128xi32, #tpu.memory_space<hbm>>) target(%dma_start3A_32 : memref<80x128xi32, #tpu.memory_space<vmem>>) target_semaphore(%run_scoped3A_22 : memref<!tpu.dma_semaphore, #tpu.memory_space<semaphore_mem>>)
      %dma_wait3A = arith.constant 0 : i32
      %dma_wait3A_36 = arith.constant 0 : i32
      %dma_wait3A_37 = tpu.memref_slice %arg6[%run_scoped3A_11, %dma_wait3A, %dma_wait3A_36] : memref<2x80x128xi32, #tpu.memory_space<vmem>> -> memref<1x80x128xi32, #tpu.memory_space<vmem>>
      %dma_wait3A_38 = tpu.memref_squeeze %dma_wait3A_37 : memref<1x80x128xi32, #tpu.memory_space<vmem>> -> memref<80x128xi32, #tpu.memory_space<vmem>>
      %dma_wait3A_39 = arith.constant 0 : i32
      %dma_wait3A_40 = tpu.memref_slice %arg3[%run_scoped3A_10, %add3A_8, %dma_wait3A_39] : memref<2x2560x128xi32, #tpu.memory_space<hbm>> -> memref<1x80x128xi32, #tpu.memory_space<hbm>>
      %dma_wait3A_41 = tpu.memref_squeeze %dma_wait3A_40 : memref<1x80x128xi32, #tpu.memory_space<hbm>> -> memref<80x128xi32, #tpu.memory_space<hbm>>
      %dma_wait3A_42 = arith.constant 0 : i32
      %dma_wait3A_43 = arith.constant 0 : i32
      %dma_wait3A_44 = tpu.memref_slice %arg6[%run_scoped3A_11, %dma_wait3A_42, %dma_wait3A_43] : memref<2x80x128xi32, #tpu.memory_space<vmem>> -> memref<1x80x128xi32, #tpu.memory_space<vmem>>
      %dma_wait3A_45 = tpu.memref_squeeze %dma_wait3A_44 : memref<1x80x128xi32, #tpu.memory_space<vmem>> -> memref<80x128xi32, #tpu.memory_space<vmem>>
      %dma_wait3A_46 = arith.constant 0 : i32
      %dma_wait3A_47 = tpu.memref_slice %arg3[%run_scoped3A_10, %add3A_8, %dma_wait3A_46] : memref<2x2560x128xi32, #tpu.memory_space<hbm>> -> memref<1x80x128xi32, #tpu.memory_space<hbm>>
      %dma_wait3A_48 = tpu.memref_squeeze %dma_wait3A_47 : memref<1x80x128xi32, #tpu.memory_space<hbm>> -> memref<80x128xi32, #tpu.memory_space<hbm>>
      tpu.wait_dma2 semaphore(%run_scoped3A_22 : memref<!tpu.dma_semaphore, #tpu.memory_space<semaphore_mem>>) src(%dma_wait3A_48 : memref<80x128xi32, #tpu.memory_space<hbm>>) dst(%dma_wait3A_45 : memref<80x128xi32, #tpu.memory_space<vmem>>)
      tpu.yield
    }) : () -> ()
    %scan3A_12 = arith.constant 0 : i32
    %scan3A_13 = arith.constant 0 : i32
    %scan3A_14 = arith.constant 10 : i32
    %scan3A_15 = arith.addi %scan3A_13, %scan3A_14 : i32
    %scan3A_16 = arith.constant 1 : i32
    %scan3A_17 = scf.for %scan3A_22 = %scan3A_13 to %scan3A_15 step %scan3A_16 iter_args(%scan3A_23 = %scan3A_12) -> (i32)  : i32 {
      %mul3A_24 = arith.constant 8 : i32
      %mul3A_25 = arith.muli %scan3A_22, %mul3A_24 : i32
      %add3A_26 = arith.constant 0 : i32
      %add3A_27 = arith.addi %mul3A_25, %add3A_26 : i32
      %dma_start3A = arith.constant 0 : i32
      %dma_start3A_28 = arith.constant 0 : i32
      %dma_start3A_29 = arith.constant 0 : i32
      %dma_start3A_30 = arith.constant 0 : i32
      %dma_start3A_31 = tpu.memref_slice %arg7[%dma_start3A_28, %dma_start3A_29, %dma_start3A_30] : memref<8x128x48xf32, #tpu.memory_space<vmem>> -> memref<1x128x48xf32, #tpu.memory_space<vmem>>
      %dma_start3A_32 = tpu.memref_squeeze %dma_start3A_31 : memref<1x128x48xf32, #tpu.memory_space<vmem>> -> memref<128x48xf32, #tpu.memory_space<vmem>>
      %dma_start3A_33 = arith.constant 0 : i32
      %dma_start3A_34 = tpu.memref_slice %arg6[%dma_start3A, %add3A_27, %dma_start3A_33] : memref<2x80x128xi32, #tpu.memory_space<vmem>> -> memref<1x1x128xi32, #tpu.memory_space<vmem>>
      %dma_start3A_35 = tpu.memref_squeeze %dma_start3A_34 : memref<1x1x128xi32, #tpu.memory_space<vmem>> -> memref<128xi32, #tpu.memory_space<vmem>>
      %dma_start3A_36 = arith.constant 0 : i32
      %dma_start3A_37 = arith.constant 0 : i32
      %dma_start3A_38 = tpu.memref_slice %arg2[%dma_start3A_36, %dma_start3A_37] : memref<10240x48xf32, #tpu.memory_space<hbm>> -> memref<10240x48xf32, #tpu.memory_space<hbm>>
      tpu.enqueue_indirect_dma source(%dma_start3A_38 : memref<10240x48xf32, #tpu.memory_space<hbm>>) target(%dma_start3A_32 : memref<128x48xf32, #tpu.memory_space<vmem>>) offsets(%dma_start3A_35 : memref<128xi32, #tpu.memory_space<vmem>>) semaphore(%arg10 : memref<!tpu.dma_semaphore, #tpu.memory_space<semaphore_mem>>)
      %add3A_39 = arith.constant 1 : i32
      %add3A_40 = arith.addi %mul3A_25, %add3A_39 : i32
      %dma_start3A_41 = arith.constant 0 : i32
      %dma_start3A_42 = arith.constant 1 : i32
      %dma_start3A_43 = arith.constant 0 : i32
      %dma_start3A_44 = arith.constant 0 : i32
      %dma_start3A_45 = tpu.memref_slice %arg7[%dma_start3A_42, %dma_start3A_43, %dma_start3A_44] : memref<8x128x48xf32, #tpu.memory_space<vmem>> -> memref<1x128x48xf32, #tpu.memory_space<vmem>>
      %dma_start3A_46 = tpu.memref_squeeze %dma_start3A_45 : memref<1x128x48xf32, #tpu.memory_space<vmem>> -> memref<128x48xf32, #tpu.memory_space<vmem>>
      %dma_start3A_47 = arith.constant 0 : i32
      %dma_start3A_48 = tpu.memref_slice %arg6[%dma_start3A_41, %add3A_40, %dma_start3A_47] : memref<2x80x128xi32, #tpu.memory_space<vmem>> -> memref<1x1x128xi32, #tpu.memory_space<vmem>>
      %dma_start3A_49 = tpu.memref_squeeze %dma_start3A_48 : memref<1x1x128xi32, #tpu.memory_space<vmem>> -> memref<128xi32, #tpu.memory_space<vmem>>
      %dma_start3A_50 = arith.constant 0 : i32
      %dma_start3A_51 = arith.constant 0 : i32
      %dma_start3A_52 = tpu.memref_slice %arg2[%dma_start3A_50, %dma_start3A_51] : memref<10240x48xf32, #tpu.memory_space<hbm>> -> memref<10240x48xf32, #tpu.memory_space<hbm>>
      tpu.enqueue_indirect_dma source(%dma_start3A_52 : memref<10240x48xf32, #tpu.memory_space<hbm>>) target(%dma_start3A_46 : memref<128x48xf32, #tpu.memory_space<vmem>>) offsets(%dma_start3A_49 : memref<128xi32, #tpu.memory_space<vmem>>) semaphore(%arg11 : memref<!tpu.dma_semaphore, #tpu.memory_space<semaphore_mem>>)
      %add3A_53 = arith.constant 2 : i32
      %add3A_54 = arith.addi %mul3A_25, %add3A_53 : i32
      %dma_start3A_55 = arith.constant 0 : i32
      %dma_start3A_56 = arith.constant 2 : i32
      %dma_start3A_57 = arith.constant 0 : i32
      %dma_start3A_58 = arith.constant 0 : i32
      %dma_start3A_59 = tpu.memref_slice %arg7[%dma_start3A_56, %dma_start3A_57, %dma_start3A_58] : memref<8x128x48xf32, #tpu.memory_space<vmem>> -> memref<1x128x48xf32, #tpu.memory_space<vmem>>
      %dma_start3A_60 = tpu.memref_squeeze %dma_start3A_59 : memref<1x128x48xf32, #tpu.memory_space<vmem>> -> memref<128x48xf32, #tpu.memory_space<vmem>>
      %dma_start3A_61 = arith.constant 0 : i32
      %dma_start3A_62 = tpu.memref_slice %arg6[%dma_start3A_55, %add3A_54, %dma_start3A_61] : memref<2x80x128xi32, #tpu.memory_space<vmem>> -> memref<1x1x128xi32, #tpu.memory_space<vmem>>
      %dma_start3A_63 = tpu.memref_squeeze %dma_start3A_62 : memref<1x1x128xi32, #tpu.memory_space<vmem>> -> memref<128xi32, #tpu.memory_space<vmem>>
      %dma_start3A_64 = arith.constant 0 : i32
      %dma_start3A_65 = arith.constant 0 : i32
      %dma_start3A_66 = tpu.memref_slice %arg2[%dma_start3A_64, %dma_start3A_65] : memref<10240x48xf32, #tpu.memory_space<hbm>> -> memref<10240x48xf32, #tpu.memory_space<hbm>>
      tpu.enqueue_indirect_dma source(%dma_start3A_66 : memref<10240x48xf32, #tpu.memory_space<hbm>>) target(%dma_start3A_60 : memref<128x48xf32, #tpu.memory_space<vmem>>) offsets(%dma_start3A_63 : memref<128xi32, #tpu.memory_space<vmem>>) semaphore(%arg12 : memref<!tpu.dma_semaphore, #tpu.memory_space<semaphore_mem>>)
      %add3A_67 = arith.constant 3 : i32
      %add3A_68 = arith.addi %mul3A_25, %add3A_67 : i32
      %dma_start3A_69 = arith.constant 0 : i32
      %dma_start3A_70 = arith.constant 3 : i32
      %dma_start3A_71 = arith.constant 0 : i32
      %dma_start3A_72 = arith.constant 0 : i32
      %dma_start3A_73 = tpu.memref_slice %arg7[%dma_start3A_70, %dma_start3A_71, %dma_start3A_72] : memref<8x128x48xf32, #tpu.memory_space<vmem>> -> memref<1x128x48xf32, #tpu.memory_space<vmem>>
      %dma_start3A_74 = tpu.memref_squeeze %dma_start3A_73 : memref<1x128x48xf32, #tpu.memory_space<vmem>> -> memref<128x48xf32, #tpu.memory_space<vmem>>
      %dma_start3A_75 = arith.constant 0 : i32
      %dma_start3A_76 = tpu.memref_slice %arg6[%dma_start3A_69, %add3A_68, %dma_start3A_75] : memref<2x80x128xi32, #tpu.memory_space<vmem>> -> memref<1x1x128xi32, #tpu.memory_space<vmem>>
      %dma_start3A_77 = tpu.memref_squeeze %dma_start3A_76 : memref<1x1x128xi32, #tpu.memory_space<vmem>> -> memref<128xi32, #tpu.memory_space<vmem>>
      %dma_start3A_78 = arith.constant 0 : i32
      %dma_start3A_79 = arith.constant 0 : i32
      %dma_start3A_80 = tpu.memref_slice %arg2[%dma_start3A_78, %dma_start3A_79] : memref<10240x48xf32, #tpu.memory_space<hbm>> -> memref<10240x48xf32, #tpu.memory_space<hbm>>
      tpu.enqueue_indirect_dma source(%dma_start3A_80 : memref<10240x48xf32, #tpu.memory_space<hbm>>) target(%dma_start3A_74 : memref<128x48xf32, #tpu.memory_space<vmem>>) offsets(%dma_start3A_77 : memref<128xi32, #tpu.memory_space<vmem>>) semaphore(%arg13 : memref<!tpu.dma_semaphore, #tpu.memory_space<semaphore_mem>>)
      %add3A_81 = arith.constant 4 : i32
      %add3A_82 = arith.addi %mul3A_25, %add3A_81 : i32
      %dma_start3A_83 = arith.constant 0 : i32
      %dma_start3A_84 = arith.constant 4 : i32
      %dma_start3A_85 = arith.constant 0 : i32
      %dma_start3A_86 = arith.constant 0 : i32
      %dma_start3A_87 = tpu.memref_slice %arg7[%dma_start3A_84, %dma_start3A_85, %dma_start3A_86] : memref<8x128x48xf32, #tpu.memory_space<vmem>> -> memref<1x128x48xf32, #tpu.memory_space<vmem>>
      %dma_start3A_88 = tpu.memref_squeeze %dma_start3A_87 : memref<1x128x48xf32, #tpu.memory_space<vmem>> -> memref<128x48xf32, #tpu.memory_space<vmem>>
      %dma_start3A_89 = arith.constant 0 : i32
      %dma_start3A_90 = tpu.memref_slice %arg6[%dma_start3A_83, %add3A_82, %dma_start3A_89] : memref<2x80x128xi32, #tpu.memory_space<vmem>> -> memref<1x1x128xi32, #tpu.memory_space<vmem>>
      %dma_start3A_91 = tpu.memref_squeeze %dma_start3A_90 : memref<1x1x128xi32, #tpu.memory_space<vmem>> -> memref<128xi32, #tpu.memory_space<vmem>>
      %dma_start3A_92 = arith.constant 0 : i32
      %dma_start3A_93 = arith.constant 0 : i32
      %dma_start3A_94 = tpu.memref_slice %arg2[%dma_start3A_92, %dma_start3A_93] : memref<10240x48xf32, #tpu.memory_space<hbm>> -> memref<10240x48xf32, #tpu.memory_space<hbm>>
      tpu.enqueue_indirect_dma source(%dma_start3A_94 : memref<10240x48xf32, #tpu.memory_space<hbm>>) target(%dma_start3A_88 : memref<128x48xf32, #tpu.memory_space<vmem>>) offsets(%dma_start3A_91 : memref<128xi32, #tpu.memory_space<vmem>>) semaphore(%arg14 : memref<!tpu.dma_semaphore, #tpu.memory_space<semaphore_mem>>)
      %add3A_95 = arith.constant 5 : i32
      %add3A_96 = arith.addi %mul3A_25, %add3A_95 : i32
      %dma_start3A_97 = arith.constant 0 : i32
      %dma_start3A_98 = arith.constant 5 : i32
      %dma_start3A_99 = arith.constant 0 : i32
      %dma_start3A_100 = arith.constant 0 : i32
      %dma_start3A_101 = tpu.memref_slice %arg7[%dma_start3A_98, %dma_start3A_99, %dma_start3A_100] : memref<8x128x48xf32, #tpu.memory_space<vmem>> -> memref<1x128x48xf32, #tpu.memory_space<vmem>>
      %dma_start3A_102 = tpu.memref_squeeze %dma_start3A_101 : memref<1x128x48xf32, #tpu.memory_space<vmem>> -> memref<128x48xf32, #tpu.memory_space<vmem>>
      %dma_start3A_103 = arith.constant 0 : i32
      %dma_start3A_104 = tpu.memref_slice %arg6[%dma_start3A_97, %add3A_96, %dma_start3A_103] : memref<2x80x128xi32, #tpu.memory_space<vmem>> -> memref<1x1x128xi32, #tpu.memory_space<vmem>>
      %dma_start3A_105 = tpu.memref_squeeze %dma_start3A_104 : memref<1x1x128xi32, #tpu.memory_space<vmem>> -> memref<128xi32, #tpu.memory_space<vmem>>
      %dma_start3A_106 = arith.constant 0 : i32
      %dma_start3A_107 = arith.constant 0 : i32
      %dma_start3A_108 = tpu.memref_slice %arg2[%dma_start3A_106, %dma_start3A_107] : memref<10240x48xf32, #tpu.memory_space<hbm>> -> memref<10240x48xf32, #tpu.memory_space<hbm>>
      tpu.enqueue_indirect_dma source(%dma_start3A_108 : memref<10240x48xf32, #tpu.memory_space<hbm>>) target(%dma_start3A_102 : memref<128x48xf32, #tpu.memory_space<vmem>>) offsets(%dma_start3A_105 : memref<128xi32, #tpu.memory_space<vmem>>) semaphore(%arg15 : memref<!tpu.dma_semaphore, #tpu.memory_space<semaphore_mem>>)
      %add3A_109 = arith.constant 6 : i32
      %add3A_110 = arith.addi %mul3A_25, %add3A_109 : i32
      %dma_start3A_111 = arith.constant 0 : i32
      %dma_start3A_112 = arith.constant 6 : i32
      %dma_start3A_113 = arith.constant 0 : i32
      %dma_start3A_114 = arith.constant 0 : i32
      %dma_start3A_115 = tpu.memref_slice %arg7[%dma_start3A_112, %dma_start3A_113, %dma_start3A_114] : memref<8x128x48xf32, #tpu.memory_space<vmem>> -> memref<1x128x48xf32, #tpu.memory_space<vmem>>
      %dma_start3A_116 = tpu.memref_squeeze %dma_start3A_115 : memref<1x128x48xf32, #tpu.memory_space<vmem>> -> memref<128x48xf32, #tpu.memory_space<vmem>>
      %dma_start3A_117 = arith.constant 0 : i32
      %dma_start3A_118 = tpu.memref_slice %arg6[%dma_start3A_111, %add3A_110, %dma_start3A_117] : memref<2x80x128xi32, #tpu.memory_space<vmem>> -> memref<1x1x128xi32, #tpu.memory_space<vmem>>
      %dma_start3A_119 = tpu.memref_squeeze %dma_start3A_118 : memref<1x1x128xi32, #tpu.memory_space<vmem>> -> memref<128xi32, #tpu.memory_space<vmem>>
      %dma_start3A_120 = arith.constant 0 : i32
      %dma_start3A_121 = arith.constant 0 : i32
      %dma_start3A_122 = tpu.memref_slice %arg2[%dma_start3A_120, %dma_start3A_121] : memref<10240x48xf32, #tpu.memory_space<hbm>> -> memref<10240x48xf32, #tpu.memory_space<hbm>>
      tpu.enqueue_indirect_dma source(%dma_start3A_122 : memref<10240x48xf32, #tpu.memory_space<hbm>>) target(%dma_start3A_116 : memref<128x48xf32, #tpu.memory_space<vmem>>) offsets(%dma_start3A_119 : memref<128xi32, #tpu.memory_space<vmem>>) semaphore(%arg16 : memref<!tpu.dma_semaphore, #tpu.memory_space<semaphore_mem>>)
      %add3A_123 = arith.constant 7 : i32
      %add3A_124 = arith.addi %mul3A_25, %add3A_123 : i32
      %dma_start3A_125 = arith.constant 0 : i32
      %dma_start3A_126 = arith.constant 7 : i32
      %dma_start3A_127 = arith.constant 0 : i32
      %dma_start3A_128 = arith.constant 0 : i32
      %dma_start3A_129 = tpu.memref_slice %arg7[%dma_start3A_126, %dma_start3A_127, %dma_start3A_128] : memref<8x128x48xf32, #tpu.memory_space<vmem>> -> memref<1x128x48xf32, #tpu.memory_space<vmem>>
      %dma_start3A_130 = tpu.memref_squeeze %dma_start3A_129 : memref<1x128x48xf32, #tpu.memory_space<vmem>> -> memref<128x48xf32, #tpu.memory_space<vmem>>
      %dma_start3A_131 = arith.constant 0 : i32
      %dma_start3A_132 = tpu.memref_slice %arg6[%dma_start3A_125, %add3A_124, %dma_start3A_131] : memref<2x80x128xi32, #tpu.memory_space<vmem>> -> memref<1x1x128xi32, #tpu.memory_space<vmem>>
      %dma_start3A_133 = tpu.memref_squeeze %dma_start3A_132 : memref<1x1x128xi32, #tpu.memory_space<vmem>> -> memref<128xi32, #tpu.memory_space<vmem>>
      %dma_start3A_134 = arith.constant 0 : i32
      %dma_start3A_135 = arith.constant 0 : i32
      %dma_start3A_136 = tpu.memref_slice %arg2[%dma_start3A_134, %dma_start3A_135] : memref<10240x48xf32, #tpu.memory_space<hbm>> -> memref<10240x48xf32, #tpu.memory_space<hbm>>
      tpu.enqueue_indirect_dma source(%dma_start3A_136 : memref<10240x48xf32, #tpu.memory_space<hbm>>) target(%dma_start3A_130 : memref<128x48xf32, #tpu.memory_space<vmem>>) offsets(%dma_start3A_133 : memref<128xi32, #tpu.memory_space<vmem>>) semaphore(%arg17 : memref<!tpu.dma_semaphore, #tpu.memory_space<semaphore_mem>>)
      %dma_wait3A = arith.constant 0 : i32
      %dma_wait3A_137 = arith.constant 0 : i32
      %dma_wait3A_138 = arith.constant 0 : i32
      %dma_wait3A_139 = arith.constant 0 : i32
      %dma_wait3A_140 = tpu.memref_slice %arg7[%dma_wait3A_137, %dma_wait3A_138, %dma_wait3A_139] : memref<8x128x48xf32, #tpu.memory_space<vmem>> -> memref<1x128x48xf32, #tpu.memory_space<vmem>>
      %dma_wait3A_141 = tpu.memref_squeeze %dma_wait3A_140 : memref<1x128x48xf32, #tpu.memory_space<vmem>> -> memref<128x48xf32, #tpu.memory_space<vmem>>
      %dma_wait3A_142 = arith.constant 0 : i32
      %dma_wait3A_143 = tpu.memref_slice %arg6[%dma_wait3A, %add3A_27, %dma_wait3A_142] : memref<2x80x128xi32, #tpu.memory_space<vmem>> -> memref<1x1x128xi32, #tpu.memory_space<vmem>>
      %dma_wait3A_144 = tpu.memref_squeeze %dma_wait3A_143 : memref<1x1x128xi32, #tpu.memory_space<vmem>> -> memref<128xi32, #tpu.memory_space<vmem>>
      %dma_wait3A_145 = arith.constant 0 : i32
      %dma_wait3A_146 = arith.constant 0 : i32
      %dma_wait3A_147 = tpu.memref_slice %arg2[%dma_wait3A_145, %dma_wait3A_146] : memref<10240x48xf32, #tpu.memory_space<hbm>> -> memref<10240x48xf32, #tpu.memory_space<hbm>>
      tpu.wait_indirect_dma semaphore(%arg10 : memref<!tpu.dma_semaphore, #tpu.memory_space<semaphore_mem>>) src(%dma_wait3A_147 : memref<10240x48xf32, #tpu.memory_space<hbm>>) dst(%dma_wait3A_141 : memref<128x48xf32, #tpu.memory_space<vmem>>)
      %add3A_148 = arith.constant 0 : i32
      %add3A_149 = arith.addi %mul3A_25, %add3A_148 : i32
      %dma_start3A_150 = arith.constant 0 : i32
      %dma_start3A_151 = arith.constant 1 : i32
      %dma_start3A_152 = arith.constant 0 : i32
      %dma_start3A_153 = arith.constant 0 : i32
      %dma_start3A_154 = tpu.memref_slice %arg7[%dma_start3A_150, %dma_start3A_152, %dma_start3A_153] : memref<8x128x48xf32, #tpu.memory_space<vmem>> -> memref<1x128x48xf32, #tpu.memory_space<vmem>>
      %dma_start3A_155 = tpu.memref_squeeze %dma_start3A_154 : memref<1x128x48xf32, #tpu.memory_space<vmem>> -> memref<128x48xf32, #tpu.memory_space<vmem>>
      %dma_start3A_156 = arith.constant 0 : i32
      %dma_start3A_157 = tpu.memref_slice %arg6[%dma_start3A_151, %add3A_149, %dma_start3A_156] : memref<2x80x128xi32, #tpu.memory_space<vmem>> -> memref<1x1x128xi32, #tpu.memory_space<vmem>>
      %dma_start3A_158 = tpu.memref_squeeze %dma_start3A_157 : memref<1x1x128xi32, #tpu.memory_space<vmem>> -> memref<128xi32, #tpu.memory_space<vmem>>
      %dma_start3A_159 = arith.constant 0 : i32
      %dma_start3A_160 = arith.constant 0 : i32
      %dma_start3A_161 = tpu.memref_slice %arg8[%dma_start3A_159, %dma_start3A_160] : memref<10240x48xf32, #tpu.memory_space<vmem_shared>> -> memref<10240x48xf32, #tpu.memory_space<vmem_shared>>
      tpu.enqueue_indirect_dma source(%dma_start3A_155 : memref<128x48xf32, #tpu.memory_space<vmem>>) target(%dma_start3A_161 : memref<10240x48xf32, #tpu.memory_space<vmem_shared>>) offsets(%dma_start3A_158 : memref<128xi32, #tpu.memory_space<vmem>>) semaphore(%arg9 : memref<!tpu.dma_semaphore, #tpu.memory_space<semaphore_mem>>) {add = true}
      %dma_wait3A_162 = arith.constant 0 : i32
      %dma_wait3A_163 = arith.constant 1 : i32
      %dma_wait3A_164 = arith.constant 0 : i32
      %dma_wait3A_165 = arith.constant 0 : i32
      %dma_wait3A_166 = tpu.memref_slice %arg7[%dma_wait3A_163, %dma_wait3A_164, %dma_wait3A_165] : memref<8x128x48xf32, #tpu.memory_space<vmem>> -> memref<1x128x48xf32, #tpu.memory_space<vmem>>
      %dma_wait3A_167 = tpu.memref_squeeze %dma_wait3A_166 : memref<1x128x48xf32, #tpu.memory_space<vmem>> -> memref<128x48xf32, #tpu.memory_space<vmem>>
      %dma_wait3A_168 = arith.constant 0 : i32
      %dma_wait3A_169 = tpu.memref_slice %arg6[%dma_wait3A_162, %add3A_40, %dma_wait3A_168] : memref<2x80x128xi32, #tpu.memory_space<vmem>> -> memref<1x1x128xi32, #tpu.memory_space<vmem>>
      %dma_wait3A_170 = tpu.memref_squeeze %dma_wait3A_169 : memref<1x1x128xi32, #tpu.memory_space<vmem>> -> memref<128xi32, #tpu.memory_space<vmem>>
      %dma_wait3A_171 = arith.constant 0 : i32
      %dma_wait3A_172 = arith.constant 0 : i32
      %dma_wait3A_173 = tpu.memref_slice %arg2[%dma_wait3A_171, %dma_wait3A_172] : memref<10240x48xf32, #tpu.memory_space<hbm>> -> memref<10240x48xf32, #tpu.memory_space<hbm>>
      tpu.wait_indirect_dma semaphore(%arg11 : memref<!tpu.dma_semaphore, #tpu.memory_space<semaphore_mem>>) src(%dma_wait3A_173 : memref<10240x48xf32, #tpu.memory_space<hbm>>) dst(%dma_wait3A_167 : memref<128x48xf32, #tpu.memory_space<vmem>>)
      %add3A_174 = arith.constant 1 : i32
      %add3A_175 = arith.addi %mul3A_25, %add3A_174 : i32
      %dma_start3A_176 = arith.constant 1 : i32
      %dma_start3A_177 = arith.constant 1 : i32
      %dma_start3A_178 = arith.constant 0 : i32
      %dma_start3A_179 = arith.constant 0 : i32
      %dma_start3A_180 = tpu.memref_slice %arg7[%dma_start3A_176, %dma_start3A_178, %dma_start3A_179] : memref<8x128x48xf32, #tpu.memory_space<vmem>> -> memref<1x128x48xf32, #tpu.memory_space<vmem>>
      %dma_start3A_181 = tpu.memref_squeeze %dma_start3A_180 : memref<1x128x48xf32, #tpu.memory_space<vmem>> -> memref<128x48xf32, #tpu.memory_space<vmem>>
      %dma_start3A_182 = arith.constant 0 : i32
      %dma_start3A_183 = tpu.memref_slice %arg6[%dma_start3A_177, %add3A_175, %dma_start3A_182] : memref<2x80x128xi32, #tpu.memory_space<vmem>> -> memref<1x1x128xi32, #tpu.memory_space<vmem>>
      %dma_start3A_184 = tpu.memref_squeeze %dma_start3A_183 : memref<1x1x128xi32, #tpu.memory_space<vmem>> -> memref<128xi32, #tpu.memory_space<vmem>>
      %dma_start3A_185 = arith.constant 0 : i32
      %dma_start3A_186 = arith.constant 0 : i32
      %dma_start3A_187 = tpu.memref_slice %arg8[%dma_start3A_185, %dma_start3A_186] : memref<10240x48xf32, #tpu.memory_space<vmem_shared>> -> memref<10240x48xf32, #tpu.memory_space<vmem_shared>>
      tpu.enqueue_indirect_dma source(%dma_start3A_181 : memref<128x48xf32, #tpu.memory_space<vmem>>) target(%dma_start3A_187 : memref<10240x48xf32, #tpu.memory_space<vmem_shared>>) offsets(%dma_start3A_184 : memref<128xi32, #tpu.memory_space<vmem>>) semaphore(%arg9 : memref<!tpu.dma_semaphore, #tpu.memory_space<semaphore_mem>>) {add = true}
      %dma_wait3A_188 = arith.constant 0 : i32
      %dma_wait3A_189 = arith.constant 2 : i32
      %dma_wait3A_190 = arith.constant 0 : i32
      %dma_wait3A_191 = arith.constant 0 : i32
      %dma_wait3A_192 = tpu.memref_slice %arg7[%dma_wait3A_189, %dma_wait3A_190, %dma_wait3A_191] : memref<8x128x48xf32, #tpu.memory_space<vmem>> -> memref<1x128x48xf32, #tpu.memory_space<vmem>>
      %dma_wait3A_193 = tpu.memref_squeeze %dma_wait3A_192 : memref<1x128x48xf32, #tpu.memory_space<vmem>> -> memref<128x48xf32, #tpu.memory_space<vmem>>
      %dma_wait3A_194 = arith.constant 0 : i32
      %dma_wait3A_195 = tpu.memref_slice %arg6[%dma_wait3A_188, %add3A_54, %dma_wait3A_194] : memref<2x80x128xi32, #tpu.memory_space<vmem>> -> memref<1x1x128xi32, #tpu.memory_space<vmem>>
      %dma_wait3A_196 = tpu.memref_squeeze %dma_wait3A_195 : memref<1x1x128xi32, #tpu.memory_space<vmem>> -> memref<128xi32, #tpu.memory_space<vmem>>
      %dma_wait3A_197 = arith.constant 0 : i32
      %dma_wait3A_198 = arith.constant 0 : i32
      %dma_wait3A_199 = tpu.memref_slice %arg2[%dma_wait3A_197, %dma_wait3A_198] : memref<10240x48xf32, #tpu.memory_space<hbm>> -> memref<10240x48xf32, #tpu.memory_space<hbm>>
      tpu.wait_indirect_dma semaphore(%arg12 : memref<!tpu.dma_semaphore, #tpu.memory_space<semaphore_mem>>) src(%dma_wait3A_199 : memref<10240x48xf32, #tpu.memory_space<hbm>>) dst(%dma_wait3A_193 : memref<128x48xf32, #tpu.memory_space<vmem>>)
      %add3A_200 = arith.constant 2 : i32
      %add3A_201 = arith.addi %mul3A_25, %add3A_200 : i32
      %dma_start3A_202 = arith.constant 2 : i32
      %dma_start3A_203 = arith.constant 1 : i32
      %dma_start3A_204 = arith.constant 0 : i32
      %dma_start3A_205 = arith.constant 0 : i32
      %dma_start3A_206 = tpu.memref_slice %arg7[%dma_start3A_202, %dma_start3A_204, %dma_start3A_205] : memref<8x128x48xf32, #tpu.memory_space<vmem>> -> memref<1x128x48xf32, #tpu.memory_space<vmem>>
      %dma_start3A_207 = tpu.memref_squeeze %dma_start3A_206 : memref<1x128x48xf32, #tpu.memory_space<vmem>> -> memref<128x48xf32, #tpu.memory_space<vmem>>
      %dma_start3A_208 = arith.constant 0 : i32
      %dma_start3A_209 = tpu.memref_slice %arg6[%dma_start3A_203, %add3A_201, %dma_start3A_208] : memref<2x80x128xi32, #tpu.memory_space<vmem>> -> memref<1x1x128xi32, #tpu.memory_space<vmem>>
      %dma_start3A_210 = tpu.memref_squeeze %dma_start3A_209 : memref<1x1x128xi32, #tpu.memory_space<vmem>> -> memref<128xi32, #tpu.memory_space<vmem>>
      %dma_start3A_211 = arith.constant 0 : i32
      %dma_start3A_212 = arith.constant 0 : i32
      %dma_start3A_213 = tpu.memref_slice %arg8[%dma_start3A_211, %dma_start3A_212] : memref<10240x48xf32, #tpu.memory_space<vmem_shared>> -> memref<10240x48xf32, #tpu.memory_space<vmem_shared>>
      tpu.enqueue_indirect_dma source(%dma_start3A_207 : memref<128x48xf32, #tpu.memory_space<vmem>>) target(%dma_start3A_213 : memref<10240x48xf32, #tpu.memory_space<vmem_shared>>) offsets(%dma_start3A_210 : memref<128xi32, #tpu.memory_space<vmem>>) semaphore(%arg9 : memref<!tpu.dma_semaphore, #tpu.memory_space<semaphore_mem>>) {add = true}
      %dma_wait3A_214 = arith.constant 0 : i32
      %dma_wait3A_215 = arith.constant 3 : i32
      %dma_wait3A_216 = arith.constant 0 : i32
      %dma_wait3A_217 = arith.constant 0 : i32
      %dma_wait3A_218 = tpu.memref_slice %arg7[%dma_wait3A_215, %dma_wait3A_216, %dma_wait3A_217] : memref<8x128x48xf32, #tpu.memory_space<vmem>> -> memref<1x128x48xf32, #tpu.memory_space<vmem>>
      %dma_wait3A_219 = tpu.memref_squeeze %dma_wait3A_218 : memref<1x128x48xf32, #tpu.memory_space<vmem>> -> memref<128x48xf32, #tpu.memory_space<vmem>>
      %dma_wait3A_220 = arith.constant 0 : i32
      %dma_wait3A_221 = tpu.memref_slice %arg6[%dma_wait3A_214, %add3A_68, %dma_wait3A_220] : memref<2x80x128xi32, #tpu.memory_space<vmem>> -> memref<1x1x128xi32, #tpu.memory_space<vmem>>
      %dma_wait3A_222 = tpu.memref_squeeze %dma_wait3A_221 : memref<1x1x128xi32, #tpu.memory_space<vmem>> -> memref<128xi32, #tpu.memory_space<vmem>>
      %dma_wait3A_223 = arith.constant 0 : i32
      %dma_wait3A_224 = arith.constant 0 : i32
      %dma_wait3A_225 = tpu.memref_slice %arg2[%dma_wait3A_223, %dma_wait3A_224] : memref<10240x48xf32, #tpu.memory_space<hbm>> -> memref<10240x48xf32, #tpu.memory_space<hbm>>
      tpu.wait_indirect_dma semaphore(%arg13 : memref<!tpu.dma_semaphore, #tpu.memory_space<semaphore_mem>>) src(%dma_wait3A_225 : memref<10240x48xf32, #tpu.memory_space<hbm>>) dst(%dma_wait3A_219 : memref<128x48xf32, #tpu.memory_space<vmem>>)
      %add3A_226 = arith.constant 3 : i32
      %add3A_227 = arith.addi %mul3A_25, %add3A_226 : i32
      %dma_start3A_228 = arith.constant 3 : i32
      %dma_start3A_229 = arith.constant 1 : i32
      %dma_start3A_230 = arith.constant 0 : i32
      %dma_start3A_231 = arith.constant 0 : i32
      %dma_start3A_232 = tpu.memref_slice %arg7[%dma_start3A_228, %dma_start3A_230, %dma_start3A_231] : memref<8x128x48xf32, #tpu.memory_space<vmem>> -> memref<1x128x48xf32, #tpu.memory_space<vmem>>
      %dma_start3A_233 = tpu.memref_squeeze %dma_start3A_232 : memref<1x128x48xf32, #tpu.memory_space<vmem>> -> memref<128x48xf32, #tpu.memory_space<vmem>>
      %dma_start3A_234 = arith.constant 0 : i32
      %dma_start3A_235 = tpu.memref_slice %arg6[%dma_start3A_229, %add3A_227, %dma_start3A_234] : memref<2x80x128xi32, #tpu.memory_space<vmem>> -> memref<1x1x128xi32, #tpu.memory_space<vmem>>
      %dma_start3A_236 = tpu.memref_squeeze %dma_start3A_235 : memref<1x1x128xi32, #tpu.memory_space<vmem>> -> memref<128xi32, #tpu.memory_space<vmem>>
      %dma_start3A_237 = arith.constant 0 : i32
      %dma_start3A_238 = arith.constant 0 : i32
      %dma_start3A_239 = tpu.memref_slice %arg8[%dma_start3A_237, %dma_start3A_238] : memref<10240x48xf32, #tpu.memory_space<vmem_shared>> -> memref<10240x48xf32, #tpu.memory_space<vmem_shared>>
      tpu.enqueue_indirect_dma source(%dma_start3A_233 : memref<128x48xf32, #tpu.memory_space<vmem>>) target(%dma_start3A_239 : memref<10240x48xf32, #tpu.memory_space<vmem_shared>>) offsets(%dma_start3A_236 : memref<128xi32, #tpu.memory_space<vmem>>) semaphore(%arg9 : memref<!tpu.dma_semaphore, #tpu.memory_space<semaphore_mem>>) {add = true}
      %dma_wait3A_240 = arith.constant 0 : i32
      %dma_wait3A_241 = arith.constant 4 : i32
      %dma_wait3A_242 = arith.constant 0 : i32
      %dma_wait3A_243 = arith.constant 0 : i32
      %dma_wait3A_244 = tpu.memref_slice %arg7[%dma_wait3A_241, %dma_wait3A_242, %dma_wait3A_243] : memref<8x128x48xf32, #tpu.memory_space<vmem>> -> memref<1x128x48xf32, #tpu.memory_space<vmem>>
      %dma_wait3A_245 = tpu.memref_squeeze %dma_wait3A_244 : memref<1x128x48xf32, #tpu.memory_space<vmem>> -> memref<128x48xf32, #tpu.memory_space<vmem>>
      %dma_wait3A_246 = arith.constant 0 : i32
      %dma_wait3A_247 = tpu.memref_slice %arg6[%dma_wait3A_240, %add3A_82, %dma_wait3A_246] : memref<2x80x128xi32, #tpu.memory_space<vmem>> -> memref<1x1x128xi32, #tpu.memory_space<vmem>>
      %dma_wait3A_248 = tpu.memref_squeeze %dma_wait3A_247 : memref<1x1x128xi32, #tpu.memory_space<vmem>> -> memref<128xi32, #tpu.memory_space<vmem>>
      %dma_wait3A_249 = arith.constant 0 : i32
      %dma_wait3A_250 = arith.constant 0 : i32
      %dma_wait3A_251 = tpu.memref_slice %arg2[%dma_wait3A_249, %dma_wait3A_250] : memref<10240x48xf32, #tpu.memory_space<hbm>> -> memref<10240x48xf32, #tpu.memory_space<hbm>>
      tpu.wait_indirect_dma semaphore(%arg14 : memref<!tpu.dma_semaphore, #tpu.memory_space<semaphore_mem>>) src(%dma_wait3A_251 : memref<10240x48xf32, #tpu.memory_space<hbm>>) dst(%dma_wait3A_245 : memref<128x48xf32, #tpu.memory_space<vmem>>)
      %add3A_252 = arith.constant 4 : i32
      %add3A_253 = arith.addi %mul3A_25, %add3A_252 : i32
      %dma_start3A_254 = arith.constant 4 : i32
      %dma_start3A_255 = arith.constant 1 : i32
      %dma_start3A_256 = arith.constant 0 : i32
      %dma_start3A_257 = arith.constant 0 : i32
      %dma_start3A_258 = tpu.memref_slice %arg7[%dma_start3A_254, %dma_start3A_256, %dma_start3A_257] : memref<8x128x48xf32, #tpu.memory_space<vmem>> -> memref<1x128x48xf32, #tpu.memory_space<vmem>>
      %dma_start3A_259 = tpu.memref_squeeze %dma_start3A_258 : memref<1x128x48xf32, #tpu.memory_space<vmem>> -> memref<128x48xf32, #tpu.memory_space<vmem>>
      %dma_start3A_260 = arith.constant 0 : i32
      %dma_start3A_261 = tpu.memref_slice %arg6[%dma_start3A_255, %add3A_253, %dma_start3A_260] : memref<2x80x128xi32, #tpu.memory_space<vmem>> -> memref<1x1x128xi32, #tpu.memory_space<vmem>>
      %dma_start3A_262 = tpu.memref_squeeze %dma_start3A_261 : memref<1x1x128xi32, #tpu.memory_space<vmem>> -> memref<128xi32, #tpu.memory_space<vmem>>
      %dma_start3A_263 = arith.constant 0 : i32
      %dma_start3A_264 = arith.constant 0 : i32
      %dma_start3A_265 = tpu.memref_slice %arg8[%dma_start3A_263, %dma_start3A_264] : memref<10240x48xf32, #tpu.memory_space<vmem_shared>> -> memref<10240x48xf32, #tpu.memory_space<vmem_shared>>
      tpu.enqueue_indirect_dma source(%dma_start3A_259 : memref<128x48xf32, #tpu.memory_space<vmem>>) target(%dma_start3A_265 : memref<10240x48xf32, #tpu.memory_space<vmem_shared>>) offsets(%dma_start3A_262 : memref<128xi32, #tpu.memory_space<vmem>>) semaphore(%arg9 : memref<!tpu.dma_semaphore, #tpu.memory_space<semaphore_mem>>) {add = true}
      %dma_wait3A_266 = arith.constant 0 : i32
      %dma_wait3A_267 = arith.constant 5 : i32
      %dma_wait3A_268 = arith.constant 0 : i32
      %dma_wait3A_269 = arith.constant 0 : i32
      %dma_wait3A_270 = tpu.memref_slice %arg7[%dma_wait3A_267, %dma_wait3A_268, %dma_wait3A_269] : memref<8x128x48xf32, #tpu.memory_space<vmem>> -> memref<1x128x48xf32, #tpu.memory_space<vmem>>
      %dma_wait3A_271 = tpu.memref_squeeze %dma_wait3A_270 : memref<1x128x48xf32, #tpu.memory_space<vmem>> -> memref<128x48xf32, #tpu.memory_space<vmem>>
      %dma_wait3A_272 = arith.constant 0 : i32
      %dma_wait3A_273 = tpu.memref_slice %arg6[%dma_wait3A_266, %add3A_96, %dma_wait3A_272] : memref<2x80x128xi32, #tpu.memory_space<vmem>> -> memref<1x1x128xi32, #tpu.memory_space<vmem>>
      %dma_wait3A_274 = tpu.memref_squeeze %dma_wait3A_273 : memref<1x1x128xi32, #tpu.memory_space<vmem>> -> memref<128xi32, #tpu.memory_space<vmem>>
      %dma_wait3A_275 = arith.constant 0 : i32
      %dma_wait3A_276 = arith.constant 0 : i32
      %dma_wait3A_277 = tpu.memref_slice %arg2[%dma_wait3A_275, %dma_wait3A_276] : memref<10240x48xf32, #tpu.memory_space<hbm>> -> memref<10240x48xf32, #tpu.memory_space<hbm>>
      tpu.wait_indirect_dma semaphore(%arg15 : memref<!tpu.dma_semaphore, #tpu.memory_space<semaphore_mem>>) src(%dma_wait3A_277 : memref<10240x48xf32, #tpu.memory_space<hbm>>) dst(%dma_wait3A_271 : memref<128x48xf32, #tpu.memory_space<vmem>>)
      %add3A_278 = arith.constant 5 : i32
      %add3A_279 = arith.addi %mul3A_25, %add3A_278 : i32
      %dma_start3A_280 = arith.constant 5 : i32
      %dma_start3A_281 = arith.constant 1 : i32
      %dma_start3A_282 = arith.constant 0 : i32
      %dma_start3A_283 = arith.constant 0 : i32
      %dma_start3A_284 = tpu.memref_slice %arg7[%dma_start3A_280, %dma_start3A_282, %dma_start3A_283] : memref<8x128x48xf32, #tpu.memory_space<vmem>> -> memref<1x128x48xf32, #tpu.memory_space<vmem>>
      %dma_start3A_285 = tpu.memref_squeeze %dma_start3A_284 : memref<1x128x48xf32, #tpu.memory_space<vmem>> -> memref<128x48xf32, #tpu.memory_space<vmem>>
      %dma_start3A_286 = arith.constant 0 : i32
      %dma_start3A_287 = tpu.memref_slice %arg6[%dma_start3A_281, %add3A_279, %dma_start3A_286] : memref<2x80x128xi32, #tpu.memory_space<vmem>> -> memref<1x1x128xi32, #tpu.memory_space<vmem>>
      %dma_start3A_288 = tpu.memref_squeeze %dma_start3A_287 : memref<1x1x128xi32, #tpu.memory_space<vmem>> -> memref<128xi32, #tpu.memory_space<vmem>>
      %dma_start3A_289 = arith.constant 0 : i32
      %dma_start3A_290 = arith.constant 0 : i32
      %dma_start3A_291 = tpu.memref_slice %arg8[%dma_start3A_289, %dma_start3A_290] : memref<10240x48xf32, #tpu.memory_space<vmem_shared>> -> memref<10240x48xf32, #tpu.memory_space<vmem_shared>>
      tpu.enqueue_indirect_dma source(%dma_start3A_285 : memref<128x48xf32, #tpu.memory_space<vmem>>) target(%dma_start3A_291 : memref<10240x48xf32, #tpu.memory_space<vmem_shared>>) offsets(%dma_start3A_288 : memref<128xi32, #tpu.memory_space<vmem>>) semaphore(%arg9 : memref<!tpu.dma_semaphore, #tpu.memory_space<semaphore_mem>>) {add = true}
      %dma_wait3A_292 = arith.constant 0 : i32
      %dma_wait3A_293 = arith.constant 6 : i32
      %dma_wait3A_294 = arith.constant 0 : i32
      %dma_wait3A_295 = arith.constant 0 : i32
      %dma_wait3A_296 = tpu.memref_slice %arg7[%dma_wait3A_293, %dma_wait3A_294, %dma_wait3A_295] : memref<8x128x48xf32, #tpu.memory_space<vmem>> -> memref<1x128x48xf32, #tpu.memory_space<vmem>>
      %dma_wait3A_297 = tpu.memref_squeeze %dma_wait3A_296 : memref<1x128x48xf32, #tpu.memory_space<vmem>> -> memref<128x48xf32, #tpu.memory_space<vmem>>
      %dma_wait3A_298 = arith.constant 0 : i32
      %dma_wait3A_299 = tpu.memref_slice %arg6[%dma_wait3A_292, %add3A_110, %dma_wait3A_298] : memref<2x80x128xi32, #tpu.memory_space<vmem>> -> memref<1x1x128xi32, #tpu.memory_space<vmem>>
      %dma_wait3A_300 = tpu.memref_squeeze %dma_wait3A_299 : memref<1x1x128xi32, #tpu.memory_space<vmem>> -> memref<128xi32, #tpu.memory_space<vmem>>
      %dma_wait3A_301 = arith.constant 0 : i32
      %dma_wait3A_302 = arith.constant 0 : i32
      %dma_wait3A_303 = tpu.memref_slice %arg2[%dma_wait3A_301, %dma_wait3A_302] : memref<10240x48xf32, #tpu.memory_space<hbm>> -> memref<10240x48xf32, #tpu.memory_space<hbm>>
      tpu.wait_indirect_dma semaphore(%arg16 : memref<!tpu.dma_semaphore, #tpu.memory_space<semaphore_mem>>) src(%dma_wait3A_303 : memref<10240x48xf32, #tpu.memory_space<hbm>>) dst(%dma_wait3A_297 : memref<128x48xf32, #tpu.memory_space<vmem>>)
      %add3A_304 = arith.constant 6 : i32
      %add3A_305 = arith.addi %mul3A_25, %add3A_304 : i32
      %dma_start3A_306 = arith.constant 6 : i32
      %dma_start3A_307 = arith.constant 1 : i32
      %dma_start3A_308 = arith.constant 0 : i32
      %dma_start3A_309 = arith.constant 0 : i32
      %dma_start3A_310 = tpu.memref_slice %arg7[%dma_start3A_306, %dma_start3A_308, %dma_start3A_309] : memref<8x128x48xf32, #tpu.memory_space<vmem>> -> memref<1x128x48xf32, #tpu.memory_space<vmem>>
      %dma_start3A_311 = tpu.memref_squeeze %dma_start3A_310 : memref<1x128x48xf32, #tpu.memory_space<vmem>> -> memref<128x48xf32, #tpu.memory_space<vmem>>
      %dma_start3A_312 = arith.constant 0 : i32
      %dma_start3A_313 = tpu.memref_slice %arg6[%dma_start3A_307, %add3A_305, %dma_start3A_312] : memref<2x80x128xi32, #tpu.memory_space<vmem>> -> memref<1x1x128xi32, #tpu.memory_space<vmem>>
      %dma_start3A_314 = tpu.memref_squeeze %dma_start3A_313 : memref<1x1x128xi32, #tpu.memory_space<vmem>> -> memref<128xi32, #tpu.memory_space<vmem>>
      %dma_start3A_315 = arith.constant 0 : i32
      %dma_start3A_316 = arith.constant 0 : i32
      %dma_start3A_317 = tpu.memref_slice %arg8[%dma_start3A_315, %dma_start3A_316] : memref<10240x48xf32, #tpu.memory_space<vmem_shared>> -> memref<10240x48xf32, #tpu.memory_space<vmem_shared>>
      tpu.enqueue_indirect_dma source(%dma_start3A_311 : memref<128x48xf32, #tpu.memory_space<vmem>>) target(%dma_start3A_317 : memref<10240x48xf32, #tpu.memory_space<vmem_shared>>) offsets(%dma_start3A_314 : memref<128xi32, #tpu.memory_space<vmem>>) semaphore(%arg9 : memref<!tpu.dma_semaphore, #tpu.memory_space<semaphore_mem>>) {add = true}
      %dma_wait3A_318 = arith.constant 0 : i32
      %dma_wait3A_319 = arith.constant 7 : i32
      %dma_wait3A_320 = arith.constant 0 : i32
      %dma_wait3A_321 = arith.constant 0 : i32
      %dma_wait3A_322 = tpu.memref_slice %arg7[%dma_wait3A_319, %dma_wait3A_320, %dma_wait3A_321] : memref<8x128x48xf32, #tpu.memory_space<vmem>> -> memref<1x128x48xf32, #tpu.memory_space<vmem>>
      %dma_wait3A_323 = tpu.memref_squeeze %dma_wait3A_322 : memref<1x128x48xf32, #tpu.memory_space<vmem>> -> memref<128x48xf32, #tpu.memory_space<vmem>>
      %dma_wait3A_324 = arith.constant 0 : i32
      %dma_wait3A_325 = tpu.memref_slice %arg6[%dma_wait3A_318, %add3A_124, %dma_wait3A_324] : memref<2x80x128xi32, #tpu.memory_space<vmem>> -> memref<1x1x128xi32, #tpu.memory_space<vmem>>
      %dma_wait3A_326 = tpu.memref_squeeze %dma_wait3A_325 : memref<1x1x128xi32, #tpu.memory_space<vmem>> -> memref<128xi32, #tpu.memory_space<vmem>>
      %dma_wait3A_327 = arith.constant 0 : i32
      %dma_wait3A_328 = arith.constant 0 : i32
      %dma_wait3A_329 = tpu.memref_slice %arg2[%dma_wait3A_327, %dma_wait3A_328] : memref<10240x48xf32, #tpu.memory_space<hbm>> -> memref<10240x48xf32, #tpu.memory_space<hbm>>
      tpu.wait_indirect_dma semaphore(%arg17 : memref<!tpu.dma_semaphore, #tpu.memory_space<semaphore_mem>>) src(%dma_wait3A_329 : memref<10240x48xf32, #tpu.memory_space<hbm>>) dst(%dma_wait3A_323 : memref<128x48xf32, #tpu.memory_space<vmem>>)
      %add3A_330 = arith.constant 7 : i32
      %add3A_331 = arith.addi %mul3A_25, %add3A_330 : i32
      %dma_start3A_332 = arith.constant 7 : i32
      %dma_start3A_333 = arith.constant 1 : i32
      %dma_start3A_334 = arith.constant 0 : i32
      %dma_start3A_335 = arith.constant 0 : i32
      %dma_start3A_336 = tpu.memref_slice %arg7[%dma_start3A_332, %dma_start3A_334, %dma_start3A_335] : memref<8x128x48xf32, #tpu.memory_space<vmem>> -> memref<1x128x48xf32, #tpu.memory_space<vmem>>
      %dma_start3A_337 = tpu.memref_squeeze %dma_start3A_336 : memref<1x128x48xf32, #tpu.memory_space<vmem>> -> memref<128x48xf32, #tpu.memory_space<vmem>>
      %dma_start3A_338 = arith.constant 0 : i32
      %dma_start3A_339 = tpu.memref_slice %arg6[%dma_start3A_333, %add3A_331, %dma_start3A_338] : memref<2x80x128xi32, #tpu.memory_space<vmem>> -> memref<1x1x128xi32, #tpu.memory_space<vmem>>
      %dma_start3A_340 = tpu.memref_squeeze %dma_start3A_339 : memref<1x1x128xi32, #tpu.memory_space<vmem>> -> memref<128xi32, #tpu.memory_space<vmem>>
      %dma_start3A_341 = arith.constant 0 : i32
      %dma_start3A_342 = arith.constant 0 : i32
      %dma_start3A_343 = tpu.memref_slice %arg8[%dma_start3A_341, %dma_start3A_342] : memref<10240x48xf32, #tpu.memory_space<vmem_shared>> -> memref<10240x48xf32, #tpu.memory_space<vmem_shared>>
      tpu.enqueue_indirect_dma source(%dma_start3A_337 : memref<128x48xf32, #tpu.memory_space<vmem>>) target(%dma_start3A_343 : memref<10240x48xf32, #tpu.memory_space<vmem_shared>>) offsets(%dma_start3A_340 : memref<128xi32, #tpu.memory_space<vmem>>) semaphore(%arg9 : memref<!tpu.dma_semaphore, #tpu.memory_space<semaphore_mem>>) {add = true}
      %dma_wait3A_344 = arith.constant 0 : i32
      %dma_wait3A_345 = arith.constant 1 : i32
      %dma_wait3A_346 = arith.constant 0 : i32
      %dma_wait3A_347 = arith.constant 0 : i32
      %dma_wait3A_348 = tpu.memref_slice %arg7[%dma_wait3A_344, %dma_wait3A_346, %dma_wait3A_347] : memref<8x128x48xf32, #tpu.memory_space<vmem>> -> memref<1x128x48xf32, #tpu.memory_space<vmem>>
      %dma_wait3A_349 = tpu.memref_squeeze %dma_wait3A_348 : memref<1x128x48xf32, #tpu.memory_space<vmem>> -> memref<128x48xf32, #tpu.memory_space<vmem>>
      %dma_wait3A_350 = arith.constant 0 : i32
      %dma_wait3A_351 = tpu.memref_slice %arg6[%dma_wait3A_345, %add3A_149, %dma_wait3A_350] : memref<2x80x128xi32, #tpu.memory_space<vmem>> -> memref<1x1x128xi32, #tpu.memory_space<vmem>>
      %dma_wait3A_352 = tpu.memref_squeeze %dma_wait3A_351 : memref<1x1x128xi32, #tpu.memory_space<vmem>> -> memref<128xi32, #tpu.memory_space<vmem>>
      %dma_wait3A_353 = arith.constant 0 : i32
      %dma_wait3A_354 = arith.constant 0 : i32
      %dma_wait3A_355 = tpu.memref_slice %arg8[%dma_wait3A_353, %dma_wait3A_354] : memref<10240x48xf32, #tpu.memory_space<vmem_shared>> -> memref<10240x48xf32, #tpu.memory_space<vmem_shared>>
      tpu.wait_indirect_dma semaphore(%arg9 : memref<!tpu.dma_semaphore, #tpu.memory_space<semaphore_mem>>) src(%dma_wait3A_349 : memref<128x48xf32, #tpu.memory_space<vmem>>) dst(%dma_wait3A_355 : memref<10240x48xf32, #tpu.memory_space<vmem_shared>>)
      %dma_wait3A_356 = arith.constant 1 : i32
      %dma_wait3A_357 = arith.constant 1 : i32
      %dma_wait3A_358 = arith.constant 0 : i32
      %dma_wait3A_359 = arith.constant 0 : i32
      %dma_wait3A_360 = tpu.memref_slice %arg7[%dma_wait3A_356, %dma_wait3A_358, %dma_wait3A_359] : memref<8x128x48xf32, #tpu.memory_space<vmem>> -> memref<1x128x48xf32, #tpu.memory_space<vmem>>
      %dma_wait3A_361 = tpu.memref_squeeze %dma_wait3A_360 : memref<1x128x48xf32, #tpu.memory_space<vmem>> -> memref<128x48xf32, #tpu.memory_space<vmem>>
      %dma_wait3A_362 = arith.constant 0 : i32
      %dma_wait3A_363 = tpu.memref_slice %arg6[%dma_wait3A_357, %add3A_175, %dma_wait3A_362] : memref<2x80x128xi32, #tpu.memory_space<vmem>> -> memref<1x1x128xi32, #tpu.memory_space<vmem>>
      %dma_wait3A_364 = tpu.memref_squeeze %dma_wait3A_363 : memref<1x1x128xi32, #tpu.memory_space<vmem>> -> memref<128xi32, #tpu.memory_space<vmem>>
      %dma_wait3A_365 = arith.constant 0 : i32
      %dma_wait3A_366 = arith.constant 0 : i32
      %dma_wait3A_367 = tpu.memref_slice %arg8[%dma_wait3A_365, %dma_wait3A_366] : memref<10240x48xf32, #tpu.memory_space<vmem_shared>> -> memref<10240x48xf32, #tpu.memory_space<vmem_shared>>
      tpu.wait_indirect_dma semaphore(%arg9 : memref<!tpu.dma_semaphore, #tpu.memory_space<semaphore_mem>>) src(%dma_wait3A_361 : memref<128x48xf32, #tpu.memory_space<vmem>>) dst(%dma_wait3A_367 : memref<10240x48xf32, #tpu.memory_space<vmem_shared>>)
      %dma_wait3A_368 = arith.constant 2 : i32
      %dma_wait3A_369 = arith.constant 1 : i32
      %dma_wait3A_370 = arith.constant 0 : i32
      %dma_wait3A_371 = arith.constant 0 : i32
      %dma_wait3A_372 = tpu.memref_slice %arg7[%dma_wait3A_368, %dma_wait3A_370, %dma_wait3A_371] : memref<8x128x48xf32, #tpu.memory_space<vmem>> -> memref<1x128x48xf32, #tpu.memory_space<vmem>>
      %dma_wait3A_373 = tpu.memref_squeeze %dma_wait3A_372 : memref<1x128x48xf32, #tpu.memory_space<vmem>> -> memref<128x48xf32, #tpu.memory_space<vmem>>
      %dma_wait3A_374 = arith.constant 0 : i32
      %dma_wait3A_375 = tpu.memref_slice %arg6[%dma_wait3A_369, %add3A_201, %dma_wait3A_374] : memref<2x80x128xi32, #tpu.memory_space<vmem>> -> memref<1x1x128xi32, #tpu.memory_space<vmem>>
      %dma_wait3A_376 = tpu.memref_squeeze %dma_wait3A_375 : memref<1x1x128xi32, #tpu.memory_space<vmem>> -> memref<128xi32, #tpu.memory_space<vmem>>
      %dma_wait3A_377 = arith.constant 0 : i32
      %dma_wait3A_378 = arith.constant 0 : i32
      %dma_wait3A_379 = tpu.memref_slice %arg8[%dma_wait3A_377, %dma_wait3A_378] : memref<10240x48xf32, #tpu.memory_space<vmem_shared>> -> memref<10240x48xf32, #tpu.memory_space<vmem_shared>>
      tpu.wait_indirect_dma semaphore(%arg9 : memref<!tpu.dma_semaphore, #tpu.memory_space<semaphore_mem>>) src(%dma_wait3A_373 : memref<128x48xf32, #tpu.memory_space<vmem>>) dst(%dma_wait3A_379 : memref<10240x48xf32, #tpu.memory_space<vmem_shared>>)
      %dma_wait3A_380 = arith.constant 3 : i32
      %dma_wait3A_381 = arith.constant 1 : i32
      %dma_wait3A_382 = arith.constant 0 : i32
      %dma_wait3A_383 = arith.constant 0 : i32
      %dma_wait3A_384 = tpu.memref_slice %arg7[%dma_wait3A_380, %dma_wait3A_382, %dma_wait3A_383] : memref<8x128x48xf32, #tpu.memory_space<vmem>> -> memref<1x128x48xf32, #tpu.memory_space<vmem>>
      %dma_wait3A_385 = tpu.memref_squeeze %dma_wait3A_384 : memref<1x128x48xf32, #tpu.memory_space<vmem>> -> memref<128x48xf32, #tpu.memory_space<vmem>>
      %dma_wait3A_386 = arith.constant 0 : i32
      %dma_wait3A_387 = tpu.memref_slice %arg6[%dma_wait3A_381, %add3A_227, %dma_wait3A_386] : memref<2x80x128xi32, #tpu.memory_space<vmem>> -> memref<1x1x128xi32, #tpu.memory_space<vmem>>
      %dma_wait3A_388 = tpu.memref_squeeze %dma_wait3A_387 : memref<1x1x128xi32, #tpu.memory_space<vmem>> -> memref<128xi32, #tpu.memory_space<vmem>>
      %dma_wait3A_389 = arith.constant 0 : i32
      %dma_wait3A_390 = arith.constant 0 : i32
      %dma_wait3A_391 = tpu.memref_slice %arg8[%dma_wait3A_389, %dma_wait3A_390] : memref<10240x48xf32, #tpu.memory_space<vmem_shared>> -> memref<10240x48xf32, #tpu.memory_space<vmem_shared>>
      tpu.wait_indirect_dma semaphore(%arg9 : memref<!tpu.dma_semaphore, #tpu.memory_space<semaphore_mem>>) src(%dma_wait3A_385 : memref<128x48xf32, #tpu.memory_space<vmem>>) dst(%dma_wait3A_391 : memref<10240x48xf32, #tpu.memory_space<vmem_shared>>)
      %dma_wait3A_392 = arith.constant 4 : i32
      %dma_wait3A_393 = arith.constant 1 : i32
      %dma_wait3A_394 = arith.constant 0 : i32
      %dma_wait3A_395 = arith.constant 0 : i32
      %dma_wait3A_396 = tpu.memref_slice %arg7[%dma_wait3A_392, %dma_wait3A_394, %dma_wait3A_395] : memref<8x128x48xf32, #tpu.memory_space<vmem>> -> memref<1x128x48xf32, #tpu.memory_space<vmem>>
      %dma_wait3A_397 = tpu.memref_squeeze %dma_wait3A_396 : memref<1x128x48xf32, #tpu.memory_space<vmem>> -> memref<128x48xf32, #tpu.memory_space<vmem>>
      %dma_wait3A_398 = arith.constant 0 : i32
      %dma_wait3A_399 = tpu.memref_slice %arg6[%dma_wait3A_393, %add3A_253, %dma_wait3A_398] : memref<2x80x128xi32, #tpu.memory_space<vmem>> -> memref<1x1x128xi32, #tpu.memory_space<vmem>>
      %dma_wait3A_400 = tpu.memref_squeeze %dma_wait3A_399 : memref<1x1x128xi32, #tpu.memory_space<vmem>> -> memref<128xi32, #tpu.memory_space<vmem>>
      %dma_wait3A_401 = arith.constant 0 : i32
      %dma_wait3A_402 = arith.constant 0 : i32
      %dma_wait3A_403 = tpu.memref_slice %arg8[%dma_wait3A_401, %dma_wait3A_402] : memref<10240x48xf32, #tpu.memory_space<vmem_shared>> -> memref<10240x48xf32, #tpu.memory_space<vmem_shared>>
      tpu.wait_indirect_dma semaphore(%arg9 : memref<!tpu.dma_semaphore, #tpu.memory_space<semaphore_mem>>) src(%dma_wait3A_397 : memref<128x48xf32, #tpu.memory_space<vmem>>) dst(%dma_wait3A_403 : memref<10240x48xf32, #tpu.memory_space<vmem_shared>>)
      %dma_wait3A_404 = arith.constant 5 : i32
      %dma_wait3A_405 = arith.constant 1 : i32
      %dma_wait3A_406 = arith.constant 0 : i32
      %dma_wait3A_407 = arith.constant 0 : i32
      %dma_wait3A_408 = tpu.memref_slice %arg7[%dma_wait3A_404, %dma_wait3A_406, %dma_wait3A_407] : memref<8x128x48xf32, #tpu.memory_space<vmem>> -> memref<1x128x48xf32, #tpu.memory_space<vmem>>
      %dma_wait3A_409 = tpu.memref_squeeze %dma_wait3A_408 : memref<1x128x48xf32, #tpu.memory_space<vmem>> -> memref<128x48xf32, #tpu.memory_space<vmem>>
      %dma_wait3A_410 = arith.constant 0 : i32
      %dma_wait3A_411 = tpu.memref_slice %arg6[%dma_wait3A_405, %add3A_279, %dma_wait3A_410] : memref<2x80x128xi32, #tpu.memory_space<vmem>> -> memref<1x1x128xi32, #tpu.memory_space<vmem>>
      %dma_wait3A_412 = tpu.memref_squeeze %dma_wait3A_411 : memref<1x1x128xi32, #tpu.memory_space<vmem>> -> memref<128xi32, #tpu.memory_space<vmem>>
      %dma_wait3A_413 = arith.constant 0 : i32
      %dma_wait3A_414 = arith.constant 0 : i32
      %dma_wait3A_415 = tpu.memref_slice %arg8[%dma_wait3A_413, %dma_wait3A_414] : memref<10240x48xf32, #tpu.memory_space<vmem_shared>> -> memref<10240x48xf32, #tpu.memory_space<vmem_shared>>
      tpu.wait_indirect_dma semaphore(%arg9 : memref<!tpu.dma_semaphore, #tpu.memory_space<semaphore_mem>>) src(%dma_wait3A_409 : memref<128x48xf32, #tpu.memory_space<vmem>>) dst(%dma_wait3A_415 : memref<10240x48xf32, #tpu.memory_space<vmem_shared>>)
      %dma_wait3A_416 = arith.constant 6 : i32
      %dma_wait3A_417 = arith.constant 1 : i32
      %dma_wait3A_418 = arith.constant 0 : i32
      %dma_wait3A_419 = arith.constant 0 : i32
      %dma_wait3A_420 = tpu.memref_slice %arg7[%dma_wait3A_416, %dma_wait3A_418, %dma_wait3A_419] : memref<8x128x48xf32, #tpu.memory_space<vmem>> -> memref<1x128x48xf32, #tpu.memory_space<vmem>>
      %dma_wait3A_421 = tpu.memref_squeeze %dma_wait3A_420 : memref<1x128x48xf32, #tpu.memory_space<vmem>> -> memref<128x48xf32, #tpu.memory_space<vmem>>
      %dma_wait3A_422 = arith.constant 0 : i32
      %dma_wait3A_423 = tpu.memref_slice %arg6[%dma_wait3A_417, %add3A_305, %dma_wait3A_422] : memref<2x80x128xi32, #tpu.memory_space<vmem>> -> memref<1x1x128xi32, #tpu.memory_space<vmem>>
      %dma_wait3A_424 = tpu.memref_squeeze %dma_wait3A_423 : memref<1x1x128xi32, #tpu.memory_space<vmem>> -> memref<128xi32, #tpu.memory_space<vmem>>
      %dma_wait3A_425 = arith.constant 0 : i32
      %dma_wait3A_426 = arith.constant 0 : i32
      %dma_wait3A_427 = tpu.memref_slice %arg8[%dma_wait3A_425, %dma_wait3A_426] : memref<10240x48xf32, #tpu.memory_space<vmem_shared>> -> memref<10240x48xf32, #tpu.memory_space<vmem_shared>>
      tpu.wait_indirect_dma semaphore(%arg9 : memref<!tpu.dma_semaphore, #tpu.memory_space<semaphore_mem>>) src(%dma_wait3A_421 : memref<128x48xf32, #tpu.memory_space<vmem>>) dst(%dma_wait3A_427 : memref<10240x48xf32, #tpu.memory_space<vmem_shared>>)
      %dma_wait3A_428 = arith.constant 7 : i32
      %dma_wait3A_429 = arith.constant 1 : i32
      %dma_wait3A_430 = arith.constant 0 : i32
      %dma_wait3A_431 = arith.constant 0 : i32
      %dma_wait3A_432 = tpu.memref_slice %arg7[%dma_wait3A_428, %dma_wait3A_430, %dma_wait3A_431] : memref<8x128x48xf32, #tpu.memory_space<vmem>> -> memref<1x128x48xf32, #tpu.memory_space<vmem>>
      %dma_wait3A_433 = tpu.memref_squeeze %dma_wait3A_432 : memref<1x128x48xf32, #tpu.memory_space<vmem>> -> memref<128x48xf32, #tpu.memory_space<vmem>>
      %dma_wait3A_434 = arith.constant 0 : i32
      %dma_wait3A_435 = tpu.memref_slice %arg6[%dma_wait3A_429, %add3A_331, %dma_wait3A_434] : memref<2x80x128xi32, #tpu.memory_space<vmem>> -> memref<1x1x128xi32, #tpu.memory_space<vmem>>
      %dma_wait3A_436 = tpu.memref_squeeze %dma_wait3A_435 : memref<1x1x128xi32, #tpu.memory_space<vmem>> -> memref<128xi32, #tpu.memory_space<vmem>>
      %dma_wait3A_437 = arith.constant 0 : i32
      %dma_wait3A_438 = arith.constant 0 : i32
      %dma_wait3A_439 = tpu.memref_slice %arg8[%dma_wait3A_437, %dma_wait3A_438] : memref<10240x48xf32, #tpu.memory_space<vmem_shared>> -> memref<10240x48xf32, #tpu.memory_space<vmem_shared>>
      tpu.wait_indirect_dma semaphore(%arg9 : memref<!tpu.dma_semaphore, #tpu.memory_space<semaphore_mem>>) src(%dma_wait3A_433 : memref<128x48xf32, #tpu.memory_space<vmem>>) dst(%dma_wait3A_439 : memref<10240x48xf32, #tpu.memory_space<vmem_shared>>)
      %scan3A_440 = arith.constant 0 : i32
      scf.yield %scan3A_440 : i32
    }
    %scan3A_18 = arith.constant 10 : i32
    %scan3A_19 = arith.constant 0 : i32
    %scan3A_20 = arith.constant 1 : i32
    %barrier3A_21 = arith.constant 0 : index
    tpu.barrier barrier_id(%barrier3A_21)
    "tpu.region"() ({
      %run_scoped3A_22 = tpu.sem_alloc : memref<!tpu.dma_semaphore, #tpu.memory_space<semaphore_mem>>
      %dma_start3A = arith.constant 0 : i32
      %dma_start3A_23 = tpu.memref_slice %arg5[%arg0, %mul3A_2, %dma_start3A] : memref<2x10240x48xf32, #tpu.memory_space<hbm>> -> memref<1x640x48xf32, #tpu.memory_space<hbm>>
      %dma_start3A_24 = tpu.memref_squeeze %dma_start3A_23 : memref<1x640x48xf32, #tpu.memory_space<hbm>> -> memref<640x48xf32, #tpu.memory_space<hbm>>
      %dma_start3A_25 = arith.constant 0 : i32
      %dma_start3A_26 = tpu.memref_slice %arg8[%mul3A_2, %dma_start3A_25] : memref<10240x48xf32, #tpu.memory_space<vmem_shared>> -> memref<640x48xf32, #tpu.memory_space<vmem_shared>>
      tpu.enqueue_dma source(%dma_start3A_26 : memref<640x48xf32, #tpu.memory_space<vmem_shared>>) target(%dma_start3A_24 : memref<640x48xf32, #tpu.memory_space<hbm>>) target_semaphore(%run_scoped3A_22 : memref<!tpu.dma_semaphore, #tpu.memory_space<semaphore_mem>>)
      %dma_wait3A = arith.constant 0 : i32
      %dma_wait3A_27 = tpu.memref_slice %arg5[%arg0, %mul3A_2, %dma_wait3A] : memref<2x10240x48xf32, #tpu.memory_space<hbm>> -> memref<1x640x48xf32, #tpu.memory_space<hbm>>
      %dma_wait3A_28 = tpu.memref_squeeze %dma_wait3A_27 : memref<1x640x48xf32, #tpu.memory_space<hbm>> -> memref<640x48xf32, #tpu.memory_space<hbm>>
      %dma_wait3A_29 = arith.constant 0 : i32
      %dma_wait3A_30 = tpu.memref_slice %arg8[%mul3A_2, %dma_wait3A_29] : memref<10240x48xf32, #tpu.memory_space<vmem_shared>> -> memref<640x48xf32, #tpu.memory_space<vmem_shared>>
      tpu.wait_dma2 semaphore(%run_scoped3A_22 : memref<!tpu.dma_semaphore, #tpu.memory_space<semaphore_mem>>) src(%dma_wait3A_30 : memref<640x48xf32, #tpu.memory_space<vmem_shared>>) dst(%dma_wait3A_28 : memref<640x48xf32, #tpu.memory_space<hbm>>)
      tpu.yield
    }) : () -> ()
    return
  }
}

#map = affine_map<(d0, d1) -> (0, 0)>
#map1 = affine_map<(d0, d1) -> (0, 0, 0)>
module attributes {stable_mosaic.version = 14 : i64} {
  func.func @k(%arg0: i32, %arg1: i32, %arg2: memref<10240x128xf32, #tpu.memory_space<hbm>>, %arg3: memref<2x2560x128xi32, #tpu.memory_space<hbm>>, %arg4: memref<640x128xf32, #tpu.memory_space<hbm>>, %arg5: memref<2x10240x128xf32, #tpu.memory_space<hbm>>, %arg6: memref<2x40x128xi32, #tpu.memory_space<vmem>>, %arg7: memref<2x128x128xf32, #tpu.memory_space<vmem>>, %arg8: memref<10240x128xf32, #tpu.memory_space<vmem_shared>>, %arg9: memref<!tpu.dma_semaphore, #tpu.memory_space<semaphore_mem>>, %arg10: memref<!tpu.dma_semaphore, #tpu.memory_space<semaphore_mem>>, %arg11: memref<!tpu.dma_semaphore, #tpu.memory_space<semaphore_mem>>) attributes {dimension_semantics = [#tpu.dimension_semantics<core_parallel>, #tpu.dimension_semantics<subcore_parallel>], iteration_bounds = array<i64: 2, 16>, scalar_prefetch = 0 : i64, scratch_operands = 6 : i64, tpu.core_type = #tpu.core_type<sc_vector_subcore>, window_params = [{transform_indices = #map}, {transform_indices = #map1}, {transform_indices = #map}, {transform_indices = #map1}]} {
    %mul3A = arith.constant 2 : i32
    %mul3A_0 = arith.muli %arg1, %mul3A : i32
    %add3A = arith.addi %mul3A_0, %arg0 : i32
    %mul3A_1 = arith.constant 640 : i32
    %mul3A_2 = arith.muli %arg1, %mul3A_1 : i32
    "tpu.region"() ({
      %run_scoped3A = tpu.sem_alloc : memref<!tpu.dma_semaphore, #tpu.memory_space<semaphore_mem>>
      %dma_start3A = arith.constant 0 : i32
      %dma_start3A_12 = tpu.memref_slice %arg8[%mul3A_2, %dma_start3A] : memref<10240x128xf32, #tpu.memory_space<vmem_shared>> -> memref<640x128xf32, #tpu.memory_space<vmem_shared>>
      tpu.enqueue_dma source(%arg4 : memref<640x128xf32, #tpu.memory_space<hbm>>) target(%dma_start3A_12 : memref<640x128xf32, #tpu.memory_space<vmem_shared>>) target_semaphore(%run_scoped3A : memref<!tpu.dma_semaphore, #tpu.memory_space<semaphore_mem>>)
      %dma_wait3A = arith.constant 0 : i32
      %dma_wait3A_13 = tpu.memref_slice %arg8[%mul3A_2, %dma_wait3A] : memref<10240x128xf32, #tpu.memory_space<vmem_shared>> -> memref<640x128xf32, #tpu.memory_space<vmem_shared>>
      tpu.wait_dma2 semaphore(%run_scoped3A : memref<!tpu.dma_semaphore, #tpu.memory_space<semaphore_mem>>) src(%arg4 : memref<640x128xf32, #tpu.memory_space<hbm>>) dst(%dma_wait3A_13 : memref<640x128xf32, #tpu.memory_space<vmem_shared>>)
      tpu.yield
    }) : () -> ()
    %mul3A_3 = arith.constant 80 : i32
    %mul3A_4 = arith.muli %add3A, %mul3A_3 : i32
    %barrier3A = arith.constant 0 : index
    tpu.barrier barrier_id(%barrier3A)
    %scan3A = arith.constant 0 : i32
    %scan3A_5 = arith.constant 0 : i32
    %scan3A_6 = arith.constant 2 : i32
    %scan3A_7 = arith.addi %scan3A_5, %scan3A_6 : i32
    %scan3A_8 = arith.constant 1 : i32
    %scan3A_9 = scf.for %scan3A_12 = %scan3A_5 to %scan3A_7 step %scan3A_8 iter_args(%scan3A_13 = %scan3A) -> (i32)  : i32 {
      %mul3A_14 = arith.constant 40 : i32
      %mul3A_15 = arith.muli %scan3A_12, %mul3A_14 : i32
      %add3A_16 = arith.addi %mul3A_4, %mul3A_15 : i32
      %run_scoped3A = arith.constant 1 : i32
      %run_scoped3A_17 = arith.constant 0 : i32
      "tpu.region"() ({
        %run_scoped3A_28 = tpu.sem_alloc : memref<!tpu.dma_semaphore, #tpu.memory_space<semaphore_mem>>
        %dma_start3A = arith.constant 0 : i32
        %dma_start3A_29 = arith.constant 0 : i32
        %dma_start3A_30 = tpu.memref_slice %arg6[%run_scoped3A_17, %dma_start3A, %dma_start3A_29] : memref<2x40x128xi32, #tpu.memory_space<vmem>> -> memref<1x40x128xi32, #tpu.memory_space<vmem>>
        %dma_start3A_31 = tpu.memref_squeeze %dma_start3A_30 : memref<1x40x128xi32, #tpu.memory_space<vmem>> -> memref<40x128xi32, #tpu.memory_space<vmem>>
        %dma_start3A_32 = arith.constant 0 : i32
        %dma_start3A_33 = tpu.memref_slice %arg3[%run_scoped3A, %add3A_16, %dma_start3A_32] : memref<2x2560x128xi32, #tpu.memory_space<hbm>> -> memref<1x40x128xi32, #tpu.memory_space<hbm>>
        %dma_start3A_34 = tpu.memref_squeeze %dma_start3A_33 : memref<1x40x128xi32, #tpu.memory_space<hbm>> -> memref<40x128xi32, #tpu.memory_space<hbm>>
        %dma_start3A_35 = arith.constant 0 : i32
        %dma_start3A_36 = arith.constant 0 : i32
        %dma_start3A_37 = tpu.memref_slice %arg6[%run_scoped3A_17, %dma_start3A_35, %dma_start3A_36] : memref<2x40x128xi32, #tpu.memory_space<vmem>> -> memref<1x40x128xi32, #tpu.memory_space<vmem>>
        %dma_start3A_38 = tpu.memref_squeeze %dma_start3A_37 : memref<1x40x128xi32, #tpu.memory_space<vmem>> -> memref<40x128xi32, #tpu.memory_space<vmem>>
        %dma_start3A_39 = arith.constant 0 : i32
        %dma_start3A_40 = tpu.memref_slice %arg3[%run_scoped3A, %add3A_16, %dma_start3A_39] : memref<2x2560x128xi32, #tpu.memory_space<hbm>> -> memref<1x40x128xi32, #tpu.memory_space<hbm>>
        %dma_start3A_41 = tpu.memref_squeeze %dma_start3A_40 : memref<1x40x128xi32, #tpu.memory_space<hbm>> -> memref<40x128xi32, #tpu.memory_space<hbm>>
        tpu.enqueue_dma source(%dma_start3A_41 : memref<40x128xi32, #tpu.memory_space<hbm>>) target(%dma_start3A_38 : memref<40x128xi32, #tpu.memory_space<vmem>>) target_semaphore(%run_scoped3A_28 : memref<!tpu.dma_semaphore, #tpu.memory_space<semaphore_mem>>)
        %dma_wait3A = arith.constant 0 : i32
        %dma_wait3A_42 = arith.constant 0 : i32
        %dma_wait3A_43 = tpu.memref_slice %arg6[%run_scoped3A_17, %dma_wait3A, %dma_wait3A_42] : memref<2x40x128xi32, #tpu.memory_space<vmem>> -> memref<1x40x128xi32, #tpu.memory_space<vmem>>
        %dma_wait3A_44 = tpu.memref_squeeze %dma_wait3A_43 : memref<1x40x128xi32, #tpu.memory_space<vmem>> -> memref<40x128xi32, #tpu.memory_space<vmem>>
        %dma_wait3A_45 = arith.constant 0 : i32
        %dma_wait3A_46 = tpu.memref_slice %arg3[%run_scoped3A, %add3A_16, %dma_wait3A_45] : memref<2x2560x128xi32, #tpu.memory_space<hbm>> -> memref<1x40x128xi32, #tpu.memory_space<hbm>>
        %dma_wait3A_47 = tpu.memref_squeeze %dma_wait3A_46 : memref<1x40x128xi32, #tpu.memory_space<hbm>> -> memref<40x128xi32, #tpu.memory_space<hbm>>
        %dma_wait3A_48 = arith.constant 0 : i32
        %dma_wait3A_49 = arith.constant 0 : i32
        %dma_wait3A_50 = tpu.memref_slice %arg6[%run_scoped3A_17, %dma_wait3A_48, %dma_wait3A_49] : memref<2x40x128xi32, #tpu.memory_space<vmem>> -> memref<1x40x128xi32, #tpu.memory_space<vmem>>
        %dma_wait3A_51 = tpu.memref_squeeze %dma_wait3A_50 : memref<1x40x128xi32, #tpu.memory_space<vmem>> -> memref<40x128xi32, #tpu.memory_space<vmem>>
        %dma_wait3A_52 = arith.constant 0 : i32
        %dma_wait3A_53 = tpu.memref_slice %arg3[%run_scoped3A, %add3A_16, %dma_wait3A_52] : memref<2x2560x128xi32, #tpu.memory_space<hbm>> -> memref<1x40x128xi32, #tpu.memory_space<hbm>>
        %dma_wait3A_54 = tpu.memref_squeeze %dma_wait3A_53 : memref<1x40x128xi32, #tpu.memory_space<hbm>> -> memref<40x128xi32, #tpu.memory_space<hbm>>
        tpu.wait_dma2 semaphore(%run_scoped3A_28 : memref<!tpu.dma_semaphore, #tpu.memory_space<semaphore_mem>>) src(%dma_wait3A_54 : memref<40x128xi32, #tpu.memory_space<hbm>>) dst(%dma_wait3A_51 : memref<40x128xi32, #tpu.memory_space<vmem>>)
        tpu.yield
      }) : () -> ()
      %run_scoped3A_18 = arith.constant 0 : i32
      %run_scoped3A_19 = arith.constant 1 : i32
      "tpu.region"() ({
        %run_scoped3A_28 = tpu.sem_alloc : memref<!tpu.dma_semaphore, #tpu.memory_space<semaphore_mem>>
        %dma_start3A = arith.constant 0 : i32
        %dma_start3A_29 = arith.constant 0 : i32
        %dma_start3A_30 = tpu.memref_slice %arg6[%run_scoped3A_19, %dma_start3A, %dma_start3A_29] : memref<2x40x128xi32, #tpu.memory_space<vmem>> -> memref<1x40x128xi32, #tpu.memory_space<vmem>>
        %dma_start3A_31 = tpu.memref_squeeze %dma_start3A_30 : memref<1x40x128xi32, #tpu.memory_space<vmem>> -> memref<40x128xi32, #tpu.memory_space<vmem>>
        %dma_start3A_32 = arith.constant 0 : i32
        %dma_start3A_33 = tpu.memref_slice %arg3[%run_scoped3A_18, %add3A_16, %dma_start3A_32] : memref<2x2560x128xi32, #tpu.memory_space<hbm>> -> memref<1x40x128xi32, #tpu.memory_space<hbm>>
        %dma_start3A_34 = tpu.memref_squeeze %dma_start3A_33 : memref<1x40x128xi32, #tpu.memory_space<hbm>> -> memref<40x128xi32, #tpu.memory_space<hbm>>
        %dma_start3A_35 = arith.constant 0 : i32
        %dma_start3A_36 = arith.constant 0 : i32
        %dma_start3A_37 = tpu.memref_slice %arg6[%run_scoped3A_19, %dma_start3A_35, %dma_start3A_36] : memref<2x40x128xi32, #tpu.memory_space<vmem>> -> memref<1x40x128xi32, #tpu.memory_space<vmem>>
        %dma_start3A_38 = tpu.memref_squeeze %dma_start3A_37 : memref<1x40x128xi32, #tpu.memory_space<vmem>> -> memref<40x128xi32, #tpu.memory_space<vmem>>
        %dma_start3A_39 = arith.constant 0 : i32
        %dma_start3A_40 = tpu.memref_slice %arg3[%run_scoped3A_18, %add3A_16, %dma_start3A_39] : memref<2x2560x128xi32, #tpu.memory_space<hbm>> -> memref<1x40x128xi32, #tpu.memory_space<hbm>>
        %dma_start3A_41 = tpu.memref_squeeze %dma_start3A_40 : memref<1x40x128xi32, #tpu.memory_space<hbm>> -> memref<40x128xi32, #tpu.memory_space<hbm>>
        tpu.enqueue_dma source(%dma_start3A_41 : memref<40x128xi32, #tpu.memory_space<hbm>>) target(%dma_start3A_38 : memref<40x128xi32, #tpu.memory_space<vmem>>) target_semaphore(%run_scoped3A_28 : memref<!tpu.dma_semaphore, #tpu.memory_space<semaphore_mem>>)
        %dma_wait3A = arith.constant 0 : i32
        %dma_wait3A_42 = arith.constant 0 : i32
        %dma_wait3A_43 = tpu.memref_slice %arg6[%run_scoped3A_19, %dma_wait3A, %dma_wait3A_42] : memref<2x40x128xi32, #tpu.memory_space<vmem>> -> memref<1x40x128xi32, #tpu.memory_space<vmem>>
        %dma_wait3A_44 = tpu.memref_squeeze %dma_wait3A_43 : memref<1x40x128xi32, #tpu.memory_space<vmem>> -> memref<40x128xi32, #tpu.memory_space<vmem>>
        %dma_wait3A_45 = arith.constant 0 : i32
        %dma_wait3A_46 = tpu.memref_slice %arg3[%run_scoped3A_18, %add3A_16, %dma_wait3A_45] : memref<2x2560x128xi32, #tpu.memory_space<hbm>> -> memref<1x40x128xi32, #tpu.memory_space<hbm>>
        %dma_wait3A_47 = tpu.memref_squeeze %dma_wait3A_46 : memref<1x40x128xi32, #tpu.memory_space<hbm>> -> memref<40x128xi32, #tpu.memory_space<hbm>>
        %dma_wait3A_48 = arith.constant 0 : i32
        %dma_wait3A_49 = arith.constant 0 : i32
        %dma_wait3A_50 = tpu.memref_slice %arg6[%run_scoped3A_19, %dma_wait3A_48, %dma_wait3A_49] : memref<2x40x128xi32, #tpu.memory_space<vmem>> -> memref<1x40x128xi32, #tpu.memory_space<vmem>>
        %dma_wait3A_51 = tpu.memref_squeeze %dma_wait3A_50 : memref<1x40x128xi32, #tpu.memory_space<vmem>> -> memref<40x128xi32, #tpu.memory_space<vmem>>
        %dma_wait3A_52 = arith.constant 0 : i32
        %dma_wait3A_53 = tpu.memref_slice %arg3[%run_scoped3A_18, %add3A_16, %dma_wait3A_52] : memref<2x2560x128xi32, #tpu.memory_space<hbm>> -> memref<1x40x128xi32, #tpu.memory_space<hbm>>
        %dma_wait3A_54 = tpu.memref_squeeze %dma_wait3A_53 : memref<1x40x128xi32, #tpu.memory_space<hbm>> -> memref<40x128xi32, #tpu.memory_space<hbm>>
        tpu.wait_dma2 semaphore(%run_scoped3A_28 : memref<!tpu.dma_semaphore, #tpu.memory_space<semaphore_mem>>) src(%dma_wait3A_54 : memref<40x128xi32, #tpu.memory_space<hbm>>) dst(%dma_wait3A_51 : memref<40x128xi32, #tpu.memory_space<vmem>>)
        tpu.yield
      }) : () -> ()
      %scan3A_20 = arith.constant 0 : i32
      %scan3A_21 = arith.constant 0 : i32
      %scan3A_22 = arith.constant 20 : i32
      %scan3A_23 = arith.addi %scan3A_21, %scan3A_22 : i32
      %scan3A_24 = arith.constant 1 : i32
      %scan3A_25 = scf.for %scan3A_28 = %scan3A_21 to %scan3A_23 step %scan3A_24 iter_args(%scan3A_29 = %scan3A_20) -> (i32)  : i32 {
        %mul3A_30 = arith.constant 2 : i32
        %mul3A_31 = arith.muli %scan3A_28, %mul3A_30 : i32
        %add3A_32 = arith.constant 0 : i32
        %add3A_33 = arith.addi %mul3A_31, %add3A_32 : i32
        %dma_start3A = arith.constant 0 : i32
        %dma_start3A_34 = arith.constant 0 : i32
        %dma_start3A_35 = arith.constant 0 : i32
        %dma_start3A_36 = arith.constant 0 : i32
        %dma_start3A_37 = tpu.memref_slice %arg7[%dma_start3A_34, %dma_start3A_35, %dma_start3A_36] : memref<2x128x128xf32, #tpu.memory_space<vmem>> -> memref<1x128x128xf32, #tpu.memory_space<vmem>>
        %dma_start3A_38 = tpu.memref_squeeze %dma_start3A_37 : memref<1x128x128xf32, #tpu.memory_space<vmem>> -> memref<128x128xf32, #tpu.memory_space<vmem>>
        %dma_start3A_39 = arith.constant 0 : i32
        %dma_start3A_40 = tpu.memref_slice %arg6[%dma_start3A, %add3A_33, %dma_start3A_39] : memref<2x40x128xi32, #tpu.memory_space<vmem>> -> memref<1x1x128xi32, #tpu.memory_space<vmem>>
        %dma_start3A_41 = tpu.memref_squeeze %dma_start3A_40 : memref<1x1x128xi32, #tpu.memory_space<vmem>> -> memref<128xi32, #tpu.memory_space<vmem>>
        %dma_start3A_42 = arith.constant 0 : i32
        %dma_start3A_43 = arith.constant 0 : i32
        %dma_start3A_44 = tpu.memref_slice %arg2[%dma_start3A_42, %dma_start3A_43] : memref<10240x128xf32, #tpu.memory_space<hbm>> -> memref<10240x128xf32, #tpu.memory_space<hbm>>
        tpu.enqueue_indirect_dma source(%dma_start3A_44 : memref<10240x128xf32, #tpu.memory_space<hbm>>) target(%dma_start3A_38 : memref<128x128xf32, #tpu.memory_space<vmem>>) offsets(%dma_start3A_41 : memref<128xi32, #tpu.memory_space<vmem>>) semaphore(%arg10 : memref<!tpu.dma_semaphore, #tpu.memory_space<semaphore_mem>>)
        %add3A_45 = arith.constant 1 : i32
        %add3A_46 = arith.addi %mul3A_31, %add3A_45 : i32
        %dma_start3A_47 = arith.constant 0 : i32
        %dma_start3A_48 = arith.constant 1 : i32
        %dma_start3A_49 = arith.constant 0 : i32
        %dma_start3A_50 = arith.constant 0 : i32
        %dma_start3A_51 = tpu.memref_slice %arg7[%dma_start3A_48, %dma_start3A_49, %dma_start3A_50] : memref<2x128x128xf32, #tpu.memory_space<vmem>> -> memref<1x128x128xf32, #tpu.memory_space<vmem>>
        %dma_start3A_52 = tpu.memref_squeeze %dma_start3A_51 : memref<1x128x128xf32, #tpu.memory_space<vmem>> -> memref<128x128xf32, #tpu.memory_space<vmem>>
        %dma_start3A_53 = arith.constant 0 : i32
        %dma_start3A_54 = tpu.memref_slice %arg6[%dma_start3A_47, %add3A_46, %dma_start3A_53] : memref<2x40x128xi32, #tpu.memory_space<vmem>> -> memref<1x1x128xi32, #tpu.memory_space<vmem>>
        %dma_start3A_55 = tpu.memref_squeeze %dma_start3A_54 : memref<1x1x128xi32, #tpu.memory_space<vmem>> -> memref<128xi32, #tpu.memory_space<vmem>>
        %dma_start3A_56 = arith.constant 0 : i32
        %dma_start3A_57 = arith.constant 0 : i32
        %dma_start3A_58 = tpu.memref_slice %arg2[%dma_start3A_56, %dma_start3A_57] : memref<10240x128xf32, #tpu.memory_space<hbm>> -> memref<10240x128xf32, #tpu.memory_space<hbm>>
        tpu.enqueue_indirect_dma source(%dma_start3A_58 : memref<10240x128xf32, #tpu.memory_space<hbm>>) target(%dma_start3A_52 : memref<128x128xf32, #tpu.memory_space<vmem>>) offsets(%dma_start3A_55 : memref<128xi32, #tpu.memory_space<vmem>>) semaphore(%arg11 : memref<!tpu.dma_semaphore, #tpu.memory_space<semaphore_mem>>)
        %dma_wait3A = arith.constant 0 : i32
        %dma_wait3A_59 = arith.constant 0 : i32
        %dma_wait3A_60 = arith.constant 0 : i32
        %dma_wait3A_61 = arith.constant 0 : i32
        %dma_wait3A_62 = tpu.memref_slice %arg7[%dma_wait3A_59, %dma_wait3A_60, %dma_wait3A_61] : memref<2x128x128xf32, #tpu.memory_space<vmem>> -> memref<1x128x128xf32, #tpu.memory_space<vmem>>
        %dma_wait3A_63 = tpu.memref_squeeze %dma_wait3A_62 : memref<1x128x128xf32, #tpu.memory_space<vmem>> -> memref<128x128xf32, #tpu.memory_space<vmem>>
        %dma_wait3A_64 = arith.constant 0 : i32
        %dma_wait3A_65 = tpu.memref_slice %arg6[%dma_wait3A, %add3A_33, %dma_wait3A_64] : memref<2x40x128xi32, #tpu.memory_space<vmem>> -> memref<1x1x128xi32, #tpu.memory_space<vmem>>
        %dma_wait3A_66 = tpu.memref_squeeze %dma_wait3A_65 : memref<1x1x128xi32, #tpu.memory_space<vmem>> -> memref<128xi32, #tpu.memory_space<vmem>>
        %dma_wait3A_67 = arith.constant 0 : i32
        %dma_wait3A_68 = arith.constant 0 : i32
        %dma_wait3A_69 = tpu.memref_slice %arg2[%dma_wait3A_67, %dma_wait3A_68] : memref<10240x128xf32, #tpu.memory_space<hbm>> -> memref<10240x128xf32, #tpu.memory_space<hbm>>
        tpu.wait_indirect_dma semaphore(%arg10 : memref<!tpu.dma_semaphore, #tpu.memory_space<semaphore_mem>>) src(%dma_wait3A_69 : memref<10240x128xf32, #tpu.memory_space<hbm>>) dst(%dma_wait3A_63 : memref<128x128xf32, #tpu.memory_space<vmem>>)
        %add3A_70 = arith.constant 0 : i32
        %add3A_71 = arith.addi %mul3A_31, %add3A_70 : i32
        %dma_start3A_72 = arith.constant 0 : i32
        %dma_start3A_73 = arith.constant 1 : i32
        %dma_start3A_74 = arith.constant 0 : i32
        %dma_start3A_75 = arith.constant 0 : i32
        %dma_start3A_76 = tpu.memref_slice %arg7[%dma_start3A_72, %dma_start3A_74, %dma_start3A_75] : memref<2x128x128xf32, #tpu.memory_space<vmem>> -> memref<1x128x128xf32, #tpu.memory_space<vmem>>
        %dma_start3A_77 = tpu.memref_squeeze %dma_start3A_76 : memref<1x128x128xf32, #tpu.memory_space<vmem>> -> memref<128x128xf32, #tpu.memory_space<vmem>>
        %dma_start3A_78 = arith.constant 0 : i32
        %dma_start3A_79 = tpu.memref_slice %arg6[%dma_start3A_73, %add3A_71, %dma_start3A_78] : memref<2x40x128xi32, #tpu.memory_space<vmem>> -> memref<1x1x128xi32, #tpu.memory_space<vmem>>
        %dma_start3A_80 = tpu.memref_squeeze %dma_start3A_79 : memref<1x1x128xi32, #tpu.memory_space<vmem>> -> memref<128xi32, #tpu.memory_space<vmem>>
        %dma_start3A_81 = arith.constant 0 : i32
        %dma_start3A_82 = arith.constant 0 : i32
        %dma_start3A_83 = tpu.memref_slice %arg8[%dma_start3A_81, %dma_start3A_82] : memref<10240x128xf32, #tpu.memory_space<vmem_shared>> -> memref<10240x128xf32, #tpu.memory_space<vmem_shared>>
        tpu.enqueue_indirect_dma source(%dma_start3A_77 : memref<128x128xf32, #tpu.memory_space<vmem>>) target(%dma_start3A_83 : memref<10240x128xf32, #tpu.memory_space<vmem_shared>>) offsets(%dma_start3A_80 : memref<128xi32, #tpu.memory_space<vmem>>) semaphore(%arg9 : memref<!tpu.dma_semaphore, #tpu.memory_space<semaphore_mem>>) {add = true}
        %dma_wait3A_84 = arith.constant 0 : i32
        %dma_wait3A_85 = arith.constant 1 : i32
        %dma_wait3A_86 = arith.constant 0 : i32
        %dma_wait3A_87 = arith.constant 0 : i32
        %dma_wait3A_88 = tpu.memref_slice %arg7[%dma_wait3A_85, %dma_wait3A_86, %dma_wait3A_87] : memref<2x128x128xf32, #tpu.memory_space<vmem>> -> memref<1x128x128xf32, #tpu.memory_space<vmem>>
        %dma_wait3A_89 = tpu.memref_squeeze %dma_wait3A_88 : memref<1x128x128xf32, #tpu.memory_space<vmem>> -> memref<128x128xf32, #tpu.memory_space<vmem>>
        %dma_wait3A_90 = arith.constant 0 : i32
        %dma_wait3A_91 = tpu.memref_slice %arg6[%dma_wait3A_84, %add3A_46, %dma_wait3A_90] : memref<2x40x128xi32, #tpu.memory_space<vmem>> -> memref<1x1x128xi32, #tpu.memory_space<vmem>>
        %dma_wait3A_92 = tpu.memref_squeeze %dma_wait3A_91 : memref<1x1x128xi32, #tpu.memory_space<vmem>> -> memref<128xi32, #tpu.memory_space<vmem>>
        %dma_wait3A_93 = arith.constant 0 : i32
        %dma_wait3A_94 = arith.constant 0 : i32
        %dma_wait3A_95 = tpu.memref_slice %arg2[%dma_wait3A_93, %dma_wait3A_94] : memref<10240x128xf32, #tpu.memory_space<hbm>> -> memref<10240x128xf32, #tpu.memory_space<hbm>>
        tpu.wait_indirect_dma semaphore(%arg11 : memref<!tpu.dma_semaphore, #tpu.memory_space<semaphore_mem>>) src(%dma_wait3A_95 : memref<10240x128xf32, #tpu.memory_space<hbm>>) dst(%dma_wait3A_89 : memref<128x128xf32, #tpu.memory_space<vmem>>)
        %add3A_96 = arith.constant 1 : i32
        %add3A_97 = arith.addi %mul3A_31, %add3A_96 : i32
        %dma_start3A_98 = arith.constant 1 : i32
        %dma_start3A_99 = arith.constant 1 : i32
        %dma_start3A_100 = arith.constant 0 : i32
        %dma_start3A_101 = arith.constant 0 : i32
        %dma_start3A_102 = tpu.memref_slice %arg7[%dma_start3A_98, %dma_start3A_100, %dma_start3A_101] : memref<2x128x128xf32, #tpu.memory_space<vmem>> -> memref<1x128x128xf32, #tpu.memory_space<vmem>>
        %dma_start3A_103 = tpu.memref_squeeze %dma_start3A_102 : memref<1x128x128xf32, #tpu.memory_space<vmem>> -> memref<128x128xf32, #tpu.memory_space<vmem>>
        %dma_start3A_104 = arith.constant 0 : i32
        %dma_start3A_105 = tpu.memref_slice %arg6[%dma_start3A_99, %add3A_97, %dma_start3A_104] : memref<2x40x128xi32, #tpu.memory_space<vmem>> -> memref<1x1x128xi32, #tpu.memory_space<vmem>>
        %dma_start3A_106 = tpu.memref_squeeze %dma_start3A_105 : memref<1x1x128xi32, #tpu.memory_space<vmem>> -> memref<128xi32, #tpu.memory_space<vmem>>
        %dma_start3A_107 = arith.constant 0 : i32
        %dma_start3A_108 = arith.constant 0 : i32
        %dma_start3A_109 = tpu.memref_slice %arg8[%dma_start3A_107, %dma_start3A_108] : memref<10240x128xf32, #tpu.memory_space<vmem_shared>> -> memref<10240x128xf32, #tpu.memory_space<vmem_shared>>
        tpu.enqueue_indirect_dma source(%dma_start3A_103 : memref<128x128xf32, #tpu.memory_space<vmem>>) target(%dma_start3A_109 : memref<10240x128xf32, #tpu.memory_space<vmem_shared>>) offsets(%dma_start3A_106 : memref<128xi32, #tpu.memory_space<vmem>>) semaphore(%arg9 : memref<!tpu.dma_semaphore, #tpu.memory_space<semaphore_mem>>) {add = true}
        %dma_wait3A_110 = arith.constant 0 : i32
        %dma_wait3A_111 = arith.constant 1 : i32
        %dma_wait3A_112 = arith.constant 0 : i32
        %dma_wait3A_113 = arith.constant 0 : i32
        %dma_wait3A_114 = tpu.memref_slice %arg7[%dma_wait3A_110, %dma_wait3A_112, %dma_wait3A_113] : memref<2x128x128xf32, #tpu.memory_space<vmem>> -> memref<1x128x128xf32, #tpu.memory_space<vmem>>
        %dma_wait3A_115 = tpu.memref_squeeze %dma_wait3A_114 : memref<1x128x128xf32, #tpu.memory_space<vmem>> -> memref<128x128xf32, #tpu.memory_space<vmem>>
        %dma_wait3A_116 = arith.constant 0 : i32
        %dma_wait3A_117 = tpu.memref_slice %arg6[%dma_wait3A_111, %add3A_71, %dma_wait3A_116] : memref<2x40x128xi32, #tpu.memory_space<vmem>> -> memref<1x1x128xi32, #tpu.memory_space<vmem>>
        %dma_wait3A_118 = tpu.memref_squeeze %dma_wait3A_117 : memref<1x1x128xi32, #tpu.memory_space<vmem>> -> memref<128xi32, #tpu.memory_space<vmem>>
        %dma_wait3A_119 = arith.constant 0 : i32
        %dma_wait3A_120 = arith.constant 0 : i32
        %dma_wait3A_121 = tpu.memref_slice %arg8[%dma_wait3A_119, %dma_wait3A_120] : memref<10240x128xf32, #tpu.memory_space<vmem_shared>> -> memref<10240x128xf32, #tpu.memory_space<vmem_shared>>
        tpu.wait_indirect_dma semaphore(%arg9 : memref<!tpu.dma_semaphore, #tpu.memory_space<semaphore_mem>>) src(%dma_wait3A_115 : memref<128x128xf32, #tpu.memory_space<vmem>>) dst(%dma_wait3A_121 : memref<10240x128xf32, #tpu.memory_space<vmem_shared>>)
        %dma_wait3A_122 = arith.constant 1 : i32
        %dma_wait3A_123 = arith.constant 1 : i32
        %dma_wait3A_124 = arith.constant 0 : i32
        %dma_wait3A_125 = arith.constant 0 : i32
        %dma_wait3A_126 = tpu.memref_slice %arg7[%dma_wait3A_122, %dma_wait3A_124, %dma_wait3A_125] : memref<2x128x128xf32, #tpu.memory_space<vmem>> -> memref<1x128x128xf32, #tpu.memory_space<vmem>>
        %dma_wait3A_127 = tpu.memref_squeeze %dma_wait3A_126 : memref<1x128x128xf32, #tpu.memory_space<vmem>> -> memref<128x128xf32, #tpu.memory_space<vmem>>
        %dma_wait3A_128 = arith.constant 0 : i32
        %dma_wait3A_129 = tpu.memref_slice %arg6[%dma_wait3A_123, %add3A_97, %dma_wait3A_128] : memref<2x40x128xi32, #tpu.memory_space<vmem>> -> memref<1x1x128xi32, #tpu.memory_space<vmem>>
        %dma_wait3A_130 = tpu.memref_squeeze %dma_wait3A_129 : memref<1x1x128xi32, #tpu.memory_space<vmem>> -> memref<128xi32, #tpu.memory_space<vmem>>
        %dma_wait3A_131 = arith.constant 0 : i32
        %dma_wait3A_132 = arith.constant 0 : i32
        %dma_wait3A_133 = tpu.memref_slice %arg8[%dma_wait3A_131, %dma_wait3A_132] : memref<10240x128xf32, #tpu.memory_space<vmem_shared>> -> memref<10240x128xf32, #tpu.memory_space<vmem_shared>>
        tpu.wait_indirect_dma semaphore(%arg9 : memref<!tpu.dma_semaphore, #tpu.memory_space<semaphore_mem>>) src(%dma_wait3A_127 : memref<128x128xf32, #tpu.memory_space<vmem>>) dst(%dma_wait3A_133 : memref<10240x128xf32, #tpu.memory_space<vmem_shared>>)
        %scan3A_134 = arith.constant 0 : i32
        scf.yield %scan3A_134 : i32
      }
      %scan3A_26 = arith.constant 20 : i32
      %scan3A_27 = arith.constant 0 : i32
      scf.yield %scan3A_27 : i32
    }
    %scan3A_10 = arith.constant 2 : i32
    %barrier3A_11 = arith.constant 0 : index
    tpu.barrier barrier_id(%barrier3A_11)
    "tpu.region"() ({
      %run_scoped3A = tpu.sem_alloc : memref<!tpu.dma_semaphore, #tpu.memory_space<semaphore_mem>>
      %dma_start3A = arith.constant 0 : i32
      %dma_start3A_12 = tpu.memref_slice %arg5[%arg0, %mul3A_2, %dma_start3A] : memref<2x10240x128xf32, #tpu.memory_space<hbm>> -> memref<1x640x128xf32, #tpu.memory_space<hbm>>
      %dma_start3A_13 = tpu.memref_squeeze %dma_start3A_12 : memref<1x640x128xf32, #tpu.memory_space<hbm>> -> memref<640x128xf32, #tpu.memory_space<hbm>>
      %dma_start3A_14 = arith.constant 0 : i32
      %dma_start3A_15 = tpu.memref_slice %arg8[%mul3A_2, %dma_start3A_14] : memref<10240x128xf32, #tpu.memory_space<vmem_shared>> -> memref<640x128xf32, #tpu.memory_space<vmem_shared>>
      tpu.enqueue_dma source(%dma_start3A_15 : memref<640x128xf32, #tpu.memory_space<vmem_shared>>) target(%dma_start3A_13 : memref<640x128xf32, #tpu.memory_space<hbm>>) target_semaphore(%run_scoped3A : memref<!tpu.dma_semaphore, #tpu.memory_space<semaphore_mem>>)
      %dma_wait3A = arith.constant 0 : i32
      %dma_wait3A_16 = tpu.memref_slice %arg5[%arg0, %mul3A_2, %dma_wait3A] : memref<2x10240x128xf32, #tpu.memory_space<hbm>> -> memref<1x640x128xf32, #tpu.memory_space<hbm>>
      %dma_wait3A_17 = tpu.memref_squeeze %dma_wait3A_16 : memref<1x640x128xf32, #tpu.memory_space<hbm>> -> memref<640x128xf32, #tpu.memory_space<hbm>>
      %dma_wait3A_18 = arith.constant 0 : i32
      %dma_wait3A_19 = tpu.memref_slice %arg8[%mul3A_2, %dma_wait3A_18] : memref<10240x128xf32, #tpu.memory_space<vmem_shared>> -> memref<640x128xf32, #tpu.memory_space<vmem_shared>>
      tpu.wait_dma2 semaphore(%run_scoped3A : memref<!tpu.dma_semaphore, #tpu.memory_space<semaphore_mem>>) src(%dma_wait3A_19 : memref<640x128xf32, #tpu.memory_space<vmem_shared>>) dst(%dma_wait3A_17 : memref<640x128xf32, #tpu.memory_space<hbm>>)
      tpu.yield
    }) : () -> ()
    return
  }
}

#map = affine_map<(d0, d1) -> (0, 0)>
#map1 = affine_map<(d0, d1) -> (0, 0, 0)>
module attributes {stable_mosaic.version = 14 : i64} {
  func.func @k(%arg0: i32, %arg1: i32, %arg2: memref<10240x48xf32, #tpu.memory_space<hbm>>, %arg3: memref<2x2560x128xi32, #tpu.memory_space<hbm>>, %arg4: memref<640x48xf32, #tpu.memory_space<hbm>>, %arg5: memref<2x10240x48xf32, #tpu.memory_space<hbm>>, %arg6: memref<2x80x128xi32, #tpu.memory_space<vmem>>, %arg7: memref<8x128x48xf32, #tpu.memory_space<vmem>>, %arg8: memref<10240x48xf32, #tpu.memory_space<vmem_shared>>, %arg9: memref<!tpu.dma_semaphore, #tpu.memory_space<semaphore_mem>>, %arg10: memref<!tpu.dma_semaphore, #tpu.memory_space<semaphore_mem>>, %arg11: memref<!tpu.dma_semaphore, #tpu.memory_space<semaphore_mem>>, %arg12: memref<!tpu.dma_semaphore, #tpu.memory_space<semaphore_mem>>, %arg13: memref<!tpu.dma_semaphore, #tpu.memory_space<semaphore_mem>>, %arg14: memref<!tpu.dma_semaphore, #tpu.memory_space<semaphore_mem>>, %arg15: memref<!tpu.dma_semaphore, #tpu.memory_space<semaphore_mem>>, %arg16: memref<!tpu.dma_semaphore, #tpu.memory_space<semaphore_mem>>, %arg17: memref<!tpu.dma_semaphore, #tpu.memory_space<semaphore_mem>>) attributes {dimension_semantics = [#tpu.dimension_semantics<core_parallel>, #tpu.dimension_semantics<subcore_parallel>], iteration_bounds = array<i64: 2, 16>, scalar_prefetch = 0 : i64, scratch_operands = 12 : i64, tpu.core_type = #tpu.core_type<sc_vector_subcore>, window_params = [{transform_indices = #map}, {transform_indices = #map1}, {transform_indices = #map}, {transform_indices = #map1}]} {
    %mul3A = arith.constant 2 : i32
    %mul3A_0 = arith.muli %arg1, %mul3A : i32
    %add3A = arith.addi %mul3A_0, %arg0 : i32
    %mul3A_1 = arith.constant 640 : i32
    %mul3A_2 = arith.muli %arg1, %mul3A_1 : i32
    "tpu.region"() ({
      %run_scoped3A_22 = tpu.sem_alloc : memref<!tpu.dma_semaphore, #tpu.memory_space<semaphore_mem>>
      %dma_start3A = arith.constant 0 : i32
      %dma_start3A_23 = tpu.memref_slice %arg8[%mul3A_2, %dma_start3A] : memref<10240x48xf32, #tpu.memory_space<vmem_shared>> -> memref<640x48xf32, #tpu.memory_space<vmem_shared>>
      tpu.enqueue_dma source(%arg4 : memref<640x48xf32, #tpu.memory_space<hbm>>) target(%dma_start3A_23 : memref<640x48xf32, #tpu.memory_space<vmem_shared>>) target_semaphore(%run_scoped3A_22 : memref<!tpu.dma_semaphore, #tpu.memory_space<semaphore_mem>>)
      %dma_wait3A = arith.constant 0 : i32
      %dma_wait3A_24 = tpu.memref_slice %arg8[%mul3A_2, %dma_wait3A] : memref<10240x48xf32, #tpu.memory_space<vmem_shared>> -> memref<640x48xf32, #tpu.memory_space<vmem_shared>>
      tpu.wait_dma2 semaphore(%run_scoped3A_22 : memref<!tpu.dma_semaphore, #tpu.memory_space<semaphore_mem>>) src(%arg4 : memref<640x48xf32, #tpu.memory_space<hbm>>) dst(%dma_wait3A_24 : memref<640x48xf32, #tpu.memory_space<vmem_shared>>)
      tpu.yield
    }) : () -> ()
    %mul3A_3 = arith.constant 80 : i32
    %mul3A_4 = arith.muli %add3A, %mul3A_3 : i32
    %barrier3A = arith.constant 0 : index
    tpu.barrier barrier_id(%barrier3A)
    %scan3A = arith.constant 0 : i32
    %scan3A_5 = arith.constant 0 : i32
    %mul3A_6 = arith.constant 80 : i32
    %mul3A_7 = arith.muli %scan3A_5, %mul3A_6 : i32
    %add3A_8 = arith.addi %mul3A_4, %mul3A_7 : i32
    %run_scoped3A = arith.constant 1 : i32
    %run_scoped3A_9 = arith.constant 0 : i32
    "tpu.region"() ({
      %run_scoped3A_22 = tpu.sem_alloc : memref<!tpu.dma_semaphore, #tpu.memory_space<semaphore_mem>>
      %dma_start3A = arith.constant 0 : i32
      %dma_start3A_23 = arith.constant 0 : i32
      %dma_start3A_24 = tpu.memref_slice %arg6[%run_scoped3A_9, %dma_start3A, %dma_start3A_23] : memref<2x80x128xi32, #tpu.memory_space<vmem>> -> memref<1x80x128xi32, #tpu.memory_space<vmem>>
      %dma_start3A_25 = tpu.memref_squeeze %dma_start3A_24 : memref<1x80x128xi32, #tpu.memory_space<vmem>> -> memref<80x128xi32, #tpu.memory_space<vmem>>
      %dma_start3A_26 = arith.constant 0 : i32
      %dma_start3A_27 = tpu.memref_slice %arg3[%run_scoped3A, %add3A_8, %dma_start3A_26] : memref<2x2560x128xi32, #tpu.memory_space<hbm>> -> memref<1x80x128xi32, #tpu.memory_space<hbm>>
      %dma_start3A_28 = tpu.memref_squeeze %dma_start3A_27 : memref<1x80x128xi32, #tpu.memory_space<hbm>> -> memref<80x128xi32, #tpu.memory_space<hbm>>
      %dma_start3A_29 = arith.constant 0 : i32
      %dma_start3A_30 = arith.constant 0 : i32
      %dma_start3A_31 = tpu.memref_slice %arg6[%run_scoped3A_9, %dma_start3A_29, %dma_start3A_30] : memref<2x80x128xi32, #tpu.memory_space<vmem>> -> memref<1x80x128xi32, #tpu.memory_space<vmem>>
      %dma_start3A_32 = tpu.memref_squeeze %dma_start3A_31 : memref<1x80x128xi32, #tpu.memory_space<vmem>> -> memref<80x128xi32, #tpu.memory_space<vmem>>
      %dma_start3A_33 = arith.constant 0 : i32
      %dma_start3A_34 = tpu.memref_slice %arg3[%run_scoped3A, %add3A_8, %dma_start3A_33] : memref<2x2560x128xi32, #tpu.memory_space<hbm>> -> memref<1x80x128xi32, #tpu.memory_space<hbm>>
      %dma_start3A_35 = tpu.memref_squeeze %dma_start3A_34 : memref<1x80x128xi32, #tpu.memory_space<hbm>> -> memref<80x128xi32, #tpu.memory_space<hbm>>
      tpu.enqueue_dma source(%dma_start3A_35 : memref<80x128xi32, #tpu.memory_space<hbm>>) target(%dma_start3A_32 : memref<80x128xi32, #tpu.memory_space<vmem>>) target_semaphore(%run_scoped3A_22 : memref<!tpu.dma_semaphore, #tpu.memory_space<semaphore_mem>>)
      %dma_wait3A = arith.constant 0 : i32
      %dma_wait3A_36 = arith.constant 0 : i32
      %dma_wait3A_37 = tpu.memref_slice %arg6[%run_scoped3A_9, %dma_wait3A, %dma_wait3A_36] : memref<2x80x128xi32, #tpu.memory_space<vmem>> -> memref<1x80x128xi32, #tpu.memory_space<vmem>>
      %dma_wait3A_38 = tpu.memref_squeeze %dma_wait3A_37 : memref<1x80x128xi32, #tpu.memory_space<vmem>> -> memref<80x128xi32, #tpu.memory_space<vmem>>
      %dma_wait3A_39 = arith.constant 0 : i32
      %dma_wait3A_40 = tpu.memref_slice %arg3[%run_scoped3A, %add3A_8, %dma_wait3A_39] : memref<2x2560x128xi32, #tpu.memory_space<hbm>> -> memref<1x80x128xi32, #tpu.memory_space<hbm>>
      %dma_wait3A_41 = tpu.memref_squeeze %dma_wait3A_40 : memref<1x80x128xi32, #tpu.memory_space<hbm>> -> memref<80x128xi32, #tpu.memory_space<hbm>>
      %dma_wait3A_42 = arith.constant 0 : i32
      %dma_wait3A_43 = arith.constant 0 : i32
      %dma_wait3A_44 = tpu.memref_slice %arg6[%run_scoped3A_9, %dma_wait3A_42, %dma_wait3A_43] : memref<2x80x128xi32, #tpu.memory_space<vmem>> -> memref<1x80x128xi32, #tpu.memory_space<vmem>>
      %dma_wait3A_45 = tpu.memref_squeeze %dma_wait3A_44 : memref<1x80x128xi32, #tpu.memory_space<vmem>> -> memref<80x128xi32, #tpu.memory_space<vmem>>
      %dma_wait3A_46 = arith.constant 0 : i32
      %dma_wait3A_47 = tpu.memref_slice %arg3[%run_scoped3A, %add3A_8, %dma_wait3A_46] : memref<2x2560x128xi32, #tpu.memory_space<hbm>> -> memref<1x80x128xi32, #tpu.memory_space<hbm>>
      %dma_wait3A_48 = tpu.memref_squeeze %dma_wait3A_47 : memref<1x80x128xi32, #tpu.memory_space<hbm>> -> memref<80x128xi32, #tpu.memory_space<hbm>>
      tpu.wait_dma2 semaphore(%run_scoped3A_22 : memref<!tpu.dma_semaphore, #tpu.memory_space<semaphore_mem>>) src(%dma_wait3A_48 : memref<80x128xi32, #tpu.memory_space<hbm>>) dst(%dma_wait3A_45 : memref<80x128xi32, #tpu.memory_space<vmem>>)
      tpu.yield
    }) : () -> ()
    %run_scoped3A_10 = arith.constant 0 : i32
    %run_scoped3A_11 = arith.constant 1 : i32
    "tpu.region"() ({
      %run_scoped3A_22 = tpu.sem_alloc : memref<!tpu.dma_semaphore, #tpu.memory_space<semaphore_mem>>
      %dma_start3A = arith.constant 0 : i32
      %dma_start3A_23 = arith.constant 0 : i32
      %dma_start3A_24 = tpu.memref_slice %arg6[%run_scoped3A_11, %dma_start3A, %dma_start3A_23] : memref<2x80x128xi32, #tpu.memory_space<vmem>> -> memref<1x80x128xi32, #tpu.memory_space<vmem>>
      %dma_start3A_25 = tpu.memref_squeeze %dma_start3A_24 : memref<1x80x128xi32, #tpu.memory_space<vmem>> -> memref<80x128xi32, #tpu.memory_space<vmem>>
      %dma_start3A_26 = arith.constant 0 : i32
      %dma_start3A_27 = tpu.memref_slice %arg3[%run_scoped3A_10, %add3A_8, %dma_start3A_26] : memref<2x2560x128xi32, #tpu.memory_space<hbm>> -> memref<1x80x128xi32, #tpu.memory_space<hbm>>
      %dma_start3A_28 = tpu.memref_squeeze %dma_start3A_27 : memref<1x80x128xi32, #tpu.memory_space<hbm>> -> memref<80x128xi32, #tpu.memory_space<hbm>>
      %dma_start3A_29 = arith.constant 0 : i32
      %dma_start3A_30 = arith.constant 0 : i32
      %dma_start3A_31 = tpu.memref_slice %arg6[%run_scoped3A_11, %dma_start3A_29, %dma_start3A_30] : memref<2x80x128xi32, #tpu.memory_space<vmem>> -> memref<1x80x128xi32, #tpu.memory_space<vmem>>
      %dma_start3A_32 = tpu.memref_squeeze %dma_start3A_31 : memref<1x80x128xi32, #tpu.memory_space<vmem>> -> memref<80x128xi32, #tpu.memory_space<vmem>>
      %dma_start3A_33 = arith.constant 0 : i32
      %dma_start3A_34 = tpu.memref_slice %arg3[%run_scoped3A_10, %add3A_8, %dma_start3A_33] : memref<2x2560x128xi32, #tpu.memory_space<hbm>> -> memref<1x80x128xi32, #tpu.memory_space<hbm>>
      %dma_start3A_35 = tpu.memref_squeeze %dma_start3A_34 : memref<1x80x128xi32, #tpu.memory_space<hbm>> -> memref<80x128xi32, #tpu.memory_space<hbm>>
      tpu.enqueue_dma source(%dma_start3A_35 : memref<80x128xi32, #tpu.memory_space<hbm>>) target(%dma_start3A_32 : memref<80x128xi32, #tpu.memory_space<vmem>>) target_semaphore(%run_scoped3A_22 : memref<!tpu.dma_semaphore, #tpu.memory_space<semaphore_mem>>)
      %dma_wait3A = arith.constant 0 : i32
      %dma_wait3A_36 = arith.constant 0 : i32
      %dma_wait3A_37 = tpu.memref_slice %arg6[%run_scoped3A_11, %dma_wait3A, %dma_wait3A_36] : memref<2x80x128xi32, #tpu.memory_space<vmem>> -> memref<1x80x128xi32, #tpu.memory_space<vmem>>
      %dma_wait3A_38 = tpu.memref_squeeze %dma_wait3A_37 : memref<1x80x128xi32, #tpu.memory_space<vmem>> -> memref<80x128xi32, #tpu.memory_space<vmem>>
      %dma_wait3A_39 = arith.constant 0 : i32
      %dma_wait3A_40 = tpu.memref_slice %arg3[%run_scoped3A_10, %add3A_8, %dma_wait3A_39] : memref<2x2560x128xi32, #tpu.memory_space<hbm>> -> memref<1x80x128xi32, #tpu.memory_space<hbm>>
      %dma_wait3A_41 = tpu.memref_squeeze %dma_wait3A_40 : memref<1x80x128xi32, #tpu.memory_space<hbm>> -> memref<80x128xi32, #tpu.memory_space<hbm>>
      %dma_wait3A_42 = arith.constant 0 : i32
      %dma_wait3A_43 = arith.constant 0 : i32
      %dma_wait3A_44 = tpu.memref_slice %arg6[%run_scoped3A_11, %dma_wait3A_42, %dma_wait3A_43] : memref<2x80x128xi32, #tpu.memory_space<vmem>> -> memref<1x80x128xi32, #tpu.memory_space<vmem>>
      %dma_wait3A_45 = tpu.memref_squeeze %dma_wait3A_44 : memref<1x80x128xi32, #tpu.memory_space<vmem>> -> memref<80x128xi32, #tpu.memory_space<vmem>>
      %dma_wait3A_46 = arith.constant 0 : i32
      %dma_wait3A_47 = tpu.memref_slice %arg3[%run_scoped3A_10, %add3A_8, %dma_wait3A_46] : memref<2x2560x128xi32, #tpu.memory_space<hbm>> -> memref<1x80x128xi32, #tpu.memory_space<hbm>>
      %dma_wait3A_48 = tpu.memref_squeeze %dma_wait3A_47 : memref<1x80x128xi32, #tpu.memory_space<hbm>> -> memref<80x128xi32, #tpu.memory_space<hbm>>
      tpu.wait_dma2 semaphore(%run_scoped3A_22 : memref<!tpu.dma_semaphore, #tpu.memory_space<semaphore_mem>>) src(%dma_wait3A_48 : memref<80x128xi32, #tpu.memory_space<hbm>>) dst(%dma_wait3A_45 : memref<80x128xi32, #tpu.memory_space<vmem>>)
      tpu.yield
    }) : () -> ()
    %scan3A_12 = arith.constant 0 : i32
    %scan3A_13 = arith.constant 0 : i32
    %scan3A_14 = arith.constant 10 : i32
    %scan3A_15 = arith.addi %scan3A_13, %scan3A_14 : i32
    %scan3A_16 = arith.constant 1 : i32
    %scan3A_17 = scf.for %scan3A_22 = %scan3A_13 to %scan3A_15 step %scan3A_16 iter_args(%scan3A_23 = %scan3A_12) -> (i32)  : i32 {
      %mul3A_24 = arith.constant 8 : i32
      %mul3A_25 = arith.muli %scan3A_22, %mul3A_24 : i32
      %add3A_26 = arith.constant 0 : i32
      %add3A_27 = arith.addi %mul3A_25, %add3A_26 : i32
      %dma_start3A = arith.constant 0 : i32
      %dma_start3A_28 = arith.constant 0 : i32
      %dma_start3A_29 = arith.constant 0 : i32
      %dma_start3A_30 = arith.constant 0 : i32
      %dma_start3A_31 = tpu.memref_slice %arg7[%dma_start3A_28, %dma_start3A_29, %dma_start3A_30] : memref<8x128x48xf32, #tpu.memory_space<vmem>> -> memref<1x128x48xf32, #tpu.memory_space<vmem>>
      %dma_start3A_32 = tpu.memref_squeeze %dma_start3A_31 : memref<1x128x48xf32, #tpu.memory_space<vmem>> -> memref<128x48xf32, #tpu.memory_space<vmem>>
      %dma_start3A_33 = arith.constant 0 : i32
      %dma_start3A_34 = tpu.memref_slice %arg6[%dma_start3A, %add3A_27, %dma_start3A_33] : memref<2x80x128xi32, #tpu.memory_space<vmem>> -> memref<1x1x128xi32, #tpu.memory_space<vmem>>
      %dma_start3A_35 = tpu.memref_squeeze %dma_start3A_34 : memref<1x1x128xi32, #tpu.memory_space<vmem>> -> memref<128xi32, #tpu.memory_space<vmem>>
      %dma_start3A_36 = arith.constant 0 : i32
      %dma_start3A_37 = arith.constant 0 : i32
      %dma_start3A_38 = tpu.memref_slice %arg2[%dma_start3A_36, %dma_start3A_37] : memref<10240x48xf32, #tpu.memory_space<hbm>> -> memref<10240x48xf32, #tpu.memory_space<hbm>>
      tpu.enqueue_indirect_dma source(%dma_start3A_38 : memref<10240x48xf32, #tpu.memory_space<hbm>>) target(%dma_start3A_32 : memref<128x48xf32, #tpu.memory_space<vmem>>) offsets(%dma_start3A_35 : memref<128xi32, #tpu.memory_space<vmem>>) semaphore(%arg10 : memref<!tpu.dma_semaphore, #tpu.memory_space<semaphore_mem>>)
      %add3A_39 = arith.constant 1 : i32
      %add3A_40 = arith.addi %mul3A_25, %add3A_39 : i32
      %dma_start3A_41 = arith.constant 0 : i32
      %dma_start3A_42 = arith.constant 1 : i32
      %dma_start3A_43 = arith.constant 0 : i32
      %dma_start3A_44 = arith.constant 0 : i32
      %dma_start3A_45 = tpu.memref_slice %arg7[%dma_start3A_42, %dma_start3A_43, %dma_start3A_44] : memref<8x128x48xf32, #tpu.memory_space<vmem>> -> memref<1x128x48xf32, #tpu.memory_space<vmem>>
      %dma_start3A_46 = tpu.memref_squeeze %dma_start3A_45 : memref<1x128x48xf32, #tpu.memory_space<vmem>> -> memref<128x48xf32, #tpu.memory_space<vmem>>
      %dma_start3A_47 = arith.constant 0 : i32
      %dma_start3A_48 = tpu.memref_slice %arg6[%dma_start3A_41, %add3A_40, %dma_start3A_47] : memref<2x80x128xi32, #tpu.memory_space<vmem>> -> memref<1x1x128xi32, #tpu.memory_space<vmem>>
      %dma_start3A_49 = tpu.memref_squeeze %dma_start3A_48 : memref<1x1x128xi32, #tpu.memory_space<vmem>> -> memref<128xi32, #tpu.memory_space<vmem>>
      %dma_start3A_50 = arith.constant 0 : i32
      %dma_start3A_51 = arith.constant 0 : i32
      %dma_start3A_52 = tpu.memref_slice %arg2[%dma_start3A_50, %dma_start3A_51] : memref<10240x48xf32, #tpu.memory_space<hbm>> -> memref<10240x48xf32, #tpu.memory_space<hbm>>
      tpu.enqueue_indirect_dma source(%dma_start3A_52 : memref<10240x48xf32, #tpu.memory_space<hbm>>) target(%dma_start3A_46 : memref<128x48xf32, #tpu.memory_space<vmem>>) offsets(%dma_start3A_49 : memref<128xi32, #tpu.memory_space<vmem>>) semaphore(%arg11 : memref<!tpu.dma_semaphore, #tpu.memory_space<semaphore_mem>>)
      %add3A_53 = arith.constant 2 : i32
      %add3A_54 = arith.addi %mul3A_25, %add3A_53 : i32
      %dma_start3A_55 = arith.constant 0 : i32
      %dma_start3A_56 = arith.constant 2 : i32
      %dma_start3A_57 = arith.constant 0 : i32
      %dma_start3A_58 = arith.constant 0 : i32
      %dma_start3A_59 = tpu.memref_slice %arg7[%dma_start3A_56, %dma_start3A_57, %dma_start3A_58] : memref<8x128x48xf32, #tpu.memory_space<vmem>> -> memref<1x128x48xf32, #tpu.memory_space<vmem>>
      %dma_start3A_60 = tpu.memref_squeeze %dma_start3A_59 : memref<1x128x48xf32, #tpu.memory_space<vmem>> -> memref<128x48xf32, #tpu.memory_space<vmem>>
      %dma_start3A_61 = arith.constant 0 : i32
      %dma_start3A_62 = tpu.memref_slice %arg6[%dma_start3A_55, %add3A_54, %dma_start3A_61] : memref<2x80x128xi32, #tpu.memory_space<vmem>> -> memref<1x1x128xi32, #tpu.memory_space<vmem>>
      %dma_start3A_63 = tpu.memref_squeeze %dma_start3A_62 : memref<1x1x128xi32, #tpu.memory_space<vmem>> -> memref<128xi32, #tpu.memory_space<vmem>>
      %dma_start3A_64 = arith.constant 0 : i32
      %dma_start3A_65 = arith.constant 0 : i32
      %dma_start3A_66 = tpu.memref_slice %arg2[%dma_start3A_64, %dma_start3A_65] : memref<10240x48xf32, #tpu.memory_space<hbm>> -> memref<10240x48xf32, #tpu.memory_space<hbm>>
      tpu.enqueue_indirect_dma source(%dma_start3A_66 : memref<10240x48xf32, #tpu.memory_space<hbm>>) target(%dma_start3A_60 : memref<128x48xf32, #tpu.memory_space<vmem>>) offsets(%dma_start3A_63 : memref<128xi32, #tpu.memory_space<vmem>>) semaphore(%arg12 : memref<!tpu.dma_semaphore, #tpu.memory_space<semaphore_mem>>)
      %add3A_67 = arith.constant 3 : i32
      %add3A_68 = arith.addi %mul3A_25, %add3A_67 : i32
      %dma_start3A_69 = arith.constant 0 : i32
      %dma_start3A_70 = arith.constant 3 : i32
      %dma_start3A_71 = arith.constant 0 : i32
      %dma_start3A_72 = arith.constant 0 : i32
      %dma_start3A_73 = tpu.memref_slice %arg7[%dma_start3A_70, %dma_start3A_71, %dma_start3A_72] : memref<8x128x48xf32, #tpu.memory_space<vmem>> -> memref<1x128x48xf32, #tpu.memory_space<vmem>>
      %dma_start3A_74 = tpu.memref_squeeze %dma_start3A_73 : memref<1x128x48xf32, #tpu.memory_space<vmem>> -> memref<128x48xf32, #tpu.memory_space<vmem>>
      %dma_start3A_75 = arith.constant 0 : i32
      %dma_start3A_76 = tpu.memref_slice %arg6[%dma_start3A_69, %add3A_68, %dma_start3A_75] : memref<2x80x128xi32, #tpu.memory_space<vmem>> -> memref<1x1x128xi32, #tpu.memory_space<vmem>>
      %dma_start3A_77 = tpu.memref_squeeze %dma_start3A_76 : memref<1x1x128xi32, #tpu.memory_space<vmem>> -> memref<128xi32, #tpu.memory_space<vmem>>
      %dma_start3A_78 = arith.constant 0 : i32
      %dma_start3A_79 = arith.constant 0 : i32
      %dma_start3A_80 = tpu.memref_slice %arg2[%dma_start3A_78, %dma_start3A_79] : memref<10240x48xf32, #tpu.memory_space<hbm>> -> memref<10240x48xf32, #tpu.memory_space<hbm>>
      tpu.enqueue_indirect_dma source(%dma_start3A_80 : memref<10240x48xf32, #tpu.memory_space<hbm>>) target(%dma_start3A_74 : memref<128x48xf32, #tpu.memory_space<vmem>>) offsets(%dma_start3A_77 : memref<128xi32, #tpu.memory_space<vmem>>) semaphore(%arg13 : memref<!tpu.dma_semaphore, #tpu.memory_space<semaphore_mem>>)
      %add3A_81 = arith.constant 4 : i32
      %add3A_82 = arith.addi %mul3A_25, %add3A_81 : i32
      %dma_start3A_83 = arith.constant 0 : i32
      %dma_start3A_84 = arith.constant 4 : i32
      %dma_start3A_85 = arith.constant 0 : i32
      %dma_start3A_86 = arith.constant 0 : i32
      %dma_start3A_87 = tpu.memref_slice %arg7[%dma_start3A_84, %dma_start3A_85, %dma_start3A_86] : memref<8x128x48xf32, #tpu.memory_space<vmem>> -> memref<1x128x48xf32, #tpu.memory_space<vmem>>
      %dma_start3A_88 = tpu.memref_squeeze %dma_start3A_87 : memref<1x128x48xf32, #tpu.memory_space<vmem>> -> memref<128x48xf32, #tpu.memory_space<vmem>>
      %dma_start3A_89 = arith.constant 0 : i32
      %dma_start3A_90 = tpu.memref_slice %arg6[%dma_start3A_83, %add3A_82, %dma_start3A_89] : memref<2x80x128xi32, #tpu.memory_space<vmem>> -> memref<1x1x128xi32, #tpu.memory_space<vmem>>
      %dma_start3A_91 = tpu.memref_squeeze %dma_start3A_90 : memref<1x1x128xi32, #tpu.memory_space<vmem>> -> memref<128xi32, #tpu.memory_space<vmem>>
      %dma_start3A_92 = arith.constant 0 : i32
      %dma_start3A_93 = arith.constant 0 : i32
      %dma_start3A_94 = tpu.memref_slice %arg2[%dma_start3A_92, %dma_start3A_93] : memref<10240x48xf32, #tpu.memory_space<hbm>> -> memref<10240x48xf32, #tpu.memory_space<hbm>>
      tpu.enqueue_indirect_dma source(%dma_start3A_94 : memref<10240x48xf32, #tpu.memory_space<hbm>>) target(%dma_start3A_88 : memref<128x48xf32, #tpu.memory_space<vmem>>) offsets(%dma_start3A_91 : memref<128xi32, #tpu.memory_space<vmem>>) semaphore(%arg14 : memref<!tpu.dma_semaphore, #tpu.memory_space<semaphore_mem>>)
      %add3A_95 = arith.constant 5 : i32
      %add3A_96 = arith.addi %mul3A_25, %add3A_95 : i32
      %dma_start3A_97 = arith.constant 0 : i32
      %dma_start3A_98 = arith.constant 5 : i32
      %dma_start3A_99 = arith.constant 0 : i32
      %dma_start3A_100 = arith.constant 0 : i32
      %dma_start3A_101 = tpu.memref_slice %arg7[%dma_start3A_98, %dma_start3A_99, %dma_start3A_100] : memref<8x128x48xf32, #tpu.memory_space<vmem>> -> memref<1x128x48xf32, #tpu.memory_space<vmem>>
      %dma_start3A_102 = tpu.memref_squeeze %dma_start3A_101 : memref<1x128x48xf32, #tpu.memory_space<vmem>> -> memref<128x48xf32, #tpu.memory_space<vmem>>
      %dma_start3A_103 = arith.constant 0 : i32
      %dma_start3A_104 = tpu.memref_slice %arg6[%dma_start3A_97, %add3A_96, %dma_start3A_103] : memref<2x80x128xi32, #tpu.memory_space<vmem>> -> memref<1x1x128xi32, #tpu.memory_space<vmem>>
      %dma_start3A_105 = tpu.memref_squeeze %dma_start3A_104 : memref<1x1x128xi32, #tpu.memory_space<vmem>> -> memref<128xi32, #tpu.memory_space<vmem>>
      %dma_start3A_106 = arith.constant 0 : i32
      %dma_start3A_107 = arith.constant 0 : i32
      %dma_start3A_108 = tpu.memref_slice %arg2[%dma_start3A_106, %dma_start3A_107] : memref<10240x48xf32, #tpu.memory_space<hbm>> -> memref<10240x48xf32, #tpu.memory_space<hbm>>
      tpu.enqueue_indirect_dma source(%dma_start3A_108 : memref<10240x48xf32, #tpu.memory_space<hbm>>) target(%dma_start3A_102 : memref<128x48xf32, #tpu.memory_space<vmem>>) offsets(%dma_start3A_105 : memref<128xi32, #tpu.memory_space<vmem>>) semaphore(%arg15 : memref<!tpu.dma_semaphore, #tpu.memory_space<semaphore_mem>>)
      %add3A_109 = arith.constant 6 : i32
      %add3A_110 = arith.addi %mul3A_25, %add3A_109 : i32
      %dma_start3A_111 = arith.constant 0 : i32
      %dma_start3A_112 = arith.constant 6 : i32
      %dma_start3A_113 = arith.constant 0 : i32
      %dma_start3A_114 = arith.constant 0 : i32
      %dma_start3A_115 = tpu.memref_slice %arg7[%dma_start3A_112, %dma_start3A_113, %dma_start3A_114] : memref<8x128x48xf32, #tpu.memory_space<vmem>> -> memref<1x128x48xf32, #tpu.memory_space<vmem>>
      %dma_start3A_116 = tpu.memref_squeeze %dma_start3A_115 : memref<1x128x48xf32, #tpu.memory_space<vmem>> -> memref<128x48xf32, #tpu.memory_space<vmem>>
      %dma_start3A_117 = arith.constant 0 : i32
      %dma_start3A_118 = tpu.memref_slice %arg6[%dma_start3A_111, %add3A_110, %dma_start3A_117] : memref<2x80x128xi32, #tpu.memory_space<vmem>> -> memref<1x1x128xi32, #tpu.memory_space<vmem>>
      %dma_start3A_119 = tpu.memref_squeeze %dma_start3A_118 : memref<1x1x128xi32, #tpu.memory_space<vmem>> -> memref<128xi32, #tpu.memory_space<vmem>>
      %dma_start3A_120 = arith.constant 0 : i32
      %dma_start3A_121 = arith.constant 0 : i32
      %dma_start3A_122 = tpu.memref_slice %arg2[%dma_start3A_120, %dma_start3A_121] : memref<10240x48xf32, #tpu.memory_space<hbm>> -> memref<10240x48xf32, #tpu.memory_space<hbm>>
      tpu.enqueue_indirect_dma source(%dma_start3A_122 : memref<10240x48xf32, #tpu.memory_space<hbm>>) target(%dma_start3A_116 : memref<128x48xf32, #tpu.memory_space<vmem>>) offsets(%dma_start3A_119 : memref<128xi32, #tpu.memory_space<vmem>>) semaphore(%arg16 : memref<!tpu.dma_semaphore, #tpu.memory_space<semaphore_mem>>)
      %add3A_123 = arith.constant 7 : i32
      %add3A_124 = arith.addi %mul3A_25, %add3A_123 : i32
      %dma_start3A_125 = arith.constant 0 : i32
      %dma_start3A_126 = arith.constant 7 : i32
      %dma_start3A_127 = arith.constant 0 : i32
      %dma_start3A_128 = arith.constant 0 : i32
      %dma_start3A_129 = tpu.memref_slice %arg7[%dma_start3A_126, %dma_start3A_127, %dma_start3A_128] : memref<8x128x48xf32, #tpu.memory_space<vmem>> -> memref<1x128x48xf32, #tpu.memory_space<vmem>>
      %dma_start3A_130 = tpu.memref_squeeze %dma_start3A_129 : memref<1x128x48xf32, #tpu.memory_space<vmem>> -> memref<128x48xf32, #tpu.memory_space<vmem>>
      %dma_start3A_131 = arith.constant 0 : i32
      %dma_start3A_132 = tpu.memref_slice %arg6[%dma_start3A_125, %add3A_124, %dma_start3A_131] : memref<2x80x128xi32, #tpu.memory_space<vmem>> -> memref<1x1x128xi32, #tpu.memory_space<vmem>>
      %dma_start3A_133 = tpu.memref_squeeze %dma_start3A_132 : memref<1x1x128xi32, #tpu.memory_space<vmem>> -> memref<128xi32, #tpu.memory_space<vmem>>
      %dma_start3A_134 = arith.constant 0 : i32
      %dma_start3A_135 = arith.constant 0 : i32
      %dma_start3A_136 = tpu.memref_slice %arg2[%dma_start3A_134, %dma_start3A_135] : memref<10240x48xf32, #tpu.memory_space<hbm>> -> memref<10240x48xf32, #tpu.memory_space<hbm>>
      tpu.enqueue_indirect_dma source(%dma_start3A_136 : memref<10240x48xf32, #tpu.memory_space<hbm>>) target(%dma_start3A_130 : memref<128x48xf32, #tpu.memory_space<vmem>>) offsets(%dma_start3A_133 : memref<128xi32, #tpu.memory_space<vmem>>) semaphore(%arg17 : memref<!tpu.dma_semaphore, #tpu.memory_space<semaphore_mem>>)
      %dma_wait3A = arith.constant 0 : i32
      %dma_wait3A_137 = arith.constant 0 : i32
      %dma_wait3A_138 = arith.constant 0 : i32
      %dma_wait3A_139 = arith.constant 0 : i32
      %dma_wait3A_140 = tpu.memref_slice %arg7[%dma_wait3A_137, %dma_wait3A_138, %dma_wait3A_139] : memref<8x128x48xf32, #tpu.memory_space<vmem>> -> memref<1x128x48xf32, #tpu.memory_space<vmem>>
      %dma_wait3A_141 = tpu.memref_squeeze %dma_wait3A_140 : memref<1x128x48xf32, #tpu.memory_space<vmem>> -> memref<128x48xf32, #tpu.memory_space<vmem>>
      %dma_wait3A_142 = arith.constant 0 : i32
      %dma_wait3A_143 = tpu.memref_slice %arg6[%dma_wait3A, %add3A_27, %dma_wait3A_142] : memref<2x80x128xi32, #tpu.memory_space<vmem>> -> memref<1x1x128xi32, #tpu.memory_space<vmem>>
      %dma_wait3A_144 = tpu.memref_squeeze %dma_wait3A_143 : memref<1x1x128xi32, #tpu.memory_space<vmem>> -> memref<128xi32, #tpu.memory_space<vmem>>
      %dma_wait3A_145 = arith.constant 0 : i32
      %dma_wait3A_146 = arith.constant 0 : i32
      %dma_wait3A_147 = tpu.memref_slice %arg2[%dma_wait3A_145, %dma_wait3A_146] : memref<10240x48xf32, #tpu.memory_space<hbm>> -> memref<10240x48xf32, #tpu.memory_space<hbm>>
      tpu.wait_indirect_dma semaphore(%arg10 : memref<!tpu.dma_semaphore, #tpu.memory_space<semaphore_mem>>) src(%dma_wait3A_147 : memref<10240x48xf32, #tpu.memory_space<hbm>>) dst(%dma_wait3A_141 : memref<128x48xf32, #tpu.memory_space<vmem>>)
      %add3A_148 = arith.constant 0 : i32
      %add3A_149 = arith.addi %mul3A_25, %add3A_148 : i32
      %dma_start3A_150 = arith.constant 0 : i32
      %dma_start3A_151 = arith.constant 1 : i32
      %dma_start3A_152 = arith.constant 0 : i32
      %dma_start3A_153 = arith.constant 0 : i32
      %dma_start3A_154 = tpu.memref_slice %arg7[%dma_start3A_150, %dma_start3A_152, %dma_start3A_153] : memref<8x128x48xf32, #tpu.memory_space<vmem>> -> memref<1x128x48xf32, #tpu.memory_space<vmem>>
      %dma_start3A_155 = tpu.memref_squeeze %dma_start3A_154 : memref<1x128x48xf32, #tpu.memory_space<vmem>> -> memref<128x48xf32, #tpu.memory_space<vmem>>
      %dma_start3A_156 = arith.constant 0 : i32
      %dma_start3A_157 = tpu.memref_slice %arg6[%dma_start3A_151, %add3A_149, %dma_start3A_156] : memref<2x80x128xi32, #tpu.memory_space<vmem>> -> memref<1x1x128xi32, #tpu.memory_space<vmem>>
      %dma_start3A_158 = tpu.memref_squeeze %dma_start3A_157 : memref<1x1x128xi32, #tpu.memory_space<vmem>> -> memref<128xi32, #tpu.memory_space<vmem>>
      %dma_start3A_159 = arith.constant 0 : i32
      %dma_start3A_160 = arith.constant 0 : i32
      %dma_start3A_161 = tpu.memref_slice %arg8[%dma_start3A_159, %dma_start3A_160] : memref<10240x48xf32, #tpu.memory_space<vmem_shared>> -> memref<10240x48xf32, #tpu.memory_space<vmem_shared>>
      tpu.enqueue_indirect_dma source(%dma_start3A_155 : memref<128x48xf32, #tpu.memory_space<vmem>>) target(%dma_start3A_161 : memref<10240x48xf32, #tpu.memory_space<vmem_shared>>) offsets(%dma_start3A_158 : memref<128xi32, #tpu.memory_space<vmem>>) semaphore(%arg9 : memref<!tpu.dma_semaphore, #tpu.memory_space<semaphore_mem>>) {add = true}
      %dma_wait3A_162 = arith.constant 0 : i32
      %dma_wait3A_163 = arith.constant 1 : i32
      %dma_wait3A_164 = arith.constant 0 : i32
      %dma_wait3A_165 = arith.constant 0 : i32
      %dma_wait3A_166 = tpu.memref_slice %arg7[%dma_wait3A_163, %dma_wait3A_164, %dma_wait3A_165] : memref<8x128x48xf32, #tpu.memory_space<vmem>> -> memref<1x128x48xf32, #tpu.memory_space<vmem>>
      %dma_wait3A_167 = tpu.memref_squeeze %dma_wait3A_166 : memref<1x128x48xf32, #tpu.memory_space<vmem>> -> memref<128x48xf32, #tpu.memory_space<vmem>>
      %dma_wait3A_168 = arith.constant 0 : i32
      %dma_wait3A_169 = tpu.memref_slice %arg6[%dma_wait3A_162, %add3A_40, %dma_wait3A_168] : memref<2x80x128xi32, #tpu.memory_space<vmem>> -> memref<1x1x128xi32, #tpu.memory_space<vmem>>
      %dma_wait3A_170 = tpu.memref_squeeze %dma_wait3A_169 : memref<1x1x128xi32, #tpu.memory_space<vmem>> -> memref<128xi32, #tpu.memory_space<vmem>>
      %dma_wait3A_171 = arith.constant 0 : i32
      %dma_wait3A_172 = arith.constant 0 : i32
      %dma_wait3A_173 = tpu.memref_slice %arg2[%dma_wait3A_171, %dma_wait3A_172] : memref<10240x48xf32, #tpu.memory_space<hbm>> -> memref<10240x48xf32, #tpu.memory_space<hbm>>
      tpu.wait_indirect_dma semaphore(%arg11 : memref<!tpu.dma_semaphore, #tpu.memory_space<semaphore_mem>>) src(%dma_wait3A_173 : memref<10240x48xf32, #tpu.memory_space<hbm>>) dst(%dma_wait3A_167 : memref<128x48xf32, #tpu.memory_space<vmem>>)
      %add3A_174 = arith.constant 1 : i32
      %add3A_175 = arith.addi %mul3A_25, %add3A_174 : i32
      %dma_start3A_176 = arith.constant 1 : i32
      %dma_start3A_177 = arith.constant 1 : i32
      %dma_start3A_178 = arith.constant 0 : i32
      %dma_start3A_179 = arith.constant 0 : i32
      %dma_start3A_180 = tpu.memref_slice %arg7[%dma_start3A_176, %dma_start3A_178, %dma_start3A_179] : memref<8x128x48xf32, #tpu.memory_space<vmem>> -> memref<1x128x48xf32, #tpu.memory_space<vmem>>
      %dma_start3A_181 = tpu.memref_squeeze %dma_start3A_180 : memref<1x128x48xf32, #tpu.memory_space<vmem>> -> memref<128x48xf32, #tpu.memory_space<vmem>>
      %dma_start3A_182 = arith.constant 0 : i32
      %dma_start3A_183 = tpu.memref_slice %arg6[%dma_start3A_177, %add3A_175, %dma_start3A_182] : memref<2x80x128xi32, #tpu.memory_space<vmem>> -> memref<1x1x128xi32, #tpu.memory_space<vmem>>
      %dma_start3A_184 = tpu.memref_squeeze %dma_start3A_183 : memref<1x1x128xi32, #tpu.memory_space<vmem>> -> memref<128xi32, #tpu.memory_space<vmem>>
      %dma_start3A_185 = arith.constant 0 : i32
      %dma_start3A_186 = arith.constant 0 : i32
      %dma_start3A_187 = tpu.memref_slice %arg8[%dma_start3A_185, %dma_start3A_186] : memref<10240x48xf32, #tpu.memory_space<vmem_shared>> -> memref<10240x48xf32, #tpu.memory_space<vmem_shared>>
      tpu.enqueue_indirect_dma source(%dma_start3A_181 : memref<128x48xf32, #tpu.memory_space<vmem>>) target(%dma_start3A_187 : memref<10240x48xf32, #tpu.memory_space<vmem_shared>>) offsets(%dma_start3A_184 : memref<128xi32, #tpu.memory_space<vmem>>) semaphore(%arg9 : memref<!tpu.dma_semaphore, #tpu.memory_space<semaphore_mem>>) {add = true}
      %dma_wait3A_188 = arith.constant 0 : i32
      %dma_wait3A_189 = arith.constant 2 : i32
      %dma_wait3A_190 = arith.constant 0 : i32
      %dma_wait3A_191 = arith.constant 0 : i32
      %dma_wait3A_192 = tpu.memref_slice %arg7[%dma_wait3A_189, %dma_wait3A_190, %dma_wait3A_191] : memref<8x128x48xf32, #tpu.memory_space<vmem>> -> memref<1x128x48xf32, #tpu.memory_space<vmem>>
      %dma_wait3A_193 = tpu.memref_squeeze %dma_wait3A_192 : memref<1x128x48xf32, #tpu.memory_space<vmem>> -> memref<128x48xf32, #tpu.memory_space<vmem>>
      %dma_wait3A_194 = arith.constant 0 : i32
      %dma_wait3A_195 = tpu.memref_slice %arg6[%dma_wait3A_188, %add3A_54, %dma_wait3A_194] : memref<2x80x128xi32, #tpu.memory_space<vmem>> -> memref<1x1x128xi32, #tpu.memory_space<vmem>>
      %dma_wait3A_196 = tpu.memref_squeeze %dma_wait3A_195 : memref<1x1x128xi32, #tpu.memory_space<vmem>> -> memref<128xi32, #tpu.memory_space<vmem>>
      %dma_wait3A_197 = arith.constant 0 : i32
      %dma_wait3A_198 = arith.constant 0 : i32
      %dma_wait3A_199 = tpu.memref_slice %arg2[%dma_wait3A_197, %dma_wait3A_198] : memref<10240x48xf32, #tpu.memory_space<hbm>> -> memref<10240x48xf32, #tpu.memory_space<hbm>>
      tpu.wait_indirect_dma semaphore(%arg12 : memref<!tpu.dma_semaphore, #tpu.memory_space<semaphore_mem>>) src(%dma_wait3A_199 : memref<10240x48xf32, #tpu.memory_space<hbm>>) dst(%dma_wait3A_193 : memref<128x48xf32, #tpu.memory_space<vmem>>)
      %add3A_200 = arith.constant 2 : i32
      %add3A_201 = arith.addi %mul3A_25, %add3A_200 : i32
      %dma_start3A_202 = arith.constant 2 : i32
      %dma_start3A_203 = arith.constant 1 : i32
      %dma_start3A_204 = arith.constant 0 : i32
      %dma_start3A_205 = arith.constant 0 : i32
      %dma_start3A_206 = tpu.memref_slice %arg7[%dma_start3A_202, %dma_start3A_204, %dma_start3A_205] : memref<8x128x48xf32, #tpu.memory_space<vmem>> -> memref<1x128x48xf32, #tpu.memory_space<vmem>>
      %dma_start3A_207 = tpu.memref_squeeze %dma_start3A_206 : memref<1x128x48xf32, #tpu.memory_space<vmem>> -> memref<128x48xf32, #tpu.memory_space<vmem>>
      %dma_start3A_208 = arith.constant 0 : i32
      %dma_start3A_209 = tpu.memref_slice %arg6[%dma_start3A_203, %add3A_201, %dma_start3A_208] : memref<2x80x128xi32, #tpu.memory_space<vmem>> -> memref<1x1x128xi32, #tpu.memory_space<vmem>>
      %dma_start3A_210 = tpu.memref_squeeze %dma_start3A_209 : memref<1x1x128xi32, #tpu.memory_space<vmem>> -> memref<128xi32, #tpu.memory_space<vmem>>
      %dma_start3A_211 = arith.constant 0 : i32
      %dma_start3A_212 = arith.constant 0 : i32
      %dma_start3A_213 = tpu.memref_slice %arg8[%dma_start3A_211, %dma_start3A_212] : memref<10240x48xf32, #tpu.memory_space<vmem_shared>> -> memref<10240x48xf32, #tpu.memory_space<vmem_shared>>
      tpu.enqueue_indirect_dma source(%dma_start3A_207 : memref<128x48xf32, #tpu.memory_space<vmem>>) target(%dma_start3A_213 : memref<10240x48xf32, #tpu.memory_space<vmem_shared>>) offsets(%dma_start3A_210 : memref<128xi32, #tpu.memory_space<vmem>>) semaphore(%arg9 : memref<!tpu.dma_semaphore, #tpu.memory_space<semaphore_mem>>) {add = true}
      %dma_wait3A_214 = arith.constant 0 : i32
      %dma_wait3A_215 = arith.constant 3 : i32
      %dma_wait3A_216 = arith.constant 0 : i32
      %dma_wait3A_217 = arith.constant 0 : i32
      %dma_wait3A_218 = tpu.memref_slice %arg7[%dma_wait3A_215, %dma_wait3A_216, %dma_wait3A_217] : memref<8x128x48xf32, #tpu.memory_space<vmem>> -> memref<1x128x48xf32, #tpu.memory_space<vmem>>
      %dma_wait3A_219 = tpu.memref_squeeze %dma_wait3A_218 : memref<1x128x48xf32, #tpu.memory_space<vmem>> -> memref<128x48xf32, #tpu.memory_space<vmem>>
      %dma_wait3A_220 = arith.constant 0 : i32
      %dma_wait3A_221 = tpu.memref_slice %arg6[%dma_wait3A_214, %add3A_68, %dma_wait3A_220] : memref<2x80x128xi32, #tpu.memory_space<vmem>> -> memref<1x1x128xi32, #tpu.memory_space<vmem>>
      %dma_wait3A_222 = tpu.memref_squeeze %dma_wait3A_221 : memref<1x1x128xi32, #tpu.memory_space<vmem>> -> memref<128xi32, #tpu.memory_space<vmem>>
      %dma_wait3A_223 = arith.constant 0 : i32
      %dma_wait3A_224 = arith.constant 0 : i32
      %dma_wait3A_225 = tpu.memref_slice %arg2[%dma_wait3A_223, %dma_wait3A_224] : memref<10240x48xf32, #tpu.memory_space<hbm>> -> memref<10240x48xf32, #tpu.memory_space<hbm>>
      tpu.wait_indirect_dma semaphore(%arg13 : memref<!tpu.dma_semaphore, #tpu.memory_space<semaphore_mem>>) src(%dma_wait3A_225 : memref<10240x48xf32, #tpu.memory_space<hbm>>) dst(%dma_wait3A_219 : memref<128x48xf32, #tpu.memory_space<vmem>>)
      %add3A_226 = arith.constant 3 : i32
      %add3A_227 = arith.addi %mul3A_25, %add3A_226 : i32
      %dma_start3A_228 = arith.constant 3 : i32
      %dma_start3A_229 = arith.constant 1 : i32
      %dma_start3A_230 = arith.constant 0 : i32
      %dma_start3A_231 = arith.constant 0 : i32
      %dma_start3A_232 = tpu.memref_slice %arg7[%dma_start3A_228, %dma_start3A_230, %dma_start3A_231] : memref<8x128x48xf32, #tpu.memory_space<vmem>> -> memref<1x128x48xf32, #tpu.memory_space<vmem>>
      %dma_start3A_233 = tpu.memref_squeeze %dma_start3A_232 : memref<1x128x48xf32, #tpu.memory_space<vmem>> -> memref<128x48xf32, #tpu.memory_space<vmem>>
      %dma_start3A_234 = arith.constant 0 : i32
      %dma_start3A_235 = tpu.memref_slice %arg6[%dma_start3A_229, %add3A_227, %dma_start3A_234] : memref<2x80x128xi32, #tpu.memory_space<vmem>> -> memref<1x1x128xi32, #tpu.memory_space<vmem>>
      %dma_start3A_236 = tpu.memref_squeeze %dma_start3A_235 : memref<1x1x128xi32, #tpu.memory_space<vmem>> -> memref<128xi32, #tpu.memory_space<vmem>>
      %dma_start3A_237 = arith.constant 0 : i32
      %dma_start3A_238 = arith.constant 0 : i32
      %dma_start3A_239 = tpu.memref_slice %arg8[%dma_start3A_237, %dma_start3A_238] : memref<10240x48xf32, #tpu.memory_space<vmem_shared>> -> memref<10240x48xf32, #tpu.memory_space<vmem_shared>>
      tpu.enqueue_indirect_dma source(%dma_start3A_233 : memref<128x48xf32, #tpu.memory_space<vmem>>) target(%dma_start3A_239 : memref<10240x48xf32, #tpu.memory_space<vmem_shared>>) offsets(%dma_start3A_236 : memref<128xi32, #tpu.memory_space<vmem>>) semaphore(%arg9 : memref<!tpu.dma_semaphore, #tpu.memory_space<semaphore_mem>>) {add = true}
      %dma_wait3A_240 = arith.constant 0 : i32
      %dma_wait3A_241 = arith.constant 4 : i32
      %dma_wait3A_242 = arith.constant 0 : i32
      %dma_wait3A_243 = arith.constant 0 : i32
      %dma_wait3A_244 = tpu.memref_slice %arg7[%dma_wait3A_241, %dma_wait3A_242, %dma_wait3A_243] : memref<8x128x48xf32, #tpu.memory_space<vmem>> -> memref<1x128x48xf32, #tpu.memory_space<vmem>>
      %dma_wait3A_245 = tpu.memref_squeeze %dma_wait3A_244 : memref<1x128x48xf32, #tpu.memory_space<vmem>> -> memref<128x48xf32, #tpu.memory_space<vmem>>
      %dma_wait3A_246 = arith.constant 0 : i32
      %dma_wait3A_247 = tpu.memref_slice %arg6[%dma_wait3A_240, %add3A_82, %dma_wait3A_246] : memref<2x80x128xi32, #tpu.memory_space<vmem>> -> memref<1x1x128xi32, #tpu.memory_space<vmem>>
      %dma_wait3A_248 = tpu.memref_squeeze %dma_wait3A_247 : memref<1x1x128xi32, #tpu.memory_space<vmem>> -> memref<128xi32, #tpu.memory_space<vmem>>
      %dma_wait3A_249 = arith.constant 0 : i32
      %dma_wait3A_250 = arith.constant 0 : i32
      %dma_wait3A_251 = tpu.memref_slice %arg2[%dma_wait3A_249, %dma_wait3A_250] : memref<10240x48xf32, #tpu.memory_space<hbm>> -> memref<10240x48xf32, #tpu.memory_space<hbm>>
      tpu.wait_indirect_dma semaphore(%arg14 : memref<!tpu.dma_semaphore, #tpu.memory_space<semaphore_mem>>) src(%dma_wait3A_251 : memref<10240x48xf32, #tpu.memory_space<hbm>>) dst(%dma_wait3A_245 : memref<128x48xf32, #tpu.memory_space<vmem>>)
      %add3A_252 = arith.constant 4 : i32
      %add3A_253 = arith.addi %mul3A_25, %add3A_252 : i32
      %dma_start3A_254 = arith.constant 4 : i32
      %dma_start3A_255 = arith.constant 1 : i32
      %dma_start3A_256 = arith.constant 0 : i32
      %dma_start3A_257 = arith.constant 0 : i32
      %dma_start3A_258 = tpu.memref_slice %arg7[%dma_start3A_254, %dma_start3A_256, %dma_start3A_257] : memref<8x128x48xf32, #tpu.memory_space<vmem>> -> memref<1x128x48xf32, #tpu.memory_space<vmem>>
      %dma_start3A_259 = tpu.memref_squeeze %dma_start3A_258 : memref<1x128x48xf32, #tpu.memory_space<vmem>> -> memref<128x48xf32, #tpu.memory_space<vmem>>
      %dma_start3A_260 = arith.constant 0 : i32
      %dma_start3A_261 = tpu.memref_slice %arg6[%dma_start3A_255, %add3A_253, %dma_start3A_260] : memref<2x80x128xi32, #tpu.memory_space<vmem>> -> memref<1x1x128xi32, #tpu.memory_space<vmem>>
      %dma_start3A_262 = tpu.memref_squeeze %dma_start3A_261 : memref<1x1x128xi32, #tpu.memory_space<vmem>> -> memref<128xi32, #tpu.memory_space<vmem>>
      %dma_start3A_263 = arith.constant 0 : i32
      %dma_start3A_264 = arith.constant 0 : i32
      %dma_start3A_265 = tpu.memref_slice %arg8[%dma_start3A_263, %dma_start3A_264] : memref<10240x48xf32, #tpu.memory_space<vmem_shared>> -> memref<10240x48xf32, #tpu.memory_space<vmem_shared>>
      tpu.enqueue_indirect_dma source(%dma_start3A_259 : memref<128x48xf32, #tpu.memory_space<vmem>>) target(%dma_start3A_265 : memref<10240x48xf32, #tpu.memory_space<vmem_shared>>) offsets(%dma_start3A_262 : memref<128xi32, #tpu.memory_space<vmem>>) semaphore(%arg9 : memref<!tpu.dma_semaphore, #tpu.memory_space<semaphore_mem>>) {add = true}
      %dma_wait3A_266 = arith.constant 0 : i32
      %dma_wait3A_267 = arith.constant 5 : i32
      %dma_wait3A_268 = arith.constant 0 : i32
      %dma_wait3A_269 = arith.constant 0 : i32
      %dma_wait3A_270 = tpu.memref_slice %arg7[%dma_wait3A_267, %dma_wait3A_268, %dma_wait3A_269] : memref<8x128x48xf32, #tpu.memory_space<vmem>> -> memref<1x128x48xf32, #tpu.memory_space<vmem>>
      %dma_wait3A_271 = tpu.memref_squeeze %dma_wait3A_270 : memref<1x128x48xf32, #tpu.memory_space<vmem>> -> memref<128x48xf32, #tpu.memory_space<vmem>>
      %dma_wait3A_272 = arith.constant 0 : i32
      %dma_wait3A_273 = tpu.memref_slice %arg6[%dma_wait3A_266, %add3A_96, %dma_wait3A_272] : memref<2x80x128xi32, #tpu.memory_space<vmem>> -> memref<1x1x128xi32, #tpu.memory_space<vmem>>
      %dma_wait3A_274 = tpu.memref_squeeze %dma_wait3A_273 : memref<1x1x128xi32, #tpu.memory_space<vmem>> -> memref<128xi32, #tpu.memory_space<vmem>>
      %dma_wait3A_275 = arith.constant 0 : i32
      %dma_wait3A_276 = arith.constant 0 : i32
      %dma_wait3A_277 = tpu.memref_slice %arg2[%dma_wait3A_275, %dma_wait3A_276] : memref<10240x48xf32, #tpu.memory_space<hbm>> -> memref<10240x48xf32, #tpu.memory_space<hbm>>
      tpu.wait_indirect_dma semaphore(%arg15 : memref<!tpu.dma_semaphore, #tpu.memory_space<semaphore_mem>>) src(%dma_wait3A_277 : memref<10240x48xf32, #tpu.memory_space<hbm>>) dst(%dma_wait3A_271 : memref<128x48xf32, #tpu.memory_space<vmem>>)
      %add3A_278 = arith.constant 5 : i32
      %add3A_279 = arith.addi %mul3A_25, %add3A_278 : i32
      %dma_start3A_280 = arith.constant 5 : i32
      %dma_start3A_281 = arith.constant 1 : i32
      %dma_start3A_282 = arith.constant 0 : i32
      %dma_start3A_283 = arith.constant 0 : i32
      %dma_start3A_284 = tpu.memref_slice %arg7[%dma_start3A_280, %dma_start3A_282, %dma_start3A_283] : memref<8x128x48xf32, #tpu.memory_space<vmem>> -> memref<1x128x48xf32, #tpu.memory_space<vmem>>
      %dma_start3A_285 = tpu.memref_squeeze %dma_start3A_284 : memref<1x128x48xf32, #tpu.memory_space<vmem>> -> memref<128x48xf32, #tpu.memory_space<vmem>>
      %dma_start3A_286 = arith.constant 0 : i32
      %dma_start3A_287 = tpu.memref_slice %arg6[%dma_start3A_281, %add3A_279, %dma_start3A_286] : memref<2x80x128xi32, #tpu.memory_space<vmem>> -> memref<1x1x128xi32, #tpu.memory_space<vmem>>
      %dma_start3A_288 = tpu.memref_squeeze %dma_start3A_287 : memref<1x1x128xi32, #tpu.memory_space<vmem>> -> memref<128xi32, #tpu.memory_space<vmem>>
      %dma_start3A_289 = arith.constant 0 : i32
      %dma_start3A_290 = arith.constant 0 : i32
      %dma_start3A_291 = tpu.memref_slice %arg8[%dma_start3A_289, %dma_start3A_290] : memref<10240x48xf32, #tpu.memory_space<vmem_shared>> -> memref<10240x48xf32, #tpu.memory_space<vmem_shared>>
      tpu.enqueue_indirect_dma source(%dma_start3A_285 : memref<128x48xf32, #tpu.memory_space<vmem>>) target(%dma_start3A_291 : memref<10240x48xf32, #tpu.memory_space<vmem_shared>>) offsets(%dma_start3A_288 : memref<128xi32, #tpu.memory_space<vmem>>) semaphore(%arg9 : memref<!tpu.dma_semaphore, #tpu.memory_space<semaphore_mem>>) {add = true}
      %dma_wait3A_292 = arith.constant 0 : i32
      %dma_wait3A_293 = arith.constant 6 : i32
      %dma_wait3A_294 = arith.constant 0 : i32
      %dma_wait3A_295 = arith.constant 0 : i32
      %dma_wait3A_296 = tpu.memref_slice %arg7[%dma_wait3A_293, %dma_wait3A_294, %dma_wait3A_295] : memref<8x128x48xf32, #tpu.memory_space<vmem>> -> memref<1x128x48xf32, #tpu.memory_space<vmem>>
      %dma_wait3A_297 = tpu.memref_squeeze %dma_wait3A_296 : memref<1x128x48xf32, #tpu.memory_space<vmem>> -> memref<128x48xf32, #tpu.memory_space<vmem>>
      %dma_wait3A_298 = arith.constant 0 : i32
      %dma_wait3A_299 = tpu.memref_slice %arg6[%dma_wait3A_292, %add3A_110, %dma_wait3A_298] : memref<2x80x128xi32, #tpu.memory_space<vmem>> -> memref<1x1x128xi32, #tpu.memory_space<vmem>>
      %dma_wait3A_300 = tpu.memref_squeeze %dma_wait3A_299 : memref<1x1x128xi32, #tpu.memory_space<vmem>> -> memref<128xi32, #tpu.memory_space<vmem>>
      %dma_wait3A_301 = arith.constant 0 : i32
      %dma_wait3A_302 = arith.constant 0 : i32
      %dma_wait3A_303 = tpu.memref_slice %arg2[%dma_wait3A_301, %dma_wait3A_302] : memref<10240x48xf32, #tpu.memory_space<hbm>> -> memref<10240x48xf32, #tpu.memory_space<hbm>>
      tpu.wait_indirect_dma semaphore(%arg16 : memref<!tpu.dma_semaphore, #tpu.memory_space<semaphore_mem>>) src(%dma_wait3A_303 : memref<10240x48xf32, #tpu.memory_space<hbm>>) dst(%dma_wait3A_297 : memref<128x48xf32, #tpu.memory_space<vmem>>)
      %add3A_304 = arith.constant 6 : i32
      %add3A_305 = arith.addi %mul3A_25, %add3A_304 : i32
      %dma_start3A_306 = arith.constant 6 : i32
      %dma_start3A_307 = arith.constant 1 : i32
      %dma_start3A_308 = arith.constant 0 : i32
      %dma_start3A_309 = arith.constant 0 : i32
      %dma_start3A_310 = tpu.memref_slice %arg7[%dma_start3A_306, %dma_start3A_308, %dma_start3A_309] : memref<8x128x48xf32, #tpu.memory_space<vmem>> -> memref<1x128x48xf32, #tpu.memory_space<vmem>>
      %dma_start3A_311 = tpu.memref_squeeze %dma_start3A_310 : memref<1x128x48xf32, #tpu.memory_space<vmem>> -> memref<128x48xf32, #tpu.memory_space<vmem>>
      %dma_start3A_312 = arith.constant 0 : i32
      %dma_start3A_313 = tpu.memref_slice %arg6[%dma_start3A_307, %add3A_305, %dma_start3A_312] : memref<2x80x128xi32, #tpu.memory_space<vmem>> -> memref<1x1x128xi32, #tpu.memory_space<vmem>>
      %dma_start3A_314 = tpu.memref_squeeze %dma_start3A_313 : memref<1x1x128xi32, #tpu.memory_space<vmem>> -> memref<128xi32, #tpu.memory_space<vmem>>
      %dma_start3A_315 = arith.constant 0 : i32
      %dma_start3A_316 = arith.constant 0 : i32
      %dma_start3A_317 = tpu.memref_slice %arg8[%dma_start3A_315, %dma_start3A_316] : memref<10240x48xf32, #tpu.memory_space<vmem_shared>> -> memref<10240x48xf32, #tpu.memory_space<vmem_shared>>
      tpu.enqueue_indirect_dma source(%dma_start3A_311 : memref<128x48xf32, #tpu.memory_space<vmem>>) target(%dma_start3A_317 : memref<10240x48xf32, #tpu.memory_space<vmem_shared>>) offsets(%dma_start3A_314 : memref<128xi32, #tpu.memory_space<vmem>>) semaphore(%arg9 : memref<!tpu.dma_semaphore, #tpu.memory_space<semaphore_mem>>) {add = true}
      %dma_wait3A_318 = arith.constant 0 : i32
      %dma_wait3A_319 = arith.constant 7 : i32
      %dma_wait3A_320 = arith.constant 0 : i32
      %dma_wait3A_321 = arith.constant 0 : i32
      %dma_wait3A_322 = tpu.memref_slice %arg7[%dma_wait3A_319, %dma_wait3A_320, %dma_wait3A_321] : memref<8x128x48xf32, #tpu.memory_space<vmem>> -> memref<1x128x48xf32, #tpu.memory_space<vmem>>
      %dma_wait3A_323 = tpu.memref_squeeze %dma_wait3A_322 : memref<1x128x48xf32, #tpu.memory_space<vmem>> -> memref<128x48xf32, #tpu.memory_space<vmem>>
      %dma_wait3A_324 = arith.constant 0 : i32
      %dma_wait3A_325 = tpu.memref_slice %arg6[%dma_wait3A_318, %add3A_124, %dma_wait3A_324] : memref<2x80x128xi32, #tpu.memory_space<vmem>> -> memref<1x1x128xi32, #tpu.memory_space<vmem>>
      %dma_wait3A_326 = tpu.memref_squeeze %dma_wait3A_325 : memref<1x1x128xi32, #tpu.memory_space<vmem>> -> memref<128xi32, #tpu.memory_space<vmem>>
      %dma_wait3A_327 = arith.constant 0 : i32
      %dma_wait3A_328 = arith.constant 0 : i32
      %dma_wait3A_329 = tpu.memref_slice %arg2[%dma_wait3A_327, %dma_wait3A_328] : memref<10240x48xf32, #tpu.memory_space<hbm>> -> memref<10240x48xf32, #tpu.memory_space<hbm>>
      tpu.wait_indirect_dma semaphore(%arg17 : memref<!tpu.dma_semaphore, #tpu.memory_space<semaphore_mem>>) src(%dma_wait3A_329 : memref<10240x48xf32, #tpu.memory_space<hbm>>) dst(%dma_wait3A_323 : memref<128x48xf32, #tpu.memory_space<vmem>>)
      %add3A_330 = arith.constant 7 : i32
      %add3A_331 = arith.addi %mul3A_25, %add3A_330 : i32
      %dma_start3A_332 = arith.constant 7 : i32
      %dma_start3A_333 = arith.constant 1 : i32
      %dma_start3A_334 = arith.constant 0 : i32
      %dma_start3A_335 = arith.constant 0 : i32
      %dma_start3A_336 = tpu.memref_slice %arg7[%dma_start3A_332, %dma_start3A_334, %dma_start3A_335] : memref<8x128x48xf32, #tpu.memory_space<vmem>> -> memref<1x128x48xf32, #tpu.memory_space<vmem>>
      %dma_start3A_337 = tpu.memref_squeeze %dma_start3A_336 : memref<1x128x48xf32, #tpu.memory_space<vmem>> -> memref<128x48xf32, #tpu.memory_space<vmem>>
      %dma_start3A_338 = arith.constant 0 : i32
      %dma_start3A_339 = tpu.memref_slice %arg6[%dma_start3A_333, %add3A_331, %dma_start3A_338] : memref<2x80x128xi32, #tpu.memory_space<vmem>> -> memref<1x1x128xi32, #tpu.memory_space<vmem>>
      %dma_start3A_340 = tpu.memref_squeeze %dma_start3A_339 : memref<1x1x128xi32, #tpu.memory_space<vmem>> -> memref<128xi32, #tpu.memory_space<vmem>>
      %dma_start3A_341 = arith.constant 0 : i32
      %dma_start3A_342 = arith.constant 0 : i32
      %dma_start3A_343 = tpu.memref_slice %arg8[%dma_start3A_341, %dma_start3A_342] : memref<10240x48xf32, #tpu.memory_space<vmem_shared>> -> memref<10240x48xf32, #tpu.memory_space<vmem_shared>>
      tpu.enqueue_indirect_dma source(%dma_start3A_337 : memref<128x48xf32, #tpu.memory_space<vmem>>) target(%dma_start3A_343 : memref<10240x48xf32, #tpu.memory_space<vmem_shared>>) offsets(%dma_start3A_340 : memref<128xi32, #tpu.memory_space<vmem>>) semaphore(%arg9 : memref<!tpu.dma_semaphore, #tpu.memory_space<semaphore_mem>>) {add = true}
      %dma_wait3A_344 = arith.constant 0 : i32
      %dma_wait3A_345 = arith.constant 1 : i32
      %dma_wait3A_346 = arith.constant 0 : i32
      %dma_wait3A_347 = arith.constant 0 : i32
      %dma_wait3A_348 = tpu.memref_slice %arg7[%dma_wait3A_344, %dma_wait3A_346, %dma_wait3A_347] : memref<8x128x48xf32, #tpu.memory_space<vmem>> -> memref<1x128x48xf32, #tpu.memory_space<vmem>>
      %dma_wait3A_349 = tpu.memref_squeeze %dma_wait3A_348 : memref<1x128x48xf32, #tpu.memory_space<vmem>> -> memref<128x48xf32, #tpu.memory_space<vmem>>
      %dma_wait3A_350 = arith.constant 0 : i32
      %dma_wait3A_351 = tpu.memref_slice %arg6[%dma_wait3A_345, %add3A_149, %dma_wait3A_350] : memref<2x80x128xi32, #tpu.memory_space<vmem>> -> memref<1x1x128xi32, #tpu.memory_space<vmem>>
      %dma_wait3A_352 = tpu.memref_squeeze %dma_wait3A_351 : memref<1x1x128xi32, #tpu.memory_space<vmem>> -> memref<128xi32, #tpu.memory_space<vmem>>
      %dma_wait3A_353 = arith.constant 0 : i32
      %dma_wait3A_354 = arith.constant 0 : i32
      %dma_wait3A_355 = tpu.memref_slice %arg8[%dma_wait3A_353, %dma_wait3A_354] : memref<10240x48xf32, #tpu.memory_space<vmem_shared>> -> memref<10240x48xf32, #tpu.memory_space<vmem_shared>>
      tpu.wait_indirect_dma semaphore(%arg9 : memref<!tpu.dma_semaphore, #tpu.memory_space<semaphore_mem>>) src(%dma_wait3A_349 : memref<128x48xf32, #tpu.memory_space<vmem>>) dst(%dma_wait3A_355 : memref<10240x48xf32, #tpu.memory_space<vmem_shared>>)
      %dma_wait3A_356 = arith.constant 1 : i32
      %dma_wait3A_357 = arith.constant 1 : i32
      %dma_wait3A_358 = arith.constant 0 : i32
      %dma_wait3A_359 = arith.constant 0 : i32
      %dma_wait3A_360 = tpu.memref_slice %arg7[%dma_wait3A_356, %dma_wait3A_358, %dma_wait3A_359] : memref<8x128x48xf32, #tpu.memory_space<vmem>> -> memref<1x128x48xf32, #tpu.memory_space<vmem>>
      %dma_wait3A_361 = tpu.memref_squeeze %dma_wait3A_360 : memref<1x128x48xf32, #tpu.memory_space<vmem>> -> memref<128x48xf32, #tpu.memory_space<vmem>>
      %dma_wait3A_362 = arith.constant 0 : i32
      %dma_wait3A_363 = tpu.memref_slice %arg6[%dma_wait3A_357, %add3A_175, %dma_wait3A_362] : memref<2x80x128xi32, #tpu.memory_space<vmem>> -> memref<1x1x128xi32, #tpu.memory_space<vmem>>
      %dma_wait3A_364 = tpu.memref_squeeze %dma_wait3A_363 : memref<1x1x128xi32, #tpu.memory_space<vmem>> -> memref<128xi32, #tpu.memory_space<vmem>>
      %dma_wait3A_365 = arith.constant 0 : i32
      %dma_wait3A_366 = arith.constant 0 : i32
      %dma_wait3A_367 = tpu.memref_slice %arg8[%dma_wait3A_365, %dma_wait3A_366] : memref<10240x48xf32, #tpu.memory_space<vmem_shared>> -> memref<10240x48xf32, #tpu.memory_space<vmem_shared>>
      tpu.wait_indirect_dma semaphore(%arg9 : memref<!tpu.dma_semaphore, #tpu.memory_space<semaphore_mem>>) src(%dma_wait3A_361 : memref<128x48xf32, #tpu.memory_space<vmem>>) dst(%dma_wait3A_367 : memref<10240x48xf32, #tpu.memory_space<vmem_shared>>)
      %dma_wait3A_368 = arith.constant 2 : i32
      %dma_wait3A_369 = arith.constant 1 : i32
      %dma_wait3A_370 = arith.constant 0 : i32
      %dma_wait3A_371 = arith.constant 0 : i32
      %dma_wait3A_372 = tpu.memref_slice %arg7[%dma_wait3A_368, %dma_wait3A_370, %dma_wait3A_371] : memref<8x128x48xf32, #tpu.memory_space<vmem>> -> memref<1x128x48xf32, #tpu.memory_space<vmem>>
      %dma_wait3A_373 = tpu.memref_squeeze %dma_wait3A_372 : memref<1x128x48xf32, #tpu.memory_space<vmem>> -> memref<128x48xf32, #tpu.memory_space<vmem>>
      %dma_wait3A_374 = arith.constant 0 : i32
      %dma_wait3A_375 = tpu.memref_slice %arg6[%dma_wait3A_369, %add3A_201, %dma_wait3A_374] : memref<2x80x128xi32, #tpu.memory_space<vmem>> -> memref<1x1x128xi32, #tpu.memory_space<vmem>>
      %dma_wait3A_376 = tpu.memref_squeeze %dma_wait3A_375 : memref<1x1x128xi32, #tpu.memory_space<vmem>> -> memref<128xi32, #tpu.memory_space<vmem>>
      %dma_wait3A_377 = arith.constant 0 : i32
      %dma_wait3A_378 = arith.constant 0 : i32
      %dma_wait3A_379 = tpu.memref_slice %arg8[%dma_wait3A_377, %dma_wait3A_378] : memref<10240x48xf32, #tpu.memory_space<vmem_shared>> -> memref<10240x48xf32, #tpu.memory_space<vmem_shared>>
      tpu.wait_indirect_dma semaphore(%arg9 : memref<!tpu.dma_semaphore, #tpu.memory_space<semaphore_mem>>) src(%dma_wait3A_373 : memref<128x48xf32, #tpu.memory_space<vmem>>) dst(%dma_wait3A_379 : memref<10240x48xf32, #tpu.memory_space<vmem_shared>>)
      %dma_wait3A_380 = arith.constant 3 : i32
      %dma_wait3A_381 = arith.constant 1 : i32
      %dma_wait3A_382 = arith.constant 0 : i32
      %dma_wait3A_383 = arith.constant 0 : i32
      %dma_wait3A_384 = tpu.memref_slice %arg7[%dma_wait3A_380, %dma_wait3A_382, %dma_wait3A_383] : memref<8x128x48xf32, #tpu.memory_space<vmem>> -> memref<1x128x48xf32, #tpu.memory_space<vmem>>
      %dma_wait3A_385 = tpu.memref_squeeze %dma_wait3A_384 : memref<1x128x48xf32, #tpu.memory_space<vmem>> -> memref<128x48xf32, #tpu.memory_space<vmem>>
      %dma_wait3A_386 = arith.constant 0 : i32
      %dma_wait3A_387 = tpu.memref_slice %arg6[%dma_wait3A_381, %add3A_227, %dma_wait3A_386] : memref<2x80x128xi32, #tpu.memory_space<vmem>> -> memref<1x1x128xi32, #tpu.memory_space<vmem>>
      %dma_wait3A_388 = tpu.memref_squeeze %dma_wait3A_387 : memref<1x1x128xi32, #tpu.memory_space<vmem>> -> memref<128xi32, #tpu.memory_space<vmem>>
      %dma_wait3A_389 = arith.constant 0 : i32
      %dma_wait3A_390 = arith.constant 0 : i32
      %dma_wait3A_391 = tpu.memref_slice %arg8[%dma_wait3A_389, %dma_wait3A_390] : memref<10240x48xf32, #tpu.memory_space<vmem_shared>> -> memref<10240x48xf32, #tpu.memory_space<vmem_shared>>
      tpu.wait_indirect_dma semaphore(%arg9 : memref<!tpu.dma_semaphore, #tpu.memory_space<semaphore_mem>>) src(%dma_wait3A_385 : memref<128x48xf32, #tpu.memory_space<vmem>>) dst(%dma_wait3A_391 : memref<10240x48xf32, #tpu.memory_space<vmem_shared>>)
      %dma_wait3A_392 = arith.constant 4 : i32
      %dma_wait3A_393 = arith.constant 1 : i32
      %dma_wait3A_394 = arith.constant 0 : i32
      %dma_wait3A_395 = arith.constant 0 : i32
      %dma_wait3A_396 = tpu.memref_slice %arg7[%dma_wait3A_392, %dma_wait3A_394, %dma_wait3A_395] : memref<8x128x48xf32, #tpu.memory_space<vmem>> -> memref<1x128x48xf32, #tpu.memory_space<vmem>>
      %dma_wait3A_397 = tpu.memref_squeeze %dma_wait3A_396 : memref<1x128x48xf32, #tpu.memory_space<vmem>> -> memref<128x48xf32, #tpu.memory_space<vmem>>
      %dma_wait3A_398 = arith.constant 0 : i32
      %dma_wait3A_399 = tpu.memref_slice %arg6[%dma_wait3A_393, %add3A_253, %dma_wait3A_398] : memref<2x80x128xi32, #tpu.memory_space<vmem>> -> memref<1x1x128xi32, #tpu.memory_space<vmem>>
      %dma_wait3A_400 = tpu.memref_squeeze %dma_wait3A_399 : memref<1x1x128xi32, #tpu.memory_space<vmem>> -> memref<128xi32, #tpu.memory_space<vmem>>
      %dma_wait3A_401 = arith.constant 0 : i32
      %dma_wait3A_402 = arith.constant 0 : i32
      %dma_wait3A_403 = tpu.memref_slice %arg8[%dma_wait3A_401, %dma_wait3A_402] : memref<10240x48xf32, #tpu.memory_space<vmem_shared>> -> memref<10240x48xf32, #tpu.memory_space<vmem_shared>>
      tpu.wait_indirect_dma semaphore(%arg9 : memref<!tpu.dma_semaphore, #tpu.memory_space<semaphore_mem>>) src(%dma_wait3A_397 : memref<128x48xf32, #tpu.memory_space<vmem>>) dst(%dma_wait3A_403 : memref<10240x48xf32, #tpu.memory_space<vmem_shared>>)
      %dma_wait3A_404 = arith.constant 5 : i32
      %dma_wait3A_405 = arith.constant 1 : i32
      %dma_wait3A_406 = arith.constant 0 : i32
      %dma_wait3A_407 = arith.constant 0 : i32
      %dma_wait3A_408 = tpu.memref_slice %arg7[%dma_wait3A_404, %dma_wait3A_406, %dma_wait3A_407] : memref<8x128x48xf32, #tpu.memory_space<vmem>> -> memref<1x128x48xf32, #tpu.memory_space<vmem>>
      %dma_wait3A_409 = tpu.memref_squeeze %dma_wait3A_408 : memref<1x128x48xf32, #tpu.memory_space<vmem>> -> memref<128x48xf32, #tpu.memory_space<vmem>>
      %dma_wait3A_410 = arith.constant 0 : i32
      %dma_wait3A_411 = tpu.memref_slice %arg6[%dma_wait3A_405, %add3A_279, %dma_wait3A_410] : memref<2x80x128xi32, #tpu.memory_space<vmem>> -> memref<1x1x128xi32, #tpu.memory_space<vmem>>
      %dma_wait3A_412 = tpu.memref_squeeze %dma_wait3A_411 : memref<1x1x128xi32, #tpu.memory_space<vmem>> -> memref<128xi32, #tpu.memory_space<vmem>>
      %dma_wait3A_413 = arith.constant 0 : i32
      %dma_wait3A_414 = arith.constant 0 : i32
      %dma_wait3A_415 = tpu.memref_slice %arg8[%dma_wait3A_413, %dma_wait3A_414] : memref<10240x48xf32, #tpu.memory_space<vmem_shared>> -> memref<10240x48xf32, #tpu.memory_space<vmem_shared>>
      tpu.wait_indirect_dma semaphore(%arg9 : memref<!tpu.dma_semaphore, #tpu.memory_space<semaphore_mem>>) src(%dma_wait3A_409 : memref<128x48xf32, #tpu.memory_space<vmem>>) dst(%dma_wait3A_415 : memref<10240x48xf32, #tpu.memory_space<vmem_shared>>)
      %dma_wait3A_416 = arith.constant 6 : i32
      %dma_wait3A_417 = arith.constant 1 : i32
      %dma_wait3A_418 = arith.constant 0 : i32
      %dma_wait3A_419 = arith.constant 0 : i32
      %dma_wait3A_420 = tpu.memref_slice %arg7[%dma_wait3A_416, %dma_wait3A_418, %dma_wait3A_419] : memref<8x128x48xf32, #tpu.memory_space<vmem>> -> memref<1x128x48xf32, #tpu.memory_space<vmem>>
      %dma_wait3A_421 = tpu.memref_squeeze %dma_wait3A_420 : memref<1x128x48xf32, #tpu.memory_space<vmem>> -> memref<128x48xf32, #tpu.memory_space<vmem>>
      %dma_wait3A_422 = arith.constant 0 : i32
      %dma_wait3A_423 = tpu.memref_slice %arg6[%dma_wait3A_417, %add3A_305, %dma_wait3A_422] : memref<2x80x128xi32, #tpu.memory_space<vmem>> -> memref<1x1x128xi32, #tpu.memory_space<vmem>>
      %dma_wait3A_424 = tpu.memref_squeeze %dma_wait3A_423 : memref<1x1x128xi32, #tpu.memory_space<vmem>> -> memref<128xi32, #tpu.memory_space<vmem>>
      %dma_wait3A_425 = arith.constant 0 : i32
      %dma_wait3A_426 = arith.constant 0 : i32
      %dma_wait3A_427 = tpu.memref_slice %arg8[%dma_wait3A_425, %dma_wait3A_426] : memref<10240x48xf32, #tpu.memory_space<vmem_shared>> -> memref<10240x48xf32, #tpu.memory_space<vmem_shared>>
      tpu.wait_indirect_dma semaphore(%arg9 : memref<!tpu.dma_semaphore, #tpu.memory_space<semaphore_mem>>) src(%dma_wait3A_421 : memref<128x48xf32, #tpu.memory_space<vmem>>) dst(%dma_wait3A_427 : memref<10240x48xf32, #tpu.memory_space<vmem_shared>>)
      %dma_wait3A_428 = arith.constant 7 : i32
      %dma_wait3A_429 = arith.constant 1 : i32
      %dma_wait3A_430 = arith.constant 0 : i32
      %dma_wait3A_431 = arith.constant 0 : i32
      %dma_wait3A_432 = tpu.memref_slice %arg7[%dma_wait3A_428, %dma_wait3A_430, %dma_wait3A_431] : memref<8x128x48xf32, #tpu.memory_space<vmem>> -> memref<1x128x48xf32, #tpu.memory_space<vmem>>
      %dma_wait3A_433 = tpu.memref_squeeze %dma_wait3A_432 : memref<1x128x48xf32, #tpu.memory_space<vmem>> -> memref<128x48xf32, #tpu.memory_space<vmem>>
      %dma_wait3A_434 = arith.constant 0 : i32
      %dma_wait3A_435 = tpu.memref_slice %arg6[%dma_wait3A_429, %add3A_331, %dma_wait3A_434] : memref<2x80x128xi32, #tpu.memory_space<vmem>> -> memref<1x1x128xi32, #tpu.memory_space<vmem>>
      %dma_wait3A_436 = tpu.memref_squeeze %dma_wait3A_435 : memref<1x1x128xi32, #tpu.memory_space<vmem>> -> memref<128xi32, #tpu.memory_space<vmem>>
      %dma_wait3A_437 = arith.constant 0 : i32
      %dma_wait3A_438 = arith.constant 0 : i32
      %dma_wait3A_439 = tpu.memref_slice %arg8[%dma_wait3A_437, %dma_wait3A_438] : memref<10240x48xf32, #tpu.memory_space<vmem_shared>> -> memref<10240x48xf32, #tpu.memory_space<vmem_shared>>
      tpu.wait_indirect_dma semaphore(%arg9 : memref<!tpu.dma_semaphore, #tpu.memory_space<semaphore_mem>>) src(%dma_wait3A_433 : memref<128x48xf32, #tpu.memory_space<vmem>>) dst(%dma_wait3A_439 : memref<10240x48xf32, #tpu.memory_space<vmem_shared>>)
      %scan3A_440 = arith.constant 0 : i32
      scf.yield %scan3A_440 : i32
    }
    %scan3A_18 = arith.constant 10 : i32
    %scan3A_19 = arith.constant 0 : i32
    %scan3A_20 = arith.constant 1 : i32
    %barrier3A_21 = arith.constant 0 : index
    tpu.barrier barrier_id(%barrier3A_21)
    "tpu.region"() ({
      %run_scoped3A_22 = tpu.sem_alloc : memref<!tpu.dma_semaphore, #tpu.memory_space<semaphore_mem>>
      %dma_start3A = arith.constant 0 : i32
      %dma_start3A_23 = tpu.memref_slice %arg5[%arg0, %mul3A_2, %dma_start3A] : memref<2x10240x48xf32, #tpu.memory_space<hbm>> -> memref<1x640x48xf32, #tpu.memory_space<hbm>>
      %dma_start3A_24 = tpu.memref_squeeze %dma_start3A_23 : memref<1x640x48xf32, #tpu.memory_space<hbm>> -> memref<640x48xf32, #tpu.memory_space<hbm>>
      %dma_start3A_25 = arith.constant 0 : i32
      %dma_start3A_26 = tpu.memref_slice %arg8[%mul3A_2, %dma_start3A_25] : memref<10240x48xf32, #tpu.memory_space<vmem_shared>> -> memref<640x48xf32, #tpu.memory_space<vmem_shared>>
      tpu.enqueue_dma source(%dma_start3A_26 : memref<640x48xf32, #tpu.memory_space<vmem_shared>>) target(%dma_start3A_24 : memref<640x48xf32, #tpu.memory_space<hbm>>) target_semaphore(%run_scoped3A_22 : memref<!tpu.dma_semaphore, #tpu.memory_space<semaphore_mem>>)
      %dma_wait3A = arith.constant 0 : i32
      %dma_wait3A_27 = tpu.memref_slice %arg5[%arg0, %mul3A_2, %dma_wait3A] : memref<2x10240x48xf32, #tpu.memory_space<hbm>> -> memref<1x640x48xf32, #tpu.memory_space<hbm>>
      %dma_wait3A_28 = tpu.memref_squeeze %dma_wait3A_27 : memref<1x640x48xf32, #tpu.memory_space<hbm>> -> memref<640x48xf32, #tpu.memory_space<hbm>>
      %dma_wait3A_29 = arith.constant 0 : i32
      %dma_wait3A_30 = tpu.memref_slice %arg8[%mul3A_2, %dma_wait3A_29] : memref<10240x48xf32, #tpu.memory_space<vmem_shared>> -> memref<640x48xf32, #tpu.memory_space<vmem_shared>>
      tpu.wait_dma2 semaphore(%run_scoped3A_22 : memref<!tpu.dma_semaphore, #tpu.memory_space<semaphore_mem>>) src(%dma_wait3A_30 : memref<640x48xf32, #tpu.memory_space<vmem_shared>>) dst(%dma_wait3A_28 : memref<640x48xf32, #tpu.memory_space<hbm>>)
      tpu.yield
    }) : () -> ()
    return
  }
}

module attributes {stable_mosaic.version = 14 : i64} {
  func.func @body(%arg0: i32, %arg1: memref<2x2048x16xf32, #tpu.memory_space<vmem>>, %arg2: memref<2x2048x16xf32, #tpu.memory_space<vmem>>, %arg3: memref<2048x128xf32, #tpu.memory_space<vmem>>, %arg4: memref<2048x1xf32, #tpu.memory_space<vmem>>, %arg5: memref<2048x1xf32, #tpu.memory_space<vmem>>, %arg6: memref<2048x128xf32, #tpu.memory_space<vmem>>) attributes {dimension_semantics = [#tpu.dimension_semantics<arbitrary>], iteration_bounds = array<i64: 5>, scalar_prefetch = 0 : i64, scratch_operands = 0 : i64, tpu.core_type = #tpu.core_type<tc>, window_params = [{transform_indices = @transform_0, window_bounds = array<i64: 2, 2048, 16>}, {transform_indices = @transform_1, window_bounds = array<i64: 2, 2048, 16>}, {transform_indices = @transform_2, window_bounds = array<i64: 2048, 128>}, {transform_indices = @transform_3, window_bounds = array<i64: 2048, 1>}, {transform_indices = @transform_4, window_bounds = array<i64: 2048, 1>}, {transform_indices = @transform_5, window_bounds = array<i64: 2048, 128>}]} {
    %get3A = arith.constant 0 : index
    %get3A_0 = arith.constant 0 : index
    %get3A_1 = arith.constant 0 : index
    %get3A_2 = vector.load %arg1[%get3A, %get3A_0, %get3A_1] : memref<2x2048x16xf32, #tpu.memory_space<vmem>>, vector<1x2048x16xf32>
    %get3A_3 = vector.shape_cast %get3A_2 : vector<1x2048x16xf32> to vector<2048x16xf32>
    %slice3A = vector.extract_strided_slice %get3A_3 {offsets = [0, 0], sizes = [2048, 1], strides = [1, 1]} : vector<2048x16xf32> to vector<2048x1xf32>
    %get3A_4 = arith.constant 1 : index
    %get3A_5 = arith.constant 0 : index
    %get3A_6 = arith.constant 0 : index
    %get3A_7 = vector.load %arg1[%get3A_4, %get3A_5, %get3A_6] : memref<2x2048x16xf32, #tpu.memory_space<vmem>>, vector<1x2048x16xf32>
    %get3A_8 = vector.shape_cast %get3A_7 : vector<1x2048x16xf32> to vector<2048x16xf32>
    %slice3A_9 = vector.extract_strided_slice %get3A_8 {offsets = [0, 0], sizes = [2048, 1], strides = [1, 1]} : vector<2048x16xf32> to vector<2048x1xf32>
    %add3A = arith.addf %slice3A, %slice3A_9 : vector<2048x1xf32>
    %get3A_10 = arith.constant 0 : index
    %get3A_11 = arith.constant 0 : index
    %get3A_12 = arith.constant 0 : index
    %get3A_13 = vector.load %arg2[%get3A_10, %get3A_11, %get3A_12] : memref<2x2048x16xf32, #tpu.memory_space<vmem>>, vector<1x2048x16xf32>
    %get3A_14 = vector.shape_cast %get3A_13 : vector<1x2048x16xf32> to vector<2048x16xf32>
    %slice3A_15 = vector.extract_strided_slice %get3A_14 {offsets = [0, 0], sizes = [2048, 1], strides = [1, 1]} : vector<2048x16xf32> to vector<2048x1xf32>
    %get3A_16 = arith.constant 1 : index
    %get3A_17 = arith.constant 0 : index
    %get3A_18 = arith.constant 0 : index
    %get3A_19 = vector.load %arg2[%get3A_16, %get3A_17, %get3A_18] : memref<2x2048x16xf32, #tpu.memory_space<vmem>>, vector<1x2048x16xf32>
    %get3A_20 = vector.shape_cast %get3A_19 : vector<1x2048x16xf32> to vector<2048x16xf32>
    %slice3A_21 = vector.extract_strided_slice %get3A_20 {offsets = [0, 0], sizes = [2048, 1], strides = [1, 1]} : vector<2048x16xf32> to vector<2048x1xf32>
    %add3A_22 = arith.addf %slice3A_15, %slice3A_21 : vector<2048x1xf32>
    %gt3A = arith.constant 0.000000e+00 : f32
    %gt3A_23 = vector.broadcast %gt3A : f32 to vector<2048x1xf32>
    %gt3A_24 = arith.cmpf ogt, %add3A, %gt3A_23 : vector<2048x1xf32>
    %max3A = arith.constant 1.000000e-30 : f32
    %max3A_25 = vector.broadcast %max3A : f32 to vector<2048x1xf32>
    %max3A_26 = arith.maximumf %add3A, %max3A_25 : vector<2048x1xf32>
    %rsqrt3A = math.rsqrt %max3A_26 : vector<2048x1xf32>
    %jit3A = arith.constant 0.000000e+00 : f32
    %broadcast_in_dim3A = vector.broadcast %jit3A : f32 to vector<2048x1xf32>
    %select_n3A = arith.select %gt3A_24, %rsqrt3A, %broadcast_in_dim3A : vector<2048x1xi1>, vector<2048x1xf32>
    %gt3A_27 = arith.constant 0.000000e+00 : f32
    %gt3A_28 = vector.broadcast %gt3A_27 : f32 to vector<2048x1xf32>
    %gt3A_29 = arith.cmpf ogt, %add3A_22, %gt3A_28 : vector<2048x1xf32>
    %max3A_30 = arith.constant 1.000000e-30 : f32
    %max3A_31 = vector.broadcast %max3A_30 : f32 to vector<2048x1xf32>
    %max3A_32 = arith.maximumf %add3A_22, %max3A_31 : vector<2048x1xf32>
    %div3A = arith.constant 1.000000e+00 : f32
    %div3A_33 = vector.broadcast %div3A : f32 to vector<2048x1xf32>
    %div3A_34 = arith.divf %div3A_33, %max3A_32 : vector<2048x1xf32>
    %jit3A_35 = arith.constant 0.000000e+00 : f32
    %broadcast_in_dim3A_36 = vector.broadcast %jit3A_35 : f32 to vector<2048x1xf32>
    %select_n3A_37 = arith.select %gt3A_29, %div3A_34, %broadcast_in_dim3A_36 : vector<2048x1xi1>, vector<2048x1xf32>
    %swap3A = arith.constant 0 : index
    %swap3A_38 = arith.constant 0 : index
    %swap3A_39 = vector.load %arg4[%swap3A, %swap3A_38] : memref<2048x1xf32, #tpu.memory_space<vmem>>, vector<2048x1xf32>
    tpu.vector_store %arg4[%swap3A, %swap3A_38], %select_n3A {strides = array<i32>} : memref<2048x1xf32, #tpu.memory_space<vmem>>, vector<2048x1xf32>,
    %swap3A_40 = arith.constant 0 : index
    %swap3A_41 = arith.constant 0 : index
    %swap3A_42 = vector.load %arg5[%swap3A_40, %swap3A_41] : memref<2048x1xf32, #tpu.memory_space<vmem>>, vector<2048x1xf32>
    tpu.vector_store %arg5[%swap3A_40, %swap3A_41], %select_n3A_37 {strides = array<i32>} : memref<2048x1xf32, #tpu.memory_space<vmem>>, vector<2048x1xf32>,
    %get3A_43 = arith.constant 0 : index
    %get3A_44 = arith.constant 0 : index
    %get3A_45 = vector.load %arg3[%get3A_43, %get3A_44] : memref<2048x128xf32, #tpu.memory_space<vmem>>, vector<2048x128xf32>
    %mul3A = vector.broadcast %select_n3A : vector<2048x1xf32> to vector<2048x128xf32>
    %mul3A_46 = arith.mulf %get3A_45, %mul3A : vector<2048x128xf32>
    %swap3A_47 = arith.constant 0 : index
    %swap3A_48 = arith.constant 0 : index
    %swap3A_49 = vector.load %arg6[%swap3A_47, %swap3A_48] : memref<2048x128xf32, #tpu.memory_space<vmem>>, vector<2048x128xf32>
    tpu.vector_store %arg6[%swap3A_47, %swap3A_48], %mul3A_46 {strides = array<i32>} : memref<2048x128xf32, #tpu.memory_space<vmem>>, vector<2048x128xf32>,
    return
  }
  func.func @transform_0(%arg0: i32) -> (i32, i32, i32) {
    %c0_i32 = arith.constant 0 : i32
    %c0_i32_0 = arith.constant 0 : i32
    %c0_i32_1 = arith.constant 0 : i32
    return %c0_i32, %arg0, %c0_i32_0 : i32, i32, i32
  }
  func.func @transform_1(%arg0: i32) -> (i32, i32, i32) {
    %c0_i32 = arith.constant 0 : i32
    %c0_i32_0 = arith.constant 0 : i32
    %c0_i32_1 = arith.constant 0 : i32
    return %c0_i32, %arg0, %c0_i32_0 : i32, i32, i32
  }
  func.func @transform_2(%arg0: i32) -> (i32, i32) {
    %c0_i32 = arith.constant 0 : i32
    %c0_i32_0 = arith.constant 0 : i32
    return %arg0, %c0_i32 : i32, i32
  }
  func.func @transform_3(%arg0: i32) -> (i32, i32) {
    %c0_i32 = arith.constant 0 : i32
    %c0_i32_0 = arith.constant 0 : i32
    return %arg0, %c0_i32 : i32, i32
  }
  func.func @transform_4(%arg0: i32) -> (i32, i32) {
    %c0_i32 = arith.constant 0 : i32
    %c0_i32_0 = arith.constant 0 : i32
    return %arg0, %c0_i32 : i32, i32
  }
  func.func @transform_5(%arg0: i32) -> (i32, i32) {
    %c0_i32 = arith.constant 0 : i32
    %c0_i32_0 = arith.constant 0 : i32
    return %arg0, %c0_i32 : i32, i32
  }
}

module attributes {stable_mosaic.version = 14 : i64} {
  func.func @body(%arg0: i32, %arg1: memref<2x2048x128xf32, #tpu.memory_space<vmem>>, %arg2: memref<2048x1xf32, #tpu.memory_space<vmem>>, %arg3: memref<2048x128xf32, #tpu.memory_space<vmem>>) attributes {dimension_semantics = [#tpu.dimension_semantics<arbitrary>], iteration_bounds = array<i64: 5>, scalar_prefetch = 0 : i64, scratch_operands = 0 : i64, tpu.core_type = #tpu.core_type<tc>, window_params = [{transform_indices = @transform_0, window_bounds = array<i64: 2, 2048, 128>}, {transform_indices = @transform_1, window_bounds = array<i64: 2048, 1>}, {transform_indices = @transform_2, window_bounds = array<i64: 2048, 128>}]} {
    %get3A = arith.constant 0 : index
    %get3A_0 = arith.constant 0 : index
    %get3A_1 = arith.constant 0 : index
    %get3A_2 = vector.load %arg1[%get3A, %get3A_0, %get3A_1] : memref<2x2048x128xf32, #tpu.memory_space<vmem>>, vector<1x2048x128xf32>
    %get3A_3 = vector.shape_cast %get3A_2 : vector<1x2048x128xf32> to vector<2048x128xf32>
    %get3A_4 = arith.constant 1 : index
    %get3A_5 = arith.constant 0 : index
    %get3A_6 = arith.constant 0 : index
    %get3A_7 = vector.load %arg1[%get3A_4, %get3A_5, %get3A_6] : memref<2x2048x128xf32, #tpu.memory_space<vmem>>, vector<1x2048x128xf32>
    %get3A_8 = vector.shape_cast %get3A_7 : vector<1x2048x128xf32> to vector<2048x128xf32>
    %add3A = arith.addf %get3A_3, %get3A_8 : vector<2048x128xf32>
    %get3A_9 = arith.constant 0 : index
    %get3A_10 = arith.constant 0 : index
    %get3A_11 = vector.load %arg2[%get3A_9, %get3A_10] : memref<2048x1xf32, #tpu.memory_space<vmem>>, vector<2048x1xf32>
    %mul3A = vector.broadcast %get3A_11 : vector<2048x1xf32> to vector<2048x128xf32>
    %mul3A_12 = arith.mulf %add3A, %mul3A : vector<2048x128xf32>
    %swap3A = arith.constant 0 : index
    %swap3A_13 = arith.constant 0 : index
    %swap3A_14 = vector.load %arg3[%swap3A, %swap3A_13] : memref<2048x128xf32, #tpu.memory_space<vmem>>, vector<2048x128xf32>
    tpu.vector_store %arg3[%swap3A, %swap3A_13], %mul3A_12 {strides = array<i32>} : memref<2048x128xf32, #tpu.memory_space<vmem>>, vector<2048x128xf32>,
    return
  }
  func.func @transform_0(%arg0: i32) -> (i32, i32, i32) {
    %c0_i32 = arith.constant 0 : i32
    %c0_i32_0 = arith.constant 0 : i32
    %c0_i32_1 = arith.constant 0 : i32
    return %c0_i32, %arg0, %c0_i32_0 : i32, i32, i32
  }
  func.func @transform_1(%arg0: i32) -> (i32, i32) {
    %c0_i32 = arith.constant 0 : i32
    %c0_i32_0 = arith.constant 0 : i32
    return %arg0, %c0_i32 : i32, i32
  }
  func.func @transform_2(%arg0: i32) -> (i32, i32) {
    %c0_i32 = arith.constant 0 : i32
    %c0_i32_0 = arith.constant 0 : i32
    return %arg0, %c0_i32 : i32, i32
  }
}

module attributes {stable_mosaic.version = 14 : i64} {
  func.func @body(%arg0: i32, %arg1: memref<2x2048x128xf32, #tpu.memory_space<vmem>>, %arg2: memref<2048x1xf32, #tpu.memory_space<vmem>>, %arg3: memref<128x256xf32, #tpu.memory_space<vmem>>, %arg4: memref<1x256xf32, #tpu.memory_space<vmem>>, %arg5: memref<256x48xf32, #tpu.memory_space<vmem>>, %arg6: memref<2048x48xf32, #tpu.memory_space<vmem>>) attributes {dimension_semantics = [#tpu.dimension_semantics<arbitrary>], iteration_bounds = array<i64: 5>, scalar_prefetch = 0 : i64, scratch_operands = 0 : i64, tpu.core_type = #tpu.core_type<tc>, window_params = [{transform_indices = @transform_0, window_bounds = array<i64: 2, 2048, 128>}, {transform_indices = @transform_1, window_bounds = array<i64: 2048, 1>}, {pipeline_mode = #tpu.pipeline_mode<synchronous>, transform_indices = @transform_2, window_bounds = array<i64: 128, 256>}, {pipeline_mode = #tpu.pipeline_mode<synchronous>, transform_indices = @transform_3, window_bounds = array<i64: 1, 256>}, {pipeline_mode = #tpu.pipeline_mode<synchronous>, transform_indices = @transform_4, window_bounds = array<i64: 256, 48>}, {transform_indices = @transform_5, window_bounds = array<i64: 2048, 48>}]} {
    %get3A = arith.constant 0 : index
    %get3A_0 = arith.constant 0 : index
    %get3A_1 = arith.constant 0 : index
    %get3A_2 = vector.load %arg1[%get3A, %get3A_0, %get3A_1] : memref<2x2048x128xf32, #tpu.memory_space<vmem>>, vector<1x2048x128xf32>
    %get3A_3 = vector.shape_cast %get3A_2 : vector<1x2048x128xf32> to vector<2048x128xf32>
    %get3A_4 = arith.constant 1 : index
    %get3A_5 = arith.constant 0 : index
    %get3A_6 = arith.constant 0 : index
    %get3A_7 = vector.load %arg1[%get3A_4, %get3A_5, %get3A_6] : memref<2x2048x128xf32, #tpu.memory_space<vmem>>, vector<1x2048x128xf32>
    %get3A_8 = vector.shape_cast %get3A_7 : vector<1x2048x128xf32> to vector<2048x128xf32>
    %add3A = arith.addf %get3A_3, %get3A_8 : vector<2048x128xf32>
    %get3A_9 = arith.constant 0 : index
    %get3A_10 = arith.constant 0 : index
    %get3A_11 = vector.load %arg2[%get3A_9, %get3A_10] : memref<2048x1xf32, #tpu.memory_space<vmem>>, vector<2048x1xf32>
    %mul3A = vector.broadcast %get3A_11 : vector<2048x1xf32> to vector<2048x128xf32>
    %mul3A_12 = arith.mulf %add3A, %mul3A : vector<2048x128xf32>
    %get3A_13 = arith.constant 0 : index
    %get3A_14 = arith.constant 0 : index
    %get3A_15 = vector.load %arg3[%get3A_13, %get3A_14] : memref<128x256xf32, #tpu.memory_space<vmem>>, vector<128x256xf32>
    %dot_general3A = arith.constant dense<0.000000e+00> : vector<2048x256xf32>
    %dot_general3A_16 = tpu.matmul %mul3A_12, %get3A_15, %dot_general3A {dimension_numbers = #tpu.dot_dimension_numbers<[1], [0], [0], [1], [0, 0, 1, 1], [], []>, transpose_lhs_hint = false} : vector<2048x128xf32>, vector<128x256xf32>, vector<2048x256xf32> -> vector<2048x256xf32>
    %get3A_17 = arith.constant 0 : index
    %get3A_18 = arith.constant 0 : index
    %get3A_19 = vector.load %arg4[%get3A_17, %get3A_18] : memref<1x256xf32, #tpu.memory_space<vmem>>, vector<1x256xf32>
    %add3A_20 = vector.broadcast %get3A_19 : vector<1x256xf32> to vector<2048x256xf32>
    %add3A_21 = arith.addf %dot_general3A_16, %add3A_20 : vector<2048x256xf32>
    %gt3A = arith.constant 0.000000e+00 : f32
    %gt3A_22 = vector.broadcast %gt3A : f32 to vector<2048x256xf32>
    %gt3A_23 = arith.cmpf ogt, %add3A_21, %gt3A_22 : vector<2048x256xf32>
    %min3A = arith.constant 0.000000e+00 : f32
    %min3A_24 = vector.broadcast %min3A : f32 to vector<2048x256xf32>
    %min3A_25 = arith.minimumf %add3A_21, %min3A_24 : vector<2048x256xf32>
    %exp3A = math.exp %min3A_25 : vector<2048x256xf32>
    %sub3A = arith.constant 1.000000e+00 : f32
    %sub3A_26 = vector.broadcast %sub3A : f32 to vector<2048x256xf32>
    %sub3A_27 = arith.subf %exp3A, %sub3A_26 : vector<2048x256xf32>
    %select_n3A = arith.select %gt3A_23, %add3A_21, %sub3A_27 : vector<2048x256xi1>, vector<2048x256xf32>
    %get3A_28 = arith.constant 0 : index
    %get3A_29 = arith.constant 0 : index
    %get3A_30 = vector.load %arg5[%get3A_28, %get3A_29] : memref<256x48xf32, #tpu.memory_space<vmem>>, vector<256x48xf32>
    %dot_general3A_31 = arith.constant dense<0.000000e+00> : vector<2048x48xf32>
    %dot_general3A_32 = tpu.matmul %select_n3A, %get3A_30, %dot_general3A_31 {dimension_numbers = #tpu.dot_dimension_numbers<[1], [0], [0], [1], [0, 0, 1, 1], [], []>, transpose_lhs_hint = false} : vector<2048x256xf32>, vector<256x48xf32>, vector<2048x48xf32> -> vector<2048x48xf32>
    %get3A_33 = arith.constant 0 : index
    %get3A_34 = arith.constant 0 : index
    %get3A_35 = vector.load %arg2[%get3A_33, %get3A_34] : memref<2048x1xf32, #tpu.memory_space<vmem>>, vector<2048x1xf32>
    %mul3A_36 = vector.broadcast %get3A_35 : vector<2048x1xf32> to vector<2048x48xf32>
    %mul3A_37 = arith.mulf %dot_general3A_32, %mul3A_36 : vector<2048x48xf32>
    %swap3A = arith.constant 0 : index
    %swap3A_38 = arith.constant 0 : index
    %swap3A_39 = vector.load %arg6[%swap3A, %swap3A_38] : memref<2048x48xf32, #tpu.memory_space<vmem>>, vector<2048x48xf32>
    tpu.vector_store %arg6[%swap3A, %swap3A_38], %mul3A_37 {strides = array<i32>} : memref<2048x48xf32, #tpu.memory_space<vmem>>, vector<2048x48xf32>,
    return
  }
  func.func @transform_0(%arg0: i32) -> (i32, i32, i32) {
    %c0_i32 = arith.constant 0 : i32
    %c0_i32_0 = arith.constant 0 : i32
    %c0_i32_1 = arith.constant 0 : i32
    return %c0_i32, %arg0, %c0_i32_0 : i32, i32, i32
  }
  func.func @transform_1(%arg0: i32) -> (i32, i32) {
    %c0_i32 = arith.constant 0 : i32
    %c0_i32_0 = arith.constant 0 : i32
    return %arg0, %c0_i32 : i32, i32
  }
  func.func @transform_2(%arg0: i32) -> (i32, i32) {
    %c0_i32 = arith.constant 0 : i32
    %c0_i32_0 = arith.constant 0 : i32
    %c0_i32_1 = arith.constant 0 : i32
    return %c0_i32, %c0_i32_0 : i32, i32
  }
  func.func @transform_3(%arg0: i32) -> (i32, i32) {
    %c0_i32 = arith.constant 0 : i32
    %c0_i32_0 = arith.constant 0 : i32
    %c0_i32_1 = arith.constant 0 : i32
    return %c0_i32, %c0_i32_0 : i32, i32
  }
  func.func @transform_4(%arg0: i32) -> (i32, i32) {
    %c0_i32 = arith.constant 0 : i32
    %c0_i32_0 = arith.constant 0 : i32
    %c0_i32_1 = arith.constant 0 : i32
    return %c0_i32, %c0_i32_0 : i32, i32
  }
  func.func @transform_5(%arg0: i32) -> (i32, i32) {
    %c0_i32 = arith.constant 0 : i32
    %c0_i32_0 = arith.constant 0 : i32
    return %arg0, %c0_i32 : i32, i32
  }
}

module attributes {stable_mosaic.version = 14 : i64} {
  func.func @body(%arg0: i32, %arg1: memref<2x2048x48xf32, #tpu.memory_space<vmem>>, %arg2: memref<2048x1xf32, #tpu.memory_space<vmem>>, %arg3: memref<2048x48xf32, #tpu.memory_space<vmem>>) attributes {dimension_semantics = [#tpu.dimension_semantics<arbitrary>], iteration_bounds = array<i64: 5>, scalar_prefetch = 0 : i64, scratch_operands = 0 : i64, tpu.core_type = #tpu.core_type<tc>, window_params = [{transform_indices = @transform_0, window_bounds = array<i64: 2, 2048, 48>}, {transform_indices = @transform_1, window_bounds = array<i64: 2048, 1>}, {transform_indices = @transform_2, window_bounds = array<i64: 2048, 48>}]} {
    %get3A = arith.constant 0 : index
    %get3A_0 = arith.constant 0 : index
    %get3A_1 = arith.constant 0 : index
    %get3A_2 = vector.load %arg1[%get3A, %get3A_0, %get3A_1] : memref<2x2048x48xf32, #tpu.memory_space<vmem>>, vector<1x2048x48xf32>
    %get3A_3 = vector.shape_cast %get3A_2 : vector<1x2048x48xf32> to vector<2048x48xf32>
    %get3A_4 = arith.constant 1 : index
    %get3A_5 = arith.constant 0 : index
    %get3A_6 = arith.constant 0 : index
    %get3A_7 = vector.load %arg1[%get3A_4, %get3A_5, %get3A_6] : memref<2x2048x48xf32, #tpu.memory_space<vmem>>, vector<1x2048x48xf32>
    %get3A_8 = vector.shape_cast %get3A_7 : vector<1x2048x48xf32> to vector<2048x48xf32>
    %add3A = arith.addf %get3A_3, %get3A_8 : vector<2048x48xf32>
    %get3A_9 = arith.constant 0 : index
    %get3A_10 = arith.constant 0 : index
    %get3A_11 = vector.load %arg2[%get3A_9, %get3A_10] : memref<2048x1xf32, #tpu.memory_space<vmem>>, vector<2048x1xf32>
    %mul3A = vector.broadcast %get3A_11 : vector<2048x1xf32> to vector<2048x48xf32>
    %mul3A_12 = arith.mulf %add3A, %mul3A : vector<2048x48xf32>
    %swap3A = arith.constant 0 : index
    %swap3A_13 = arith.constant 0 : index
    %swap3A_14 = vector.load %arg3[%swap3A, %swap3A_13] : memref<2048x48xf32, #tpu.memory_space<vmem>>, vector<2048x48xf32>
    tpu.vector_store %arg3[%swap3A, %swap3A_13], %mul3A_12 {strides = array<i32>} : memref<2048x48xf32, #tpu.memory_space<vmem>>, vector<2048x48xf32>,
    return
  }
  func.func @transform_0(%arg0: i32) -> (i32, i32, i32) {
    %c0_i32 = arith.constant 0 : i32
    %c0_i32_0 = arith.constant 0 : i32
    %c0_i32_1 = arith.constant 0 : i32
    return %c0_i32, %arg0, %c0_i32_0 : i32, i32, i32
  }
  func.func @transform_1(%arg0: i32) -> (i32, i32) {
    %c0_i32 = arith.constant 0 : i32
    %c0_i32_0 = arith.constant 0 : i32
    return %arg0, %c0_i32 : i32, i32
  }
  func.func @transform_2(%arg0: i32) -> (i32, i32) {
    %c0_i32 = arith.constant 0 : i32
    %c0_i32_0 = arith.constant 0 : i32
    return %arg0, %c0_i32 : i32, i32
  }
}

module attributes {stable_mosaic.version = 14 : i64} {
  func.func @body(%arg0: i32, %arg1: memref<2x2048x48xf32, #tpu.memory_space<vmem>>, %arg2: memref<2048x1xf32, #tpu.memory_space<vmem>>, %arg3: memref<1x48xf32, #tpu.memory_space<vmem>>, %arg4: memref<2048x48xf32, #tpu.memory_space<vmem>>) attributes {dimension_semantics = [#tpu.dimension_semantics<arbitrary>], iteration_bounds = array<i64: 5>, scalar_prefetch = 0 : i64, scratch_operands = 0 : i64, tpu.core_type = #tpu.core_type<tc>, window_params = [{transform_indices = @transform_0, window_bounds = array<i64: 2, 2048, 48>}, {transform_indices = @transform_1, window_bounds = array<i64: 2048, 1>}, {pipeline_mode = #tpu.pipeline_mode<synchronous>, transform_indices = @transform_2, window_bounds = array<i64: 1, 48>}, {transform_indices = @transform_3, window_bounds = array<i64: 2048, 48>}]} {
    %get3A = arith.constant 0 : index
    %get3A_0 = arith.constant 0 : index
    %get3A_1 = arith.constant 0 : index
    %get3A_2 = vector.load %arg1[%get3A, %get3A_0, %get3A_1] : memref<2x2048x48xf32, #tpu.memory_space<vmem>>, vector<1x2048x48xf32>
    %get3A_3 = vector.shape_cast %get3A_2 : vector<1x2048x48xf32> to vector<2048x48xf32>
    %get3A_4 = arith.constant 1 : index
    %get3A_5 = arith.constant 0 : index
    %get3A_6 = arith.constant 0 : index
    %get3A_7 = vector.load %arg1[%get3A_4, %get3A_5, %get3A_6] : memref<2x2048x48xf32, #tpu.memory_space<vmem>>, vector<1x2048x48xf32>
    %get3A_8 = vector.shape_cast %get3A_7 : vector<1x2048x48xf32> to vector<2048x48xf32>
    %add3A = arith.addf %get3A_3, %get3A_8 : vector<2048x48xf32>
    %get3A_9 = arith.constant 0 : index
    %get3A_10 = arith.constant 0 : index
    %get3A_11 = vector.load %arg2[%get3A_9, %get3A_10] : memref<2048x1xf32, #tpu.memory_space<vmem>>, vector<2048x1xf32>
    %mul3A = vector.broadcast %get3A_11 : vector<2048x1xf32> to vector<2048x48xf32>
    %mul3A_12 = arith.mulf %add3A, %mul3A : vector<2048x48xf32>
    %get3A_13 = arith.constant 0 : index
    %get3A_14 = arith.constant 0 : index
    %get3A_15 = vector.load %arg3[%get3A_13, %get3A_14] : memref<1x48xf32, #tpu.memory_space<vmem>>, vector<1x48xf32>
    %add3A_16 = vector.broadcast %get3A_15 : vector<1x48xf32> to vector<2048x48xf32>
    %add3A_17 = arith.addf %mul3A_12, %add3A_16 : vector<2048x48xf32>
    %swap3A = arith.constant 0 : index
    %swap3A_18 = arith.constant 0 : index
    %swap3A_19 = vector.load %arg4[%swap3A, %swap3A_18] : memref<2048x48xf32, #tpu.memory_space<vmem>>, vector<2048x48xf32>
    tpu.vector_store %arg4[%swap3A, %swap3A_18], %add3A_17 {strides = array<i32>} : memref<2048x48xf32, #tpu.memory_space<vmem>>, vector<2048x48xf32>,
    return
  }
  func.func @transform_0(%arg0: i32) -> (i32, i32, i32) {
    %c0_i32 = arith.constant 0 : i32
    %c0_i32_0 = arith.constant 0 : i32
    %c0_i32_1 = arith.constant 0 : i32
    return %c0_i32, %arg0, %c0_i32_0 : i32, i32, i32
  }
  func.func @transform_1(%arg0: i32) -> (i32, i32) {
    %c0_i32 = arith.constant 0 : i32
    %c0_i32_0 = arith.constant 0 : i32
    return %arg0, %c0_i32 : i32, i32
  }
  func.func @transform_2(%arg0: i32) -> (i32, i32) {
    %c0_i32 = arith.constant 0 : i32
    %c0_i32_0 = arith.constant 0 : i32
    %c0_i32_1 = arith.constant 0 : i32
    return %c0_i32, %c0_i32_0 : i32, i32
  }
  func.func @transform_3(%arg0: i32) -> (i32, i32) {
    %c0_i32 = arith.constant 0 : i32
    %c0_i32_0 = arith.constant 0 : i32
    return %arg0, %c0_i32 : i32, i32
  }
}

</mosaic_0001>

<sc_bundles>
// kernel: kernel.12.cloned.1.call-start
scs
__scs_entry_jumppad:
0x0: {  	(pc) =	sbr.rel $0x88, $3  }
0x1: {  	(tag) =	ssettag $0x0;
	lr =	simm.s32 $0x1  }
0x2: {  	[smem:$0x3F9B] =	sst lr;
	_ =	strace $0xD0000000  }
0x3: {  	_ = 	snop  }
0x4: {  	_ = 	snop  }
0x5: {  	_ = 	snop  }
0x6: {  	_ = 	snop  }
0x7: {  	_ = 	snop  }
__scs_overlays_trampoline_lowered:
0x8: {  	[smem:$0x3FAA] =	sst s0  }
0x9: {  	[smem:$0x3FAB] =	sst s1  }
0xa: {  	[smem:$0x3FAC] =	sst s2  }
0xb: {  	[smem:$0x3FAD] =	sst s3  }
0xc: {  	[smem:$0x3FAE] =	sst s4  }
0xd: {  	[smem:$0x3FAF] =	sst s5  }
0xe: {  	[smem:$0x3FB0] =	sst s6  }
0xf: {  	[smem:$0x3FB1] =	sst s7  }
0x10: {  	[smem:$0x3FB2] =	sst s8  }
0x11: {  	[smem:$0x3FB3] =	sst s9;
	s0 =	simm.s32 @!p0 $0x0  }
0x12: {  	s1 =	sld [smem:$0x3F99];
	s0 =	simm.s32 @p0 $0x1  }
0x13: {  	[smem:$0x3FB4] =	sst s0;
	s0 =	simm.s32 @!p1 $0x0  }
0x14: {  	s2 =	sld [smem:$0x3F98];
	s0 =	simm.s32 @p1 $0x1  }
0x15: {  	[smem:$0x3FB5] =	sst s0;
	s0 =	simm.s32 @!p2 $0x0  }
0x16: {  	s3 =	sld [smem:$0x3FDB];
	s0 =	simm.s32 @p2 $0x1  }
0x17: {  	s4 =	simm.s32 $0x1BF5;
	[smem:$0x3FB7] =	sst s0  }
0x18: {  	s0 =	sld [smem:$0x3F9A];
	_ =	swait.ge [sflag:s4], $0x0  }
0x19: {  	s7 =	sld [smem:$0x3F9B]  }
0x1a: {  	s8 =	sadd.s32 $0xFFFFE003, lr  }
0x1b: {  	s9 =	sadd.s32 $0xFFFFFEF7, lr;
	s5 =	simm.s32 $0xFFFFFFFF;
	p2 =	slt.u32 s8, $0xFFFFF086  }
0x1c: {  	p1 =	slt.u32 s9, $0xF7A;
	s5 =	simm.s32 @!p2 $0x0  }
0x1d: {  	s5 =	simm.s32 @p1 $0x1;
	p0 =	seq.s32 s7, s2  }
0x1e: {  	s7 =	smul.u32 @!p0 $0xF7A, s2;
	p2 =	seq.s32 @!p0 s5, $0x0  }
0x1f: {  	s9 =	smul.u32 $0xF7A, s1;
	s8 =	simm.s32 @!p0 $0x1BF5;
	p2 =	por !p2, p0  }
0x20: {  	[sflag:s8] =	ssyncset.s32 @!p0 $0xFFFFF086;
	s6 =	sadd.s32 @!p0 s3, s7;
	s7 =	simm.s32 @!p0 $0x108  }
0x21: {  	s3 =	sadd.s32 s3, s9;
	s6 =	sadd.s32 @!p0 $0x88, s6;
	s7 =	simm.s32 @p2 $0x1082  }
0x22: {  	[simem:s7], [sflag:s8] =	dma.local @!p0 [hbm:s6], $0xF7A  }
0x23: {  	s9 =	sor.u32 $0xD0000000, s2;
	s6 =	simm.s32 $0x108;
	_ =	swait.ge @!p0 [sflag:s8], $0x0  }
0x24: {  	s3 =	sadd.s32 $0x88, s3;
	s6 =	simm.s32 @!p1 $0x1082;
	[sflag:s4] =	ssyncset.s32 $0xFFFFF086  }
0x25: {  	[simem:s6], [sflag:s4] =	dma.local [hbm:s3], $0xF7A  }
0x26: {  	[smem:$0x3F9B] =	sst s1;
	(tag) =	ssettag s2;
	_ =	strace s9  }
0x27: {  	s1 =	sld [smem:$0x3FAB]  }
0x28: {  	s2 =	sld [smem:$0x3FAC]  }
0x29: {  	s4 =	sld [smem:$0x3FAE]  }
0x2a: {  	p0 =	seq.s32 s5, $0x0;
	s5 =	sld [smem:$0x3FAF]  }
0x2b: {  	s6 =	sld [smem:$0x3FB0]  }
0x2c: {  	s7 =	sld [smem:$0x3FB1]  }
0x2d: {  	s3 =	simm.s32 $0x108;
	s8 =	sld [smem:$0x3FB2]  }
0x2e: {  	s3 =	simm.s32 @!p0 $0x1082;
	s9 =	sld [smem:$0x3FB3]  }
0x2f: {  	lr =	sadd.s32 s0, s3;
	s0 =	sld [smem:$0x3FAA]  }
0x30: {  	s3 =	sld [smem:$0x3FAD]  }
0x31: {  	[smem:$0x3FB6] =	sst s10  }
0x32: {  	s10 =	sld [smem:$0x3FB4];
	_ =	sdelay $0x3  }
0x33: {  	p0 =	seq.s32 s10, $0x1;
	s10 =	sld [smem:$0x3FB6];
	_ =	sdelay $0x3  }
0x34: {  	[smem:$0x3FB6] =	sst s10  }
0x35: {  	s10 =	sld [smem:$0x3FB5];
	_ =	sdelay $0x3  }
0x36: {  	p1 =	seq.s32 s10, $0x1;
	s10 =	sld [smem:$0x3FB6];
	_ =	sdelay $0x3  }
0x37: {  	[smem:$0x3FB6] =	sst s10  }
0x38: {  	s10 =	sld [smem:$0x3FB7]  }
0x39: {  	_ = 	snop;
	(pc) =	sbr.ind lr, $3  }
0x3a: {  	_ = 	snop  }
0x3b: {  	_ = 	snop  }
0x3c: {  	p2 =	seq.s32 s10, $0x1;
	s10 =	sld [smem:$0x3FB6]  }
0x3d: {  	_ =	shalt  }
0x3e: {  	_ =	shalt  }
0x3f: {  	_ =	shalt  }
0x40: {  	_ =	shalt  }
0x41: {  	_ =	shalt  }
0x42: {  	_ =	shalt  }
0x43: {  	_ =	shalt  }
0x44: {  	_ =	shalt  }
0x45: {  	_ =	shalt  }
0x46: {  	_ =	shalt  }
0x47: {  	_ =	shalt  }
0x48: {  	_ =	shalt  }
0x49: {  	_ =	shalt  }
0x4a: {  	_ =	shalt  }
0x4b: {  	_ =	shalt  }
0x4c: {  	_ =	shalt  }
0x4d: {  	_ =	shalt  }
0x4e: {  	_ =	shalt  }
0x4f: {  	_ =	shalt  }
0x50: {  	_ =	shalt  }
0x51: {  	_ =	shalt  }
0x52: {  	_ =	shalt  }
0x53: {  	_ =	shalt  }
0x54: {  	_ =	shalt  }
0x55: {  	_ =	shalt  }
0x56: {  	_ =	shalt  }
0x57: {  	_ =	shalt  }
0x58: {  	_ =	shalt  }
0x59: {  	_ =	shalt  }
0x5a: {  	_ =	shalt  }
0x5b: {  	_ =	shalt  }
0x5c: {  	_ =	shalt  }
0x5d: {  	_ =	shalt  }
0x5e: {  	_ =	shalt  }
0x5f: {  	_ =	shalt  }
0x60: {  	_ =	shalt  }
0x61: {  	_ =	shalt  }
0x62: {  	_ =	shalt  }
0x63: {  	_ =	shalt  }
0x64: {  	_ =	shalt  }
0x65: {  	_ =	shalt  }
0x66: {  	_ =	shalt  }
0x67: {  	_ =	shalt  }
0x68: {  	_ =	shalt  }
0x69: {  	_ =	shalt  }
0x6a: {  	_ =	shalt  }
0x6b: {  	_ =	shalt  }
0x6c: {  	_ =	shalt  }
0x6d: {  	_ =	shalt  }
0x6e: {  	_ =	shalt  }
0x6f: {  	_ =	shalt  }
0x70: {  	_ =	shalt  }
0x71: {  	_ =	shalt  }
0x72: {  	_ =	shalt  }
0x73: {  	_ =	shalt  }
0x74: {  	_ =	shalt  }
0x75: {  	_ =	shalt  }
0x76: {  	_ =	shalt  }
0x77: {  	_ =	shalt  }
0x78: {  	_ =	shalt  }
0x79: {  	_ =	shalt  }
0x7a: {  	_ =	shalt  }
0x7b: {  	_ =	shalt  }
0x7c: {  	_ =	shalt  }
0x7d: {  	_ =	shalt  }
0x7e: {  	_ =	shalt  }
0x7f: {  	_ =	shalt  }
0x80: {  	_ =	shalt  }
0x81: {  	_ =	shalt  }
0x82: {  	_ =	shalt  }
0x83: {  	_ =	shalt  }
0x84: {  	_ =	shalt  }
0x85: {  	_ =	shalt  }
0x86: {  	_ =	shalt  }
0x87: {  	_ =	shalt  }
.Lfunc_end0:
.L_simem_size_0:
called_computation_lowered:
.L_overlay_start_0:
0x88: {  	s2 =	sld [smem:$0x3FD9]  }
0x89: {  	s3 =	sld [smem:$0x3FFE];
	_ =	sdelay $0x1  }
0x8a: {  	s1 =	srdreg.scid  }
0x8b: {  	s0 =	sand.u32 $0x1, s1  }
0x8c: {  	s17 =	sshll.u32 s0, $0xA;
	s2 =	sadd.s32 s3, s2  }
0x8d: {  	s2 =	sadd.s32 s2, s17  }
0x8e: {  	[smem:$0x3FC2] =	sst s2  }
0x8f: {  	_ = 	snop  }
0x90: {  	s2 =	sld [smem:$0x3FD0];
	(tm) =	ssettm $0x1  }
0x91: {  	s18 =	sld [smem:$0x3FFB];
	_ =	sdelay $0x3  }
0x92: {  	_ =	strace s18  }
0x93: {  	s3 =	sld [smem:$0x3FFC];
	_ =	sdelay $0x3  }
0x94: {  	_ =	strace s3  }
0x95: {  	s3 =	sld [smem:$0x3FFD];
	_ =	sdelay $0x3  }
0x96: {  	_ =	strace s3  }
0x97: {  	_ =	strace $0x8FFFFFFF  }
0x98: {  	s19 =	sld [smem:$0x3FDB];
	_ =	sdelay $0x1  }
0x99: {  	s4 =	simm.s32 $_scs_section_size  }
0x9a: {  	s5 =	simm.s32 $_size__tile_overlayer_lowered;
	s6 =	simm.s32 $_tile_overlayer_lowered  }
0x9b: {  	s22 =	simm.s32 $0x1BFF;
	s21 =	sshll.u32 s6, $0x1;
	s3 =	sadd.s32 s4, s19  }
0x9c: {  	s7 =	simm.s32 $0x0;
	s20 =	sshll.u32 s5, $0x1;
	s5 =	sadd.s32 s21, s3  }
0x9d: {  	[timem:s7], [sflag:s22] =	dma.local [hbm:s5], s20  }
0x9e: {  	_ =	swait.ge [sflag:s22], s20  }
0x9f: {  	s4 =	ssub.s32 $0x0, s20;
	[sflag:s22] =	ssyncset.done $0x0  }
0xa0: {  	[sflag:s22] =	ssyncadd.s32 s4;
	_ =	sdelay $0x1  }
0xa1: {  	s23 =	simm.s32 $0x1B8B  }
0xa2: {  	_ =	swait.ge [sflag:s23], $0x1  }
0xa3: {  	[sflag:s23] =	ssyncset.done $0x0  }
0xa4: {  	s25 =	simm.s32 $0x1B8E;
	s24 =	sld [smem:$0x3FFE];
	[sflag:s23] =	ssyncadd.s32 $0xFFFFFFFF  }
0xa5: {  	s26 =	simm.s32 $execute0_lowered;
	[smem:$0x3FD2] =	sst s25  }
0xa6: {  	s5 =	sshll.u32 s26, $0x1;
	_ =	strace $0x80000046;
	[dreg:$0x1] =	wrdreg $0xFFFFFFFF  }
0xa7: {  	s28 =	simm.s32 $_size_execute0_lowered;
	s3 =	sadd.s32 s3, s5;
	[dreg:$0x0] =	wrdreg $0x0  }
0xa8: {  	s5 =	sshll.u32 s28, $0x1;
	[dreg:$0x2] =	wrdreg s3  }
0xa9: {  	[dreg:$0x3] =	wrdreg s5  }
0xaa: {  	[dreg:$0x4] =	wrdreg $0xC0  }
0xab: {  	_ =	task [dreg:s7], $0x5FFFF  }
0xac: {  	[dreg:$0x1] =	wrdreg $0xFFFFFFFF  }
0xad: {  	[dreg:$0x0] =	wrdreg $0x60  }
0xae: {  	[dreg:$0x2] =	wrdreg s24  }
0xaf: {  	[dreg:$0x3] =	wrdreg s2  }
0xb0: {  	[dreg:$0x4] =	wrdreg $0x58000  }
0xb1: {  	[dreg:$0x5] =	wrdreg $0x80000  }
0xb2: {  	[dreg:$0x6] =	wrdreg $0x9  }
0xb3: {  	_ =	task.clear_ibuf [dreg:s7], $0x7FFFF;
	_ =	strace $0x90000046  }
0xb4: {  	s29 =	simm.s32 $0x9;
	_ =	strace $0x80000048  }
0xb5: {  	_ =	swait.ge [sflag:s29], $0x1  }
0xb6: {  	[sflag:s29] =	ssyncadd.s32 $0xFFFFFFFF  }
0xb7: {  	_ =	strace $0x90000048  }
0xb8: {  	_ =	sfence  }
0xb9: {  	s30 =	sld [smem:$0x0];
	_ =	sdelay $0x2  }
0xba: {  	s31 =	sshll.u32 s1, $0xD;
	s1 =	sshrl.u32 s1, $0x2  }
0xbb: {  	s3 =	sand.u32 $0x4000, s31;
	s1 =	sadd.s32 s1, s30  }
0xbc: {  	s0 =	sor.u32 s3, s0;
	s1 =	sshll.u32 s1, $0x11  }
0xbd: {  	s0 =	sor.u32 s1, s0  }
0xbe: {  	s0 =	sadd.s32 $0x8F2B, s0  }
0xbf: {  	[sflag:s0] =	ssyncadd.remote.s32 $0x1  }
0xc0: {  	_ =	sfence.sel $0xFFFF  }
0xc1: {  	[dreg:$0x0] =	wrdreg $0xFFFFFFFF;
	(pc) =	sbr.abs _section_cstart, $3  }
0xc2: {  	[dreg:$0x1] =	wrdreg $0xFFFFFFFF  }
0xc3: {  	_ =	task.clear_ibuf [dreg:s7], $0x2FFFF;
	_ =	strace $0x9FFFFFFF  }
0xc4: {  	(tm) =	ssettm $0x7FFFFFFF  }
0xc5: {  	_ =	shalt  }
tec
execute0_lowered:
.L_overlay_start_1:
0x0: {  	(tag) =	ssettag $0x1  }
0x1: {  	s7 =	rddreg [dreg:$0x0]  }
0x2: {  	s10 =	rddreg [dreg:$0x1]  }
0x3: {  	s1 =	srdreg.scid;
	s2 =	rddreg [dreg:$0x2]  }
0x4: {  	s0 =	stileid.u32;
	s3 =	rddreg [dreg:$0x3];
	s4 =	simm.s32 $0x0  }
0x5: {  	s17 =	simm.s32 $0x2800;
	s18 =	simm.s32 $0x80;
	s19 =	simm.s32 $0x1  }
0x6: {  	s20 =	simm.s32 $0x0;
	s6 =	sand.u32 $0x1, s1;
	s28 =	sshll.u32 s0, $0x1  }
0x7: {  	s8 =	smul.u32 $0x2800, s0;
	[smem:$0x7FF] =	sst s4;
	s31 =	sshll.u32 s0, $0x6  }
0x8: {  	s1 =	sor.u32 s6, s28;
	s9 =	smul.u32 $0x28000, s6;
	s29 =	ssub.s32 $0x2, s6  }
0x9: {  	s6 =	sadd.s32 $0x17200, s7;
	s5 =	smul.u32 $0x2800, s1;
	s1 =	rddreg [dreg:$0x4]  }
0xa: {  	_ =	strace $0x80000047;
	s30 =	sshrl.u32 s29, $0x1;
	s15 =	sadd.s32 s8, s2  }
0xb: {  	s16 =	sadd.s32 s8, s3;
	s9 =	sadd.s32 s8, s9;
	s5 =	sshrl.u32 s5, $0x3  }
0xc: {  	s14 =	ssub.s32 s29, s30;
	s12 =	sshrl.u32 s9, $0x3;
	s11 =	sadd.s32 s5, s7  }
0xd: {  	s5 =	sadd.s32 $0x17000, s7;
	s13 =	sadd.s32 s12, s7;
	s7 =	sor.u32 $0x1C02, s31  }
0xe: {  	s10 =	sadd.s32 s10, s12;
	s12 =	smax.u32 s14, $0x1;
	s14 =	simm.s32 $0x2  }
0xf: {  	s8 =	sadd.s32 $0x3000, s11;
	s9 =	sadd.s32 $0xD000, s11;
	s11 =	sadd.s32 $0x17800, s13  }
0x10: {  	s13 =	sshrl.u32 s15, $0x3;
	s15 =	sshrl.u32 s16, $0x3;
	s16 =	simm.s32 $0x5000  }
.LBB2_1:
0x11: {  	[spmem:s13], [sflag:s7] =	dma.local [hbm:s6], $0x500  }
0x12: {  	_ =	swait.ge [sflag:s14], $0x500  }
0x13: {  	[sflag:s14] =	ssyncset.done $0x0  }
0x14: {  	[sflag:s14] =	ssyncadd.s32 $0xFFFFFB00  }
0x15: {  	[spmem:s15], [sflag:s7] =	dma.local [hbm:s6], $0x500  }
0x16: {  	_ =	swait.ge [sflag:s14], $0x500  }
0x17: {  	[sflag:s14] =	ssyncset.done $0x0  }
0x18: {  	[sflag:s14] =	ssyncadd.s32 $0xFFFFFB00  }
0x19: {  	[tilespmem:s16], [sflag:$0x2] =	stream.linear.gather [hbm4b:s5+s4], $0x800, $0x38;
	[tilespmem:$0xA800] =	vst v63  }
0x1a: {  	_ =	swait.ge [sflag:s14], $0x800  }
0x1b: {  	[sflag:s14] =	ssyncset.done $0x0  }
0x1c: {  	[sflag:s14] =	ssyncadd.s32 $0xFFFFF800  }
0x1d: {  	[bflag:$0x0] =	sbarrier.arrive $0xFFFF  }
0x1e: {  	[tilespmem:s4], [sflag:$0x2] =	stream.linear.gather [hbm4b:s8+s4], $0x2800, $0x38;
	[tilespmem:$0xA800] =	vst v63  }
0x1f: {  	_ =	swait.ge [sflag:s14], $0x2800  }
0x20: {  	[sflag:s14] =	ssyncset.done $0x0  }
0x21: {  	[sflag:s14] =	ssyncadd.s32 $0xFFFFD800  }
0x22: {  	[tilespmem:s17], [sflag:$0x2] =	stream.linear.gather [hbm4b:s9+s4], $0x2800, $0x38;
	[tilespmem:$0xA800] =	vst v63  }
0x23: {  	_ =	swait.ge [sflag:s14], $0x2800  }
0x24: {  	[sflag:s14] =	ssyncset.done $0x0  }
0x25: {  	s21 =	simm.s32 $0x0;
	[sflag:s14] =	ssyncadd.s32 $0xFFFFD800  }
0x26: {  	[spmem:s2] =	stream.indirect.scatter.add.f32 [tilespmem:s16], [sflag:$0x1], $0x10, s21, s18, $0xb8;
	[tilespmem:$0xA800] =	vst v63  }
0x27: {  	s25 =	simm.s32 $0x2800  }
0x28: {  	[spmem:s3] =	stream.indirect.scatter.add.f32 [tilespmem:s16], [sflag:$0x1], $0x10, s25, s18, $0xb8;
	[tilespmem:$0xA800] =	vst v63  }
0x29: {  	s26 =	simm.s32 $0x80  }
0x2a: {  	[spmem:s2] =	stream.indirect.scatter.add.f32 [tilespmem:s16], [sflag:$0x1], $0x10, s26, s18, $0xb8;
	[tilespmem:$0xA800] =	vst v63  }
0x2b: {  	s28 =	simm.s32 $0x2880  }
0x2c: {  	[spmem:s3] =	stream.indirect.scatter.add.f32 [tilespmem:s16], [sflag:$0x1], $0x10, s28, s18, $0xb8;
	[tilespmem:$0xA800] =	vst v63  }
0x2d: {  	s29 =	simm.s32 $0x100  }
0x2e: {  	[spmem:s2] =	stream.indirect.scatter.add.f32 [tilespmem:s16], [sflag:$0x1], $0x10, s29, s18, $0xb8;
	[tilespmem:$0xA800] =	vst v63  }
0x2f: {  	s30 =	simm.s32 $0x2900  }
0x30: {  	[spmem:s3] =	stream.indirect.scatter.add.f32 [tilespmem:s16], [sflag:$0x1], $0x10, s30, s18, $0xb8;
	[tilespmem:$0xA800] =	vst v63  }
0x31: {  	s31 =	simm.s32 $0x180  }
0x32: {  	[spmem:s2] =	stream.indirect.scatter.add.f32 [tilespmem:s16], [sflag:$0x1], $0x10, s31, s18, $0xb8;
	[tilespmem:$0xA800] =	vst v63  }
0x33: {  	s22 =	simm.s32 $0x2980  }
0x34: {  	[spmem:s3] =	stream.indirect.scatter.add.f32 [tilespmem:s16], [sflag:$0x1], $0x10, s22, s18, $0xb8;
	[tilespmem:$0xA800] =	vst v63  }
0x35: {  	s23 =	simm.s32 $0x200  }
0x36: {  	[spmem:s2] =	stream.indirect.scatter.add.f32 [tilespmem:s16], [sflag:$0x1], $0x10, s23, s18, $0xb8;
	[tilespmem:$0xA800] =	vst v63  }
0x37: {  	s24 =	simm.s32 $0x2A00  }
0x38: {  	[spmem:s3] =	stream.indirect.scatter.add.f32 [tilespmem:s16], [sflag:$0x1], $0x10, s24, s18, $0xb8;
	[tilespmem:$0xA800] =	vst v63  }
0x39: {  	s25 =	simm.s32 $0x280  }
0x3a: {  	[spmem:s2] =	stream.indirect.scatter.add.f32 [tilespmem:s16], [sflag:$0x1], $0x10, s25, s18, $0xb8;
	[tilespmem:$0xA800] =	vst v63  }
0x3b: {  	s26 =	simm.s32 $0x2A80  }
0x3c: {  	[spmem:s3] =	stream.indirect.scatter.add.f32 [tilespmem:s16], [sflag:$0x1], $0x10, s26, s18, $0xb8;
	[tilespmem:$0xA800] =	vst v63  }
0x3d: {  	s28 =	simm.s32 $0x300  }
0x3e: {  	[spmem:s2] =	stream.indirect.scatter.add.f32 [tilespmem:s16], [sflag:$0x1], $0x10, s28, s18, $0xb8;
	[tilespmem:$0xA800] =	vst v63  }
0x3f: {  	s29 =	simm.s32 $0x2B00  }
0x40: {  	[spmem:s3] =	stream.indirect.scatter.add.f32 [tilespmem:s16], [sflag:$0x1], $0x10, s29, s18, $0xb8;
	[tilespmem:$0xA800] =	vst v63  }
0x41: {  	s30 =	simm.s32 $0x380  }
0x42: {  	[spmem:s2] =	stream.indirect.scatter.add.f32 [tilespmem:s16], [sflag:$0x1], $0x10, s30, s18, $0xb8;
	[tilespmem:$0xA800] =	vst v63  }
0x43: {  	s31 =	simm.s32 $0x2B80  }
0x44: {  	[spmem:s3] =	stream.indirect.scatter.add.f32 [tilespmem:s16], [sflag:$0x1], $0x10, s31, s18, $0xb8;
	[tilespmem:$0xA800] =	vst v63  }
0x45: {  	_ =	swait.ge [sflag:s19], $0x800  }
0x46: {  	[sflag:s19] =	ssyncset.done $0x0  }
0x47: {  	[sflag:s19] =	ssyncadd.s32 $0xFFFFF800  }
0x48: {  	_ =	swait.ge [sflag:s19], $0x800  }
0x49: {  	[sflag:s19] =	ssyncset.done $0x0  }
0x4a: {  	[sflag:s19] =	ssyncadd.s32 $0xFFFFF800  }
0x4b: {  	_ =	swait.ge [sflag:s19], $0x800  }
0x4c: {  	[sflag:s19] =	ssyncset.done $0x0  }
0x4d: {  	[sflag:s19] =	ssyncadd.s32 $0xFFFFF800  }
0x4e: {  	_ =	swait.ge [sflag:s19], $0x800  }
0x4f: {  	[sflag:s19] =	ssyncset.done $0x0  }
0x50: {  	[sflag:s19] =	ssyncadd.s32 $0xFFFFF800  }
0x51: {  	_ =	swait.ge [sflag:s19], $0x800  }
0x52: {  	[sflag:s19] =	ssyncset.done $0x0  }
0x53: {  	[sflag:s19] =	ssyncadd.s32 $0xFFFFF800  }
0x54: {  	_ =	swait.ge [sflag:s19], $0x800  }
0x55: {  	[sflag:s19] =	ssyncset.done $0x0  }
0x56: {  	[sflag:s19] =	ssyncadd.s32 $0xFFFFF800  }
0x57: {  	_ =	swait.ge [sflag:s19], $0x800  }
0x58: {  	[sflag:s19] =	ssyncset.done $0x0  }
0x59: {  	[sflag:s19] =	ssyncadd.s32 $0xFFFFF800  }
0x5a: {  	_ =	swait.ge [sflag:s19], $0x800  }
0x5b: {  	[sflag:s19] =	ssyncset.done $0x0  }
0x5c: {  	[sflag:s19] =	ssyncadd.s32 $0xFFFFF800  }
0x5d: {  	_ =	swait.ge [sflag:s19], $0x800  }
0x5e: {  	[sflag:s19] =	ssyncset.done $0x0  }
0x5f: {  	[sflag:s19] =	ssyncadd.s32 $0xFFFFF800  }
0x60: {  	_ =	swait.ge [sflag:s19], $0x800  }
0x61: {  	[sflag:s19] =	ssyncset.done $0x0  }
0x62: {  	[sflag:s19] =	ssyncadd.s32 $0xFFFFF800  }
0x63: {  	_ =	swait.ge [sflag:s19], $0x800  }
0x64: {  	[sflag:s19] =	ssyncset.done $0x0  }
0x65: {  	[sflag:s19] =	ssyncadd.s32 $0xFFFFF800  }
0x66: {  	_ =	swait.ge [sflag:s19], $0x800  }
0x67: {  	[sflag:s19] =	ssyncset.done $0x0  }
0x68: {  	[sflag:s19] =	ssyncadd.s32 $0xFFFFF800  }
0x69: {  	_ =	swait.ge [sflag:s19], $0x800  }
0x6a: {  	[sflag:s19] =	ssyncset.done $0x0  }
0x6b: {  	[sflag:s19] =	ssyncadd.s32 $0xFFFFF800  }
0x6c: {  	_ =	swait.ge [sflag:s19], $0x800  }
0x6d: {  	[sflag:s19] =	ssyncset.done $0x0  }
0x6e: {  	[sflag:s19] =	ssyncadd.s32 $0xFFFFF800  }
0x6f: {  	_ =	swait.ge [sflag:s19], $0x800  }
0x70: {  	[sflag:s19] =	ssyncset.done $0x0  }
0x71: {  	[sflag:s19] =	ssyncadd.s32 $0xFFFFF800  }
0x72: {  	_ =	swait.ge [sflag:s19], $0x800  }
0x73: {  	s21 =	simm.s32 $0x1000;
	s24 =	simm.s32 $0x2000;
	[sflag:s19] =	ssyncset.done $0x0  }
.LBB2_2:
0x74: {  	s23 =	sshra.s32 s21, $0x2  }
0x75: {  	[sflag:s19] =	ssyncadd.s32 $0xFFFFF800;
	s21 =	smov.u32 s24;
	s22 =	sadd.s32 $0x1000, s24  }
0x76: {  	[spmem:s2] =	stream.indirect.scatter.add.f32 [tilespmem:s16], [sflag:$0x1], $0x10, s23, s18, $0xb8;
	[tilespmem:$0xA800] =	vst v63  }
0x77: {  	p0 =	sne.s32 s24, $0x9000;
	s24 =	sadd.s32 $0x2800, s23  }
0x78: {  	[spmem:s3] =	stream.indirect.scatter.add.f32 [tilespmem:s16], [sflag:$0x1], $0x10, s24, s18, $0xb8;
	[tilespmem:$0xA800] =	vst v63  }
0x79: {  	s24 =	sadd.s32 $0x80, s23  }
0x7a: {  	[spmem:s2] =	stream.indirect.scatter.add.f32 [tilespmem:s16], [sflag:$0x1], $0x10, s24, s18, $0xb8;
	[tilespmem:$0xA800] =	vst v63  }
0x7b: {  	s24 =	sadd.s32 $0x2880, s23  }
0x7c: {  	[spmem:s3] =	stream.indirect.scatter.add.f32 [tilespmem:s16], [sflag:$0x1], $0x10, s24, s18, $0xb8;
	[tilespmem:$0xA800] =	vst v63  }
0x7d: {  	s24 =	sadd.s32 $0x100, s23  }
0x7e: {  	[spmem:s2] =	stream.indirect.scatter.add.f32 [tilespmem:s16], [sflag:$0x1], $0x10, s24, s18, $0xb8;
	[tilespmem:$0xA800] =	vst v63  }
0x7f: {  	s24 =	sadd.s32 $0x2900, s23  }
0x80: {  	[spmem:s3] =	stream.indirect.scatter.add.f32 [tilespmem:s16], [sflag:$0x1], $0x10, s24, s18, $0xb8;
	[tilespmem:$0xA800] =	vst v63  }
0x81: {  	s24 =	sadd.s32 $0x180, s23  }
0x82: {  	[spmem:s2] =	stream.indirect.scatter.add.f32 [tilespmem:s16], [sflag:$0x1], $0x10, s24, s18, $0xb8;
	[tilespmem:$0xA800] =	vst v63  }
0x83: {  	s24 =	sadd.s32 $0x2980, s23  }
0x84: {  	[spmem:s3] =	stream.indirect.scatter.add.f32 [tilespmem:s16], [sflag:$0x1], $0x10, s24, s18, $0xb8;
	[tilespmem:$0xA800] =	vst v63  }
0x85: {  	s24 =	sadd.s32 $0x200, s23  }
0x86: {  	[spmem:s2] =	stream.indirect.scatter.add.f32 [tilespmem:s16], [sflag:$0x1], $0x10, s24, s18, $0xb8;
	[tilespmem:$0xA800] =	vst v63  }
0x87: {  	s24 =	sadd.s32 $0x2A00, s23  }
0x88: {  	[spmem:s3] =	stream.indirect.scatter.add.f32 [tilespmem:s16], [sflag:$0x1], $0x10, s24, s18, $0xb8;
	[tilespmem:$0xA800] =	vst v63  }
0x89: {  	s24 =	sadd.s32 $0x280, s23  }
0x8a: {  	[spmem:s2] =	stream.indirect.scatter.add.f32 [tilespmem:s16], [sflag:$0x1], $0x10, s24, s18, $0xb8;
	[tilespmem:$0xA800] =	vst v63  }
0x8b: {  	s24 =	sadd.s32 $0x2A80, s23  }
0x8c: {  	[spmem:s3] =	stream.indirect.scatter.add.f32 [tilespmem:s16], [sflag:$0x1], $0x10, s24, s18, $0xb8;
	[tilespmem:$0xA800] =	vst v63  }
0x8d: {  	s24 =	sadd.s32 $0x300, s23  }
0x8e: {  	[spmem:s2] =	stream.indirect.scatter.add.f32 [tilespmem:s16], [sflag:$0x1], $0x10, s24, s18, $0xb8;
	[tilespmem:$0xA800] =	vst v63  }
0x8f: {  	s24 =	sadd.s32 $0x2B00, s23  }
0x90: {  	[spmem:s3] =	stream.indirect.scatter.add.f32 [tilespmem:s16], [sflag:$0x1], $0x10, s24, s18, $0xb8;
	[tilespmem:$0xA800] =	vst v63  }
0x91: {  	s24 =	sadd.s32 $0x380, s23  }
0x92: {  	[spmem:s2] =	stream.indirect.scatter.add.f32 [tilespmem:s16], [sflag:$0x1], $0x10, s24, s18, $0xb8;
	[tilespmem:$0xA800] =	vst v63  }
0x93: {  	s23 =	sadd.s32 $0x2B80, s23  }
0x94: {  	[spmem:s3] =	stream.indirect.scatter.add.f32 [tilespmem:s16], [sflag:$0x1], $0x10, s23, s18, $0xb8;
	[tilespmem:$0xA800] =	vst v63  }
0x95: {  	_ =	swait.ge [sflag:s19], $0x800  }
0x96: {  	[sflag:s19] =	ssyncset.done $0x0  }
0x97: {  	[sflag:s19] =	ssyncadd.s32 $0xFFFFF800  }
0x98: {  	_ =	swait.ge [sflag:s19], $0x800  }
0x99: {  	[sflag:s19] =	ssyncset.done $0x0  }
0x9a: {  	[sflag:s19] =	ssyncadd.s32 $0xFFFFF800  }
0x9b: {  	_ =	swait.ge [sflag:s19], $0x800  }
0x9c: {  	[sflag:s19] =	ssyncset.done $0x0  }
0x9d: {  	[sflag:s19] =	ssyncadd.s32 $0xFFFFF800  }
0x9e: {  	_ =	swait.ge [sflag:s19], $0x800  }
0x9f: {  	[sflag:s19] =	ssyncset.done $0x0  }
0xa0: {  	[sflag:s19] =	ssyncadd.s32 $0xFFFFF800  }
0xa1: {  	_ =	swait.ge [sflag:s19], $0x800  }
0xa2: {  	[sflag:s19] =	ssyncset.done $0x0  }
0xa3: {  	[sflag:s19] =	ssyncadd.s32 $0xFFFFF800  }
0xa4: {  	_ =	swait.ge [sflag:s19], $0x800  }
0xa5: {  	[sflag:s19] =	ssyncset.done $0x0  }
0xa6: {  	[sflag:s19] =	ssyncadd.s32 $0xFFFFF800  }
0xa7: {  	_ =	swait.ge [sflag:s19], $0x800  }
0xa8: {  	[sflag:s19] =	ssyncset.done $0x0  }
0xa9: {  	[sflag:s19] =	ssyncadd.s32 $0xFFFFF800  }
0xaa: {  	_ =	swait.ge [sflag:s19], $0x800  }
0xab: {  	[sflag:s19] =	ssyncset.done $0x0  }
0xac: {  	[sflag:s19] =	ssyncadd.s32 $0xFFFFF800  }
0xad: {  	_ =	swait.ge [sflag:s19], $0x800  }
0xae: {  	[sflag:s19] =	ssyncset.done $0x0  }
0xaf: {  	[sflag:s19] =	ssyncadd.s32 $0xFFFFF800  }
0xb0: {  	_ =	swait.ge [sflag:s19], $0x800  }
0xb1: {  	[sflag:s19] =	ssyncset.done $0x0  }
0xb2: {  	[sflag:s19] =	ssyncadd.s32 $0xFFFFF800  }
0xb3: {  	_ =	swait.ge [sflag:s19], $0x800  }
0xb4: {  	[sflag:s19] =	ssyncset.done $0x0  }
0xb5: {  	[sflag:s19] =	ssyncadd.s32 $0xFFFFF800  }
0xb6: {  	_ =	swait.ge [sflag:s19], $0x800  }
0xb7: {  	[sflag:s19] =	ssyncset.done $0x0  }
0xb8: {  	[sflag:s19] =	ssyncadd.s32 $0xFFFFF800  }
0xb9: {  	_ =	swait.ge [sflag:s19], $0x800  }
0xba: {  	[sflag:s19] =	ssyncset.done $0x0  }
0xbb: {  	[sflag:s19] =	ssyncadd.s32 $0xFFFFF800  }
0xbc: {  	_ =	swait.ge [sflag:s19], $0x800  }
0xbd: {  	[sflag:s19] =	ssyncset.done $0x0  }
0xbe: {  	[sflag:s19] =	ssyncadd.s32 $0xFFFFF800  }
.Ltmp0:
0xbf: {  	_ =	swait.ge [sflag:s19], $0x800;
	(pc) =	sbr.rel @p0 .LBB2_2-.Ltmp0, $4  }
0xc0: {  	[sflag:s19] =	ssyncset.done $0x0  }
0xc1: {  	[sflag:s19] =	ssyncadd.s32 $0xFFFFF800  }
0xc2: {  	_ =	swait.ge [sflag:s19], $0x800  }
0xc3: {  	s24 =	smov.u32 s22;
	[sflag:s19] =	ssyncset.done $0x0  }
0xc4: {  	s21 =	sshra.s32 s21, $0x2;
	[sflag:s19] =	ssyncadd.s32 $0xFFFFF800  }
0xc5: {  	[spmem:s2] =	stream.indirect.scatter.add.f32 [tilespmem:s16], [sflag:$0x1], $0x10, s21, s18, $0xb8;
	[tilespmem:$0xA800] =	vst v63  }
0xc6: {  	s22 =	sadd.s32 $0x2800, s21  }
0xc7: {  	[spmem:s3] =	stream.indirect.scatter.add.f32 [tilespmem:s16], [sflag:$0x1], $0x10, s22, s18, $0xb8;
	[tilespmem:$0xA800] =	vst v63  }
0xc8: {  	s26 =	sadd.s32 $0x80, s21  }
0xc9: {  	[spmem:s2] =	stream.indirect.scatter.add.f32 [tilespmem:s16], [sflag:$0x1], $0x10, s26, s18, $0xb8;
	[tilespmem:$0xA800] =	vst v63  }
0xca: {  	s28 =	sadd.s32 $0x2880, s21  }
0xcb: {  	[spmem:s3] =	stream.indirect.scatter.add.f32 [tilespmem:s16], [sflag:$0x1], $0x10, s28, s18, $0xb8;
	[tilespmem:$0xA800] =	vst v63  }
0xcc: {  	s29 =	sadd.s32 $0x100, s21  }
0xcd: {  	[spmem:s2] =	stream.indirect.scatter.add.f32 [tilespmem:s16], [sflag:$0x1], $0x10, s29, s18, $0xb8;
	[tilespmem:$0xA800] =	vst v63  }
0xce: {  	s30 =	sadd.s32 $0x2900, s21  }
0xcf: {  	[spmem:s3] =	stream.indirect.scatter.add.f32 [tilespmem:s16], [sflag:$0x1], $0x10, s30, s18, $0xb8;
	[tilespmem:$0xA800] =	vst v63  }
0xd0: {  	s31 =	sadd.s32 $0x180, s21  }
0xd1: {  	[spmem:s2] =	stream.indirect.scatter.add.f32 [tilespmem:s16], [sflag:$0x1], $0x10, s31, s18, $0xb8;
	[tilespmem:$0xA800] =	vst v63  }
0xd2: {  	s23 =	sadd.s32 $0x2980, s21  }
0xd3: {  	[spmem:s3] =	stream.indirect.scatter.add.f32 [tilespmem:s16], [sflag:$0x1], $0x10, s23, s18, $0xb8;
	[tilespmem:$0xA800] =	vst v63  }
0xd4: {  	s24 =	sadd.s32 $0x200, s21  }
0xd5: {  	[spmem:s2] =	stream.indirect.scatter.add.f32 [tilespmem:s16], [sflag:$0x1], $0x10, s24, s18, $0xb8;
	[tilespmem:$0xA800] =	vst v63  }
0xd6: {  	s25 =	sadd.s32 $0x2A00, s21  }
0xd7: {  	[spmem:s3] =	stream.indirect.scatter.add.f32 [tilespmem:s16], [sflag:$0x1], $0x10, s25, s18, $0xb8;
	[tilespmem:$0xA800] =	vst v63  }
0xd8: {  	s26 =	sadd.s32 $0x280, s21  }
0xd9: {  	[spmem:s2] =	stream.indirect.scatter.add.f32 [tilespmem:s16], [sflag:$0x1], $0x10, s26, s18, $0xb8;
	[tilespmem:$0xA800] =	vst v63  }
0xda: {  	s28 =	sadd.s32 $0x2A80, s21  }
0xdb: {  	[spmem:s3] =	stream.indirect.scatter.add.f32 [tilespmem:s16], [sflag:$0x1], $0x10, s28, s18, $0xb8;
	[tilespmem:$0xA800] =	vst v63  }
0xdc: {  	s29 =	sadd.s32 $0x300, s21  }
0xdd: {  	[spmem:s2] =	stream.indirect.scatter.add.f32 [tilespmem:s16], [sflag:$0x1], $0x10, s29, s18, $0xb8;
	[tilespmem:$0xA800] =	vst v63  }
0xde: {  	s30 =	sadd.s32 $0x2B00, s21  }
0xdf: {  	[spmem:s3] =	stream.indirect.scatter.add.f32 [tilespmem:s16], [sflag:$0x1], $0x10, s30, s18, $0xb8;
	[tilespmem:$0xA800] =	vst v63  }
0xe0: {  	s31 =	sadd.s32 $0x380, s21  }
0xe1: {  	[spmem:s2] =	stream.indirect.scatter.add.f32 [tilespmem:s16], [sflag:$0x1], $0x10, s31, s18, $0xb8;
	[tilespmem:$0xA800] =	vst v63  }
0xe2: {  	s21 =	sadd.s32 $0x2B80, s21  }
0xe3: {  	[spmem:s3] =	stream.indirect.scatter.add.f32 [tilespmem:s16], [sflag:$0x1], $0x10, s21, s18, $0xb8;
	[tilespmem:$0xA800] =	vst v63  }
0xe4: {  	_ =	swait.ge [sflag:s19], $0x800  }
0xe5: {  	[sflag:s19] =	ssyncset.done $0x0  }
0xe6: {  	[sflag:s19] =	ssyncadd.s32 $0xFFFFF800  }
0xe7: {  	_ =	swait.ge [sflag:s19], $0x800  }
0xe8: {  	[sflag:s19] =	ssyncset.done $0x0  }
0xe9: {  	[sflag:s19] =	ssyncadd.s32 $0xFFFFF800  }
0xea: {  	_ =	swait.ge [sflag:s19], $0x800  }
0xeb: {  	[sflag:s19] =	ssyncset.done $0x0  }
0xec: {  	[sflag:s19] =	ssyncadd.s32 $0xFFFFF800  }
0xed: {  	_ =	swait.ge [sflag:s19], $0x800  }
0xee: {  	[sflag:s19] =	ssyncset.done $0x0  }
0xef: {  	[sflag:s19] =	ssyncadd.s32 $0xFFFFF800  }
0xf0: {  	_ =	swait.ge [sflag:s19], $0x800  }
0xf1: {  	[sflag:s19] =	ssyncset.done $0x0  }
0xf2: {  	[sflag:s19] =	ssyncadd.s32 $0xFFFFF800  }
0xf3: {  	_ =	swait.ge [sflag:s19], $0x800  }
0xf4: {  	[sflag:s19] =	ssyncset.done $0x0  }
0xf5: {  	[sflag:s19] =	ssyncadd.s32 $0xFFFFF800  }
0xf6: {  	_ =	swait.ge [sflag:s19], $0x800  }
0xf7: {  	[sflag:s19] =	ssyncset.done $0x0  }
0xf8: {  	[sflag:s19] =	ssyncadd.s32 $0xFFFFF800  }
0xf9: {  	_ =	swait.ge [sflag:s19], $0x800  }
0xfa: {  	[sflag:s19] =	ssyncset.done $0x0  }
0xfb: {  	[sflag:s19] =	ssyncadd.s32 $0xFFFFF800  }
0xfc: {  	_ =	swait.ge [sflag:s19], $0x800  }
0xfd: {  	[sflag:s19] =	ssyncset.done $0x0  }
0xfe: {  	[sflag:s19] =	ssyncadd.s32 $0xFFFFF800  }
0xff: {  	_ =	swait.ge [sflag:s19], $0x800  }
0x100: {  	[sflag:s19] =	ssyncset.done $0x0  }
0x101: {  	[sflag:s19] =	ssyncadd.s32 $0xFFFFF800  }
0x102: {  	_ =	swait.ge [sflag:s19], $0x800  }
0x103: {  	[sflag:s19] =	ssyncset.done $0x0  }
0x104: {  	[sflag:s19] =	ssyncadd.s32 $0xFFFFF800  }
0x105: {  	_ =	swait.ge [sflag:s19], $0x800  }
0x106: {  	[sflag:s19] =	ssyncset.done $0x0  }
0x107: {  	[sflag:s19] =	ssyncadd.s32 $0xFFFFF800  }
0x108: {  	_ =	swait.ge [sflag:s19], $0x800  }
0x109: {  	[sflag:s19] =	ssyncset.done $0x0  }
0x10a: {  	[sflag:s19] =	ssyncadd.s32 $0xFFFFF800  }
0x10b: {  	_ =	swait.ge [sflag:s19], $0x800  }
0x10c: {  	[sflag:s19] =	ssyncset.done $0x0  }
0x10d: {  	[sflag:s19] =	ssyncadd.s32 $0xFFFFF800  }
0x10e: {  	_ =	swait.ge [sflag:s19], $0x800  }
0x10f: {  	[sflag:s19] =	ssyncset.done $0x0  }
0x110: {  	[sflag:s19] =	ssyncadd.s32 $0xFFFFF800  }
0x111: {  	_ =	swait.ge [sflag:s19], $0x800  }
0x112: {  	[sflag:s19] =	ssyncset.done $0x0  }
0x113: {  	[sflag:s19] =	ssyncadd.s32 $0xFFFFF800  }
0x114: {  	[bflag:$0x0] =	sbarrier.arrive $0xFFFF  }
0x115: {  	[hbm:s10], [sflag:s7] =	dma.local [spmem:s13], $0x500  }
0x116: {  	s20 =	sadd.s32 $0x1, s20;
	_ =	swait.ge [sflag:s14], $0x500  }
0x117: {  	p0 =	sne.s32 s20, s12;
	[sflag:s14] =	ssyncset.done $0x0  }
.Ltmp1:
0x118: {  	[sflag:s14] =	ssyncadd.s32 $0xFFFFFB00;
	(pc) =	sbr.rel @p0 .LBB2_1-.Ltmp1, $4  }
0x119: {  	[hbm:s11], [sflag:s7] =	dma.local [spmem:s15], $0x500  }
0x11a: {  	_ =	swait.ge [sflag:s14], $0x500  }
0x11b: {  	[sflag:s14] =	ssyncset.done $0x0  }
0x11c: {  	[sflag:s14] =	ssyncadd.s32 $0xFFFFFB00  }
0x11d: {  	_ =	sfence.sel $0x180000  }
0x11e: {  	[bflag:$0x0] =	sbarrier.arrive $0xFFFF  }
0x11f: {  	p0 =	sne.s32 s0, $0x0;
	_ =	strace $0x90000047  }
0x120: {  	s0 =	sadd.s32 @!p0 $0x100000, s1;
	[bflag:$0x2] =	sbarrier.arrive $0xFFFF  }
0x121: {  	[sflag:s0] =	ssyncadd.tile.s32 @!p0 $0x1;
	_ =	shalt  }
.Lfunc_end2:
_tile_overlayer_lowered:
.L_overlay_start_2:
0x122: {  	(tag) =	ssettag $0x2  }
0x123: {  	s0 =	rddreg [dreg:$0x0];
	s2 =	stileid.u32  }
0x124: {  	s1 =	rddreg [dreg:$0x1];
	p0 =	sne.s32 s2, $0x0  }
0x125: {  	s3 =	rddreg [dreg:$0x2];
	[bflag:$0x3] =	sbarrier.arrive $0xFFFF;
	s2 =	simm.s32 @!p0 $0x1C02  }
0x126: {  	[timem:s3], [sflag:s2] =	dma.local @!p0 [hbm:s0], s1  }
0x127: {  	s0 =	simm.s32 @!p0 $0x2  }
0x128: {  	_ =	swait.ge @!p0 [sflag:s0], s1  }
0x129: {  	s1 =	ssub.s32 @!p0 $0x0, s1;
	[sflag:s0] =	ssyncset.done @!p0 $0x0  }
0x12a: {  	[sflag:s0] =	ssyncadd.s32 @!p0 s1  }
0x12b: {  	[bflag:$0x3] =	sbarrier.arrive $0xFFFF  }
0x12c: {  	_ =	shalt  }

// kernel: kernel.15.cloned.1.call-start
scs
__scs_entry_jumppad:
0x0: {  	(pc) =	sbr.rel $0x88, $3  }
0x1: {  	(tag) =	ssettag $0x0;
	lr =	simm.s32 $0x1  }
0x2: {  	[smem:$0x3F9B] =	sst lr;
	_ =	strace $0xD0000000  }
0x3: {  	_ = 	snop  }
0x4: {  	_ = 	snop  }
0x5: {  	_ = 	snop  }
0x6: {  	_ = 	snop  }
0x7: {  	_ = 	snop  }
__scs_overlays_trampoline_lowered:
0x8: {  	[smem:$0x3FAA] =	sst s0  }
0x9: {  	[smem:$0x3FAB] =	sst s1  }
0xa: {  	[smem:$0x3FAC] =	sst s2  }
0xb: {  	[smem:$0x3FAD] =	sst s3  }
0xc: {  	[smem:$0x3FAE] =	sst s4  }
0xd: {  	[smem:$0x3FAF] =	sst s5  }
0xe: {  	[smem:$0x3FB0] =	sst s6  }
0xf: {  	[smem:$0x3FB1] =	sst s7  }
0x10: {  	[smem:$0x3FB2] =	sst s8  }
0x11: {  	[smem:$0x3FB3] =	sst s9;
	s0 =	simm.s32 @!p0 $0x0  }
0x12: {  	s1 =	sld [smem:$0x3F99];
	s0 =	simm.s32 @p0 $0x1  }
0x13: {  	[smem:$0x3FB4] =	sst s0;
	s0 =	simm.s32 @!p1 $0x0  }
0x14: {  	s2 =	sld [smem:$0x3F98];
	s0 =	simm.s32 @p1 $0x1  }
0x15: {  	[smem:$0x3FB5] =	sst s0;
	s0 =	simm.s32 @!p2 $0x0  }
0x16: {  	s3 =	sld [smem:$0x3FDB];
	s0 =	simm.s32 @p2 $0x1  }
0x17: {  	s4 =	simm.s32 $0x1BF5;
	[smem:$0x3FB7] =	sst s0  }
0x18: {  	s0 =	sld [smem:$0x3F9A];
	_ =	swait.ge [sflag:s4], $0x0  }
0x19: {  	s7 =	sld [smem:$0x3F9B]  }
0x1a: {  	s8 =	sadd.s32 $0xFFFFE003, lr  }
0x1b: {  	s9 =	sadd.s32 $0xFFFFFEF7, lr;
	s5 =	simm.s32 $0xFFFFFFFF;
	p2 =	slt.u32 s8, $0xFFFFF086  }
0x1c: {  	p1 =	slt.u32 s9, $0xF7A;
	s5 =	simm.s32 @!p2 $0x0  }
0x1d: {  	s5 =	simm.s32 @p1 $0x1;
	p0 =	seq.s32 s7, s2  }
0x1e: {  	s7 =	smul.u32 @!p0 $0xF7A, s2;
	p2 =	seq.s32 @!p0 s5, $0x0  }
0x1f: {  	s9 =	smul.u32 $0xF7A, s1;
	s8 =	simm.s32 @!p0 $0x1BF5;
	p2 =	por !p2, p0  }
0x20: {  	[sflag:s8] =	ssyncset.s32 @!p0 $0xFFFFF086;
	s6 =	sadd.s32 @!p0 s3, s7;
	s7 =	simm.s32 @!p0 $0x108  }
0x21: {  	s3 =	sadd.s32 s3, s9;
	s6 =	sadd.s32 @!p0 $0x88, s6;
	s7 =	simm.s32 @p2 $0x1082  }
0x22: {  	[simem:s7], [sflag:s8] =	dma.local @!p0 [hbm:s6], $0xF7A  }
0x23: {  	s9 =	sor.u32 $0xD0000000, s2;
	s6 =	simm.s32 $0x108;
	_ =	swait.ge @!p0 [sflag:s8], $0x0  }
0x24: {  	s3 =	sadd.s32 $0x88, s3;
	s6 =	simm.s32 @!p1 $0x1082;
	[sflag:s4] =	ssyncset.s32 $0xFFFFF086  }
0x25: {  	[simem:s6], [sflag:s4] =	dma.local [hbm:s3], $0xF7A  }
0x26: {  	[smem:$0x3F9B] =	sst s1;
	(tag) =	ssettag s2;
	_ =	strace s9  }
0x27: {  	s1 =	sld [smem:$0x3FAB]  }
0x28: {  	s2 =	sld [smem:$0x3FAC]  }
0x29: {  	s4 =	sld [smem:$0x3FAE]  }
0x2a: {  	p0 =	seq.s32 s5, $0x0;
	s5 =	sld [smem:$0x3FAF]  }
0x2b: {  	s6 =	sld [smem:$0x3FB0]  }
0x2c: {  	s7 =	sld [smem:$0x3FB1]  }
0x2d: {  	s3 =	simm.s32 $0x108;
	s8 =	sld [smem:$0x3FB2]  }
0x2e: {  	s3 =	simm.s32 @!p0 $0x1082;
	s9 =	sld [smem:$0x3FB3]  }
0x2f: {  	lr =	sadd.s32 s0, s3;
	s0 =	sld [smem:$0x3FAA]  }
0x30: {  	s3 =	sld [smem:$0x3FAD]  }
0x31: {  	[smem:$0x3FB6] =	sst s10  }
0x32: {  	s10 =	sld [smem:$0x3FB4];
	_ =	sdelay $0x3  }
0x33: {  	p0 =	seq.s32 s10, $0x1;
	s10 =	sld [smem:$0x3FB6];
	_ =	sdelay $0x3  }
0x34: {  	[smem:$0x3FB6] =	sst s10  }
0x35: {  	s10 =	sld [smem:$0x3FB5];
	_ =	sdelay $0x3  }
0x36: {  	p1 =	seq.s32 s10, $0x1;
	s10 =	sld [smem:$0x3FB6];
	_ =	sdelay $0x3  }
0x37: {  	[smem:$0x3FB6] =	sst s10  }
0x38: {  	s10 =	sld [smem:$0x3FB7]  }
0x39: {  	_ = 	snop;
	(pc) =	sbr.ind lr, $3  }
0x3a: {  	_ = 	snop  }
0x3b: {  	_ = 	snop  }
0x3c: {  	p2 =	seq.s32 s10, $0x1;
	s10 =	sld [smem:$0x3FB6]  }
0x3d: {  	_ =	shalt  }
0x3e: {  	_ =	shalt  }
0x3f: {  	_ =	shalt  }
0x40: {  	_ =	shalt  }
0x41: {  	_ =	shalt  }
0x42: {  	_ =	shalt  }
0x43: {  	_ =	shalt  }
0x44: {  	_ =	shalt  }
0x45: {  	_ =	shalt  }
0x46: {  	_ =	shalt  }
0x47: {  	_ =	shalt  }
0x48: {  	_ =	shalt  }
0x49: {  	_ =	shalt  }
0x4a: {  	_ =	shalt  }
0x4b: {  	_ =	shalt  }
0x4c: {  	_ =	shalt  }
0x4d: {  	_ =	shalt  }
0x4e: {  	_ =	shalt  }
0x4f: {  	_ =	shalt  }
0x50: {  	_ =	shalt  }
0x51: {  	_ =	shalt  }
0x52: {  	_ =	shalt  }
0x53: {  	_ =	shalt  }
0x54: {  	_ =	shalt  }
0x55: {  	_ =	shalt  }
0x56: {  	_ =	shalt  }
0x57: {  	_ =	shalt  }
0x58: {  	_ =	shalt  }
0x59: {  	_ =	shalt  }
0x5a: {  	_ =	shalt  }
0x5b: {  	_ =	shalt  }
0x5c: {  	_ =	shalt  }
0x5d: {  	_ =	shalt  }
0x5e: {  	_ =	shalt  }
0x5f: {  	_ =	shalt  }
0x60: {  	_ =	shalt  }
0x61: {  	_ =	shalt  }
0x62: {  	_ =	shalt  }
0x63: {  	_ =	shalt  }
0x64: {  	_ =	shalt  }
0x65: {  	_ =	shalt  }
0x66: {  	_ =	shalt  }
0x67: {  	_ =	shalt  }
0x68: {  	_ =	shalt  }
0x69: {  	_ =	shalt  }
0x6a: {  	_ =	shalt  }
0x6b: {  	_ =	shalt  }
0x6c: {  	_ =	shalt  }
0x6d: {  	_ =	shalt  }
0x6e: {  	_ =	shalt  }
0x6f: {  	_ =	shalt  }
0x70: {  	_ =	shalt  }
0x71: {  	_ =	shalt  }
0x72: {  	_ =	shalt  }
0x73: {  	_ =	shalt  }
0x74: {  	_ =	shalt  }
0x75: {  	_ =	shalt  }
0x76: {  	_ =	shalt  }
0x77: {  	_ =	shalt  }
0x78: {  	_ =	shalt  }
0x79: {  	_ =	shalt  }
0x7a: {  	_ =	shalt  }
0x7b: {  	_ =	shalt  }
0x7c: {  	_ =	shalt  }
0x7d: {  	_ =	shalt  }
0x7e: {  	_ =	shalt  }
0x7f: {  	_ =	shalt  }
0x80: {  	_ =	shalt  }
0x81: {  	_ =	shalt  }
0x82: {  	_ =	shalt  }
0x83: {  	_ =	shalt  }
0x84: {  	_ =	shalt  }
0x85: {  	_ =	shalt  }
0x86: {  	_ =	shalt  }
0x87: {  	_ =	shalt  }
.Lfunc_end0:
.L_simem_size_0:
called_computation.1_lowered:
.L_overlay_start_0:
0x88: {  	s2 =	sld [smem:$0x3FD9]  }
0x89: {  	s3 =	sld [smem:$0x3FFE];
	_ =	sdelay $0x1  }
0x8a: {  	s1 =	srdreg.scid  }
0x8b: {  	s0 =	sand.u32 $0x1, s1  }
0x8c: {  	s17 =	sshll.u32 s0, $0xA;
	s2 =	sadd.s32 s3, s2  }
0x8d: {  	s2 =	sadd.s32 s2, s17  }
0x8e: {  	[smem:$0x3FC2] =	sst s2  }
0x8f: {  	_ = 	snop  }
0x90: {  	s2 =	sld [smem:$0x3FD0];
	(tm) =	ssettm $0x1  }
0x91: {  	s18 =	sld [smem:$0x3FFB];
	_ =	sdelay $0x3  }
0x92: {  	_ =	strace s18  }
0x93: {  	s3 =	sld [smem:$0x3FFC];
	_ =	sdelay $0x3  }
0x94: {  	_ =	strace s3  }
0x95: {  	s3 =	sld [smem:$0x3FFD];
	_ =	sdelay $0x3  }
0x96: {  	_ =	strace s3  }
0x97: {  	_ =	strace $0x8FFFFFFF  }
0x98: {  	s19 =	sld [smem:$0x3FDB];
	_ =	sdelay $0x1  }
0x99: {  	s4 =	simm.s32 $_scs_section_size  }
0x9a: {  	s5 =	simm.s32 $_size__tile_overlayer_lowered;
	s6 =	simm.s32 $_tile_overlayer_lowered  }
0x9b: {  	s22 =	simm.s32 $0x1BFF;
	s21 =	sshll.u32 s6, $0x1;
	s3 =	sadd.s32 s4, s19  }
0x9c: {  	s7 =	simm.s32 $0x0;
	s20 =	sshll.u32 s5, $0x1;
	s5 =	sadd.s32 s21, s3  }
0x9d: {  	[timem:s7], [sflag:s22] =	dma.local [hbm:s5], s20  }
0x9e: {  	_ =	swait.ge [sflag:s22], s20  }
0x9f: {  	s4 =	ssub.s32 $0x0, s20;
	[sflag:s22] =	ssyncset.done $0x0  }
0xa0: {  	[sflag:s22] =	ssyncadd.s32 s4;
	_ =	sdelay $0x1  }
0xa1: {  	s23 =	simm.s32 $0x1B8B  }
0xa2: {  	_ =	swait.ge [sflag:s23], $0x1  }
0xa3: {  	[sflag:s23] =	ssyncset.done $0x0  }
0xa4: {  	s25 =	simm.s32 $0x1B8E;
	s24 =	sld [smem:$0x3FFE];
	[sflag:s23] =	ssyncadd.s32 $0xFFFFFFFF  }
0xa5: {  	s26 =	simm.s32 $execute0_lowered;
	[smem:$0x3FD2] =	sst s25  }
0xa6: {  	s5 =	sshll.u32 s26, $0x1;
	_ =	strace $0x80000049;
	[dreg:$0x1] =	wrdreg $0xFFFFFFFF  }
0xa7: {  	s28 =	simm.s32 $_size_execute0_lowered;
	s3 =	sadd.s32 s3, s5;
	[dreg:$0x0] =	wrdreg $0x0  }
0xa8: {  	s5 =	sshll.u32 s28, $0x1;
	[dreg:$0x2] =	wrdreg s3  }
0xa9: {  	[dreg:$0x3] =	wrdreg s5  }
0xaa: {  	[dreg:$0x4] =	wrdreg $0xC0  }
0xab: {  	_ =	task [dreg:s7], $0x5FFFF  }
0xac: {  	[dreg:$0x1] =	wrdreg $0xFFFFFFFF  }
0xad: {  	[dreg:$0x0] =	wrdreg $0x60  }
0xae: {  	[dreg:$0x2] =	wrdreg s24  }
0xaf: {  	[dreg:$0x3] =	wrdreg s2  }
0xb0: {  	[dreg:$0x4] =	wrdreg $0xA8000  }
0xb1: {  	[dreg:$0x5] =	wrdreg $0x9  }
0xb2: {  	_ =	task.clear_ibuf [dreg:s7], $0x6FFFF;
	_ =	strace $0x90000049  }
0xb3: {  	s29 =	simm.s32 $0x9;
	_ =	strace $0x8000004B  }
0xb4: {  	_ =	swait.ge [sflag:s29], $0x1  }
0xb5: {  	[sflag:s29] =	ssyncadd.s32 $0xFFFFFFFF  }
0xb6: {  	_ =	strace $0x9000004B  }
0xb7: {  	_ =	sfence  }
0xb8: {  	s30 =	sld [smem:$0x0];
	_ =	sdelay $0x2  }
0xb9: {  	s31 =	sshll.u32 s1, $0xD;
	s1 =	sshrl.u32 s1, $0x2  }
0xba: {  	s3 =	sand.u32 $0x4000, s31;
	s1 =	sadd.s32 s1, s30  }
0xbb: {  	s0 =	sor.u32 s3, s0;
	s1 =	sshll.u32 s1, $0x11  }
0xbc: {  	s0 =	sor.u32 s1, s0  }
0xbd: {  	s0 =	sadd.s32 $0x8F2B, s0  }
0xbe: {  	[sflag:s0] =	ssyncadd.remote.s32 $0x1  }
0xbf: {  	_ =	sfence.sel $0xFFFF  }
0xc0: {  	[dreg:$0x0] =	wrdreg $0xFFFFFFFF;
	(pc) =	sbr.abs _section_cstart, $3  }
0xc1: {  	[dreg:$0x1] =	wrdreg $0xFFFFFFFF  }
0xc2: {  	_ =	task.clear_ibuf [dreg:s7], $0x2FFFF;
	_ =	strace $0x9FFFFFFF  }
0xc3: {  	(tm) =	ssettm $0x7FFFFFFF  }
tec
execute0_lowered:
.L_overlay_start_1:
0x0: {  	(tag) =	ssettag $0x1  }
0x1: {  	s7 =	rddreg [dreg:$0x0]  }
0x2: {  	s2 =	rddreg [dreg:$0x1];
	s1 =	srdreg.scid  }
0x3: {  	s0 =	stileid.u32;
	s3 =	rddreg [dreg:$0x2]  }
0x4: {  	s4 =	simm.s32 $0x0;
	s15 =	simm.s32 $0x1400;
	s16 =	simm.s32 $0x80  }
0x5: {  	s17 =	simm.s32 $0x2800;
	s18 =	simm.s32 $0x6800;
	s19 =	simm.s32 $0x2  }
0x6: {  	s20 =	simm.s32 $0x3;
	s21 =	simm.s32 $0x1;
	s22 =	simm.s32 $0x0  }
0x7: {  	s6 =	sand.u32 $0x1, s1;
	s8 =	smul.u32 $0x14000, s0;
	s1 =	rddreg [dreg:$0x3]  }
0x8: {  	[smem:$0x7FF] =	sst s4;
	s5 =	sadd.s32 $0x17000, s7;
	s11 =	sadd.s32 $0x3000, s7  }
0x9: {  	s13 =	sshll.u32 s0, $0x1;
	s30 =	sshll.u32 s0, $0x6;
	s14 =	sadd.s32 $0xD000, s7  }
0xa: {  	s9 =	smul.u32 $0x140000, s6;
	_ =	strace $0x8000004A;
	s10 =	ssub.s32 $0x2, s6  }
0xb: {  	s29 =	sor.u32 s6, s13;
	s12 =	sshrl.u32 s10, $0x1;
	s31 =	sadd.s32 s8, s3  }
0xc: {  	s9 =	sadd.s32 s8, s9;
	s10 =	ssub.s32 s10, s12;
	s12 =	smul.u32 $0x500, s29  }
0xd: {  	s6 =	sor.u32 $0x1C04, s30;
	s13 =	sshrl.u32 s31, $0x3;
	s9 =	sshrl.u32 s9, $0x3  }
0xe: {  	s8 =	smax.u32 s10, $0x1;
	s9 =	sadd.s32 s9, s7;
	s10 =	sadd.s32 s12, s14  }
0xf: {  	s7 =	sadd.s32 $0x3F000, s9;
	s9 =	sadd.s32 s11, s12;
	s12 =	sadd.s32 $0x280, s12  }
0x10: {  	s11 =	sadd.s32 s11, s12;
	s12 =	sadd.s32 s12, s14;
	s14 =	simm.s32 $0x4  }
.LBB2_1:
0x11: {  	[spmem:s13], [sflag:s6] =	dma.local [hbm:s2], $0x2800  }
0x12: {  	_ =	swait.ge [sflag:s14], $0x2800  }
0x13: {  	[sflag:s14] =	ssyncset.done $0x0  }
0x14: {  	[sflag:s14] =	ssyncadd.s32 $0xFFFFD800  }
0x15: {  	[bflag:$0x0] =	sbarrier.arrive $0xFFFF  }
0x16: {  	[tilespmem:s4], [sflag:$0x4] =	stream.linear.gather [hbm4b:s9+s4], $0x1400, $0x38;
	[tilespmem:$0x1E800] =	vst v63  }
0x17: {  	_ =	swait.ge [sflag:s14], $0x1400  }
0x18: {  	[sflag:s14] =	ssyncset.done $0x0  }
0x19: {  	[sflag:s14] =	ssyncadd.s32 $0xFFFFEC00  }
0x1a: {  	[tilespmem:s15], [sflag:$0x4] =	stream.linear.gather [hbm4b:s10+s4], $0x1400, $0x38;
	[tilespmem:$0x1E800] =	vst v63  }
0x1b: {  	_ =	swait.ge [sflag:s14], $0x1400  }
0x1c: {  	[sflag:s14] =	ssyncset.done $0x0  }
0x1d: {  	s23 =	simm.s32 $0x0;
	[sflag:s14] =	ssyncadd.s32 $0xFFFFEC00  }
0x1e: {  	[tilespmem:s17], [sflag:$0x2] =	stream.indirect.gather [hbm4b:s5+s16], $0x80, s23, s16, $0xb8;
	[tilespmem:$0x1E800] =	vst v63  }
0x1f: {  	s29 =	simm.s32 $0x80  }
0x20: {  	[tilespmem:s18], [sflag:$0x3] =	stream.indirect.gather [hbm4b:s5+s16], $0x80, s29, s16, $0xb8;
	[tilespmem:$0x1E800] =	vst v63  }
0x21: {  	_ =	swait.ge [sflag:s19], $0x4000  }
0x22: {  	[sflag:s19] =	ssyncset.done $0x0  }
0x23: {  	s30 =	simm.s32 $0x1400;
	[sflag:s19] =	ssyncadd.s32 $0xFFFFC000  }
0x24: {  	[spmem:s3] =	stream.indirect.scatter.add.f32 [tilespmem:s17], [sflag:$0x1], $0x80, s30, s16, $0xb8;
	[tilespmem:$0x1E800] =	vst v63  }
0x25: {  	_ =	swait.ge [sflag:s20], $0x4000  }
0x26: {  	[sflag:s20] =	ssyncset.done $0x0  }
0x27: {  	s31 =	simm.s32 $0x1480;
	[sflag:s20] =	ssyncadd.s32 $0xFFFFC000  }
0x28: {  	[spmem:s3] =	stream.indirect.scatter.add.f32 [tilespmem:s18], [sflag:$0x1], $0x80, s31, s16, $0xb8;
	[tilespmem:$0x1E800] =	vst v63  }
0x29: {  	_ =	swait.ge [sflag:s21], $0x4000  }
0x2a: {  	[sflag:s21] =	ssyncset.done $0x0  }
0x2b: {  	[sflag:s21] =	ssyncadd.s32 $0xFFFFC000  }
0x2c: {  	_ =	swait.ge [sflag:s21], $0x4000  }
0x2d: {  	s24 =	simm.s32 $0xA00;
	s23 =	simm.s32 $0x180;
	[sflag:s21] =	ssyncset.done $0x0  }
.LBB2_2:
0x2e: {  	s25 =	sadd.s32 $0xFFFFFF80, s23  }
0x2f: {  	[sflag:s21] =	ssyncadd.s32 $0xFFFFC000;
	s26 =	smov.u32 s24;
	s28 =	sadd.s32 $0x400, s24  }
0x30: {  	[tilespmem:s17], [sflag:$0x2] =	stream.indirect.gather [hbm4b:s5+s16], $0x80, s25, s16, $0xb8;
	[tilespmem:$0x1E800] =	vst v63  }
0x31: {  	p0 =	sne.s32 s24, $0x4E00  }
0x32: {  	[tilespmem:s18], [sflag:$0x3] =	stream.indirect.gather [hbm4b:s5+s16], $0x80, s23, s16, $0xb8;
	[tilespmem:$0x1E800] =	vst v63  }
0x33: {  	_ =	swait.ge [sflag:s19], $0x4000  }
0x34: {  	[sflag:s19] =	ssyncset.done $0x0  }
0x35: {  	s24 =	sadd.s32 $0x1380, s23;
	[sflag:s19] =	ssyncadd.s32 $0xFFFFC000  }
0x36: {  	[spmem:s3] =	stream.indirect.scatter.add.f32 [tilespmem:s17], [sflag:$0x1], $0x80, s24, s16, $0xb8;
	[tilespmem:$0x1E800] =	vst v63  }
0x37: {  	_ =	swait.ge [sflag:s20], $0x4000  }
0x38: {  	[sflag:s20] =	ssyncset.done $0x0  }
0x39: {  	s23 =	sadd.s32 $0x1400, s23;
	[sflag:s20] =	ssyncadd.s32 $0xFFFFC000  }
0x3a: {  	[spmem:s3] =	stream.indirect.scatter.add.f32 [tilespmem:s18], [sflag:$0x1], $0x80, s23, s16, $0xb8;
	[tilespmem:$0x1E800] =	vst v63  }
.Ltmp0:
0x3b: {  	_ =	swait.ge [sflag:s21], $0x4000;
	(pc) =	sbr.rel @p0 .LBB2_2-.Ltmp0, $4  }
0x3c: {  	[sflag:s21] =	ssyncset.done $0x0  }
0x3d: {  	[sflag:s21] =	ssyncadd.s32 $0xFFFFC000  }
0x3e: {  	_ =	swait.ge [sflag:s21], $0x4000  }
0x3f: {  	s24 =	smov.u32 s28;
	s23 =	sshra.s32 s26, $0x2;
	[sflag:s21] =	ssyncset.done $0x0  }
0x40: {  	s24 =	sadd.s32 $0xFFFFFF80, s23;
	[sflag:s21] =	ssyncadd.s32 $0xFFFFC000  }
0x41: {  	[tilespmem:s17], [sflag:$0x2] =	stream.indirect.gather [hbm4b:s5+s16], $0x80, s24, s16, $0xb8;
	[tilespmem:$0x1E800] =	vst v63  }
0x42: {  	_ = 	snop  }
0x43: {  	[tilespmem:s18], [sflag:$0x3] =	stream.indirect.gather [hbm4b:s5+s16], $0x80, s23, s16, $0xb8;
	[tilespmem:$0x1E800] =	vst v63  }
0x44: {  	_ =	swait.ge [sflag:s19], $0x4000  }
0x45: {  	[sflag:s19] =	ssyncset.done $0x0  }
0x46: {  	s25 =	sadd.s32 $0x1380, s23;
	[sflag:s19] =	ssyncadd.s32 $0xFFFFC000  }
0x47: {  	[spmem:s3] =	stream.indirect.scatter.add.f32 [tilespmem:s17], [sflag:$0x1], $0x80, s25, s16, $0xb8;
	[tilespmem:$0x1E800] =	vst v63  }
0x48: {  	_ =	swait.ge [sflag:s20], $0x4000  }
0x49: {  	[sflag:s20] =	ssyncset.done $0x0  }
0x4a: {  	s26 =	sadd.s32 $0x1400, s23;
	[sflag:s20] =	ssyncadd.s32 $0xFFFFC000  }
0x4b: {  	[spmem:s3] =	stream.indirect.scatter.add.f32 [tilespmem:s18], [sflag:$0x1], $0x80, s26, s16, $0xb8;
	[tilespmem:$0x1E800] =	vst v63  }
0x4c: {  	_ =	swait.ge [sflag:s21], $0x4000  }
0x4d: {  	[sflag:s21] =	ssyncset.done $0x0  }
0x4e: {  	[sflag:s21] =	ssyncadd.s32 $0xFFFFC000  }
0x4f: {  	_ =	swait.ge [sflag:s21], $0x4000  }
0x50: {  	[sflag:s21] =	ssyncset.done $0x0  }
0x51: {  	[sflag:s21] =	ssyncadd.s32 $0xFFFFC000  }
0x52: {  	[tilespmem:s4], [sflag:$0x4] =	stream.linear.gather [hbm4b:s11+s4], $0x1400, $0x38;
	[tilespmem:$0x1E800] =	vst v63  }
0x53: {  	_ =	swait.ge [sflag:s14], $0x1400  }
0x54: {  	[sflag:s14] =	ssyncset.done $0x0  }
0x55: {  	[sflag:s14] =	ssyncadd.s32 $0xFFFFEC00  }
0x56: {  	[tilespmem:s15], [sflag:$0x4] =	stream.linear.gather [hbm4b:s12+s4], $0x1400, $0x38;
	[tilespmem:$0x1E800] =	vst v63  }
0x57: {  	_ =	swait.ge [sflag:s14], $0x1400  }
0x58: {  	[sflag:s14] =	ssyncset.done $0x0  }
0x59: {  	s28 =	simm.s32 $0x0;
	[sflag:s14] =	ssyncadd.s32 $0xFFFFEC00  }
0x5a: {  	[tilespmem:s17], [sflag:$0x2] =	stream.indirect.gather [hbm4b:s5+s16], $0x80, s28, s16, $0xb8;
	[tilespmem:$0x1E800] =	vst v63  }
0x5b: {  	s29 =	simm.s32 $0x80  }
0x5c: {  	[tilespmem:s18], [sflag:$0x3] =	stream.indirect.gather [hbm4b:s5+s16], $0x80, s29, s16, $0xb8;
	[tilespmem:$0x1E800] =	vst v63  }
0x5d: {  	_ =	swait.ge [sflag:s19], $0x4000  }
0x5e: {  	[sflag:s19] =	ssyncset.done $0x0  }
0x5f: {  	s30 =	simm.s32 $0x1400;
	[sflag:s19] =	ssyncadd.s32 $0xFFFFC000  }
0x60: {  	[spmem:s3] =	stream.indirect.scatter.add.f32 [tilespmem:s17], [sflag:$0x1], $0x80, s30, s16, $0xb8;
	[tilespmem:$0x1E800] =	vst v63  }
0x61: {  	_ =	swait.ge [sflag:s20], $0x4000  }
0x62: {  	[sflag:s20] =	ssyncset.done $0x0  }
0x63: {  	s31 =	simm.s32 $0x1480;
	[sflag:s20] =	ssyncadd.s32 $0xFFFFC000  }
0x64: {  	[spmem:s3] =	stream.indirect.scatter.add.f32 [tilespmem:s18], [sflag:$0x1], $0x80, s31, s16, $0xb8;
	[tilespmem:$0x1E800] =	vst v63  }
0x65: {  	_ =	swait.ge [sflag:s21], $0x4000  }
0x66: {  	[sflag:s21] =	ssyncset.done $0x0  }
0x67: {  	[sflag:s21] =	ssyncadd.s32 $0xFFFFC000  }
0x68: {  	_ =	swait.ge [sflag:s21], $0x4000  }
0x69: {  	s24 =	simm.s32 $0xA00;
	s23 =	simm.s32 $0x180;
	[sflag:s21] =	ssyncset.done $0x0  }
.LBB2_4:
0x6a: {  	s25 =	sadd.s32 $0xFFFFFF80, s23  }
0x6b: {  	[sflag:s21] =	ssyncadd.s32 $0xFFFFC000;
	s26 =	smov.u32 s24;
	s28 =	sadd.s32 $0x400, s24  }
0x6c: {  	[tilespmem:s17], [sflag:$0x2] =	stream.indirect.gather [hbm4b:s5+s16], $0x80, s25, s16, $0xb8;
	[tilespmem:$0x1E800] =	vst v63  }
0x6d: {  	p0 =	sne.s32 s24, $0x4E00  }
0x6e: {  	[tilespmem:s18], [sflag:$0x3] =	stream.indirect.gather [hbm4b:s5+s16], $0x80, s23, s16, $0xb8;
	[tilespmem:$0x1E800] =	vst v63  }
0x6f: {  	_ =	swait.ge [sflag:s19], $0x4000  }
0x70: {  	[sflag:s19] =	ssyncset.done $0x0  }
0x71: {  	s24 =	sadd.s32 $0x1380, s23;
	[sflag:s19] =	ssyncadd.s32 $0xFFFFC000  }
0x72: {  	[spmem:s3] =	stream.indirect.scatter.add.f32 [tilespmem:s17], [sflag:$0x1], $0x80, s24, s16, $0xb8;
	[tilespmem:$0x1E800] =	vst v63  }
0x73: {  	_ =	swait.ge [sflag:s20], $0x4000  }
0x74: {  	[sflag:s20] =	ssyncset.done $0x0  }
0x75: {  	s23 =	sadd.s32 $0x1400, s23;
	[sflag:s20] =	ssyncadd.s32 $0xFFFFC000  }
0x76: {  	[spmem:s3] =	stream.indirect.scatter.add.f32 [tilespmem:s18], [sflag:$0x1], $0x80, s23, s16, $0xb8;
	[tilespmem:$0x1E800] =	vst v63  }
.Ltmp1:
0x77: {  	_ =	swait.ge [sflag:s21], $0x4000;
	(pc) =	sbr.rel @p0 .LBB2_4-.Ltmp1, $4  }
0x78: {  	[sflag:s21] =	ssyncset.done $0x0  }
0x79: {  	[sflag:s21] =	ssyncadd.s32 $0xFFFFC000  }
0x7a: {  	_ =	swait.ge [sflag:s21], $0x4000  }
0x7b: {  	s24 =	smov.u32 s28;
	s23 =	sshra.s32 s26, $0x2;
	[sflag:s21] =	ssyncset.done $0x0  }
0x7c: {  	s24 =	sadd.s32 $0xFFFFFF80, s23;
	[sflag:s21] =	ssyncadd.s32 $0xFFFFC000  }
0x7d: {  	[tilespmem:s17], [sflag:$0x2] =	stream.indirect.gather [hbm4b:s5+s16], $0x80, s24, s16, $0xb8;
	[tilespmem:$0x1E800] =	vst v63  }
0x7e: {  	_ = 	snop  }
0x7f: {  	[tilespmem:s18], [sflag:$0x3] =	stream.indirect.gather [hbm4b:s5+s16], $0x80, s23, s16, $0xb8;
	[tilespmem:$0x1E800] =	vst v63  }
0x80: {  	_ =	swait.ge [sflag:s19], $0x4000  }
0x81: {  	[sflag:s19] =	ssyncset.done $0x0  }
0x82: {  	s30 =	sadd.s32 $0x1380, s23;
	[sflag:s19] =	ssyncadd.s32 $0xFFFFC000  }
0x83: {  	[spmem:s3] =	stream.indirect.scatter.add.f32 [tilespmem:s17], [sflag:$0x1], $0x80, s30, s16, $0xb8;
	[tilespmem:$0x1E800] =	vst v63  }
0x84: {  	_ =	swait.ge [sflag:s20], $0x4000  }
0x85: {  	[sflag:s20] =	ssyncset.done $0x0  }
0x86: {  	s31 =	sadd.s32 $0x1400, s23;
	[sflag:s20] =	ssyncadd.s32 $0xFFFFC000  }
0x87: {  	[spmem:s3] =	stream.indirect.scatter.add.f32 [tilespmem:s18], [sflag:$0x1], $0x80, s31, s16, $0xb8;
	[tilespmem:$0x1E800] =	vst v63  }
0x88: {  	_ =	swait.ge [sflag:s21], $0x4000  }
0x89: {  	[sflag:s21] =	ssyncset.done $0x0  }
0x8a: {  	[sflag:s21] =	ssyncadd.s32 $0xFFFFC000  }
0x8b: {  	_ =	swait.ge [sflag:s21], $0x4000  }
0x8c: {  	s22 =	sadd.s32 $0x1, s22;
	[sflag:s21] =	ssyncset.done $0x0  }
0x8d: {  	p0 =	sne.s32 s22, s8;
	[sflag:s21] =	ssyncadd.s32 $0xFFFFC000  }
.Ltmp2:
0x8e: {  	[bflag:$0x0] =	sbarrier.arrive $0xFFFF;
	(pc) =	sbr.rel @p0 .LBB2_1-.Ltmp2, $4  }
0x8f: {  	[hbm:s7], [sflag:s6] =	dma.local [spmem:s13], $0x2800  }
0x90: {  	_ =	swait.ge [sflag:s14], $0x2800  }
0x91: {  	[sflag:s14] =	ssyncset.done $0x0  }
0x92: {  	[sflag:s14] =	ssyncadd.s32 $0xFFFFD800  }
0x93: {  	_ =	sfence.sel $0x180000  }
0x94: {  	[bflag:$0x0] =	sbarrier.arrive $0xFFFF  }
0x95: {  	p0 =	sne.s32 s0, $0x0;
	_ =	strace $0x9000004A  }
0x96: {  	s0 =	sadd.s32 @!p0 $0x100000, s1;
	[bflag:$0x2] =	sbarrier.arrive $0xFFFF  }
0x97: {  	[sflag:s0] =	ssyncadd.tile.s32 @!p0 $0x1;
	_ =	shalt  }
.Lfunc_end2:
_tile_overlayer_lowered:
.L_overlay_start_2:
0x98: {  	(tag) =	ssettag $0x2  }
0x99: {  	s0 =	rddreg [dreg:$0x0];
	s2 =	stileid.u32  }
0x9a: {  	s1 =	rddreg [dreg:$0x1];
	p0 =	sne.s32 s2, $0x0  }
0x9b: {  	s3 =	rddreg [dreg:$0x2];
	[bflag:$0x3] =	sbarrier.arrive $0xFFFF;
	s2 =	simm.s32 @!p0 $0x1C04  }
0x9c: {  	[timem:s3], [sflag:s2] =	dma.local @!p0 [hbm:s0], s1  }
0x9d: {  	s0 =	simm.s32 @!p0 $0x4  }
0x9e: {  	_ =	swait.ge @!p0 [sflag:s0], s1  }
0x9f: {  	s1 =	ssub.s32 @!p0 $0x0, s1;
	[sflag:s0] =	ssyncset.done @!p0 $0x0  }
0xa0: {  	[sflag:s0] =	ssyncadd.s32 @!p0 s1  }
0xa1: {  	[bflag:$0x3] =	sbarrier.arrive $0xFFFF  }
0xa2: {  	_ =	shalt  }

// kernel: kernel.18.cloned.1.call-start
scs
__scs_entry_jumppad:
0x0: {  	(pc) =	sbr.rel $0x88, $3  }
0x1: {  	(tag) =	ssettag $0x0;
	lr =	simm.s32 $0x1  }
0x2: {  	[smem:$0x3F9B] =	sst lr;
	_ =	strace $0xD0000000  }
0x3: {  	_ = 	snop  }
0x4: {  	_ = 	snop  }
0x5: {  	_ = 	snop  }
0x6: {  	_ = 	snop  }
0x7: {  	_ = 	snop  }
__scs_overlays_trampoline_lowered:
0x8: {  	[smem:$0x3FAA] =	sst s0  }
0x9: {  	[smem:$0x3FAB] =	sst s1  }
0xa: {  	[smem:$0x3FAC] =	sst s2  }
0xb: {  	[smem:$0x3FAD] =	sst s3  }
0xc: {  	[smem:$0x3FAE] =	sst s4  }
0xd: {  	[smem:$0x3FAF] =	sst s5  }
0xe: {  	[smem:$0x3FB0] =	sst s6  }
0xf: {  	[smem:$0x3FB1] =	sst s7  }
0x10: {  	[smem:$0x3FB2] =	sst s8  }
0x11: {  	[smem:$0x3FB3] =	sst s9;
	s0 =	simm.s32 @!p0 $0x0  }
0x12: {  	s1 =	sld [smem:$0x3F99];
	s0 =	simm.s32 @p0 $0x1  }
0x13: {  	[smem:$0x3FB4] =	sst s0;
	s0 =	simm.s32 @!p1 $0x0  }
0x14: {  	s2 =	sld [smem:$0x3F98];
	s0 =	simm.s32 @p1 $0x1  }
0x15: {  	[smem:$0x3FB5] =	sst s0;
	s0 =	simm.s32 @!p2 $0x0  }
0x16: {  	s3 =	sld [smem:$0x3FDB];
	s0 =	simm.s32 @p2 $0x1  }
0x17: {  	s4 =	simm.s32 $0x1BF5;
	[smem:$0x3FB7] =	sst s0  }
0x18: {  	s0 =	sld [smem:$0x3F9A];
	_ =	swait.ge [sflag:s4], $0x0  }
0x19: {  	s7 =	sld [smem:$0x3F9B]  }
0x1a: {  	s8 =	sadd.s32 $0xFFFFE003, lr  }
0x1b: {  	s9 =	sadd.s32 $0xFFFFFEF7, lr;
	s5 =	simm.s32 $0xFFFFFFFF;
	p2 =	slt.u32 s8, $0xFFFFF086  }
0x1c: {  	p1 =	slt.u32 s9, $0xF7A;
	s5 =	simm.s32 @!p2 $0x0  }
0x1d: {  	s5 =	simm.s32 @p1 $0x1;
	p0 =	seq.s32 s7, s2  }
0x1e: {  	s7 =	smul.u32 @!p0 $0xF7A, s2;
	p2 =	seq.s32 @!p0 s5, $0x0  }
0x1f: {  	s9 =	smul.u32 $0xF7A, s1;
	s8 =	simm.s32 @!p0 $0x1BF5;
	p2 =	por !p2, p0  }
0x20: {  	[sflag:s8] =	ssyncset.s32 @!p0 $0xFFFFF086;
	s6 =	sadd.s32 @!p0 s3, s7;
	s7 =	simm.s32 @!p0 $0x108  }
0x21: {  	s3 =	sadd.s32 s3, s9;
	s6 =	sadd.s32 @!p0 $0x88, s6;
	s7 =	simm.s32 @p2 $0x1082  }
0x22: {  	[simem:s7], [sflag:s8] =	dma.local @!p0 [hbm:s6], $0xF7A  }
0x23: {  	s9 =	sor.u32 $0xD0000000, s2;
	s6 =	simm.s32 $0x108;
	_ =	swait.ge @!p0 [sflag:s8], $0x0  }
0x24: {  	s3 =	sadd.s32 $0x88, s3;
	s6 =	simm.s32 @!p1 $0x1082;
	[sflag:s4] =	ssyncset.s32 $0xFFFFF086  }
0x25: {  	[simem:s6], [sflag:s4] =	dma.local [hbm:s3], $0xF7A  }
0x26: {  	[smem:$0x3F9B] =	sst s1;
	(tag) =	ssettag s2;
	_ =	strace s9  }
0x27: {  	s1 =	sld [smem:$0x3FAB]  }
0x28: {  	s2 =	sld [smem:$0x3FAC]  }
0x29: {  	s4 =	sld [smem:$0x3FAE]  }
0x2a: {  	p0 =	seq.s32 s5, $0x0;
	s5 =	sld [smem:$0x3FAF]  }
0x2b: {  	s6 =	sld [smem:$0x3FB0]  }
0x2c: {  	s7 =	sld [smem:$0x3FB1]  }
0x2d: {  	s3 =	simm.s32 $0x108;
	s8 =	sld [smem:$0x3FB2]  }
0x2e: {  	s3 =	simm.s32 @!p0 $0x1082;
	s9 =	sld [smem:$0x3FB3]  }
0x2f: {  	lr =	sadd.s32 s0, s3;
	s0 =	sld [smem:$0x3FAA]  }
0x30: {  	s3 =	sld [smem:$0x3FAD]  }
0x31: {  	[smem:$0x3FB6] =	sst s10  }
0x32: {  	s10 =	sld [smem:$0x3FB4];
	_ =	sdelay $0x3  }
0x33: {  	p0 =	seq.s32 s10, $0x1;
	s10 =	sld [smem:$0x3FB6];
	_ =	sdelay $0x3  }
0x34: {  	[smem:$0x3FB6] =	sst s10  }
0x35: {  	s10 =	sld [smem:$0x3FB5];
	_ =	sdelay $0x3  }
0x36: {  	p1 =	seq.s32 s10, $0x1;
	s10 =	sld [smem:$0x3FB6];
	_ =	sdelay $0x3  }
0x37: {  	[smem:$0x3FB6] =	sst s10  }
0x38: {  	s10 =	sld [smem:$0x3FB7]  }
0x39: {  	_ = 	snop;
	(pc) =	sbr.ind lr, $3  }
0x3a: {  	_ = 	snop  }
0x3b: {  	_ = 	snop  }
0x3c: {  	p2 =	seq.s32 s10, $0x1;
	s10 =	sld [smem:$0x3FB6]  }
0x3d: {  	_ =	shalt  }
0x3e: {  	_ =	shalt  }
0x3f: {  	_ =	shalt  }
0x40: {  	_ =	shalt  }
0x41: {  	_ =	shalt  }
0x42: {  	_ =	shalt  }
0x43: {  	_ =	shalt  }
0x44: {  	_ =	shalt  }
0x45: {  	_ =	shalt  }
0x46: {  	_ =	shalt  }
0x47: {  	_ =	shalt  }
0x48: {  	_ =	shalt  }
0x49: {  	_ =	shalt  }
0x4a: {  	_ =	shalt  }
0x4b: {  	_ =	shalt  }
0x4c: {  	_ =	shalt  }
0x4d: {  	_ =	shalt  }
0x4e: {  	_ =	shalt  }
0x4f: {  	_ =	shalt  }
0x50: {  	_ =	shalt  }
0x51: {  	_ =	shalt  }
0x52: {  	_ =	shalt  }
0x53: {  	_ =	shalt  }
0x54: {  	_ =	shalt  }
0x55: {  	_ =	shalt  }
0x56: {  	_ =	shalt  }
0x57: {  	_ =	shalt  }
0x58: {  	_ =	shalt  }
0x59: {  	_ =	shalt  }
0x5a: {  	_ =	shalt  }
0x5b: {  	_ =	shalt  }
0x5c: {  	_ =	shalt  }
0x5d: {  	_ =	shalt  }
0x5e: {  	_ =	shalt  }
0x5f: {  	_ =	shalt  }
0x60: {  	_ =	shalt  }
0x61: {  	_ =	shalt  }
0x62: {  	_ =	shalt  }
0x63: {  	_ =	shalt  }
0x64: {  	_ =	shalt  }
0x65: {  	_ =	shalt  }
0x66: {  	_ =	shalt  }
0x67: {  	_ =	shalt  }
0x68: {  	_ =	shalt  }
0x69: {  	_ =	shalt  }
0x6a: {  	_ =	shalt  }
0x6b: {  	_ =	shalt  }
0x6c: {  	_ =	shalt  }
0x6d: {  	_ =	shalt  }
0x6e: {  	_ =	shalt  }
0x6f: {  	_ =	shalt  }
0x70: {  	_ =	shalt  }
0x71: {  	_ =	shalt  }
0x72: {  	_ =	shalt  }
0x73: {  	_ =	shalt  }
0x74: {  	_ =	shalt  }
0x75: {  	_ =	shalt  }
0x76: {  	_ =	shalt  }
0x77: {  	_ =	shalt  }
0x78: {  	_ =	shalt  }
0x79: {  	_ =	shalt  }
0x7a: {  	_ =	shalt  }
0x7b: {  	_ =	shalt  }
0x7c: {  	_ =	shalt  }
0x7d: {  	_ =	shalt  }
0x7e: {  	_ =	shalt  }
0x7f: {  	_ =	shalt  }
0x80: {  	_ =	shalt  }
0x81: {  	_ =	shalt  }
0x82: {  	_ =	shalt  }
0x83: {  	_ =	shalt  }
0x84: {  	_ =	shalt  }
0x85: {  	_ =	shalt  }
0x86: {  	_ =	shalt  }
0x87: {  	_ =	shalt  }
.Lfunc_end0:
.L_simem_size_0:
called_computation.2_lowered:
.L_overlay_start_0:
0x88: {  	s2 =	sld [smem:$0x3FD9]  }
0x89: {  	s3 =	sld [smem:$0x3FFE];
	_ =	sdelay $0x1  }
0x8a: {  	s1 =	srdreg.scid  }
0x8b: {  	s0 =	sand.u32 $0x1, s1  }
0x8c: {  	s17 =	sshll.u32 s0, $0xA;
	s2 =	sadd.s32 s3, s2  }
0x8d: {  	s2 =	sadd.s32 s2, s17  }
0x8e: {  	[smem:$0x3FC2] =	sst s2  }
0x8f: {  	_ = 	snop  }
0x90: {  	s2 =	sld [smem:$0x3FD0];
	(tm) =	ssettm $0x1  }
0x91: {  	s18 =	sld [smem:$0x3FFB];
	_ =	sdelay $0x3  }
0x92: {  	_ =	strace s18  }
0x93: {  	s3 =	sld [smem:$0x3FFC];
	_ =	sdelay $0x3  }
0x94: {  	_ =	strace s3  }
0x95: {  	s3 =	sld [smem:$0x3FFD];
	_ =	sdelay $0x3  }
0x96: {  	_ =	strace s3  }
0x97: {  	_ =	strace $0x8FFFFFFF  }
0x98: {  	s19 =	sld [smem:$0x3FDB];
	_ =	sdelay $0x1  }
0x99: {  	s4 =	simm.s32 $_scs_section_size  }
0x9a: {  	s5 =	simm.s32 $_size__tile_overlayer_lowered;
	s6 =	simm.s32 $_tile_overlayer_lowered  }
0x9b: {  	s22 =	simm.s32 $0x1BFF;
	s21 =	sshll.u32 s6, $0x1;
	s3 =	sadd.s32 s4, s19  }
0x9c: {  	s7 =	simm.s32 $0x0;
	s20 =	sshll.u32 s5, $0x1;
	s5 =	sadd.s32 s21, s3  }
0x9d: {  	[timem:s7], [sflag:s22] =	dma.local [hbm:s5], s20  }
0x9e: {  	_ =	swait.ge [sflag:s22], s20  }
0x9f: {  	s4 =	ssub.s32 $0x0, s20;
	[sflag:s22] =	ssyncset.done $0x0  }
0xa0: {  	[sflag:s22] =	ssyncadd.s32 s4;
	_ =	sdelay $0x1  }
0xa1: {  	s23 =	simm.s32 $0x1B8B  }
0xa2: {  	_ =	swait.ge [sflag:s23], $0x1  }
0xa3: {  	[sflag:s23] =	ssyncset.done $0x0  }
0xa4: {  	s25 =	simm.s32 $0x1B8E;
	s24 =	sld [smem:$0x3FFE];
	[sflag:s23] =	ssyncadd.s32 $0xFFFFFFFF  }
0xa5: {  	s26 =	simm.s32 $execute0_lowered;
	[smem:$0x3FD2] =	sst s25  }
0xa6: {  	s5 =	sshll.u32 s26, $0x1;
	_ =	strace $0x8000004C;
	[dreg:$0x1] =	wrdreg $0xFFFFFFFF  }
0xa7: {  	s28 =	simm.s32 $_size_execute0_lowered;
	s3 =	sadd.s32 s3, s5;
	[dreg:$0x0] =	wrdreg $0x0  }
0xa8: {  	s5 =	sshll.u32 s28, $0x1;
	[dreg:$0x2] =	wrdreg s3  }
0xa9: {  	[dreg:$0x3] =	wrdreg s5  }
0xaa: {  	[dreg:$0x4] =	wrdreg $0xC0  }
0xab: {  	_ =	task [dreg:s7], $0x5FFFF  }
0xac: {  	[dreg:$0x1] =	wrdreg $0xFFFFFFFF  }
0xad: {  	[dreg:$0x0] =	wrdreg $0x60  }
0xae: {  	[dreg:$0x2] =	wrdreg s24  }
0xaf: {  	[dreg:$0x3] =	wrdreg s2  }
0xb0: {  	[dreg:$0x4] =	wrdreg $0xA8000  }
0xb1: {  	[dreg:$0x5] =	wrdreg $0x9  }
0xb2: {  	_ =	task.clear_ibuf [dreg:s7], $0x6FFFF;
	_ =	strace $0x9000004C  }
0xb3: {  	s29 =	simm.s32 $0x9;
	_ =	strace $0x8000004E  }
0xb4: {  	_ =	swait.ge [sflag:s29], $0x1  }
0xb5: {  	[sflag:s29] =	ssyncadd.s32 $0xFFFFFFFF  }
0xb6: {  	_ =	strace $0x9000004E  }
0xb7: {  	_ =	sfence  }
0xb8: {  	s30 =	sld [smem:$0x0];
	_ =	sdelay $0x2  }
0xb9: {  	s31 =	sshll.u32 s1, $0xD;
	s1 =	sshrl.u32 s1, $0x2  }
0xba: {  	s3 =	sand.u32 $0x4000, s31;
	s1 =	sadd.s32 s1, s30  }
0xbb: {  	s0 =	sor.u32 s3, s0;
	s1 =	sshll.u32 s1, $0x11  }
0xbc: {  	s0 =	sor.u32 s1, s0  }
0xbd: {  	s0 =	sadd.s32 $0x8F2B, s0  }
0xbe: {  	[sflag:s0] =	ssyncadd.remote.s32 $0x1  }
0xbf: {  	_ =	sfence.sel $0xFFFF  }
0xc0: {  	[dreg:$0x0] =	wrdreg $0xFFFFFFFF;
	(pc) =	sbr.abs _section_cstart, $3  }
0xc1: {  	[dreg:$0x1] =	wrdreg $0xFFFFFFFF  }
0xc2: {  	_ =	task.clear_ibuf [dreg:s7], $0x2FFFF;
	_ =	strace $0x9FFFFFFF  }
0xc3: {  	(tm) =	ssettm $0x7FFFFFFF  }
tec
execute0_lowered:
.L_overlay_start_1:
0x0: {  	(tag) =	ssettag $0x1  }
0x1: {  	s7 =	rddreg [dreg:$0x0]  }
0x2: {  	s2 =	rddreg [dreg:$0x1];
	s1 =	srdreg.scid  }
0x3: {  	s0 =	stileid.u32;
	s3 =	rddreg [dreg:$0x2]  }
0x4: {  	s4 =	simm.s32 $0x0;
	s16 =	simm.s32 $0x80;
	s17 =	simm.s32 $0x2800  }
0x5: {  	s18 =	simm.s32 $0x6800;
	s19 =	simm.s32 $0x2;
	s20 =	simm.s32 $0x3  }
0x6: {  	s21 =	simm.s32 $0x1;
	s6 =	sand.u32 $0x1, s1;
	s1 =	rddreg [dreg:$0x3]  }
0x7: {  	s22 =	simm.s32 $0x0;
	s8 =	smul.u32 $0x14000, s0;
	[smem:$0x7FF] =	sst s4  }
0x8: {  	s5 =	sadd.s32 $0x17000, s7;
	s12 =	sadd.s32 $0x3000, s7;
	s13 =	sshll.u32 s0, $0x1  }
0x9: {  	s30 =	sshll.u32 s0, $0x6;
	s14 =	sadd.s32 $0xD000, s7;
	s9 =	smul.u32 $0x140000, s6  }
0xa: {  	_ =	strace $0x8000004D;
	s10 =	ssub.s32 $0x2, s6;
	s29 =	sor.u32 s6, s13  }
0xb: {  	s6 =	sor.u32 $0x1C04, s30;
	s11 =	sshrl.u32 s10, $0x1;
	s31 =	sadd.s32 s8, s3  }
0xc: {  	s9 =	sadd.s32 s8, s9;
	s10 =	ssub.s32 s10, s11;
	s11 =	smul.u32 $0x500, s29  }
0xd: {  	s13 =	sshrl.u32 s31, $0x3;
	s9 =	sshrl.u32 s9, $0x3;
	s8 =	smax.u32 s10, $0x1  }
0xe: {  	s9 =	sadd.s32 s9, s7;
	s10 =	sadd.s32 s12, s11;
	s15 =	sadd.s32 $0x280, s11  }
0xf: {  	s7 =	sadd.s32 $0x3F000, s9;
	s9 =	sadd.s32 s11, s14;
	s11 =	sadd.s32 s15, s14  }
0x10: {  	s12 =	sadd.s32 s12, s15;
	s14 =	simm.s32 $0x4;
	s15 =	simm.s32 $0x1400  }
.LBB2_1:
0x11: {  	[spmem:s13], [sflag:s6] =	dma.local [hbm:s2], $0x2800  }
0x12: {  	_ =	swait.ge [sflag:s14], $0x2800  }
0x13: {  	[sflag:s14] =	ssyncset.done $0x0  }
0x14: {  	[sflag:s14] =	ssyncadd.s32 $0xFFFFD800  }
0x15: {  	[bflag:$0x0] =	sbarrier.arrive $0xFFFF  }
0x16: {  	[tilespmem:s4], [sflag:$0x4] =	stream.linear.gather [hbm4b:s9+s4], $0x1400, $0x38;
	[tilespmem:$0x1E800] =	vst v63  }
0x17: {  	_ =	swait.ge [sflag:s14], $0x1400  }
0x18: {  	[sflag:s14] =	ssyncset.done $0x0  }
0x19: {  	[sflag:s14] =	ssyncadd.s32 $0xFFFFEC00  }
0x1a: {  	[tilespmem:s15], [sflag:$0x4] =	stream.linear.gather [hbm4b:s10+s4], $0x1400, $0x38;
	[tilespmem:$0x1E800] =	vst v63  }
0x1b: {  	_ =	swait.ge [sflag:s14], $0x1400  }
0x1c: {  	[sflag:s14] =	ssyncset.done $0x0  }
0x1d: {  	s23 =	simm.s32 $0x0;
	[sflag:s14] =	ssyncadd.s32 $0xFFFFEC00  }
0x1e: {  	[tilespmem:s17], [sflag:$0x2] =	stream.indirect.gather [hbm4b:s5+s16], $0x80, s23, s16, $0xb8;
	[tilespmem:$0x1E800] =	vst v63  }
0x1f: {  	s29 =	simm.s32 $0x80  }
0x20: {  	[tilespmem:s18], [sflag:$0x3] =	stream.indirect.gather [hbm4b:s5+s16], $0x80, s29, s16, $0xb8;
	[tilespmem:$0x1E800] =	vst v63  }
0x21: {  	_ =	swait.ge [sflag:s19], $0x4000  }
0x22: {  	[sflag:s19] =	ssyncset.done $0x0  }
0x23: {  	s30 =	simm.s32 $0x1400;
	[sflag:s19] =	ssyncadd.s32 $0xFFFFC000  }
0x24: {  	[spmem:s3] =	stream.indirect.scatter.add.f32 [tilespmem:s17], [sflag:$0x1], $0x80, s30, s16, $0xb8;
	[tilespmem:$0x1E800] =	vst v63  }
0x25: {  	_ =	swait.ge [sflag:s20], $0x4000  }
0x26: {  	[sflag:s20] =	ssyncset.done $0x0  }
0x27: {  	s31 =	simm.s32 $0x1480;
	[sflag:s20] =	ssyncadd.s32 $0xFFFFC000  }
0x28: {  	[spmem:s3] =	stream.indirect.scatter.add.f32 [tilespmem:s18], [sflag:$0x1], $0x80, s31, s16, $0xb8;
	[tilespmem:$0x1E800] =	vst v63  }
0x29: {  	_ =	swait.ge [sflag:s21], $0x4000  }
0x2a: {  	[sflag:s21] =	ssyncset.done $0x0  }
0x2b: {  	[sflag:s21] =	ssyncadd.s32 $0xFFFFC000  }
0x2c: {  	_ =	swait.ge [sflag:s21], $0x4000  }
0x2d: {  	s24 =	simm.s32 $0xA00;
	s23 =	simm.s32 $0x180;
	[sflag:s21] =	ssyncset.done $0x0  }
.LBB2_2:
0x2e: {  	s25 =	sadd.s32 $0xFFFFFF80, s23  }
0x2f: {  	[sflag:s21] =	ssyncadd.s32 $0xFFFFC000;
	s26 =	smov.u32 s24;
	s28 =	sadd.s32 $0x400, s24  }
0x30: {  	[tilespmem:s17], [sflag:$0x2] =	stream.indirect.gather [hbm4b:s5+s16], $0x80, s25, s16, $0xb8;
	[tilespmem:$0x1E800] =	vst v63  }
0x31: {  	p0 =	sne.s32 s24, $0x4E00  }
0x32: {  	[tilespmem:s18], [sflag:$0x3] =	stream.indirect.gather [hbm4b:s5+s16], $0x80, s23, s16, $0xb8;
	[tilespmem:$0x1E800] =	vst v63  }
0x33: {  	_ =	swait.ge [sflag:s19], $0x4000  }
0x34: {  	[sflag:s19] =	ssyncset.done $0x0  }
0x35: {  	s24 =	sadd.s32 $0x1380, s23;
	[sflag:s19] =	ssyncadd.s32 $0xFFFFC000  }
0x36: {  	[spmem:s3] =	stream.indirect.scatter.add.f32 [tilespmem:s17], [sflag:$0x1], $0x80, s24, s16, $0xb8;
	[tilespmem:$0x1E800] =	vst v63  }
0x37: {  	_ =	swait.ge [sflag:s20], $0x4000  }
0x38: {  	[sflag:s20] =	ssyncset.done $0x0  }
0x39: {  	s23 =	sadd.s32 $0x1400, s23;
	[sflag:s20] =	ssyncadd.s32 $0xFFFFC000  }
0x3a: {  	[spmem:s3] =	stream.indirect.scatter.add.f32 [tilespmem:s18], [sflag:$0x1], $0x80, s23, s16, $0xb8;
	[tilespmem:$0x1E800] =	vst v63  }
.Ltmp0:
0x3b: {  	_ =	swait.ge [sflag:s21], $0x4000;
	(pc) =	sbr.rel @p0 .LBB2_2-.Ltmp0, $4  }
0x3c: {  	[sflag:s21] =	ssyncset.done $0x0  }
0x3d: {  	[sflag:s21] =	ssyncadd.s32 $0xFFFFC000  }
0x3e: {  	_ =	swait.ge [sflag:s21], $0x4000  }
0x3f: {  	s24 =	smov.u32 s28;
	s23 =	sshra.s32 s26, $0x2;
	[sflag:s21] =	ssyncset.done $0x0  }
0x40: {  	s24 =	sadd.s32 $0xFFFFFF80, s23;
	[sflag:s21] =	ssyncadd.s32 $0xFFFFC000  }
0x41: {  	[tilespmem:s17], [sflag:$0x2] =	stream.indirect.gather [hbm4b:s5+s16], $0x80, s24, s16, $0xb8;
	[tilespmem:$0x1E800] =	vst v63  }
0x42: {  	_ = 	snop  }
0x43: {  	[tilespmem:s18], [sflag:$0x3] =	stream.indirect.gather [hbm4b:s5+s16], $0x80, s23, s16, $0xb8;
	[tilespmem:$0x1E800] =	vst v63  }
0x44: {  	_ =	swait.ge [sflag:s19], $0x4000  }
0x45: {  	[sflag:s19] =	ssyncset.done $0x0  }
0x46: {  	s25 =	sadd.s32 $0x1380, s23;
	[sflag:s19] =	ssyncadd.s32 $0xFFFFC000  }
0x47: {  	[spmem:s3] =	stream.indirect.scatter.add.f32 [tilespmem:s17], [sflag:$0x1], $0x80, s25, s16, $0xb8;
	[tilespmem:$0x1E800] =	vst v63  }
0x48: {  	_ =	swait.ge [sflag:s20], $0x4000  }
0x49: {  	[sflag:s20] =	ssyncset.done $0x0  }
0x4a: {  	s26 =	sadd.s32 $0x1400, s23;
	[sflag:s20] =	ssyncadd.s32 $0xFFFFC000  }
0x4b: {  	[spmem:s3] =	stream.indirect.scatter.add.f32 [tilespmem:s18], [sflag:$0x1], $0x80, s26, s16, $0xb8;
	[tilespmem:$0x1E800] =	vst v63  }
0x4c: {  	_ =	swait.ge [sflag:s21], $0x4000  }
0x4d: {  	[sflag:s21] =	ssyncset.done $0x0  }
0x4e: {  	[sflag:s21] =	ssyncadd.s32 $0xFFFFC000  }
0x4f: {  	_ =	swait.ge [sflag:s21], $0x4000  }
0x50: {  	[sflag:s21] =	ssyncset.done $0x0  }
0x51: {  	[sflag:s21] =	ssyncadd.s32 $0xFFFFC000  }
0x52: {  	[tilespmem:s4], [sflag:$0x4] =	stream.linear.gather [hbm4b:s11+s4], $0x1400, $0x38;
	[tilespmem:$0x1E800] =	vst v63  }
0x53: {  	_ =	swait.ge [sflag:s14], $0x1400  }
0x54: {  	[sflag:s14] =	ssyncset.done $0x0  }
0x55: {  	[sflag:s14] =	ssyncadd.s32 $0xFFFFEC00  }
0x56: {  	[tilespmem:s15], [sflag:$0x4] =	stream.linear.gather [hbm4b:s12+s4], $0x1400, $0x38;
	[tilespmem:$0x1E800] =	vst v63  }
0x57: {  	_ =	swait.ge [sflag:s14], $0x1400  }
0x58: {  	[sflag:s14] =	ssyncset.done $0x0  }
0x59: {  	s28 =	simm.s32 $0x0;
	[sflag:s14] =	ssyncadd.s32 $0xFFFFEC00  }
0x5a: {  	[tilespmem:s17], [sflag:$0x2] =	stream.indirect.gather [hbm4b:s5+s16], $0x80, s28, s16, $0xb8;
	[tilespmem:$0x1E800] =	vst v63  }
0x5b: {  	s29 =	simm.s32 $0x80  }
0x5c: {  	[tilespmem:s18], [sflag:$0x3] =	stream.indirect.gather [hbm4b:s5+s16], $0x80, s29, s16, $0xb8;
	[tilespmem:$0x1E800] =	vst v63  }
0x5d: {  	_ =	swait.ge [sflag:s19], $0x4000  }
0x5e: {  	[sflag:s19] =	ssyncset.done $0x0  }
0x5f: {  	s30 =	simm.s32 $0x1400;
	[sflag:s19] =	ssyncadd.s32 $0xFFFFC000  }
0x60: {  	[spmem:s3] =	stream.indirect.scatter.add.f32 [tilespmem:s17], [sflag:$0x1], $0x80, s30, s16, $0xb8;
	[tilespmem:$0x1E800] =	vst v63  }
0x61: {  	_ =	swait.ge [sflag:s20], $0x4000  }
0x62: {  	[sflag:s20] =	ssyncset.done $0x0  }
0x63: {  	s31 =	simm.s32 $0x1480;
	[sflag:s20] =	ssyncadd.s32 $0xFFFFC000  }
0x64: {  	[spmem:s3] =	stream.indirect.scatter.add.f32 [tilespmem:s18], [sflag:$0x1], $0x80, s31, s16, $0xb8;
	[tilespmem:$0x1E800] =	vst v63  }
0x65: {  	_ =	swait.ge [sflag:s21], $0x4000  }
0x66: {  	[sflag:s21] =	ssyncset.done $0x0  }
0x67: {  	[sflag:s21] =	ssyncadd.s32 $0xFFFFC000  }
0x68: {  	_ =	swait.ge [sflag:s21], $0x4000  }
0x69: {  	s24 =	simm.s32 $0xA00;
	s23 =	simm.s32 $0x180;
	[sflag:s21] =	ssyncset.done $0x0  }
.LBB2_4:
0x6a: {  	s25 =	sadd.s32 $0xFFFFFF80, s23  }
0x6b: {  	[sflag:s21] =	ssyncadd.s32 $0xFFFFC000;
	s26 =	smov.u32 s24;
	s28 =	sadd.s32 $0x400, s24  }
0x6c: {  	[tilespmem:s17], [sflag:$0x2] =	stream.indirect.gather [hbm4b:s5+s16], $0x80, s25, s16, $0xb8;
	[tilespmem:$0x1E800] =	vst v63  }
0x6d: {  	p0 =	sne.s32 s24, $0x4E00  }
0x6e: {  	[tilespmem:s18], [sflag:$0x3] =	stream.indirect.gather [hbm4b:s5+s16], $0x80, s23, s16, $0xb8;
	[tilespmem:$0x1E800] =	vst v63  }
0x6f: {  	_ =	swait.ge [sflag:s19], $0x4000  }
0x70: {  	[sflag:s19] =	ssyncset.done $0x0  }
0x71: {  	s24 =	sadd.s32 $0x1380, s23;
	[sflag:s19] =	ssyncadd.s32 $0xFFFFC000  }
0x72: {  	[spmem:s3] =	stream.indirect.scatter.add.f32 [tilespmem:s17], [sflag:$0x1], $0x80, s24, s16, $0xb8;
	[tilespmem:$0x1E800] =	vst v63  }
0x73: {  	_ =	swait.ge [sflag:s20], $0x4000  }
0x74: {  	[sflag:s20] =	ssyncset.done $0x0  }
0x75: {  	s23 =	sadd.s32 $0x1400, s23;
	[sflag:s20] =	ssyncadd.s32 $0xFFFFC000  }
0x76: {  	[spmem:s3] =	stream.indirect.scatter.add.f32 [tilespmem:s18], [sflag:$0x1], $0x80, s23, s16, $0xb8;
	[tilespmem:$0x1E800] =	vst v63  }
.Ltmp1:
0x77: {  	_ =	swait.ge [sflag:s21], $0x4000;
	(pc) =	sbr.rel @p0 .LBB2_4-.Ltmp1, $4  }
0x78: {  	[sflag:s21] =	ssyncset.done $0x0  }
0x79: {  	[sflag:s21] =	ssyncadd.s32 $0xFFFFC000  }
0x7a: {  	_ =	swait.ge [sflag:s21], $0x4000  }
0x7b: {  	s24 =	smov.u32 s28;
	s23 =	sshra.s32 s26, $0x2;
	[sflag:s21] =	ssyncset.done $0x0  }
0x7c: {  	s24 =	sadd.s32 $0xFFFFFF80, s23;
	[sflag:s21] =	ssyncadd.s32 $0xFFFFC000  }
0x7d: {  	[tilespmem:s17], [sflag:$0x2] =	stream.indirect.gather [hbm4b:s5+s16], $0x80, s24, s16, $0xb8;
	[tilespmem:$0x1E800] =	vst v63  }
0x7e: {  	_ = 	snop  }
0x7f: {  	[tilespmem:s18], [sflag:$0x3] =	stream.indirect.gather [hbm4b:s5+s16], $0x80, s23, s16, $0xb8;
	[tilespmem:$0x1E800] =	vst v63  }
0x80: {  	_ =	swait.ge [sflag:s19], $0x4000  }
0x81: {  	[sflag:s19] =	ssyncset.done $0x0  }
0x82: {  	s30 =	sadd.s32 $0x1380, s23;
	[sflag:s19] =	ssyncadd.s32 $0xFFFFC000  }
0x83: {  	[spmem:s3] =	stream.indirect.scatter.add.f32 [tilespmem:s17], [sflag:$0x1], $0x80, s30, s16, $0xb8;
	[tilespmem:$0x1E800] =	vst v63  }
0x84: {  	_ =	swait.ge [sflag:s20], $0x4000  }
0x85: {  	[sflag:s20] =	ssyncset.done $0x0  }
0x86: {  	s31 =	sadd.s32 $0x1400, s23;
	[sflag:s20] =	ssyncadd.s32 $0xFFFFC000  }
0x87: {  	[spmem:s3] =	stream.indirect.scatter.add.f32 [tilespmem:s18], [sflag:$0x1], $0x80, s31, s16, $0xb8;
	[tilespmem:$0x1E800] =	vst v63  }
0x88: {  	_ =	swait.ge [sflag:s21], $0x4000  }
0x89: {  	[sflag:s21] =	ssyncset.done $0x0  }
0x8a: {  	[sflag:s21] =	ssyncadd.s32 $0xFFFFC000  }
0x8b: {  	_ =	swait.ge [sflag:s21], $0x4000  }
0x8c: {  	s22 =	sadd.s32 $0x1, s22;
	[sflag:s21] =	ssyncset.done $0x0  }
0x8d: {  	p0 =	sne.s32 s22, s8;
	[sflag:s21] =	ssyncadd.s32 $0xFFFFC000  }
.Ltmp2:
0x8e: {  	[bflag:$0x0] =	sbarrier.arrive $0xFFFF;
	(pc) =	sbr.rel @p0 .LBB2_1-.Ltmp2, $4  }
0x8f: {  	[hbm:s7], [sflag:s6] =	dma.local [spmem:s13], $0x2800  }
0x90: {  	_ =	swait.ge [sflag:s14], $0x2800  }
0x91: {  	[sflag:s14] =	ssyncset.done $0x0  }
0x92: {  	[sflag:s14] =	ssyncadd.s32 $0xFFFFD800  }
0x93: {  	_ =	sfence.sel $0x180000  }
0x94: {  	[bflag:$0x0] =	sbarrier.arrive $0xFFFF  }
0x95: {  	p0 =	sne.s32 s0, $0x0;
	_ =	strace $0x9000004D  }
0x96: {  	s0 =	sadd.s32 @!p0 $0x100000, s1;
	[bflag:$0x2] =	sbarrier.arrive $0xFFFF  }
0x97: {  	[sflag:s0] =	ssyncadd.tile.s32 @!p0 $0x1;
	_ =	shalt  }
.Lfunc_end2:
_tile_overlayer_lowered:
.L_overlay_start_2:
0x98: {  	(tag) =	ssettag $0x2  }
0x99: {  	s0 =	rddreg [dreg:$0x0];
	s2 =	stileid.u32  }
0x9a: {  	s1 =	rddreg [dreg:$0x1];
	p0 =	sne.s32 s2, $0x0  }
0x9b: {  	s3 =	rddreg [dreg:$0x2];
	[bflag:$0x3] =	sbarrier.arrive $0xFFFF;
	s2 =	simm.s32 @!p0 $0x1C04  }
0x9c: {  	[timem:s3], [sflag:s2] =	dma.local @!p0 [hbm:s0], s1  }
0x9d: {  	s0 =	simm.s32 @!p0 $0x4  }
0x9e: {  	_ =	swait.ge @!p0 [sflag:s0], s1  }
0x9f: {  	s1 =	ssub.s32 @!p0 $0x0, s1;
	[sflag:s0] =	ssyncset.done @!p0 $0x0  }
0xa0: {  	[sflag:s0] =	ssyncadd.s32 @!p0 s1  }
0xa1: {  	[bflag:$0x3] =	sbarrier.arrive $0xFFFF  }
0xa2: {  	_ =	shalt  }

// kernel: kernel.21.cloned.1.call-start
scs
__scs_entry_jumppad:
0x0: {  	(pc) =	sbr.rel $0x88, $3  }
0x1: {  	(tag) =	ssettag $0x0;
	lr =	simm.s32 $0x1  }
0x2: {  	[smem:$0x3F9B] =	sst lr;
	_ =	strace $0xD0000000  }
0x3: {  	_ = 	snop  }
0x4: {  	_ = 	snop  }
0x5: {  	_ = 	snop  }
0x6: {  	_ = 	snop  }
0x7: {  	_ = 	snop  }
__scs_overlays_trampoline_lowered:
0x8: {  	[smem:$0x3FAA] =	sst s0  }
0x9: {  	[smem:$0x3FAB] =	sst s1  }
0xa: {  	[smem:$0x3FAC] =	sst s2  }
0xb: {  	[smem:$0x3FAD] =	sst s3  }
0xc: {  	[smem:$0x3FAE] =	sst s4  }
0xd: {  	[smem:$0x3FAF] =	sst s5  }
0xe: {  	[smem:$0x3FB0] =	sst s6  }
0xf: {  	[smem:$0x3FB1] =	sst s7  }
0x10: {  	[smem:$0x3FB2] =	sst s8  }
0x11: {  	[smem:$0x3FB3] =	sst s9;
	s0 =	simm.s32 @!p0 $0x0  }
0x12: {  	s1 =	sld [smem:$0x3F99];
	s0 =	simm.s32 @p0 $0x1  }
0x13: {  	[smem:$0x3FB4] =	sst s0;
	s0 =	simm.s32 @!p1 $0x0  }
0x14: {  	s2 =	sld [smem:$0x3F98];
	s0 =	simm.s32 @p1 $0x1  }
0x15: {  	[smem:$0x3FB5] =	sst s0;
	s0 =	simm.s32 @!p2 $0x0  }
0x16: {  	s3 =	sld [smem:$0x3FDB];
	s0 =	simm.s32 @p2 $0x1  }
0x17: {  	s4 =	simm.s32 $0x1BF5;
	[smem:$0x3FB7] =	sst s0  }
0x18: {  	s0 =	sld [smem:$0x3F9A];
	_ =	swait.ge [sflag:s4], $0x0  }
0x19: {  	s7 =	sld [smem:$0x3F9B]  }
0x1a: {  	s8 =	sadd.s32 $0xFFFFE003, lr  }
0x1b: {  	s9 =	sadd.s32 $0xFFFFFEF7, lr;
	s5 =	simm.s32 $0xFFFFFFFF;
	p2 =	slt.u32 s8, $0xFFFFF086  }
0x1c: {  	p1 =	slt.u32 s9, $0xF7A;
	s5 =	simm.s32 @!p2 $0x0  }
0x1d: {  	s5 =	simm.s32 @p1 $0x1;
	p0 =	seq.s32 s7, s2  }
0x1e: {  	s7 =	smul.u32 @!p0 $0xF7A, s2;
	p2 =	seq.s32 @!p0 s5, $0x0  }
0x1f: {  	s9 =	smul.u32 $0xF7A, s1;
	s8 =	simm.s32 @!p0 $0x1BF5;
	p2 =	por !p2, p0  }
0x20: {  	[sflag:s8] =	ssyncset.s32 @!p0 $0xFFFFF086;
	s6 =	sadd.s32 @!p0 s3, s7;
	s7 =	simm.s32 @!p0 $0x108  }
0x21: {  	s3 =	sadd.s32 s3, s9;
	s6 =	sadd.s32 @!p0 $0x88, s6;
	s7 =	simm.s32 @p2 $0x1082  }
0x22: {  	[simem:s7], [sflag:s8] =	dma.local @!p0 [hbm:s6], $0xF7A  }
0x23: {  	s9 =	sor.u32 $0xD0000000, s2;
	s6 =	simm.s32 $0x108;
	_ =	swait.ge @!p0 [sflag:s8], $0x0  }
0x24: {  	s3 =	sadd.s32 $0x88, s3;
	s6 =	simm.s32 @!p1 $0x1082;
	[sflag:s4] =	ssyncset.s32 $0xFFFFF086  }
0x25: {  	[simem:s6], [sflag:s4] =	dma.local [hbm:s3], $0xF7A  }
0x26: {  	[smem:$0x3F9B] =	sst s1;
	(tag) =	ssettag s2;
	_ =	strace s9  }
0x27: {  	s1 =	sld [smem:$0x3FAB]  }
0x28: {  	s2 =	sld [smem:$0x3FAC]  }
0x29: {  	s4 =	sld [smem:$0x3FAE]  }
0x2a: {  	p0 =	seq.s32 s5, $0x0;
	s5 =	sld [smem:$0x3FAF]  }
0x2b: {  	s6 =	sld [smem:$0x3FB0]  }
0x2c: {  	s7 =	sld [smem:$0x3FB1]  }
0x2d: {  	s3 =	simm.s32 $0x108;
	s8 =	sld [smem:$0x3FB2]  }
0x2e: {  	s3 =	simm.s32 @!p0 $0x1082;
	s9 =	sld [smem:$0x3FB3]  }
0x2f: {  	lr =	sadd.s32 s0, s3;
	s0 =	sld [smem:$0x3FAA]  }
0x30: {  	s3 =	sld [smem:$0x3FAD]  }
0x31: {  	[smem:$0x3FB6] =	sst s10  }
0x32: {  	s10 =	sld [smem:$0x3FB4];
	_ =	sdelay $0x3  }
0x33: {  	p0 =	seq.s32 s10, $0x1;
	s10 =	sld [smem:$0x3FB6];
	_ =	sdelay $0x3  }
0x34: {  	[smem:$0x3FB6] =	sst s10  }
0x35: {  	s10 =	sld [smem:$0x3FB5];
	_ =	sdelay $0x3  }
0x36: {  	p1 =	seq.s32 s10, $0x1;
	s10 =	sld [smem:$0x3FB6];
	_ =	sdelay $0x3  }
0x37: {  	[smem:$0x3FB6] =	sst s10  }
0x38: {  	s10 =	sld [smem:$0x3FB7]  }
0x39: {  	_ = 	snop;
	(pc) =	sbr.ind lr, $3  }
0x3a: {  	_ = 	snop  }
0x3b: {  	_ = 	snop  }
0x3c: {  	p2 =	seq.s32 s10, $0x1;
	s10 =	sld [smem:$0x3FB6]  }
0x3d: {  	_ =	shalt  }
0x3e: {  	_ =	shalt  }
0x3f: {  	_ =	shalt  }
0x40: {  	_ =	shalt  }
0x41: {  	_ =	shalt  }
0x42: {  	_ =	shalt  }
0x43: {  	_ =	shalt  }
0x44: {  	_ =	shalt  }
0x45: {  	_ =	shalt  }
0x46: {  	_ =	shalt  }
0x47: {  	_ =	shalt  }
0x48: {  	_ =	shalt  }
0x49: {  	_ =	shalt  }
0x4a: {  	_ =	shalt  }
0x4b: {  	_ =	shalt  }
0x4c: {  	_ =	shalt  }
0x4d: {  	_ =	shalt  }
0x4e: {  	_ =	shalt  }
0x4f: {  	_ =	shalt  }
0x50: {  	_ =	shalt  }
0x51: {  	_ =	shalt  }
0x52: {  	_ =	shalt  }
0x53: {  	_ =	shalt  }
0x54: {  	_ =	shalt  }
0x55: {  	_ =	shalt  }
0x56: {  	_ =	shalt  }
0x57: {  	_ =	shalt  }
0x58: {  	_ =	shalt  }
0x59: {  	_ =	shalt  }
0x5a: {  	_ =	shalt  }
0x5b: {  	_ =	shalt  }
0x5c: {  	_ =	shalt  }
0x5d: {  	_ =	shalt  }
0x5e: {  	_ =	shalt  }
0x5f: {  	_ =	shalt  }
0x60: {  	_ =	shalt  }
0x61: {  	_ =	shalt  }
0x62: {  	_ =	shalt  }
0x63: {  	_ =	shalt  }
0x64: {  	_ =	shalt  }
0x65: {  	_ =	shalt  }
0x66: {  	_ =	shalt  }
0x67: {  	_ =	shalt  }
0x68: {  	_ =	shalt  }
0x69: {  	_ =	shalt  }
0x6a: {  	_ =	shalt  }
0x6b: {  	_ =	shalt  }
0x6c: {  	_ =	shalt  }
0x6d: {  	_ =	shalt  }
0x6e: {  	_ =	shalt  }
0x6f: {  	_ =	shalt  }
0x70: {  	_ =	shalt  }
0x71: {  	_ =	shalt  }
0x72: {  	_ =	shalt  }
0x73: {  	_ =	shalt  }
0x74: {  	_ =	shalt  }
0x75: {  	_ =	shalt  }
0x76: {  	_ =	shalt  }
0x77: {  	_ =	shalt  }
0x78: {  	_ =	shalt  }
0x79: {  	_ =	shalt  }
0x7a: {  	_ =	shalt  }
0x7b: {  	_ =	shalt  }
0x7c: {  	_ =	shalt  }
0x7d: {  	_ =	shalt  }
0x7e: {  	_ =	shalt  }
0x7f: {  	_ =	shalt  }
0x80: {  	_ =	shalt  }
0x81: {  	_ =	shalt  }
0x82: {  	_ =	shalt  }
0x83: {  	_ =	shalt  }
0x84: {  	_ =	shalt  }
0x85: {  	_ =	shalt  }
0x86: {  	_ =	shalt  }
0x87: {  	_ =	shalt  }
.Lfunc_end0:
.L_simem_size_0:
called_computation.3_lowered:
.L_overlay_start_0:
0x88: {  	s2 =	sld [smem:$0x3FD9]  }
0x89: {  	s3 =	sld [smem:$0x3FFE];
	_ =	sdelay $0x1  }
0x8a: {  	s1 =	srdreg.scid  }
0x8b: {  	s0 =	sand.u32 $0x1, s1  }
0x8c: {  	s17 =	sshll.u32 s0, $0xA;
	s2 =	sadd.s32 s3, s2  }
0x8d: {  	s2 =	sadd.s32 s2, s17  }
0x8e: {  	[smem:$0x3FC2] =	sst s2  }
0x8f: {  	_ = 	snop  }
0x90: {  	s2 =	sld [smem:$0x3FD0];
	(tm) =	ssettm $0x1  }
0x91: {  	s18 =	sld [smem:$0x3FFB];
	_ =	sdelay $0x3  }
0x92: {  	_ =	strace s18  }
0x93: {  	s3 =	sld [smem:$0x3FFC];
	_ =	sdelay $0x3  }
0x94: {  	_ =	strace s3  }
0x95: {  	s3 =	sld [smem:$0x3FFD];
	_ =	sdelay $0x3  }
0x96: {  	_ =	strace s3  }
0x97: {  	_ =	strace $0x8FFFFFFF  }
0x98: {  	s19 =	sld [smem:$0x3FDB];
	_ =	sdelay $0x1  }
0x99: {  	s4 =	simm.s32 $_scs_section_size  }
0x9a: {  	s5 =	simm.s32 $_size__tile_overlayer_lowered;
	s6 =	simm.s32 $_tile_overlayer_lowered  }
0x9b: {  	s22 =	simm.s32 $0x1BFF;
	s21 =	sshll.u32 s6, $0x1;
	s3 =	sadd.s32 s4, s19  }
0x9c: {  	s7 =	simm.s32 $0x0;
	s20 =	sshll.u32 s5, $0x1;
	s5 =	sadd.s32 s21, s3  }
0x9d: {  	[timem:s7], [sflag:s22] =	dma.local [hbm:s5], s20  }
0x9e: {  	_ =	swait.ge [sflag:s22], s20  }
0x9f: {  	s4 =	ssub.s32 $0x0, s20;
	[sflag:s22] =	ssyncset.done $0x0  }
0xa0: {  	[sflag:s22] =	ssyncadd.s32 s4;
	_ =	sdelay $0x1  }
0xa1: {  	s23 =	simm.s32 $0x1B8B  }
0xa2: {  	_ =	swait.ge [sflag:s23], $0x1  }
0xa3: {  	[sflag:s23] =	ssyncset.done $0x0  }
0xa4: {  	s25 =	simm.s32 $0x1B8E;
	s24 =	sld [smem:$0x3FFE];
	[sflag:s23] =	ssyncadd.s32 $0xFFFFFFFF  }
0xa5: {  	s26 =	simm.s32 $execute0_lowered;
	[smem:$0x3FD2] =	sst s25  }
0xa6: {  	s5 =	sshll.u32 s26, $0x1;
	_ =	strace $0x8000004F;
	[dreg:$0x1] =	wrdreg $0xFFFFFFFF  }
0xa7: {  	s28 =	simm.s32 $_size_execute0_lowered;
	s3 =	sadd.s32 s3, s5;
	[dreg:$0x0] =	wrdreg $0x0  }
0xa8: {  	s5 =	sshll.u32 s28, $0x1;
	[dreg:$0x2] =	wrdreg s3  }
0xa9: {  	[dreg:$0x3] =	wrdreg s5  }
0xaa: {  	[dreg:$0x4] =	wrdreg $0xC0  }
0xab: {  	_ =	task [dreg:s7], $0x5FFFF  }
0xac: {  	[dreg:$0x1] =	wrdreg $0xFFFFFFFF  }
0xad: {  	[dreg:$0x0] =	wrdreg $0x60  }
0xae: {  	[dreg:$0x2] =	wrdreg s24  }
0xaf: {  	[dreg:$0x3] =	wrdreg s2  }
0xb0: {  	[dreg:$0x4] =	wrdreg $0x110000  }
0xb1: {  	[dreg:$0x5] =	wrdreg $0x9  }
0xb2: {  	_ =	task.clear_ibuf [dreg:s7], $0x6FFFF;
	_ =	strace $0x9000004F  }
0xb3: {  	s29 =	simm.s32 $0x9;
	_ =	strace $0x80000051  }
0xb4: {  	_ =	swait.ge [sflag:s29], $0x1  }
0xb5: {  	[sflag:s29] =	ssyncadd.s32 $0xFFFFFFFF  }
0xb6: {  	_ =	strace $0x90000051  }
0xb7: {  	_ =	sfence  }
0xb8: {  	s30 =	sld [smem:$0x0];
	_ =	sdelay $0x2  }
0xb9: {  	s31 =	sshll.u32 s1, $0xD;
	s1 =	sshrl.u32 s1, $0x2  }
0xba: {  	s3 =	sand.u32 $0x4000, s31;
	s1 =	sadd.s32 s1, s30  }
0xbb: {  	s0 =	sor.u32 s3, s0;
	s1 =	sshll.u32 s1, $0x11  }
0xbc: {  	s0 =	sor.u32 s1, s0  }
0xbd: {  	s0 =	sadd.s32 $0x8F2B, s0  }
0xbe: {  	[sflag:s0] =	ssyncadd.remote.s32 $0x1  }
0xbf: {  	_ =	sfence.sel $0xFFFF  }
0xc0: {  	[dreg:$0x0] =	wrdreg $0xFFFFFFFF;
	(pc) =	sbr.abs _section_cstart, $3  }
0xc1: {  	[dreg:$0x1] =	wrdreg $0xFFFFFFFF  }
0xc2: {  	_ =	task.clear_ibuf [dreg:s7], $0x2FFFF;
	_ =	strace $0x9FFFFFFF  }
0xc3: {  	(tm) =	ssettm $0x7FFFFFFF  }
tec
execute0_lowered:
.L_overlay_start_1:
0x0: {  	(tag) =	ssettag $0x1  }
0x1: {  	s0 =	rddreg [dreg:$0x0]  }
0x2: {  	s3 =	rddreg [dreg:$0x2];
	s1 =	srdreg.scid  }
0x3: {  	s7 =	stileid.u32;
	s5 =	simm.s32 $0x0;
	s12 =	simm.s32 $0xA  }
0x4: {  	s14 =	simm.s32 $0x80;
	s15 =	simm.s32 $0x5000;
	s16 =	simm.s32 $0x6800  }
0x5: {  	s17 =	simm.s32 $0x8000;
	s18 =	simm.s32 $0x9800;
	s19 =	simm.s32 $0xB000  }
0x6: {  	s20 =	simm.s32 $0xC800;
	s21 =	simm.s32 $0xE000;
	s22 =	simm.s32 $0xF800  }
0x7: {  	s23 =	simm.s32 $0x2;
	s28 =	simm.s32 $0x6;
	s29 =	simm.s32 $0x7  }
0x8: {  	s30 =	simm.s32 $0x8;
	s31 =	simm.s32 $0x9;
	s1 =	sand.u32 $0x1, s1  }
0x9: {  	s2 =	sshll.u32 s7, $0x1;
	s4 =	smul.u32 $0x7800, s7;
	[smem:$0x7FF] =	sst s5  }
0xa: {  	s5 =	sadd.s32 $0x17000, s0;
	s25 =	sshll.u32 s7, $0x6;
	s6 =	smul.u32 $0x78000, s1  }
0xb: {  	s2 =	sor.u32 s1, s2;
	_ =	strace $0x80000050;
	s1 =	ssub.s32 $0x2, s1  }
0xc: {  	s2 =	smul.u32 $0x2800, s2;
	s24 =	sshrl.u32 s1, $0x1;
	s6 =	sadd.s32 s4, s6  }
0xd: {  	s1 =	ssub.s32 s1, s24;
	s4 =	sadd.s32 s4, s3;
	s24 =	simm.s32 $0x3  }
0xe: {  	s2 =	sshrl.u32 s2, $0x3;
	s6 =	sshrl.u32 s6, $0x3;
	s10 =	smax.u32 s1, $0x1  }
0xf: {  	s11 =	sshrl.u32 s4, $0x3;
	s1 =	simm.s32 $0x0;
	s2 =	sadd.s32 s2, s0  }
0x10: {  	s0 =	sadd.s32 s6, s0;
	s6 =	sor.u32 $0x1C0A, s25;
	s25 =	simm.s32 $0x4  }
0x11: {  	s26 =	sadd.s32 $0x3000, s2;
	s8 =	sadd.s32 $0xD000, s2;
	s9 =	sadd.s32 $0x26000, s0  }
0x12: {  	s0 =	simm.s32 $0x1;
	[dreg:$0x4] =	wrdreg s26;
	s26 =	simm.s32 $0x5  }
.LBB2_1:
0x13: {  	s2 =	rddreg [dreg:$0x1]  }
0x14: {  	[spmem:s11], [sflag:s6] =	dma.local [hbm:s2], $0xF00  }
0x15: {  	_ =	swait.ge [sflag:s12], $0xF00  }
0x16: {  	[sflag:s12] =	ssyncset.done $0x0  }
0x17: {  	[sflag:s12] =	ssyncadd.s32 $0xFFFFF100  }
0x18: {  	[bflag:$0x0] =	sbarrier.arrive $0xFFFF  }
0x19: {  	s13 =	simm.s32 $0x0;
	s4 =	rddreg [dreg:$0x4]  }
0x1a: {  	[tilespmem:s13], [sflag:$0xA] =	stream.linear.gather [hbm4b:s4+s13], $0x2800, $0x38;
	[tilespmem:$0x18800] =	vst v63  }
0x1b: {  	_ =	swait.ge [sflag:s12], $0x2800  }
0x1c: {  	[sflag:s12] =	ssyncset.done $0x0  }
0x1d: {  	s7 =	simm.s32 $0x2800;
	[sflag:s12] =	ssyncadd.s32 $0xFFFFD800  }
0x1e: {  	[tilespmem:s7], [sflag:$0xA] =	stream.linear.gather [hbm4b:s8+s13], $0x2800, $0x38;
	[tilespmem:$0x18800] =	vst v63  }
0x1f: {  	_ =	swait.ge [sflag:s12], $0x2800  }
0x20: {  	[sflag:s12] =	ssyncset.done $0x0  }
0x21: {  	s13 =	simm.s32 $0x0;
	[sflag:s12] =	ssyncadd.s32 $0xFFFFD800  }
0x22: {  	[tilespmem:s15], [sflag:$0x2] =	stream.indirect.gather [hbm4b:s5+s14], $0x30, s13, s14, $0xb8;
	[tilespmem:$0x18800] =	vst v63  }
0x23: {  	s4 =	simm.s32 $0x80  }
0x24: {  	[tilespmem:s16], [sflag:$0x3] =	stream.indirect.gather [hbm4b:s5+s14], $0x30, s4, s14, $0xb8;
	[tilespmem:$0x18800] =	vst v63  }
0x25: {  	s7 =	simm.s32 $0x100  }
0x26: {  	[tilespmem:s17], [sflag:$0x4] =	stream.indirect.gather [hbm4b:s5+s14], $0x30, s7, s14, $0xb8;
	[tilespmem:$0x18800] =	vst v63  }
0x27: {  	s13 =	simm.s32 $0x180  }
0x28: {  	[tilespmem:s18], [sflag:$0x5] =	stream.indirect.gather [hbm4b:s5+s14], $0x30, s13, s14, $0xb8;
	[tilespmem:$0x18800] =	vst v63  }
0x29: {  	s4 =	simm.s32 $0x200  }
0x2a: {  	[tilespmem:s19], [sflag:$0x6] =	stream.indirect.gather [hbm4b:s5+s14], $0x30, s4, s14, $0xb8;
	[tilespmem:$0x18800] =	vst v63  }
0x2b: {  	s7 =	simm.s32 $0x280  }
0x2c: {  	[tilespmem:s20], [sflag:$0x7] =	stream.indirect.gather [hbm4b:s5+s14], $0x30, s7, s14, $0xb8;
	[tilespmem:$0x18800] =	vst v63  }
0x2d: {  	s13 =	simm.s32 $0x300  }
0x2e: {  	[tilespmem:s21], [sflag:$0x8] =	stream.indirect.gather [hbm4b:s5+s14], $0x30, s13, s14, $0xb8;
	[tilespmem:$0x18800] =	vst v63  }
0x2f: {  	s4 =	simm.s32 $0x380  }
0x30: {  	[tilespmem:s22], [sflag:$0x9] =	stream.indirect.gather [hbm4b:s5+s14], $0x30, s4, s14, $0xb8;
	[tilespmem:$0x18800] =	vst v63  }
0x31: {  	_ =	swait.ge [sflag:s23], $0x1800  }
0x32: {  	[sflag:s23] =	ssyncset.done $0x0  }
0x33: {  	s7 =	simm.s32 $0x2800;
	[sflag:s23] =	ssyncadd.s32 $0xFFFFE800  }
0x34: {  	[spmem:s3] =	stream.indirect.scatter.add.f32 [tilespmem:s15], [sflag:$0x1], $0x30, s7, s14, $0xb8;
	[tilespmem:$0x18800] =	vst v63  }
0x35: {  	_ =	swait.ge [sflag:s24], $0x1800  }
0x36: {  	[sflag:s24] =	ssyncset.done $0x0  }
0x37: {  	s13 =	simm.s32 $0x2880;
	[sflag:s24] =	ssyncadd.s32 $0xFFFFE800  }
0x38: {  	[spmem:s3] =	stream.indirect.scatter.add.f32 [tilespmem:s16], [sflag:$0x1], $0x30, s13, s14, $0xb8;
	[tilespmem:$0x18800] =	vst v63  }
0x39: {  	_ =	swait.ge [sflag:s25], $0x1800  }
0x3a: {  	[sflag:s25] =	ssyncset.done $0x0  }
0x3b: {  	s4 =	simm.s32 $0x2900;
	[sflag:s25] =	ssyncadd.s32 $0xFFFFE800  }
0x3c: {  	[spmem:s3] =	stream.indirect.scatter.add.f32 [tilespmem:s17], [sflag:$0x1], $0x30, s4, s14, $0xb8;
	[tilespmem:$0x18800] =	vst v63  }
0x3d: {  	_ =	swait.ge [sflag:s26], $0x1800  }
0x3e: {  	[sflag:s26] =	ssyncset.done $0x0  }
0x3f: {  	s7 =	simm.s32 $0x2980;
	[sflag:s26] =	ssyncadd.s32 $0xFFFFE800  }
0x40: {  	[spmem:s3] =	stream.indirect.scatter.add.f32 [tilespmem:s18], [sflag:$0x1], $0x30, s7, s14, $0xb8;
	[tilespmem:$0x18800] =	vst v63  }
0x41: {  	_ =	swait.ge [sflag:s28], $0x1800  }
0x42: {  	[sflag:s28] =	ssyncset.done $0x0  }
0x43: {  	s13 =	simm.s32 $0x2A00;
	[sflag:s28] =	ssyncadd.s32 $0xFFFFE800  }
0x44: {  	[spmem:s3] =	stream.indirect.scatter.add.f32 [tilespmem:s19], [sflag:$0x1], $0x30, s13, s14, $0xb8;
	[tilespmem:$0x18800] =	vst v63  }
0x45: {  	_ =	swait.ge [sflag:s29], $0x1800  }
0x46: {  	[sflag:s29] =	ssyncset.done $0x0  }
0x47: {  	s4 =	simm.s32 $0x2A80;
	[sflag:s29] =	ssyncadd.s32 $0xFFFFE800  }
0x48: {  	[spmem:s3] =	stream.indirect.scatter.add.f32 [tilespmem:s20], [sflag:$0x1], $0x30, s4, s14, $0xb8;
	[tilespmem:$0x18800] =	vst v63  }
0x49: {  	_ =	swait.ge [sflag:s30], $0x1800  }
0x4a: {  	[sflag:s30] =	ssyncset.done $0x0  }
0x4b: {  	s7 =	simm.s32 $0x2B00;
	[sflag:s30] =	ssyncadd.s32 $0xFFFFE800  }
0x4c: {  	[spmem:s3] =	stream.indirect.scatter.add.f32 [tilespmem:s21], [sflag:$0x1], $0x30, s7, s14, $0xb8;
	[tilespmem:$0x18800] =	vst v63  }
0x4d: {  	_ =	swait.ge [sflag:s31], $0x1800  }
0x4e: {  	[sflag:s31] =	ssyncset.done $0x0  }
0x4f: {  	s13 =	simm.s32 $0x2B80;
	[sflag:s31] =	ssyncadd.s32 $0xFFFFE800  }
0x50: {  	[spmem:s3] =	stream.indirect.scatter.add.f32 [tilespmem:s22], [sflag:$0x1], $0x30, s13, s14, $0xb8;
	[tilespmem:$0x18800] =	vst v63  }
0x51: {  	_ =	swait.ge [sflag:s0], $0x1800  }
0x52: {  	[sflag:s0] =	ssyncset.done $0x0  }
0x53: {  	[sflag:s0] =	ssyncadd.s32 $0xFFFFE800  }
0x54: {  	_ =	swait.ge [sflag:s0], $0x1800  }
0x55: {  	[sflag:s0] =	ssyncset.done $0x0  }
0x56: {  	[sflag:s0] =	ssyncadd.s32 $0xFFFFE800  }
0x57: {  	_ =	swait.ge [sflag:s0], $0x1800  }
0x58: {  	[sflag:s0] =	ssyncset.done $0x0  }
0x59: {  	[sflag:s0] =	ssyncadd.s32 $0xFFFFE800  }
0x5a: {  	_ =	swait.ge [sflag:s0], $0x1800  }
0x5b: {  	[sflag:s0] =	ssyncset.done $0x0  }
0x5c: {  	[sflag:s0] =	ssyncadd.s32 $0xFFFFE800  }
0x5d: {  	_ =	swait.ge [sflag:s0], $0x1800  }
0x5e: {  	[sflag:s0] =	ssyncset.done $0x0  }
0x5f: {  	[sflag:s0] =	ssyncadd.s32 $0xFFFFE800  }
0x60: {  	_ =	swait.ge [sflag:s0], $0x1800  }
0x61: {  	[sflag:s0] =	ssyncset.done $0x0  }
0x62: {  	[sflag:s0] =	ssyncadd.s32 $0xFFFFE800  }
0x63: {  	_ =	swait.ge [sflag:s0], $0x1800  }
0x64: {  	[sflag:s0] =	ssyncset.done $0x0  }
0x65: {  	[sflag:s0] =	ssyncadd.s32 $0xFFFFE800  }
0x66: {  	_ =	swait.ge [sflag:s0], $0x1800  }
0x67: {  	s2 =	simm.s32 $0x1000;
	s13 =	simm.s32 $0x2000;
	[sflag:s0] =	ssyncset.done $0x0  }
.LBB2_2:
0x68: {  	s4 =	sshra.s32 s2, $0x2  }
0x69: {  	[sflag:s0] =	ssyncadd.s32 $0xFFFFE800;
	s2 =	smov.u32 s13;
	s7 =	sadd.s32 $0x1000, s13  }
0x6a: {  	[tilespmem:s15], [sflag:$0x2] =	stream.indirect.gather [hbm4b:s5+s14], $0x30, s4, s14, $0xb8;
	[tilespmem:$0x18800] =	vst v63  }
0x6b: {  	p0 =	sne.s32 s13, $0x9000;
	s13 =	sadd.s32 $0x80, s4  }
0x6c: {  	[tilespmem:s16], [sflag:$0x3] =	stream.indirect.gather [hbm4b:s5+s14], $0x30, s13, s14, $0xb8;
	[tilespmem:$0x18800] =	vst v63  }
0x6d: {  	s13 =	sadd.s32 $0x100, s4  }
0x6e: {  	[tilespmem:s17], [sflag:$0x4] =	stream.indirect.gather [hbm4b:s5+s14], $0x30, s13, s14, $0xb8;
	[tilespmem:$0x18800] =	vst v63  }
0x6f: {  	s13 =	sadd.s32 $0x180, s4  }
0x70: {  	[tilespmem:s18], [sflag:$0x5] =	stream.indirect.gather [hbm4b:s5+s14], $0x30, s13, s14, $0xb8;
	[tilespmem:$0x18800] =	vst v63  }
0x71: {  	s13 =	sadd.s32 $0x200, s4  }
0x72: {  	[tilespmem:s19], [sflag:$0x6] =	stream.indirect.gather [hbm4b:s5+s14], $0x30, s13, s14, $0xb8;
	[tilespmem:$0x18800] =	vst v63  }
0x73: {  	s13 =	sadd.s32 $0x280, s4  }
0x74: {  	[tilespmem:s20], [sflag:$0x7] =	stream.indirect.gather [hbm4b:s5+s14], $0x30, s13, s14, $0xb8;
	[tilespmem:$0x18800] =	vst v63  }
0x75: {  	s13 =	sadd.s32 $0x300, s4  }
0x76: {  	[tilespmem:s21], [sflag:$0x8] =	stream.indirect.gather [hbm4b:s5+s14], $0x30, s13, s14, $0xb8;
	[tilespmem:$0x18800] =	vst v63  }
0x77: {  	s13 =	sadd.s32 $0x380, s4  }
0x78: {  	[tilespmem:s22], [sflag:$0x9] =	stream.indirect.gather [hbm4b:s5+s14], $0x30, s13, s14, $0xb8;
	[tilespmem:$0x18800] =	vst v63  }
0x79: {  	_ =	swait.ge [sflag:s23], $0x1800  }
0x7a: {  	[sflag:s23] =	ssyncset.done $0x0  }
0x7b: {  	s13 =	sadd.s32 $0x2800, s4;
	[sflag:s23] =	ssyncadd.s32 $0xFFFFE800  }
0x7c: {  	[spmem:s3] =	stream.indirect.scatter.add.f32 [tilespmem:s15], [sflag:$0x1], $0x30, s13, s14, $0xb8;
	[tilespmem:$0x18800] =	vst v63  }
0x7d: {  	_ =	swait.ge [sflag:s24], $0x1800  }
0x7e: {  	[sflag:s24] =	ssyncset.done $0x0  }
0x7f: {  	s13 =	sadd.s32 $0x2880, s4;
	[sflag:s24] =	ssyncadd.s32 $0xFFFFE800  }
0x80: {  	[spmem:s3] =	stream.indirect.scatter.add.f32 [tilespmem:s16], [sflag:$0x1], $0x30, s13, s14, $0xb8;
	[tilespmem:$0x18800] =	vst v63  }
0x81: {  	_ =	swait.ge [sflag:s25], $0x1800  }
0x82: {  	[sflag:s25] =	ssyncset.done $0x0  }
0x83: {  	s13 =	sadd.s32 $0x2900, s4;
	[sflag:s25] =	ssyncadd.s32 $0xFFFFE800  }
0x84: {  	[spmem:s3] =	stream.indirect.scatter.add.f32 [tilespmem:s17], [sflag:$0x1], $0x30, s13, s14, $0xb8;
	[tilespmem:$0x18800] =	vst v63  }
0x85: {  	_ =	swait.ge [sflag:s26], $0x1800  }
0x86: {  	[sflag:s26] =	ssyncset.done $0x0  }
0x87: {  	s13 =	sadd.s32 $0x2980, s4;
	[sflag:s26] =	ssyncadd.s32 $0xFFFFE800  }
0x88: {  	[spmem:s3] =	stream.indirect.scatter.add.f32 [tilespmem:s18], [sflag:$0x1], $0x30, s13, s14, $0xb8;
	[tilespmem:$0x18800] =	vst v63  }
0x89: {  	_ =	swait.ge [sflag:s28], $0x1800  }
0x8a: {  	[sflag:s28] =	ssyncset.done $0x0  }
0x8b: {  	s13 =	sadd.s32 $0x2A00, s4;
	[sflag:s28] =	ssyncadd.s32 $0xFFFFE800  }
0x8c: {  	[spmem:s3] =	stream.indirect.scatter.add.f32 [tilespmem:s19], [sflag:$0x1], $0x30, s13, s14, $0xb8;
	[tilespmem:$0x18800] =	vst v63  }
0x8d: {  	_ =	swait.ge [sflag:s29], $0x1800  }
0x8e: {  	[sflag:s29] =	ssyncset.done $0x0  }
0x8f: {  	s13 =	sadd.s32 $0x2A80, s4;
	[sflag:s29] =	ssyncadd.s32 $0xFFFFE800  }
0x90: {  	[spmem:s3] =	stream.indirect.scatter.add.f32 [tilespmem:s20], [sflag:$0x1], $0x30, s13, s14, $0xb8;
	[tilespmem:$0x18800] =	vst v63  }
0x91: {  	_ =	swait.ge [sflag:s30], $0x1800  }
0x92: {  	[sflag:s30] =	ssyncset.done $0x0  }
0x93: {  	s13 =	sadd.s32 $0x2B00, s4;
	[sflag:s30] =	ssyncadd.s32 $0xFFFFE800  }
0x94: {  	[spmem:s3] =	stream.indirect.scatter.add.f32 [tilespmem:s21], [sflag:$0x1], $0x30, s13, s14, $0xb8;
	[tilespmem:$0x18800] =	vst v63  }
0x95: {  	_ =	swait.ge [sflag:s31], $0x1800  }
0x96: {  	[sflag:s31] =	ssyncset.done $0x0  }
0x97: {  	s4 =	sadd.s32 $0x2B80, s4;
	[sflag:s31] =	ssyncadd.s32 $0xFFFFE800  }
0x98: {  	[spmem:s3] =	stream.indirect.scatter.add.f32 [tilespmem:s22], [sflag:$0x1], $0x30, s4, s14, $0xb8;
	[tilespmem:$0x18800] =	vst v63  }
0x99: {  	_ =	swait.ge [sflag:s0], $0x1800  }
0x9a: {  	[sflag:s0] =	ssyncset.done $0x0  }
0x9b: {  	[sflag:s0] =	ssyncadd.s32 $0xFFFFE800  }
0x9c: {  	_ =	swait.ge [sflag:s0], $0x1800  }
0x9d: {  	[sflag:s0] =	ssyncset.done $0x0  }
0x9e: {  	[sflag:s0] =	ssyncadd.s32 $0xFFFFE800  }
0x9f: {  	_ =	swait.ge [sflag:s0], $0x1800  }
0xa0: {  	[sflag:s0] =	ssyncset.done $0x0  }
0xa1: {  	[sflag:s0] =	ssyncadd.s32 $0xFFFFE800  }
0xa2: {  	_ =	swait.ge [sflag:s0], $0x1800  }
0xa3: {  	[sflag:s0] =	ssyncset.done $0x0  }
0xa4: {  	[sflag:s0] =	ssyncadd.s32 $0xFFFFE800  }
0xa5: {  	_ =	swait.ge [sflag:s0], $0x1800  }
0xa6: {  	[sflag:s0] =	ssyncset.done $0x0  }
0xa7: {  	[sflag:s0] =	ssyncadd.s32 $0xFFFFE800  }
0xa8: {  	_ =	swait.ge [sflag:s0], $0x1800  }
0xa9: {  	[sflag:s0] =	ssyncset.done $0x0  }
0xaa: {  	[sflag:s0] =	ssyncadd.s32 $0xFFFFE800  }
.Ltmp0:
0xab: {  	_ =	swait.ge [sflag:s0], $0x1800;
	(pc) =	sbr.rel @p0 .LBB2_2-.Ltmp0, $4  }
0xac: {  	[sflag:s0] =	ssyncset.done $0x0  }
0xad: {  	[sflag:s0] =	ssyncadd.s32 $0xFFFFE800  }
0xae: {  	_ =	swait.ge [sflag:s0], $0x1800  }
0xaf: {  	s13 =	smov.u32 s7;
	[sflag:s0] =	ssyncset.done $0x0  }
0xb0: {  	s2 =	sshra.s32 s2, $0x2;
	[sflag:s0] =	ssyncadd.s32 $0xFFFFE800  }
0xb1: {  	[tilespmem:s15], [sflag:$0x2] =	stream.indirect.gather [hbm4b:s5+s14], $0x30, s2, s14, $0xb8;
	[tilespmem:$0x18800] =	vst v63  }
0xb2: {  	s4 =	sadd.s32 $0x80, s2  }
0xb3: {  	[tilespmem:s16], [sflag:$0x3] =	stream.indirect.gather [hbm4b:s5+s14], $0x30, s4, s14, $0xb8;
	[tilespmem:$0x18800] =	vst v63  }
0xb4: {  	s13 =	sadd.s32 $0x100, s2  }
0xb5: {  	[tilespmem:s17], [sflag:$0x4] =	stream.indirect.gather [hbm4b:s5+s14], $0x30, s13, s14, $0xb8;
	[tilespmem:$0x18800] =	vst v63  }
0xb6: {  	s7 =	sadd.s32 $0x180, s2  }
0xb7: {  	[tilespmem:s18], [sflag:$0x5] =	stream.indirect.gather [hbm4b:s5+s14], $0x30, s7, s14, $0xb8;
	[tilespmem:$0x18800] =	vst v63  }
0xb8: {  	s13 =	sadd.s32 $0x200, s2  }
0xb9: {  	[tilespmem:s19], [sflag:$0x6] =	stream.indirect.gather [hbm4b:s5+s14], $0x30, s13, s14, $0xb8;
	[tilespmem:$0x18800] =	vst v63  }
0xba: {  	s7 =	sadd.s32 $0x280, s2  }
0xbb: {  	[tilespmem:s20], [sflag:$0x7] =	stream.indirect.gather [hbm4b:s5+s14], $0x30, s7, s14, $0xb8;
	[tilespmem:$0x18800] =	vst v63  }
0xbc: {  	s13 =	sadd.s32 $0x300, s2  }
0xbd: {  	[tilespmem:s21], [sflag:$0x8] =	stream.indirect.gather [hbm4b:s5+s14], $0x30, s13, s14, $0xb8;
	[tilespmem:$0x18800] =	vst v63  }
0xbe: {  	s7 =	sadd.s32 $0x380, s2  }
0xbf: {  	[tilespmem:s22], [sflag:$0x9] =	stream.indirect.gather [hbm4b:s5+s14], $0x30, s7, s14, $0xb8;
	[tilespmem:$0x18800] =	vst v63  }
0xc0: {  	_ =	swait.ge [sflag:s23], $0x1800  }
0xc1: {  	[sflag:s23] =	ssyncset.done $0x0  }
0xc2: {  	s13 =	sadd.s32 $0x2800, s2;
	[sflag:s23] =	ssyncadd.s32 $0xFFFFE800  }
0xc3: {  	[spmem:s3] =	stream.indirect.scatter.add.f32 [tilespmem:s15], [sflag:$0x1], $0x30, s13, s14, $0xb8;
	[tilespmem:$0x18800] =	vst v63  }
0xc4: {  	_ =	swait.ge [sflag:s24], $0x1800  }
0xc5: {  	[sflag:s24] =	ssyncset.done $0x0  }
0xc6: {  	s7 =	sadd.s32 $0x2880, s2;
	[sflag:s24] =	ssyncadd.s32 $0xFFFFE800  }
0xc7: {  	[spmem:s3] =	stream.indirect.scatter.add.f32 [tilespmem:s16], [sflag:$0x1], $0x30, s7, s14, $0xb8;
	[tilespmem:$0x18800] =	vst v63  }
0xc8: {  	_ =	swait.ge [sflag:s25], $0x1800  }
0xc9: {  	[sflag:s25] =	ssyncset.done $0x0  }
0xca: {  	s13 =	sadd.s32 $0x2900, s2;
	[sflag:s25] =	ssyncadd.s32 $0xFFFFE800  }
0xcb: {  	[spmem:s3] =	stream.indirect.scatter.add.f32 [tilespmem:s17], [sflag:$0x1], $0x30, s13, s14, $0xb8;
	[tilespmem:$0x18800] =	vst v63  }
0xcc: {  	_ =	swait.ge [sflag:s26], $0x1800  }
0xcd: {  	[sflag:s26] =	ssyncset.done $0x0  }
0xce: {  	s7 =	sadd.s32 $0x2980, s2;
	[sflag:s26] =	ssyncadd.s32 $0xFFFFE800  }
0xcf: {  	[spmem:s3] =	stream.indirect.scatter.add.f32 [tilespmem:s18], [sflag:$0x1], $0x30, s7, s14, $0xb8;
	[tilespmem:$0x18800] =	vst v63  }
0xd0: {  	_ =	swait.ge [sflag:s28], $0x1800  }
0xd1: {  	[sflag:s28] =	ssyncset.done $0x0  }
0xd2: {  	s13 =	sadd.s32 $0x2A00, s2;
	[sflag:s28] =	ssyncadd.s32 $0xFFFFE800  }
0xd3: {  	[spmem:s3] =	stream.indirect.scatter.add.f32 [tilespmem:s19], [sflag:$0x1], $0x30, s13, s14, $0xb8;
	[tilespmem:$0x18800] =	vst v63  }
0xd4: {  	_ =	swait.ge [sflag:s29], $0x1800  }
0xd5: {  	[sflag:s29] =	ssyncset.done $0x0  }
0xd6: {  	s7 =	sadd.s32 $0x2A80, s2;
	[sflag:s29] =	ssyncadd.s32 $0xFFFFE800  }
0xd7: {  	[spmem:s3] =	stream.indirect.scatter.add.f32 [tilespmem:s20], [sflag:$0x1], $0x30, s7, s14, $0xb8;
	[tilespmem:$0x18800] =	vst v63  }
0xd8: {  	_ =	swait.ge [sflag:s30], $0x1800  }
0xd9: {  	[sflag:s30] =	ssyncset.done $0x0  }
0xda: {  	s13 =	sadd.s32 $0x2B00, s2;
	[sflag:s30] =	ssyncadd.s32 $0xFFFFE800  }
0xdb: {  	[spmem:s3] =	stream.indirect.scatter.add.f32 [tilespmem:s21], [sflag:$0x1], $0x30, s13, s14, $0xb8;
	[tilespmem:$0x18800] =	vst v63  }
0xdc: {  	_ =	swait.ge [sflag:s31], $0x1800  }
0xdd: {  	[sflag:s31] =	ssyncset.done $0x0  }
0xde: {  	s2 =	sadd.s32 $0x2B80, s2;
	[sflag:s31] =	ssyncadd.s32 $0xFFFFE800  }
0xdf: {  	[spmem:s3] =	stream.indirect.scatter.add.f32 [tilespmem:s22], [sflag:$0x1], $0x30, s2, s14, $0xb8;
	[tilespmem:$0x18800] =	vst v63  }
0xe0: {  	_ =	swait.ge [sflag:s0], $0x1800  }
0xe1: {  	[sflag:s0] =	ssyncset.done $0x0  }
0xe2: {  	[sflag:s0] =	ssyncadd.s32 $0xFFFFE800  }
0xe3: {  	_ =	swait.ge [sflag:s0], $0x1800  }
0xe4: {  	[sflag:s0] =	ssyncset.done $0x0  }
0xe5: {  	[sflag:s0] =	ssyncadd.s32 $0xFFFFE800  }
0xe6: {  	_ =	swait.ge [sflag:s0], $0x1800  }
0xe7: {  	[sflag:s0] =	ssyncset.done $0x0  }
0xe8: {  	[sflag:s0] =	ssyncadd.s32 $0xFFFFE800  }
0xe9: {  	_ =	swait.ge [sflag:s0], $0x1800  }
0xea: {  	[sflag:s0] =	ssyncset.done $0x0  }
0xeb: {  	[sflag:s0] =	ssyncadd.s32 $0xFFFFE800  }
0xec: {  	_ =	swait.ge [sflag:s0], $0x1800  }
0xed: {  	[sflag:s0] =	ssyncset.done $0x0  }
0xee: {  	[sflag:s0] =	ssyncadd.s32 $0xFFFFE800  }
0xef: {  	_ =	swait.ge [sflag:s0], $0x1800  }
0xf0: {  	[sflag:s0] =	ssyncset.done $0x0  }
0xf1: {  	[sflag:s0] =	ssyncadd.s32 $0xFFFFE800  }
0xf2: {  	_ =	swait.ge [sflag:s0], $0x1800  }
0xf3: {  	[sflag:s0] =	ssyncset.done $0x0  }
0xf4: {  	[sflag:s0] =	ssyncadd.s32 $0xFFFFE800  }
0xf5: {  	_ =	swait.ge [sflag:s0], $0x1800  }
0xf6: {  	s1 =	sadd.s32 $0x1, s1;
	[sflag:s0] =	ssyncset.done $0x0  }
0xf7: {  	p0 =	sne.s32 s1, s10;
	[sflag:s0] =	ssyncadd.s32 $0xFFFFE800  }
.Ltmp1:
0xf8: {  	[bflag:$0x0] =	sbarrier.arrive $0xFFFF;
	(pc) =	sbr.rel @p0 .LBB2_1-.Ltmp1, $4  }
0xf9: {  	[hbm:s9], [sflag:s6] =	dma.local [spmem:s11], $0xF00  }
0xfa: {  	_ =	swait.ge [sflag:s12], $0xF00  }
0xfb: {  	[sflag:s12] =	ssyncset.done $0x0  }
0xfc: {  	[sflag:s12] =	ssyncadd.s32 $0xFFFFF100  }
0xfd: {  	_ =	sfence.sel $0x180000  }
0xfe: {  	[bflag:$0x0] =	sbarrier.arrive $0xFFFF  }
0xff: {  	_ =	strace $0x90000050  }
0x100: {  	s0 =	stileid.u32;
	[bflag:$0x2] =	sbarrier.arrive $0xFFFF  }
0x101: {  	p0 =	sne.s32 s0, $0x0;
	s0 =	rddreg [dreg:$0x3]  }
0x102: {  	s0 =	sadd.s32 @!p0 $0x100000, s0  }
0x103: {  	[sflag:s0] =	ssyncadd.tile.s32 @!p0 $0x1;
	_ =	shalt  }
.Lfunc_end2:
_tile_overlayer_lowered:
.L_overlay_start_2:
0x104: {  	(tag) =	ssettag $0x2  }
0x105: {  	s0 =	rddreg [dreg:$0x0];
	s2 =	stileid.u32  }
0x106: {  	s1 =	rddreg [dreg:$0x1];
	p0 =	sne.s32 s2, $0x0  }
0x107: {  	s3 =	rddreg [dreg:$0x2];
	[bflag:$0x3] =	sbarrier.arrive $0xFFFF;
	s2 =	simm.s32 @!p0 $0x1C0A  }
0x108: {  	[timem:s3], [sflag:s2] =	dma.local @!p0 [hbm:s0], s1  }
0x109: {  	s0 =	simm.s32 @!p0 $0xA  }
0x10a: {  	_ =	swait.ge @!p0 [sflag:s0], s1  }
0x10b: {  	s1 =	ssub.s32 @!p0 $0x0, s1;
	[sflag:s0] =	ssyncset.done @!p0 $0x0  }
0x10c: {  	[sflag:s0] =	ssyncadd.s32 @!p0 s1  }
0x10d: {  	[bflag:$0x3] =	sbarrier.arrive $0xFFFF  }
0x10e: {  	_ =	shalt  }

// kernel: kernel.24.cloned.1.call-start
scs
__scs_entry_jumppad:
0x0: {  	(pc) =	sbr.rel $0x88, $3  }
0x1: {  	(tag) =	ssettag $0x0;
	lr =	simm.s32 $0x1  }
0x2: {  	[smem:$0x3F9B] =	sst lr;
	_ =	strace $0xD0000000  }
0x3: {  	_ = 	snop  }
0x4: {  	_ = 	snop  }
0x5: {  	_ = 	snop  }
0x6: {  	_ = 	snop  }
0x7: {  	_ = 	snop  }
__scs_overlays_trampoline_lowered:
0x8: {  	[smem:$0x3FAA] =	sst s0  }
0x9: {  	[smem:$0x3FAB] =	sst s1  }
0xa: {  	[smem:$0x3FAC] =	sst s2  }
0xb: {  	[smem:$0x3FAD] =	sst s3  }
0xc: {  	[smem:$0x3FAE] =	sst s4  }
0xd: {  	[smem:$0x3FAF] =	sst s5  }
0xe: {  	[smem:$0x3FB0] =	sst s6  }
0xf: {  	[smem:$0x3FB1] =	sst s7  }
0x10: {  	[smem:$0x3FB2] =	sst s8  }
0x11: {  	[smem:$0x3FB3] =	sst s9;
	s0 =	simm.s32 @!p0 $0x0  }
0x12: {  	s1 =	sld [smem:$0x3F99];
	s0 =	simm.s32 @p0 $0x1  }
0x13: {  	[smem:$0x3FB4] =	sst s0;
	s0 =	simm.s32 @!p1 $0x0  }
0x14: {  	s2 =	sld [smem:$0x3F98];
	s0 =	simm.s32 @p1 $0x1  }
0x15: {  	[smem:$0x3FB5] =	sst s0;
	s0 =	simm.s32 @!p2 $0x0  }
0x16: {  	s3 =	sld [smem:$0x3FDB];
	s0 =	simm.s32 @p2 $0x1  }
0x17: {  	s4 =	simm.s32 $0x1BF5;
	[smem:$0x3FB7] =	sst s0  }
0x18: {  	s0 =	sld [smem:$0x3F9A];
	_ =	swait.ge [sflag:s4], $0x0  }
0x19: {  	s7 =	sld [smem:$0x3F9B]  }
0x1a: {  	s8 =	sadd.s32 $0xFFFFE003, lr  }
0x1b: {  	s9 =	sadd.s32 $0xFFFFFEF7, lr;
	s5 =	simm.s32 $0xFFFFFFFF;
	p2 =	slt.u32 s8, $0xFFFFF086  }
0x1c: {  	p1 =	slt.u32 s9, $0xF7A;
	s5 =	simm.s32 @!p2 $0x0  }
0x1d: {  	s5 =	simm.s32 @p1 $0x1;
	p0 =	seq.s32 s7, s2  }
0x1e: {  	s7 =	smul.u32 @!p0 $0xF7A, s2;
	p2 =	seq.s32 @!p0 s5, $0x0  }
0x1f: {  	s9 =	smul.u32 $0xF7A, s1;
	s8 =	simm.s32 @!p0 $0x1BF5;
	p2 =	por !p2, p0  }
0x20: {  	[sflag:s8] =	ssyncset.s32 @!p0 $0xFFFFF086;
	s6 =	sadd.s32 @!p0 s3, s7;
	s7 =	simm.s32 @!p0 $0x108  }
0x21: {  	s3 =	sadd.s32 s3, s9;
	s6 =	sadd.s32 @!p0 $0x88, s6;
	s7 =	simm.s32 @p2 $0x1082  }
0x22: {  	[simem:s7], [sflag:s8] =	dma.local @!p0 [hbm:s6], $0xF7A  }
0x23: {  	s9 =	sor.u32 $0xD0000000, s2;
	s6 =	simm.s32 $0x108;
	_ =	swait.ge @!p0 [sflag:s8], $0x0  }
0x24: {  	s3 =	sadd.s32 $0x88, s3;
	s6 =	simm.s32 @!p1 $0x1082;
	[sflag:s4] =	ssyncset.s32 $0xFFFFF086  }
0x25: {  	[simem:s6], [sflag:s4] =	dma.local [hbm:s3], $0xF7A  }
0x26: {  	[smem:$0x3F9B] =	sst s1;
	(tag) =	ssettag s2;
	_ =	strace s9  }
0x27: {  	s1 =	sld [smem:$0x3FAB]  }
0x28: {  	s2 =	sld [smem:$0x3FAC]  }
0x29: {  	s4 =	sld [smem:$0x3FAE]  }
0x2a: {  	p0 =	seq.s32 s5, $0x0;
	s5 =	sld [smem:$0x3FAF]  }
0x2b: {  	s6 =	sld [smem:$0x3FB0]  }
0x2c: {  	s7 =	sld [smem:$0x3FB1]  }
0x2d: {  	s3 =	simm.s32 $0x108;
	s8 =	sld [smem:$0x3FB2]  }
0x2e: {  	s3 =	simm.s32 @!p0 $0x1082;
	s9 =	sld [smem:$0x3FB3]  }
0x2f: {  	lr =	sadd.s32 s0, s3;
	s0 =	sld [smem:$0x3FAA]  }
0x30: {  	s3 =	sld [smem:$0x3FAD]  }
0x31: {  	[smem:$0x3FB6] =	sst s10  }
0x32: {  	s10 =	sld [smem:$0x3FB4];
	_ =	sdelay $0x3  }
0x33: {  	p0 =	seq.s32 s10, $0x1;
	s10 =	sld [smem:$0x3FB6];
	_ =	sdelay $0x3  }
0x34: {  	[smem:$0x3FB6] =	sst s10  }
0x35: {  	s10 =	sld [smem:$0x3FB5];
	_ =	sdelay $0x3  }
0x36: {  	p1 =	seq.s32 s10, $0x1;
	s10 =	sld [smem:$0x3FB6];
	_ =	sdelay $0x3  }
0x37: {  	[smem:$0x3FB6] =	sst s10  }
0x38: {  	s10 =	sld [smem:$0x3FB7]  }
0x39: {  	_ = 	snop;
	(pc) =	sbr.ind lr, $3  }
0x3a: {  	_ = 	snop  }
0x3b: {  	_ = 	snop  }
0x3c: {  	p2 =	seq.s32 s10, $0x1;
	s10 =	sld [smem:$0x3FB6]  }
0x3d: {  	_ =	shalt  }
0x3e: {  	_ =	shalt  }
0x3f: {  	_ =	shalt  }
0x40: {  	_ =	shalt  }
0x41: {  	_ =	shalt  }
0x42: {  	_ =	shalt  }
0x43: {  	_ =	shalt  }
0x44: {  	_ =	shalt  }
0x45: {  	_ =	shalt  }
0x46: {  	_ =	shalt  }
0x47: {  	_ =	shalt  }
0x48: {  	_ =	shalt  }
0x49: {  	_ =	shalt  }
0x4a: {  	_ =	shalt  }
0x4b: {  	_ =	shalt  }
0x4c: {  	_ =	shalt  }
0x4d: {  	_ =	shalt  }
0x4e: {  	_ =	shalt  }
0x4f: {  	_ =	shalt  }
0x50: {  	_ =	shalt  }
0x51: {  	_ =	shalt  }
0x52: {  	_ =	shalt  }
0x53: {  	_ =	shalt  }
0x54: {  	_ =	shalt  }
0x55: {  	_ =	shalt  }
0x56: {  	_ =	shalt  }
0x57: {  	_ =	shalt  }
0x58: {  	_ =	shalt  }
0x59: {  	_ =	shalt  }
0x5a: {  	_ =	shalt  }
0x5b: {  	_ =	shalt  }
0x5c: {  	_ =	shalt  }
0x5d: {  	_ =	shalt  }
0x5e: {  	_ =	shalt  }
0x5f: {  	_ =	shalt  }
0x60: {  	_ =	shalt  }
0x61: {  	_ =	shalt  }
0x62: {  	_ =	shalt  }
0x63: {  	_ =	shalt  }
0x64: {  	_ =	shalt  }
0x65: {  	_ =	shalt  }
0x66: {  	_ =	shalt  }
0x67: {  	_ =	shalt  }
0x68: {  	_ =	shalt  }
0x69: {  	_ =	shalt  }
0x6a: {  	_ =	shalt  }
0x6b: {  	_ =	shalt  }
0x6c: {  	_ =	shalt  }
0x6d: {  	_ =	shalt  }
0x6e: {  	_ =	shalt  }
0x6f: {  	_ =	shalt  }
0x70: {  	_ =	shalt  }
0x71: {  	_ =	shalt  }
0x72: {  	_ =	shalt  }
0x73: {  	_ =	shalt  }
0x74: {  	_ =	shalt  }
0x75: {  	_ =	shalt  }
0x76: {  	_ =	shalt  }
0x77: {  	_ =	shalt  }
0x78: {  	_ =	shalt  }
0x79: {  	_ =	shalt  }
0x7a: {  	_ =	shalt  }
0x7b: {  	_ =	shalt  }
0x7c: {  	_ =	shalt  }
0x7d: {  	_ =	shalt  }
0x7e: {  	_ =	shalt  }
0x7f: {  	_ =	shalt  }
0x80: {  	_ =	shalt  }
0x81: {  	_ =	shalt  }
0x82: {  	_ =	shalt  }
0x83: {  	_ =	shalt  }
0x84: {  	_ =	shalt  }
0x85: {  	_ =	shalt  }
0x86: {  	_ =	shalt  }
0x87: {  	_ =	shalt  }
.Lfunc_end0:
.L_simem_size_0:
called_computation.4_lowered:
.L_overlay_start_0:
0x88: {  	s2 =	sld [smem:$0x3FD9]  }
0x89: {  	s3 =	sld [smem:$0x3FFE];
	_ =	sdelay $0x1  }
0x8a: {  	s1 =	srdreg.scid  }
0x8b: {  	s0 =	sand.u32 $0x1, s1  }
0x8c: {  	s17 =	sshll.u32 s0, $0xA;
	s2 =	sadd.s32 s3, s2  }
0x8d: {  	s2 =	sadd.s32 s2, s17  }
0x8e: {  	[smem:$0x3FC2] =	sst s2  }
0x8f: {  	_ = 	snop  }
0x90: {  	s2 =	sld [smem:$0x3FD0];
	(tm) =	ssettm $0x1  }
0x91: {  	s18 =	sld [smem:$0x3FFB];
	_ =	sdelay $0x3  }
0x92: {  	_ =	strace s18  }
0x93: {  	s3 =	sld [smem:$0x3FFC];
	_ =	sdelay $0x3  }
0x94: {  	_ =	strace s3  }
0x95: {  	s3 =	sld [smem:$0x3FFD];
	_ =	sdelay $0x3  }
0x96: {  	_ =	strace s3  }
0x97: {  	_ =	strace $0x8FFFFFFF  }
0x98: {  	s19 =	sld [smem:$0x3FDB];
	_ =	sdelay $0x1  }
0x99: {  	s4 =	simm.s32 $_scs_section_size  }
0x9a: {  	s5 =	simm.s32 $_size__tile_overlayer_lowered;
	s6 =	simm.s32 $_tile_overlayer_lowered  }
0x9b: {  	s22 =	simm.s32 $0x1BFF;
	s21 =	sshll.u32 s6, $0x1;
	s3 =	sadd.s32 s4, s19  }
0x9c: {  	s7 =	simm.s32 $0x0;
	s20 =	sshll.u32 s5, $0x1;
	s5 =	sadd.s32 s21, s3  }
0x9d: {  	[timem:s7], [sflag:s22] =	dma.local [hbm:s5], s20  }
0x9e: {  	_ =	swait.ge [sflag:s22], s20  }
0x9f: {  	s4 =	ssub.s32 $0x0, s20;
	[sflag:s22] =	ssyncset.done $0x0  }
0xa0: {  	[sflag:s22] =	ssyncadd.s32 s4;
	_ =	sdelay $0x1  }
0xa1: {  	s23 =	simm.s32 $0x1B8B  }
0xa2: {  	_ =	swait.ge [sflag:s23], $0x1  }
0xa3: {  	[sflag:s23] =	ssyncset.done $0x0  }
0xa4: {  	s25 =	simm.s32 $0x1B8E;
	s24 =	sld [smem:$0x3FFE];
	[sflag:s23] =	ssyncadd.s32 $0xFFFFFFFF  }
0xa5: {  	s26 =	simm.s32 $execute0_lowered;
	[smem:$0x3FD2] =	sst s25  }
0xa6: {  	s5 =	sshll.u32 s26, $0x1;
	_ =	strace $0x80000052;
	[dreg:$0x1] =	wrdreg $0xFFFFFFFF  }
0xa7: {  	s28 =	simm.s32 $_size_execute0_lowered;
	s3 =	sadd.s32 s3, s5;
	[dreg:$0x0] =	wrdreg $0x0  }
0xa8: {  	s5 =	sshll.u32 s28, $0x1;
	[dreg:$0x2] =	wrdreg s3  }
0xa9: {  	[dreg:$0x3] =	wrdreg s5  }
0xaa: {  	[dreg:$0x4] =	wrdreg $0xC0  }
0xab: {  	_ =	task [dreg:s7], $0x5FFFF  }
0xac: {  	[dreg:$0x1] =	wrdreg $0xFFFFFFFF  }
0xad: {  	[dreg:$0x0] =	wrdreg $0x60  }
0xae: {  	[dreg:$0x2] =	wrdreg s24  }
0xaf: {  	[dreg:$0x3] =	wrdreg s2  }
0xb0: {  	[dreg:$0x4] =	wrdreg $0x110000  }
0xb1: {  	[dreg:$0x5] =	wrdreg $0x9  }
0xb2: {  	_ =	task.clear_ibuf [dreg:s7], $0x6FFFF;
	_ =	strace $0x90000052  }
0xb3: {  	s29 =	simm.s32 $0x9;
	_ =	strace $0x80000054  }
0xb4: {  	_ =	swait.ge [sflag:s29], $0x1  }
0xb5: {  	[sflag:s29] =	ssyncadd.s32 $0xFFFFFFFF  }
0xb6: {  	_ =	strace $0x90000054  }
0xb7: {  	_ =	sfence  }
0xb8: {  	s30 =	sld [smem:$0x0];
	_ =	sdelay $0x2  }
0xb9: {  	s31 =	sshll.u32 s1, $0xD;
	s1 =	sshrl.u32 s1, $0x2  }
0xba: {  	s3 =	sand.u32 $0x4000, s31;
	s1 =	sadd.s32 s1, s30  }
0xbb: {  	s0 =	sor.u32 s3, s0;
	s1 =	sshll.u32 s1, $0x11  }
0xbc: {  	s0 =	sor.u32 s1, s0  }
0xbd: {  	s0 =	sadd.s32 $0x8F2B, s0  }
0xbe: {  	[sflag:s0] =	ssyncadd.remote.s32 $0x1  }
0xbf: {  	_ =	sfence.sel $0xFFFF  }
0xc0: {  	[dreg:$0x0] =	wrdreg $0xFFFFFFFF;
	(pc) =	sbr.abs _section_cstart, $3  }
0xc1: {  	[dreg:$0x1] =	wrdreg $0xFFFFFFFF  }
0xc2: {  	_ =	task.clear_ibuf [dreg:s7], $0x2FFFF;
	_ =	strace $0x9FFFFFFF  }
0xc3: {  	(tm) =	ssettm $0x7FFFFFFF  }
tec
execute0_lowered:
.L_overlay_start_1:
0x0: {  	(tag) =	ssettag $0x1  }
0x1: {  	s0 =	rddreg [dreg:$0x0]  }
0x2: {  	s3 =	rddreg [dreg:$0x2];
	s1 =	srdreg.scid  }
0x3: {  	s7 =	stileid.u32;
	s5 =	simm.s32 $0x0;
	s12 =	simm.s32 $0xA  }
0x4: {  	s14 =	simm.s32 $0x80;
	s15 =	simm.s32 $0x5000;
	s16 =	simm.s32 $0x6800  }
0x5: {  	s17 =	simm.s32 $0x8000;
	s18 =	simm.s32 $0x9800;
	s19 =	simm.s32 $0xB000  }
0x6: {  	s20 =	simm.s32 $0xC800;
	s21 =	simm.s32 $0xE000;
	s22 =	simm.s32 $0xF800  }
0x7: {  	s23 =	simm.s32 $0x2;
	s28 =	simm.s32 $0x6;
	s29 =	simm.s32 $0x7  }
0x8: {  	s30 =	simm.s32 $0x8;
	s31 =	simm.s32 $0x9;
	s1 =	sand.u32 $0x1, s1  }
0x9: {  	s2 =	sshll.u32 s7, $0x1;
	s4 =	smul.u32 $0x7800, s7;
	[smem:$0x7FF] =	sst s5  }
0xa: {  	s5 =	sadd.s32 $0x17000, s0;
	s25 =	sshll.u32 s7, $0x6;
	s6 =	smul.u32 $0x78000, s1  }
0xb: {  	s2 =	sor.u32 s1, s2;
	_ =	strace $0x80000053;
	s1 =	ssub.s32 $0x2, s1  }
0xc: {  	s2 =	smul.u32 $0x2800, s2;
	s24 =	sshrl.u32 s1, $0x1;
	s6 =	sadd.s32 s4, s6  }
0xd: {  	s1 =	ssub.s32 s1, s24;
	s4 =	sadd.s32 s4, s3;
	s24 =	simm.s32 $0x3  }
0xe: {  	s2 =	sshrl.u32 s2, $0x3;
	s6 =	sshrl.u32 s6, $0x3;
	s10 =	smax.u32 s1, $0x1  }
0xf: {  	s11 =	sshrl.u32 s4, $0x3;
	s1 =	simm.s32 $0x0;
	s2 =	sadd.s32 s2, s0  }
0x10: {  	s0 =	sadd.s32 s6, s0;
	s6 =	sor.u32 $0x1C0A, s25;
	s25 =	simm.s32 $0x4  }
0x11: {  	s26 =	sadd.s32 $0xD000, s2;
	s8 =	sadd.s32 $0x3000, s2;
	s9 =	sadd.s32 $0x26000, s0  }
0x12: {  	s0 =	simm.s32 $0x1;
	[dreg:$0x4] =	wrdreg s26;
	s26 =	simm.s32 $0x5  }
.LBB2_1:
0x13: {  	s2 =	rddreg [dreg:$0x1]  }
0x14: {  	[spmem:s11], [sflag:s6] =	dma.local [hbm:s2], $0xF00  }
0x15: {  	_ =	swait.ge [sflag:s12], $0xF00  }
0x16: {  	[sflag:s12] =	ssyncset.done $0x0  }
0x17: {  	[sflag:s12] =	ssyncadd.s32 $0xFFFFF100  }
0x18: {  	[bflag:$0x0] =	sbarrier.arrive $0xFFFF  }
0x19: {  	s13 =	simm.s32 $0x0;
	s4 =	rddreg [dreg:$0x4]  }
0x1a: {  	[tilespmem:s13], [sflag:$0xA] =	stream.linear.gather [hbm4b:s4+s13], $0x2800, $0x38;
	[tilespmem:$0x18800] =	vst v63  }
0x1b: {  	_ =	swait.ge [sflag:s12], $0x2800  }
0x1c: {  	[sflag:s12] =	ssyncset.done $0x0  }
0x1d: {  	s7 =	simm.s32 $0x2800;
	[sflag:s12] =	ssyncadd.s32 $0xFFFFD800  }
0x1e: {  	[tilespmem:s7], [sflag:$0xA] =	stream.linear.gather [hbm4b:s8+s13], $0x2800, $0x38;
	[tilespmem:$0x18800] =	vst v63  }
0x1f: {  	_ =	swait.ge [sflag:s12], $0x2800  }
0x20: {  	[sflag:s12] =	ssyncset.done $0x0  }
0x21: {  	s13 =	simm.s32 $0x0;
	[sflag:s12] =	ssyncadd.s32 $0xFFFFD800  }
0x22: {  	[tilespmem:s15], [sflag:$0x2] =	stream.indirect.gather [hbm4b:s5+s14], $0x30, s13, s14, $0xb8;
	[tilespmem:$0x18800] =	vst v63  }
0x23: {  	s4 =	simm.s32 $0x80  }
0x24: {  	[tilespmem:s16], [sflag:$0x3] =	stream.indirect.gather [hbm4b:s5+s14], $0x30, s4, s14, $0xb8;
	[tilespmem:$0x18800] =	vst v63  }
0x25: {  	s7 =	simm.s32 $0x100  }
0x26: {  	[tilespmem:s17], [sflag:$0x4] =	stream.indirect.gather [hbm4b:s5+s14], $0x30, s7, s14, $0xb8;
	[tilespmem:$0x18800] =	vst v63  }
0x27: {  	s13 =	simm.s32 $0x180  }
0x28: {  	[tilespmem:s18], [sflag:$0x5] =	stream.indirect.gather [hbm4b:s5+s14], $0x30, s13, s14, $0xb8;
	[tilespmem:$0x18800] =	vst v63  }
0x29: {  	s4 =	simm.s32 $0x200  }
0x2a: {  	[tilespmem:s19], [sflag:$0x6] =	stream.indirect.gather [hbm4b:s5+s14], $0x30, s4, s14, $0xb8;
	[tilespmem:$0x18800] =	vst v63  }
0x2b: {  	s7 =	simm.s32 $0x280  }
0x2c: {  	[tilespmem:s20], [sflag:$0x7] =	stream.indirect.gather [hbm4b:s5+s14], $0x30, s7, s14, $0xb8;
	[tilespmem:$0x18800] =	vst v63  }
0x2d: {  	s13 =	simm.s32 $0x300  }
0x2e: {  	[tilespmem:s21], [sflag:$0x8] =	stream.indirect.gather [hbm4b:s5+s14], $0x30, s13, s14, $0xb8;
	[tilespmem:$0x18800] =	vst v63  }
0x2f: {  	s4 =	simm.s32 $0x380  }
0x30: {  	[tilespmem:s22], [sflag:$0x9] =	stream.indirect.gather [hbm4b:s5+s14], $0x30, s4, s14, $0xb8;
	[tilespmem:$0x18800] =	vst v63  }
0x31: {  	_ =	swait.ge [sflag:s23], $0x1800  }
0x32: {  	[sflag:s23] =	ssyncset.done $0x0  }
0x33: {  	s7 =	simm.s32 $0x2800;
	[sflag:s23] =	ssyncadd.s32 $0xFFFFE800  }
0x34: {  	[spmem:s3] =	stream.indirect.scatter.add.f32 [tilespmem:s15], [sflag:$0x1], $0x30, s7, s14, $0xb8;
	[tilespmem:$0x18800] =	vst v63  }
0x35: {  	_ =	swait.ge [sflag:s24], $0x1800  }
0x36: {  	[sflag:s24] =	ssyncset.done $0x0  }
0x37: {  	s13 =	simm.s32 $0x2880;
	[sflag:s24] =	ssyncadd.s32 $0xFFFFE800  }
0x38: {  	[spmem:s3] =	stream.indirect.scatter.add.f32 [tilespmem:s16], [sflag:$0x1], $0x30, s13, s14, $0xb8;
	[tilespmem:$0x18800] =	vst v63  }
0x39: {  	_ =	swait.ge [sflag:s25], $0x1800  }
0x3a: {  	[sflag:s25] =	ssyncset.done $0x0  }
0x3b: {  	s4 =	simm.s32 $0x2900;
	[sflag:s25] =	ssyncadd.s32 $0xFFFFE800  }
0x3c: {  	[spmem:s3] =	stream.indirect.scatter.add.f32 [tilespmem:s17], [sflag:$0x1], $0x30, s4, s14, $0xb8;
	[tilespmem:$0x18800] =	vst v63  }
0x3d: {  	_ =	swait.ge [sflag:s26], $0x1800  }
0x3e: {  	[sflag:s26] =	ssyncset.done $0x0  }
0x3f: {  	s7 =	simm.s32 $0x2980;
	[sflag:s26] =	ssyncadd.s32 $0xFFFFE800  }
0x40: {  	[spmem:s3] =	stream.indirect.scatter.add.f32 [tilespmem:s18], [sflag:$0x1], $0x30, s7, s14, $0xb8;
	[tilespmem:$0x18800] =	vst v63  }
0x41: {  	_ =	swait.ge [sflag:s28], $0x1800  }
0x42: {  	[sflag:s28] =	ssyncset.done $0x0  }
0x43: {  	s13 =	simm.s32 $0x2A00;
	[sflag:s28] =	ssyncadd.s32 $0xFFFFE800  }
0x44: {  	[spmem:s3] =	stream.indirect.scatter.add.f32 [tilespmem:s19], [sflag:$0x1], $0x30, s13, s14, $0xb8;
	[tilespmem:$0x18800] =	vst v63  }
0x45: {  	_ =	swait.ge [sflag:s29], $0x1800  }
0x46: {  	[sflag:s29] =	ssyncset.done $0x0  }
0x47: {  	s4 =	simm.s32 $0x2A80;
	[sflag:s29] =	ssyncadd.s32 $0xFFFFE800  }
0x48: {  	[spmem:s3] =	stream.indirect.scatter.add.f32 [tilespmem:s20], [sflag:$0x1], $0x30, s4, s14, $0xb8;
	[tilespmem:$0x18800] =	vst v63  }
0x49: {  	_ =	swait.ge [sflag:s30], $0x1800  }
0x4a: {  	[sflag:s30] =	ssyncset.done $0x0  }
0x4b: {  	s7 =	simm.s32 $0x2B00;
	[sflag:s30] =	ssyncadd.s32 $0xFFFFE800  }
0x4c: {  	[spmem:s3] =	stream.indirect.scatter.add.f32 [tilespmem:s21], [sflag:$0x1], $0x30, s7, s14, $0xb8;
	[tilespmem:$0x18800] =	vst v63  }
0x4d: {  	_ =	swait.ge [sflag:s31], $0x1800  }
0x4e: {  	[sflag:s31] =	ssyncset.done $0x0  }
0x4f: {  	s13 =	simm.s32 $0x2B80;
	[sflag:s31] =	ssyncadd.s32 $0xFFFFE800  }
0x50: {  	[spmem:s3] =	stream.indirect.scatter.add.f32 [tilespmem:s22], [sflag:$0x1], $0x30, s13, s14, $0xb8;
	[tilespmem:$0x18800] =	vst v63  }
0x51: {  	_ =	swait.ge [sflag:s0], $0x1800  }
0x52: {  	[sflag:s0] =	ssyncset.done $0x0  }
0x53: {  	[sflag:s0] =	ssyncadd.s32 $0xFFFFE800  }
0x54: {  	_ =	swait.ge [sflag:s0], $0x1800  }
0x55: {  	[sflag:s0] =	ssyncset.done $0x0  }
0x56: {  	[sflag:s0] =	ssyncadd.s32 $0xFFFFE800  }
0x57: {  	_ =	swait.ge [sflag:s0], $0x1800  }
0x58: {  	[sflag:s0] =	ssyncset.done $0x0  }
0x59: {  	[sflag:s0] =	ssyncadd.s32 $0xFFFFE800  }
0x5a: {  	_ =	swait.ge [sflag:s0], $0x1800  }
0x5b: {  	[sflag:s0] =	ssyncset.done $0x0  }
0x5c: {  	[sflag:s0] =	ssyncadd.s32 $0xFFFFE800  }
0x5d: {  	_ =	swait.ge [sflag:s0], $0x1800  }
0x5e: {  	[sflag:s0] =	ssyncset.done $0x0  }
0x5f: {  	[sflag:s0] =	ssyncadd.s32 $0xFFFFE800  }
0x60: {  	_ =	swait.ge [sflag:s0], $0x1800  }
0x61: {  	[sflag:s0] =	ssyncset.done $0x0  }
0x62: {  	[sflag:s0] =	ssyncadd.s32 $0xFFFFE800  }
0x63: {  	_ =	swait.ge [sflag:s0], $0x1800  }
0x64: {  	[sflag:s0] =	ssyncset.done $0x0  }
0x65: {  	[sflag:s0] =	ssyncadd.s32 $0xFFFFE800  }
0x66: {  	_ =	swait.ge [sflag:s0], $0x1800  }
0x67: {  	s2 =	simm.s32 $0x1000;
	s13 =	simm.s32 $0x2000;
	[sflag:s0] =	ssyncset.done $0x0  }
.LBB2_2:
0x68: {  	s4 =	sshra.s32 s2, $0x2  }
0x69: {  	[sflag:s0] =	ssyncadd.s32 $0xFFFFE800;
	s2 =	smov.u32 s13;
	s7 =	sadd.s32 $0x1000, s13  }
0x6a: {  	[tilespmem:s15], [sflag:$0x2] =	stream.indirect.gather [hbm4b:s5+s14], $0x30, s4, s14, $0xb8;
	[tilespmem:$0x18800] =	vst v63  }
0x6b: {  	p0 =	sne.s32 s13, $0x9000;
	s13 =	sadd.s32 $0x80, s4  }
0x6c: {  	[tilespmem:s16], [sflag:$0x3] =	stream.indirect.gather [hbm4b:s5+s14], $0x30, s13, s14, $0xb8;
	[tilespmem:$0x18800] =	vst v63  }
0x6d: {  	s13 =	sadd.s32 $0x100, s4  }
0x6e: {  	[tilespmem:s17], [sflag:$0x4] =	stream.indirect.gather [hbm4b:s5+s14], $0x30, s13, s14, $0xb8;
	[tilespmem:$0x18800] =	vst v63  }
0x6f: {  	s13 =	sadd.s32 $0x180, s4  }
0x70: {  	[tilespmem:s18], [sflag:$0x5] =	stream.indirect.gather [hbm4b:s5+s14], $0x30, s13, s14, $0xb8;
	[tilespmem:$0x18800] =	vst v63  }
0x71: {  	s13 =	sadd.s32 $0x200, s4  }
0x72: {  	[tilespmem:s19], [sflag:$0x6] =	stream.indirect.gather [hbm4b:s5+s14], $0x30, s13, s14, $0xb8;
	[tilespmem:$0x18800] =	vst v63  }
0x73: {  	s13 =	sadd.s32 $0x280, s4  }
0x74: {  	[tilespmem:s20], [sflag:$0x7] =	stream.indirect.gather [hbm4b:s5+s14], $0x30, s13, s14, $0xb8;
	[tilespmem:$0x18800] =	vst v63  }
0x75: {  	s13 =	sadd.s32 $0x300, s4  }
0x76: {  	[tilespmem:s21], [sflag:$0x8] =	stream.indirect.gather [hbm4b:s5+s14], $0x30, s13, s14, $0xb8;
	[tilespmem:$0x18800] =	vst v63  }
0x77: {  	s13 =	sadd.s32 $0x380, s4  }
0x78: {  	[tilespmem:s22], [sflag:$0x9] =	stream.indirect.gather [hbm4b:s5+s14], $0x30, s13, s14, $0xb8;
	[tilespmem:$0x18800] =	vst v63  }
0x79: {  	_ =	swait.ge [sflag:s23], $0x1800  }
0x7a: {  	[sflag:s23] =	ssyncset.done $0x0  }
0x7b: {  	s13 =	sadd.s32 $0x2800, s4;
	[sflag:s23] =	ssyncadd.s32 $0xFFFFE800  }
0x7c: {  	[spmem:s3] =	stream.indirect.scatter.add.f32 [tilespmem:s15], [sflag:$0x1], $0x30, s13, s14, $0xb8;
	[tilespmem:$0x18800] =	vst v63  }
0x7d: {  	_ =	swait.ge [sflag:s24], $0x1800  }
0x7e: {  	[sflag:s24] =	ssyncset.done $0x0  }
0x7f: {  	s13 =	sadd.s32 $0x2880, s4;
	[sflag:s24] =	ssyncadd.s32 $0xFFFFE800  }
0x80: {  	[spmem:s3] =	stream.indirect.scatter.add.f32 [tilespmem:s16], [sflag:$0x1], $0x30, s13, s14, $0xb8;
	[tilespmem:$0x18800] =	vst v63  }
0x81: {  	_ =	swait.ge [sflag:s25], $0x1800  }
0x82: {  	[sflag:s25] =	ssyncset.done $0x0  }
0x83: {  	s13 =	sadd.s32 $0x2900, s4;
	[sflag:s25] =	ssyncadd.s32 $0xFFFFE800  }
0x84: {  	[spmem:s3] =	stream.indirect.scatter.add.f32 [tilespmem:s17], [sflag:$0x1], $0x30, s13, s14, $0xb8;
	[tilespmem:$0x18800] =	vst v63  }
0x85: {  	_ =	swait.ge [sflag:s26], $0x1800  }
0x86: {  	[sflag:s26] =	ssyncset.done $0x0  }
0x87: {  	s13 =	sadd.s32 $0x2980, s4;
	[sflag:s26] =	ssyncadd.s32 $0xFFFFE800  }
0x88: {  	[spmem:s3] =	stream.indirect.scatter.add.f32 [tilespmem:s18], [sflag:$0x1], $0x30, s13, s14, $0xb8;
	[tilespmem:$0x18800] =	vst v63  }
0x89: {  	_ =	swait.ge [sflag:s28], $0x1800  }
0x8a: {  	[sflag:s28] =	ssyncset.done $0x0  }
0x8b: {  	s13 =	sadd.s32 $0x2A00, s4;
	[sflag:s28] =	ssyncadd.s32 $0xFFFFE800  }
0x8c: {  	[spmem:s3] =	stream.indirect.scatter.add.f32 [tilespmem:s19], [sflag:$0x1], $0x30, s13, s14, $0xb8;
	[tilespmem:$0x18800] =	vst v63  }
0x8d: {  	_ =	swait.ge [sflag:s29], $0x1800  }
0x8e: {  	[sflag:s29] =	ssyncset.done $0x0  }
0x8f: {  	s13 =	sadd.s32 $0x2A80, s4;
	[sflag:s29] =	ssyncadd.s32 $0xFFFFE800  }
0x90: {  	[spmem:s3] =	stream.indirect.scatter.add.f32 [tilespmem:s20], [sflag:$0x1], $0x30, s13, s14, $0xb8;
	[tilespmem:$0x18800] =	vst v63  }
0x91: {  	_ =	swait.ge [sflag:s30], $0x1800  }
0x92: {  	[sflag:s30] =	ssyncset.done $0x0  }
0x93: {  	s13 =	sadd.s32 $0x2B00, s4;
	[sflag:s30] =	ssyncadd.s32 $0xFFFFE800  }
0x94: {  	[spmem:s3] =	stream.indirect.scatter.add.f32 [tilespmem:s21], [sflag:$0x1], $0x30, s13, s14, $0xb8;
	[tilespmem:$0x18800] =	vst v63  }
0x95: {  	_ =	swait.ge [sflag:s31], $0x1800  }
0x96: {  	[sflag:s31] =	ssyncset.done $0x0  }
0x97: {  	s4 =	sadd.s32 $0x2B80, s4;
	[sflag:s31] =	ssyncadd.s32 $0xFFFFE800  }
0x98: {  	[spmem:s3] =	stream.indirect.scatter.add.f32 [tilespmem:s22], [sflag:$0x1], $0x30, s4, s14, $0xb8;
	[tilespmem:$0x18800] =	vst v63  }
0x99: {  	_ =	swait.ge [sflag:s0], $0x1800  }
0x9a: {  	[sflag:s0] =	ssyncset.done $0x0  }
0x9b: {  	[sflag:s0] =	ssyncadd.s32 $0xFFFFE800  }
0x9c: {  	_ =	swait.ge [sflag:s0], $0x1800  }
0x9d: {  	[sflag:s0] =	ssyncset.done $0x0  }
0x9e: {  	[sflag:s0] =	ssyncadd.s32 $0xFFFFE800  }
0x9f: {  	_ =	swait.ge [sflag:s0], $0x1800  }
0xa0: {  	[sflag:s0] =	ssyncset.done $0x0  }
0xa1: {  	[sflag:s0] =	ssyncadd.s32 $0xFFFFE800  }
0xa2: {  	_ =	swait.ge [sflag:s0], $0x1800  }
0xa3: {  	[sflag:s0] =	ssyncset.done $0x0  }
0xa4: {  	[sflag:s0] =	ssyncadd.s32 $0xFFFFE800  }
0xa5: {  	_ =	swait.ge [sflag:s0], $0x1800  }
0xa6: {  	[sflag:s0] =	ssyncset.done $0x0  }
0xa7: {  	[sflag:s0] =	ssyncadd.s32 $0xFFFFE800  }
0xa8: {  	_ =	swait.ge [sflag:s0], $0x1800  }
0xa9: {  	[sflag:s0] =	ssyncset.done $0x0  }
0xaa: {  	[sflag:s0] =	ssyncadd.s32 $0xFFFFE800  }
.Ltmp0:
0xab: {  	_ =	swait.ge [sflag:s0], $0x1800;
	(pc) =	sbr.rel @p0 .LBB2_2-.Ltmp0, $4  }
0xac: {  	[sflag:s0] =	ssyncset.done $0x0  }
0xad: {  	[sflag:s0] =	ssyncadd.s32 $0xFFFFE800  }
0xae: {  	_ =	swait.ge [sflag:s0], $0x1800  }
0xaf: {  	s13 =	smov.u32 s7;
	[sflag:s0] =	ssyncset.done $0x0  }
0xb0: {  	s2 =	sshra.s32 s2, $0x2;
	[sflag:s0] =	ssyncadd.s32 $0xFFFFE800  }
0xb1: {  	[tilespmem:s15], [sflag:$0x2] =	stream.indirect.gather [hbm4b:s5+s14], $0x30, s2, s14, $0xb8;
	[tilespmem:$0x18800] =	vst v63  }
0xb2: {  	s4 =	sadd.s32 $0x80, s2  }
0xb3: {  	[tilespmem:s16], [sflag:$0x3] =	stream.indirect.gather [hbm4b:s5+s14], $0x30, s4, s14, $0xb8;
	[tilespmem:$0x18800] =	vst v63  }
0xb4: {  	s13 =	sadd.s32 $0x100, s2  }
0xb5: {  	[tilespmem:s17], [sflag:$0x4] =	stream.indirect.gather [hbm4b:s5+s14], $0x30, s13, s14, $0xb8;
	[tilespmem:$0x18800] =	vst v63  }
0xb6: {  	s7 =	sadd.s32 $0x180, s2  }
0xb7: {  	[tilespmem:s18], [sflag:$0x5] =	stream.indirect.gather [hbm4b:s5+s14], $0x30, s7, s14, $0xb8;
	[tilespmem:$0x18800] =	vst v63  }
0xb8: {  	s13 =	sadd.s32 $0x200, s2  }
0xb9: {  	[tilespmem:s19], [sflag:$0x6] =	stream.indirect.gather [hbm4b:s5+s14], $0x30, s13, s14, $0xb8;
	[tilespmem:$0x18800] =	vst v63  }
0xba: {  	s7 =	sadd.s32 $0x280, s2  }
0xbb: {  	[tilespmem:s20], [sflag:$0x7] =	stream.indirect.gather [hbm4b:s5+s14], $0x30, s7, s14, $0xb8;
	[tilespmem:$0x18800] =	vst v63  }
0xbc: {  	s13 =	sadd.s32 $0x300, s2  }
0xbd: {  	[tilespmem:s21], [sflag:$0x8] =	stream.indirect.gather [hbm4b:s5+s14], $0x30, s13, s14, $0xb8;
	[tilespmem:$0x18800] =	vst v63  }
0xbe: {  	s7 =	sadd.s32 $0x380, s2  }
0xbf: {  	[tilespmem:s22], [sflag:$0x9] =	stream.indirect.gather [hbm4b:s5+s14], $0x30, s7, s14, $0xb8;
	[tilespmem:$0x18800] =	vst v63  }
0xc0: {  	_ =	swait.ge [sflag:s23], $0x1800  }
0xc1: {  	[sflag:s23] =	ssyncset.done $0x0  }
0xc2: {  	s13 =	sadd.s32 $0x2800, s2;
	[sflag:s23] =	ssyncadd.s32 $0xFFFFE800  }
0xc3: {  	[spmem:s3] =	stream.indirect.scatter.add.f32 [tilespmem:s15], [sflag:$0x1], $0x30, s13, s14, $0xb8;
	[tilespmem:$0x18800] =	vst v63  }
0xc4: {  	_ =	swait.ge [sflag:s24], $0x1800  }
0xc5: {  	[sflag:s24] =	ssyncset.done $0x0  }
0xc6: {  	s7 =	sadd.s32 $0x2880, s2;
	[sflag:s24] =	ssyncadd.s32 $0xFFFFE800  }
0xc7: {  	[spmem:s3] =	stream.indirect.scatter.add.f32 [tilespmem:s16], [sflag:$0x1], $0x30, s7, s14, $0xb8;
	[tilespmem:$0x18800] =	vst v63  }
0xc8: {  	_ =	swait.ge [sflag:s25], $0x1800  }
0xc9: {  	[sflag:s25] =	ssyncset.done $0x0  }
0xca: {  	s13 =	sadd.s32 $0x2900, s2;
	[sflag:s25] =	ssyncadd.s32 $0xFFFFE800  }
0xcb: {  	[spmem:s3] =	stream.indirect.scatter.add.f32 [tilespmem:s17], [sflag:$0x1], $0x30, s13, s14, $0xb8;
	[tilespmem:$0x18800] =	vst v63  }
0xcc: {  	_ =	swait.ge [sflag:s26], $0x1800  }
0xcd: {  	[sflag:s26] =	ssyncset.done $0x0  }
0xce: {  	s7 =	sadd.s32 $0x2980, s2;
	[sflag:s26] =	ssyncadd.s32 $0xFFFFE800  }
0xcf: {  	[spmem:s3] =	stream.indirect.scatter.add.f32 [tilespmem:s18], [sflag:$0x1], $0x30, s7, s14, $0xb8;
	[tilespmem:$0x18800] =	vst v63  }
0xd0: {  	_ =	swait.ge [sflag:s28], $0x1800  }
0xd1: {  	[sflag:s28] =	ssyncset.done $0x0  }
0xd2: {  	s13 =	sadd.s32 $0x2A00, s2;
	[sflag:s28] =	ssyncadd.s32 $0xFFFFE800  }
0xd3: {  	[spmem:s3] =	stream.indirect.scatter.add.f32 [tilespmem:s19], [sflag:$0x1], $0x30, s13, s14, $0xb8;
	[tilespmem:$0x18800] =	vst v63  }
0xd4: {  	_ =	swait.ge [sflag:s29], $0x1800  }
0xd5: {  	[sflag:s29] =	ssyncset.done $0x0  }
0xd6: {  	s7 =	sadd.s32 $0x2A80, s2;
	[sflag:s29] =	ssyncadd.s32 $0xFFFFE800  }
0xd7: {  	[spmem:s3] =	stream.indirect.scatter.add.f32 [tilespmem:s20], [sflag:$0x1], $0x30, s7, s14, $0xb8;
	[tilespmem:$0x18800] =	vst v63  }
0xd8: {  	_ =	swait.ge [sflag:s30], $0x1800  }
0xd9: {  	[sflag:s30] =	ssyncset.done $0x0  }
0xda: {  	s13 =	sadd.s32 $0x2B00, s2;
	[sflag:s30] =	ssyncadd.s32 $0xFFFFE800  }
0xdb: {  	[spmem:s3] =	stream.indirect.scatter.add.f32 [tilespmem:s21], [sflag:$0x1], $0x30, s13, s14, $0xb8;
	[tilespmem:$0x18800] =	vst v63  }
0xdc: {  	_ =	swait.ge [sflag:s31], $0x1800  }
0xdd: {  	[sflag:s31] =	ssyncset.done $0x0  }
0xde: {  	s2 =	sadd.s32 $0x2B80, s2;
	[sflag:s31] =	ssyncadd.s32 $0xFFFFE800  }
0xdf: {  	[spmem:s3] =	stream.indirect.scatter.add.f32 [tilespmem:s22], [sflag:$0x1], $0x30, s2, s14, $0xb8;
	[tilespmem:$0x18800] =	vst v63  }
0xe0: {  	_ =	swait.ge [sflag:s0], $0x1800  }
0xe1: {  	[sflag:s0] =	ssyncset.done $0x0  }
0xe2: {  	[sflag:s0] =	ssyncadd.s32 $0xFFFFE800  }
0xe3: {  	_ =	swait.ge [sflag:s0], $0x1800  }
0xe4: {  	[sflag:s0] =	ssyncset.done $0x0  }
0xe5: {  	[sflag:s0] =	ssyncadd.s32 $0xFFFFE800  }
0xe6: {  	_ =	swait.ge [sflag:s0], $0x1800  }
0xe7: {  	[sflag:s0] =	ssyncset.done $0x0  }
0xe8: {  	[sflag:s0] =	ssyncadd.s32 $0xFFFFE800  }
0xe9: {  	_ =	swait.ge [sflag:s0], $0x1800  }
0xea: {  	[sflag:s0] =	ssyncset.done $0x0  }
0xeb: {  	[sflag:s0] =	ssyncadd.s32 $0xFFFFE800  }
0xec: {  	_ =	swait.ge [sflag:s0], $0x1800  }
0xed: {  	[sflag:s0] =	ssyncset.done $0x0  }
0xee: {  	[sflag:s0] =	ssyncadd.s32 $0xFFFFE800  }
0xef: {  	_ =	swait.ge [sflag:s0], $0x1800  }
0xf0: {  	[sflag:s0] =	ssyncset.done $0x0  }
0xf1: {  	[sflag:s0] =	ssyncadd.s32 $0xFFFFE800  }
0xf2: {  	_ =	swait.ge [sflag:s0], $0x1800  }
0xf3: {  	[sflag:s0] =	ssyncset.done $0x0  }
0xf4: {  	[sflag:s0] =	ssyncadd.s32 $0xFFFFE800  }
0xf5: {  	_ =	swait.ge [sflag:s0], $0x1800  }
0xf6: {  	s1 =	sadd.s32 $0x1, s1;
	[sflag:s0] =	ssyncset.done $0x0  }
0xf7: {  	p0 =	sne.s32 s1, s10;
	[sflag:s0] =	ssyncadd.s32 $0xFFFFE800  }
.Ltmp1:
0xf8: {  	[bflag:$0x0] =	sbarrier.arrive $0xFFFF;
	(pc) =	sbr.rel @p0 .LBB2_1-.Ltmp1, $4  }
0xf9: {  	[hbm:s9], [sflag:s6] =	dma.local [spmem:s11], $0xF00  }
0xfa: {  	_ =	swait.ge [sflag:s12], $0xF00  }
0xfb: {  	[sflag:s12] =	ssyncset.done $0x0  }
0xfc: {  	[sflag:s12] =	ssyncadd.s32 $0xFFFFF100  }
0xfd: {  	_ =	sfence.sel $0x180000  }
0xfe: {  	[bflag:$0x0] =	sbarrier.arrive $0xFFFF  }
0xff: {  	_ =	strace $0x90000053  }
0x100: {  	s0 =	stileid.u32;
	[bflag:$0x2] =	sbarrier.arrive $0xFFFF  }
0x101: {  	p0 =	sne.s32 s0, $0x0;
	s0 =	rddreg [dreg:$0x3]  }
0x102: {  	s0 =	sadd.s32 @!p0 $0x100000, s0  }
0x103: {  	[sflag:s0] =	ssyncadd.tile.s32 @!p0 $0x1;
	_ =	shalt  }
.Lfunc_end2:
_tile_overlayer_lowered:
.L_overlay_start_2:
0x104: {  	(tag) =	ssettag $0x2  }
0x105: {  	s0 =	rddreg [dreg:$0x0];
	s2 =	stileid.u32  }
0x106: {  	s1 =	rddreg [dreg:$0x1];
	p0 =	sne.s32 s2, $0x0  }
0x107: {  	s3 =	rddreg [dreg:$0x2];
	[bflag:$0x3] =	sbarrier.arrive $0xFFFF;
	s2 =	simm.s32 @!p0 $0x1C0A  }
0x108: {  	[timem:s3], [sflag:s2] =	dma.local @!p0 [hbm:s0], s1  }
0x109: {  	s0 =	simm.s32 @!p0 $0xA  }
0x10a: {  	_ =	swait.ge @!p0 [sflag:s0], s1  }
0x10b: {  	s1 =	ssub.s32 @!p0 $0x0, s1;
	[sflag:s0] =	ssyncset.done @!p0 $0x0  }
0x10c: {  	[sflag:s0] =	ssyncadd.s32 @!p0 s1  }
0x10d: {  	[bflag:$0x3] =	sbarrier.arrive $0xFFFF  }
0x10e: {  	_ =	shalt  }

</sc_bundles>
